<compile_context>
chip_gen: v7x
topology: tpu7x:2x2x1
jax: 0.10.2.dev20260603
libtpu: 0.0.44.dev20260713+nightly
codegen_flags: <defaults>
</compile_context>

<pallas_src>
import functools

import jax
import jax.numpy as jnp
from jax import lax
from jax.experimental import pallas as pl
from jax.experimental.pallas import tpu as pltpu
from jax.experimental.pallas import tpu_sc as plsc

_VOCAB = 50265
_HIDDEN = 768
_MAX_POS = 512
_BATCH = 128
_SEQ = 512

_NC = 2
_NS = 16
_NW = _NC * _NS
_S_PER_W = _SEQ // _NW
_BB = 32
_NBB = _BATCH // _BB
_NSLOT = 2
_LANES = 16
_NSL = _HIDDEN // _LANES


def _emb_body(ids_t_hbm, words_hbm, pos_hbm, out_hbm,
              idx_all, p_v,
              g0, g1, o0, o1, oi0, oi1,
              sg0, sg1, so0, so1):
    wid = lax.axis_index("s") * _NC + lax.axis_index("c")
    g_bufs = (g0, g1)
    o_bufs = (o0, o1)
    oi_bufs = (oi0, oi1)
    g_sems = (sg0, sg1)
    o_sems = (so0, so1)

    pltpu.sync_copy(ids_t_hbm.at[pl.ds(wid * _S_PER_W * _BATCH,
                                       _S_PER_W * _BATCH)], idx_all)
    pltpu.sync_copy(pos_hbm.at[pl.ds(wid * _S_PER_W, _S_PER_W)], p_v)

    def _gather(sl, bbk, slot):
        idx = idx_all.at[pl.ds(sl * _BATCH + bbk * _BB, _BB)]
        return pltpu.make_async_copy(words_hbm.at[idx], g_bufs[slot],
                                     g_sems[slot])

    def _outwrite(slot):
        return pltpu.make_async_copy(o_bufs[slot],
                                     out_hbm.at[oi_bufs[slot]],
                                     o_sems[slot])

    iota16 = lax.iota(jnp.int32, _LANES)

    for k in range(_NSLOT):
        _gather(0, k, k).start()

    def pos_body(sl, _):
        s = wid * _S_PER_W + sl
        pvs = [p_v[sl, pl.ds(j * _LANES, _LANES)] for j in range(_NSL)]
        for bbk in range(_NBB):
            slot = bbk % _NSLOT
            _gather(sl, bbk, slot).wait()

            if bbk >= _NSLOT:
                _outwrite(slot).wait()
            else:
                @pl.when(sl > 0)
                def _():
                    _outwrite(slot).wait()

            @plsc.parallel_loop(0, _BB, 1, unroll=2)
            def _(i):
                for j in range(_NSL):
                    slc = pl.ds(j * _LANES, _LANES)
                    o_bufs[slot][i, slc] = g_bufs[slot][i, slc] + pvs[j]
            if bbk < _NBB - _NSLOT:
                _gather(sl, bbk + _NSLOT, slot).start()
            else:
                @pl.when(sl < _S_PER_W - 1)
                def _():
                    _gather(sl + 1, bbk - (_NBB - _NSLOT), slot).start()

            ovec = iota16 * _SEQ + (bbk * _BB * _SEQ + s)
            oi_bufs[slot][pl.ds(0, _LANES)] = ovec
            oi_bufs[slot][pl.ds(_LANES, _LANES)] = ovec + _LANES * _SEQ
            _outwrite(slot).start()

        return 0

    lax.fori_loop(0, _S_PER_W, pos_body, 0, unroll=False)
    for k in range(_NSLOT):
        _outwrite(k).wait()


_emb_kernel = functools.partial(
    pl.kernel,
    out_type=jax.ShapeDtypeStruct((_BATCH * _SEQ, _HIDDEN), jnp.float32),
    mesh=plsc.VectorSubcoreMesh(core_axis_name="c", subcore_axis_name="s"),
    scratch_types=[
        pltpu.VMEM((_S_PER_W * _BATCH,), jnp.int32),
        pltpu.VMEM((_S_PER_W, _HIDDEN), jnp.float32),
        pltpu.VMEM((_BB, _HIDDEN), jnp.float32),
        pltpu.VMEM((_BB, _HIDDEN), jnp.float32),
        pltpu.VMEM((_BB, _HIDDEN), jnp.float32),
        pltpu.VMEM((_BB, _HIDDEN), jnp.float32),
        pltpu.VMEM((_BB,), jnp.int32),
        pltpu.VMEM((_BB,), jnp.int32),
        pltpu.SemaphoreType.DMA,
        pltpu.SemaphoreType.DMA,
        pltpu.SemaphoreType.DMA,
        pltpu.SemaphoreType.DMA,
    ],
)(_emb_body)


def kernel(input_ids, word_embeddings, position_embeddings):
    ids_t = input_ids.T.reshape(-1)
    out = _emb_kernel(ids_t, word_embeddings, position_embeddings)
    return out.reshape(_BATCH, _SEQ, _HIDDEN)

# --- scband reference (transcript-rebuilt; emitter-appended) ---
"""Pipeline reference for scband-bort-embeddings-2388001817085 (READ-ONLY COPY).

The authoritative reference and input builder live on the scoring server;
editing this copy changes nothing except your own understanding.
"""

import jax, jax.numpy as jnp
import numpy as np

VOCAB = 50265
HIDDEN = 768
MAX_POS = 512
BATCH = 128
SEQ = 512


def setup_inputs(seed: int = 0) -> dict:
    key = jax.random.key(seed)
    k1, k2, k3 = jax.random.split(key, 3)
    input_ids = jax.random.randint(k1, (BATCH, SEQ), 0, VOCAB, dtype=jnp.int64 if jax.config.jax_enable_x64 else jnp.int32).astype(jnp.int32)
    word_embeddings = jax.random.normal(k2, (VOCAB, HIDDEN), dtype=jnp.float32) * 0.02
    position_embeddings = jax.random.normal(k3, (MAX_POS, HIDDEN), dtype=jnp.float32) * 0.02
    return {
        "input_ids": input_ids,
        "word_embeddings": word_embeddings,
        "position_embeddings": position_embeddings,
    }


def reference(input_ids, word_embeddings, position_embeddings):
    # BortEmbeddings.forward (eval mode: dropout = identity)
    seq_length = input_ids.shape[1]
    position_ids = jnp.arange(seq_length, dtype=input_ids.dtype)
    position_ids = jnp.broadcast_to(position_ids[None, :], input_ids.shape)
    words_emb = jnp.take(word_embeddings, input_ids, axis=0)
    pos_emb = jnp.take(position_embeddings, position_ids, axis=0)
    embeddings = words_emb + pos_emb
    return embeddings

if __name__ == "__main__":
    import jax
    _d = setup_inputs()
    print(jax.jit(kernel)(*tuple(_d.values())))

</pallas_src>

<mosaic_0001>
#map = affine_map<(d0, d1) -> (0)>
#map1 = affine_map<(d0, d1) -> (0, 0)>
module attributes {stable_mosaic.version = 14 : i64} {
  func.func @_emb_body(%arg0: i32, %arg1: i32, %arg2: memref<65536xi32, #tpu.memory_space<hbm>>, %arg3: memref<50265x768xf32, #tpu.memory_space<hbm>>, %arg4: memref<512x768xf32, #tpu.memory_space<hbm>>, %arg5: memref<65536x768xf32, #tpu.memory_space<hbm>>, %arg6: memref<2048xi32, #tpu.memory_space<vmem>>, %arg7: memref<16x768xf32, #tpu.memory_space<vmem>>, %arg8: memref<32x768xf32, #tpu.memory_space<vmem>>, %arg9: memref<32x768xf32, #tpu.memory_space<vmem>>, %arg10: memref<32x768xf32, #tpu.memory_space<vmem>>, %arg11: memref<32x768xf32, #tpu.memory_space<vmem>>, %arg12: memref<32xi32, #tpu.memory_space<vmem>>, %arg13: memref<32xi32, #tpu.memory_space<vmem>>, %arg14: memref<!tpu.dma_semaphore, #tpu.memory_space<semaphore_mem>>, %arg15: memref<!tpu.dma_semaphore, #tpu.memory_space<semaphore_mem>>, %arg16: memref<!tpu.dma_semaphore, #tpu.memory_space<semaphore_mem>>, %arg17: memref<!tpu.dma_semaphore, #tpu.memory_space<semaphore_mem>>) attributes {dimension_semantics = [#tpu.dimension_semantics<core_parallel>, #tpu.dimension_semantics<subcore_parallel>], iteration_bounds = array<i64: 2, 16>, scalar_prefetch = 0 : i64, scratch_operands = 12 : i64, tpu.core_type = #tpu.core_type<sc_vector_subcore>, window_params = [{transform_indices = #map}, {transform_indices = #map1}, {transform_indices = #map1}, {transform_indices = #map1}]} {
    %mul3A = arith.constant 2 : i32
    %mul3A_0 = arith.muli %arg1, %mul3A : i32
    %add3A = arith.addi %mul3A_0, %arg0 : i32
    %mul3A_1 = arith.constant 16 : i32
    %mul3A_2 = arith.muli %add3A, %mul3A_1 : i32
    %mul3A_3 = arith.constant 128 : i32
    %mul3A_4 = arith.muli %mul3A_2, %mul3A_3 : i32
    "tpu.region"() ({
      %run_scoped3A = tpu.sem_alloc : memref<!tpu.dma_semaphore, #tpu.memory_space<semaphore_mem>>
      %dma_start3A_27 = tpu.memref_slice %arg2[%mul3A_4] : memref<65536xi32, #tpu.memory_space<hbm>> -> memref<2048xi32, #tpu.memory_space<hbm>>
      %dma_start3A_28 = tpu.memref_slice %arg2[%mul3A_4] : memref<65536xi32, #tpu.memory_space<hbm>> -> memref<2048xi32, #tpu.memory_space<hbm>>
      tpu.enqueue_dma source(%dma_start3A_28 : memref<2048xi32, #tpu.memory_space<hbm>>) target(%arg6 : memref<2048xi32, #tpu.memory_space<vmem>>) target_semaphore(%run_scoped3A : memref<!tpu.dma_semaphore, #tpu.memory_space<semaphore_mem>>)
      %dma_wait3A_29 = tpu.memref_slice %arg2[%mul3A_4] : memref<65536xi32, #tpu.memory_space<hbm>> -> memref<2048xi32, #tpu.memory_space<hbm>>
      %dma_wait3A_30 = tpu.memref_slice %arg2[%mul3A_4] : memref<65536xi32, #tpu.memory_space<hbm>> -> memref<2048xi32, #tpu.memory_space<hbm>>
      tpu.wait_dma2 semaphore(%run_scoped3A : memref<!tpu.dma_semaphore, #tpu.memory_space<semaphore_mem>>) src(%dma_wait3A_30 : memref<2048xi32, #tpu.memory_space<hbm>>) dst(%arg6 : memref<2048xi32, #tpu.memory_space<vmem>>)
      tpu.yield
    }) : () -> ()
    %mul3A_5 = arith.constant 16 : i32
    %mul3A_6 = arith.muli %add3A, %mul3A_5 : i32
    "tpu.region"() ({
      %run_scoped3A = tpu.sem_alloc : memref<!tpu.dma_semaphore, #tpu.memory_space<semaphore_mem>>
      %dma_start3A_27 = arith.constant 0 : i32
      %dma_start3A_28 = tpu.memref_slice %arg4[%mul3A_6, %dma_start3A_27] : memref<512x768xf32, #tpu.memory_space<hbm>> -> memref<16x768xf32, #tpu.memory_space<hbm>>
      %dma_start3A_29 = arith.constant 0 : i32
      %dma_start3A_30 = tpu.memref_slice %arg4[%mul3A_6, %dma_start3A_29] : memref<512x768xf32, #tpu.memory_space<hbm>> -> memref<16x768xf32, #tpu.memory_space<hbm>>
      tpu.enqueue_dma source(%dma_start3A_30 : memref<16x768xf32, #tpu.memory_space<hbm>>) target(%arg7 : memref<16x768xf32, #tpu.memory_space<vmem>>) target_semaphore(%run_scoped3A : memref<!tpu.dma_semaphore, #tpu.memory_space<semaphore_mem>>)
      %dma_wait3A_31 = arith.constant 0 : i32
      %dma_wait3A_32 = tpu.memref_slice %arg4[%mul3A_6, %dma_wait3A_31] : memref<512x768xf32, #tpu.memory_space<hbm>> -> memref<16x768xf32, #tpu.memory_space<hbm>>
      %dma_wait3A_33 = arith.constant 0 : i32
      %dma_wait3A_34 = tpu.memref_slice %arg4[%mul3A_6, %dma_wait3A_33] : memref<512x768xf32, #tpu.memory_space<hbm>> -> memref<16x768xf32, #tpu.memory_space<hbm>>
      tpu.wait_dma2 semaphore(%run_scoped3A : memref<!tpu.dma_semaphore, #tpu.memory_space<semaphore_mem>>) src(%dma_wait3A_34 : memref<16x768xf32, #tpu.memory_space<hbm>>) dst(%arg7 : memref<16x768xf32, #tpu.memory_space<vmem>>)
      tpu.yield
    }) : () -> ()
    %iota3A = tpu.iota {dimensions = array<i32: 0>} : vector<16xi32>
    %dma_start3A = arith.constant 0 : i32
    %dma_start3A_7 = tpu.memref_slice %arg6[%dma_start3A] : memref<2048xi32, #tpu.memory_space<vmem>> -> memref<32xi32, #tpu.memory_space<vmem>>
    %dma_start3A_8 = arith.constant 0 : i32
    %dma_start3A_9 = arith.constant 0 : i32
    %dma_start3A_10 = tpu.memref_slice %arg3[%dma_start3A_8, %dma_start3A_9] : memref<50265x768xf32, #tpu.memory_space<hbm>> -> memref<50265x768xf32, #tpu.memory_space<hbm>>
    tpu.enqueue_indirect_dma source(%dma_start3A_10 : memref<50265x768xf32, #tpu.memory_space<hbm>>) target(%arg8 : memref<32x768xf32, #tpu.memory_space<vmem>>) offsets(%dma_start3A_7 : memref<32xi32, #tpu.memory_space<vmem>>) semaphore(%arg14 : memref<!tpu.dma_semaphore, #tpu.memory_space<semaphore_mem>>)
    %dma_start3A_11 = arith.constant 32 : i32
    %dma_start3A_12 = tpu.memref_slice %arg6[%dma_start3A_11] : memref<2048xi32, #tpu.memory_space<vmem>> -> memref<32xi32, #tpu.memory_space<vmem>>
    %dma_start3A_13 = arith.constant 0 : i32
    %dma_start3A_14 = arith.constant 0 : i32
    %dma_start3A_15 = tpu.memref_slice %arg3[%dma_start3A_13, %dma_start3A_14] : memref<50265x768xf32, #tpu.memory_space<hbm>> -> memref<50265x768xf32, #tpu.memory_space<hbm>>
    tpu.enqueue_indirect_dma source(%dma_start3A_15 : memref<50265x768xf32, #tpu.memory_space<hbm>>) target(%arg9 : memref<32x768xf32, #tpu.memory_space<vmem>>) offsets(%dma_start3A_12 : memref<32xi32, #tpu.memory_space<vmem>>) semaphore(%arg15 : memref<!tpu.dma_semaphore, #tpu.memory_space<semaphore_mem>>)
    %scan3A = arith.constant 0 : i32
    %scan3A_16 = arith.constant 0 : i32
    %scan3A_17 = arith.constant 16 : i32
    %scan3A_18 = arith.addi %scan3A_16, %scan3A_17 : i32
    %scan3A_19 = arith.constant 1 : i32
    %scan3A_20 = scf.for %scan3A_27 = %scan3A_16 to %scan3A_18 step %scan3A_19 iter_args(%scan3A_28 = %scan3A) -> (i32)  : i32 {
      %mul3A_29 = arith.constant 16 : i32
      %mul3A_30 = arith.muli %add3A, %mul3A_29 : i32
      %add3A_31 = arith.addi %mul3A_30, %scan3A_27 : i32
      %get3A = arith.index_cast %scan3A_27 : i32 to index
      %get3A_32 = arith.constant 0 : index
      %get3A_33 = tpu.vector_load %arg7[%get3A, %get3A_32] {strides = array<i32>} : memref<16x768xf32, #tpu.memory_space<vmem>>, vector<1x16xf32>,
      %get3A_34 = vector.shape_cast %get3A_33 : vector<1x16xf32> to vector<16xf32>
      %get3A_35 = arith.index_cast %scan3A_27 : i32 to index
      %get3A_36 = arith.constant 16 : index
      %get3A_37 = tpu.vector_load %arg7[%get3A_35, %get3A_36] {strides = array<i32>} : memref<16x768xf32, #tpu.memory_space<vmem>>, vector<1x16xf32>,
      %get3A_38 = vector.shape_cast %get3A_37 : vector<1x16xf32> to vector<16xf32>
      %get3A_39 = arith.index_cast %scan3A_27 : i32 to index
      %get3A_40 = arith.constant 32 : index
      %get3A_41 = tpu.vector_load %arg7[%get3A_39, %get3A_40] {strides = array<i32>} : memref<16x768xf32, #tpu.memory_space<vmem>>, vector<1x16xf32>,
      %get3A_42 = vector.shape_cast %get3A_41 : vector<1x16xf32> to vector<16xf32>
      %get3A_43 = arith.index_cast %scan3A_27 : i32 to index
      %get3A_44 = arith.constant 48 : index
      %get3A_45 = tpu.vector_load %arg7[%get3A_43, %get3A_44] {strides = array<i32>} : memref<16x768xf32, #tpu.memory_space<vmem>>, vector<1x16xf32>,
      %get3A_46 = vector.shape_cast %get3A_45 : vector<1x16xf32> to vector<16xf32>
      %get3A_47 = arith.index_cast %scan3A_27 : i32 to index
      %get3A_48 = arith.constant 64 : index
      %get3A_49 = tpu.vector_load %arg7[%get3A_47, %get3A_48] {strides = array<i32>} : memref<16x768xf32, #tpu.memory_space<vmem>>, vector<1x16xf32>,
      %get3A_50 = vector.shape_cast %get3A_49 : vector<1x16xf32> to vector<16xf32>
      %get3A_51 = arith.index_cast %scan3A_27 : i32 to index
      %get3A_52 = arith.constant 80 : index
      %get3A_53 = tpu.vector_load %arg7[%get3A_51, %get3A_52] {strides = array<i32>} : memref<16x768xf32, #tpu.memory_space<vmem>>, vector<1x16xf32>,
      %get3A_54 = vector.shape_cast %get3A_53 : vector<1x16xf32> to vector<16xf32>
      %get3A_55 = arith.index_cast %scan3A_27 : i32 to index
      %get3A_56 = arith.constant 96 : index
      %get3A_57 = tpu.vector_load %arg7[%get3A_55, %get3A_56] {strides = array<i32>} : memref<16x768xf32, #tpu.memory_space<vmem>>, vector<1x16xf32>,
      %get3A_58 = vector.shape_cast %get3A_57 : vector<1x16xf32> to vector<16xf32>
      %get3A_59 = arith.index_cast %scan3A_27 : i32 to index
      %get3A_60 = arith.constant 112 : index
      %get3A_61 = tpu.vector_load %arg7[%get3A_59, %get3A_60] {strides = array<i32>} : memref<16x768xf32, #tpu.memory_space<vmem>>, vector<1x16xf32>,
      %get3A_62 = vector.shape_cast %get3A_61 : vector<1x16xf32> to vector<16xf32>
      %get3A_63 = arith.index_cast %scan3A_27 : i32 to index
      %get3A_64 = arith.constant 128 : index
      %get3A_65 = tpu.vector_load %arg7[%get3A_63, %get3A_64] {strides = array<i32>} : memref<16x768xf32, #tpu.memory_space<vmem>>, vector<1x16xf32>,
      %get3A_66 = vector.shape_cast %get3A_65 : vector<1x16xf32> to vector<16xf32>
      %get3A_67 = arith.index_cast %scan3A_27 : i32 to index
      %get3A_68 = arith.constant 144 : index
      %get3A_69 = tpu.vector_load %arg7[%get3A_67, %get3A_68] {strides = array<i32>} : memref<16x768xf32, #tpu.memory_space<vmem>>, vector<1x16xf32>,
      %get3A_70 = vector.shape_cast %get3A_69 : vector<1x16xf32> to vector<16xf32>
      %get3A_71 = arith.index_cast %scan3A_27 : i32 to index
      %get3A_72 = arith.constant 160 : index
      %get3A_73 = tpu.vector_load %arg7[%get3A_71, %get3A_72] {strides = array<i32>} : memref<16x768xf32, #tpu.memory_space<vmem>>, vector<1x16xf32>,
      %get3A_74 = vector.shape_cast %get3A_73 : vector<1x16xf32> to vector<16xf32>
      %get3A_75 = arith.index_cast %scan3A_27 : i32 to index
      %get3A_76 = arith.constant 176 : index
      %get3A_77 = tpu.vector_load %arg7[%get3A_75, %get3A_76] {strides = array<i32>} : memref<16x768xf32, #tpu.memory_space<vmem>>, vector<1x16xf32>,
      %get3A_78 = vector.shape_cast %get3A_77 : vector<1x16xf32> to vector<16xf32>
      %get3A_79 = arith.index_cast %scan3A_27 : i32 to index
      %get3A_80 = arith.constant 192 : index
      %get3A_81 = tpu.vector_load %arg7[%get3A_79, %get3A_80] {strides = array<i32>} : memref<16x768xf32, #tpu.memory_space<vmem>>, vector<1x16xf32>,
      %get3A_82 = vector.shape_cast %get3A_81 : vector<1x16xf32> to vector<16xf32>
      %get3A_83 = arith.index_cast %scan3A_27 : i32 to index
      %get3A_84 = arith.constant 208 : index
      %get3A_85 = tpu.vector_load %arg7[%get3A_83, %get3A_84] {strides = array<i32>} : memref<16x768xf32, #tpu.memory_space<vmem>>, vector<1x16xf32>,
      %get3A_86 = vector.shape_cast %get3A_85 : vector<1x16xf32> to vector<16xf32>
      %get3A_87 = arith.index_cast %scan3A_27 : i32 to index
      %get3A_88 = arith.constant 224 : index
      %get3A_89 = tpu.vector_load %arg7[%get3A_87, %get3A_88] {strides = array<i32>} : memref<16x768xf32, #tpu.memory_space<vmem>>, vector<1x16xf32>,
      %get3A_90 = vector.shape_cast %get3A_89 : vector<1x16xf32> to vector<16xf32>
      %get3A_91 = arith.index_cast %scan3A_27 : i32 to index
      %get3A_92 = arith.constant 240 : index
      %get3A_93 = tpu.vector_load %arg7[%get3A_91, %get3A_92] {strides = array<i32>} : memref<16x768xf32, #tpu.memory_space<vmem>>, vector<1x16xf32>,
      %get3A_94 = vector.shape_cast %get3A_93 : vector<1x16xf32> to vector<16xf32>
      %get3A_95 = arith.index_cast %scan3A_27 : i32 to index
      %get3A_96 = arith.constant 256 : index
      %get3A_97 = tpu.vector_load %arg7[%get3A_95, %get3A_96] {strides = array<i32>} : memref<16x768xf32, #tpu.memory_space<vmem>>, vector<1x16xf32>,
      %get3A_98 = vector.shape_cast %get3A_97 : vector<1x16xf32> to vector<16xf32>
      %get3A_99 = arith.index_cast %scan3A_27 : i32 to index
      %get3A_100 = arith.constant 272 : index
      %get3A_101 = tpu.vector_load %arg7[%get3A_99, %get3A_100] {strides = array<i32>} : memref<16x768xf32, #tpu.memory_space<vmem>>, vector<1x16xf32>,
      %get3A_102 = vector.shape_cast %get3A_101 : vector<1x16xf32> to vector<16xf32>
      %get3A_103 = arith.index_cast %scan3A_27 : i32 to index
      %get3A_104 = arith.constant 288 : index
      %get3A_105 = tpu.vector_load %arg7[%get3A_103, %get3A_104] {strides = array<i32>} : memref<16x768xf32, #tpu.memory_space<vmem>>, vector<1x16xf32>,
      %get3A_106 = vector.shape_cast %get3A_105 : vector<1x16xf32> to vector<16xf32>
      %get3A_107 = arith.index_cast %scan3A_27 : i32 to index
      %get3A_108 = arith.constant 304 : index
      %get3A_109 = tpu.vector_load %arg7[%get3A_107, %get3A_108] {strides = array<i32>} : memref<16x768xf32, #tpu.memory_space<vmem>>, vector<1x16xf32>,
      %get3A_110 = vector.shape_cast %get3A_109 : vector<1x16xf32> to vector<16xf32>
      %get3A_111 = arith.index_cast %scan3A_27 : i32 to index
      %get3A_112 = arith.constant 320 : index
      %get3A_113 = tpu.vector_load %arg7[%get3A_111, %get3A_112] {strides = array<i32>} : memref<16x768xf32, #tpu.memory_space<vmem>>, vector<1x16xf32>,
      %get3A_114 = vector.shape_cast %get3A_113 : vector<1x16xf32> to vector<16xf32>
      %get3A_115 = arith.index_cast %scan3A_27 : i32 to index
      %get3A_116 = arith.constant 336 : index
      %get3A_117 = tpu.vector_load %arg7[%get3A_115, %get3A_116] {strides = array<i32>} : memref<16x768xf32, #tpu.memory_space<vmem>>, vector<1x16xf32>,
      %get3A_118 = vector.shape_cast %get3A_117 : vector<1x16xf32> to vector<16xf32>
      %get3A_119 = arith.index_cast %scan3A_27 : i32 to index
      %get3A_120 = arith.constant 352 : index
      %get3A_121 = tpu.vector_load %arg7[%get3A_119, %get3A_120] {strides = array<i32>} : memref<16x768xf32, #tpu.memory_space<vmem>>, vector<1x16xf32>,
      %get3A_122 = vector.shape_cast %get3A_121 : vector<1x16xf32> to vector<16xf32>
      %get3A_123 = arith.index_cast %scan3A_27 : i32 to index
      %get3A_124 = arith.constant 368 : index
      %get3A_125 = tpu.vector_load %arg7[%get3A_123, %get3A_124] {strides = array<i32>} : memref<16x768xf32, #tpu.memory_space<vmem>>, vector<1x16xf32>,
      %get3A_126 = vector.shape_cast %get3A_125 : vector<1x16xf32> to vector<16xf32>
      %get3A_127 = arith.index_cast %scan3A_27 : i32 to index
      %get3A_128 = arith.constant 384 : index
      %get3A_129 = tpu.vector_load %arg7[%get3A_127, %get3A_128] {strides = array<i32>} : memref<16x768xf32, #tpu.memory_space<vmem>>, vector<1x16xf32>,
      %get3A_130 = vector.shape_cast %get3A_129 : vector<1x16xf32> to vector<16xf32>
      %get3A_131 = arith.index_cast %scan3A_27 : i32 to index
      %get3A_132 = arith.constant 400 : index
      %get3A_133 = tpu.vector_load %arg7[%get3A_131, %get3A_132] {strides = array<i32>} : memref<16x768xf32, #tpu.memory_space<vmem>>, vector<1x16xf32>,
      %get3A_134 = vector.shape_cast %get3A_133 : vector<1x16xf32> to vector<16xf32>
      %get3A_135 = arith.index_cast %scan3A_27 : i32 to index
      %get3A_136 = arith.constant 416 : index
      %get3A_137 = tpu.vector_load %arg7[%get3A_135, %get3A_136] {strides = array<i32>} : memref<16x768xf32, #tpu.memory_space<vmem>>, vector<1x16xf32>,
      %get3A_138 = vector.shape_cast %get3A_137 : vector<1x16xf32> to vector<16xf32>
      %get3A_139 = arith.index_cast %scan3A_27 : i32 to index
      %get3A_140 = arith.constant 432 : index
      %get3A_141 = tpu.vector_load %arg7[%get3A_139, %get3A_140] {strides = array<i32>} : memref<16x768xf32, #tpu.memory_space<vmem>>, vector<1x16xf32>,
      %get3A_142 = vector.shape_cast %get3A_141 : vector<1x16xf32> to vector<16xf32>
      %get3A_143 = arith.index_cast %scan3A_27 : i32 to index
      %get3A_144 = arith.constant 448 : index
      %get3A_145 = tpu.vector_load %arg7[%get3A_143, %get3A_144] {strides = array<i32>} : memref<16x768xf32, #tpu.memory_space<vmem>>, vector<1x16xf32>,
      %get3A_146 = vector.shape_cast %get3A_145 : vector<1x16xf32> to vector<16xf32>
      %get3A_147 = arith.index_cast %scan3A_27 : i32 to index
      %get3A_148 = arith.constant 464 : index
      %get3A_149 = tpu.vector_load %arg7[%get3A_147, %get3A_148] {strides = array<i32>} : memref<16x768xf32, #tpu.memory_space<vmem>>, vector<1x16xf32>,
      %get3A_150 = vector.shape_cast %get3A_149 : vector<1x16xf32> to vector<16xf32>
      %get3A_151 = arith.index_cast %scan3A_27 : i32 to index
      %get3A_152 = arith.constant 480 : index
      %get3A_153 = tpu.vector_load %arg7[%get3A_151, %get3A_152] {strides = array<i32>} : memref<16x768xf32, #tpu.memory_space<vmem>>, vector<1x16xf32>,
      %get3A_154 = vector.shape_cast %get3A_153 : vector<1x16xf32> to vector<16xf32>
      %get3A_155 = arith.index_cast %scan3A_27 : i32 to index
      %get3A_156 = arith.constant 496 : index
      %get3A_157 = tpu.vector_load %arg7[%get3A_155, %get3A_156] {strides = array<i32>} : memref<16x768xf32, #tpu.memory_space<vmem>>, vector<1x16xf32>,
      %get3A_158 = vector.shape_cast %get3A_157 : vector<1x16xf32> to vector<16xf32>
      %get3A_159 = arith.index_cast %scan3A_27 : i32 to index
      %get3A_160 = arith.constant 512 : index
      %get3A_161 = tpu.vector_load %arg7[%get3A_159, %get3A_160] {strides = array<i32>} : memref<16x768xf32, #tpu.memory_space<vmem>>, vector<1x16xf32>,
      %get3A_162 = vector.shape_cast %get3A_161 : vector<1x16xf32> to vector<16xf32>
      %get3A_163 = arith.index_cast %scan3A_27 : i32 to index
      %get3A_164 = arith.constant 528 : index
      %get3A_165 = tpu.vector_load %arg7[%get3A_163, %get3A_164] {strides = array<i32>} : memref<16x768xf32, #tpu.memory_space<vmem>>, vector<1x16xf32>,
      %get3A_166 = vector.shape_cast %get3A_165 : vector<1x16xf32> to vector<16xf32>
      %get3A_167 = arith.index_cast %scan3A_27 : i32 to index
      %get3A_168 = arith.constant 544 : index
      %get3A_169 = tpu.vector_load %arg7[%get3A_167, %get3A_168] {strides = array<i32>} : memref<16x768xf32, #tpu.memory_space<vmem>>, vector<1x16xf32>,
      %get3A_170 = vector.shape_cast %get3A_169 : vector<1x16xf32> to vector<16xf32>
      %get3A_171 = arith.index_cast %scan3A_27 : i32 to index
      %get3A_172 = arith.constant 560 : index
      %get3A_173 = tpu.vector_load %arg7[%get3A_171, %get3A_172] {strides = array<i32>} : memref<16x768xf32, #tpu.memory_space<vmem>>, vector<1x16xf32>,
      %get3A_174 = vector.shape_cast %get3A_173 : vector<1x16xf32> to vector<16xf32>
      %get3A_175 = arith.index_cast %scan3A_27 : i32 to index
      %get3A_176 = arith.constant 576 : index
      %get3A_177 = tpu.vector_load %arg7[%get3A_175, %get3A_176] {strides = array<i32>} : memref<16x768xf32, #tpu.memory_space<vmem>>, vector<1x16xf32>,
      %get3A_178 = vector.shape_cast %get3A_177 : vector<1x16xf32> to vector<16xf32>
      %get3A_179 = arith.index_cast %scan3A_27 : i32 to index
      %get3A_180 = arith.constant 592 : index
      %get3A_181 = tpu.vector_load %arg7[%get3A_179, %get3A_180] {strides = array<i32>} : memref<16x768xf32, #tpu.memory_space<vmem>>, vector<1x16xf32>,
      %get3A_182 = vector.shape_cast %get3A_181 : vector<1x16xf32> to vector<16xf32>
      %get3A_183 = arith.index_cast %scan3A_27 : i32 to index
      %get3A_184 = arith.constant 608 : index
      %get3A_185 = tpu.vector_load %arg7[%get3A_183, %get3A_184] {strides = array<i32>} : memref<16x768xf32, #tpu.memory_space<vmem>>, vector<1x16xf32>,
      %get3A_186 = vector.shape_cast %get3A_185 : vector<1x16xf32> to vector<16xf32>
      %get3A_187 = arith.index_cast %scan3A_27 : i32 to index
      %get3A_188 = arith.constant 624 : index
      %get3A_189 = tpu.vector_load %arg7[%get3A_187, %get3A_188] {strides = array<i32>} : memref<16x768xf32, #tpu.memory_space<vmem>>, vector<1x16xf32>,
      %get3A_190 = vector.shape_cast %get3A_189 : vector<1x16xf32> to vector<16xf32>
      %get3A_191 = arith.index_cast %scan3A_27 : i32 to index
      %get3A_192 = arith.constant 640 : index
      %get3A_193 = tpu.vector_load %arg7[%get3A_191, %get3A_192] {strides = array<i32>} : memref<16x768xf32, #tpu.memory_space<vmem>>, vector<1x16xf32>,
      %get3A_194 = vector.shape_cast %get3A_193 : vector<1x16xf32> to vector<16xf32>
      %get3A_195 = arith.index_cast %scan3A_27 : i32 to index
      %get3A_196 = arith.constant 656 : index
      %get3A_197 = tpu.vector_load %arg7[%get3A_195, %get3A_196] {strides = array<i32>} : memref<16x768xf32, #tpu.memory_space<vmem>>, vector<1x16xf32>,
      %get3A_198 = vector.shape_cast %get3A_197 : vector<1x16xf32> to vector<16xf32>
      %get3A_199 = arith.index_cast %scan3A_27 : i32 to index
      %get3A_200 = arith.constant 672 : index
      %get3A_201 = tpu.vector_load %arg7[%get3A_199, %get3A_200] {strides = array<i32>} : memref<16x768xf32, #tpu.memory_space<vmem>>, vector<1x16xf32>,
      %get3A_202 = vector.shape_cast %get3A_201 : vector<1x16xf32> to vector<16xf32>
      %get3A_203 = arith.index_cast %scan3A_27 : i32 to index
      %get3A_204 = arith.constant 688 : index
      %get3A_205 = tpu.vector_load %arg7[%get3A_203, %get3A_204] {strides = array<i32>} : memref<16x768xf32, #tpu.memory_space<vmem>>, vector<1x16xf32>,
      %get3A_206 = vector.shape_cast %get3A_205 : vector<1x16xf32> to vector<16xf32>
      %get3A_207 = arith.index_cast %scan3A_27 : i32 to index
      %get3A_208 = arith.constant 704 : index
      %get3A_209 = tpu.vector_load %arg7[%get3A_207, %get3A_208] {strides = array<i32>} : memref<16x768xf32, #tpu.memory_space<vmem>>, vector<1x16xf32>,
      %get3A_210 = vector.shape_cast %get3A_209 : vector<1x16xf32> to vector<16xf32>
      %get3A_211 = arith.index_cast %scan3A_27 : i32 to index
      %get3A_212 = arith.constant 720 : index
      %get3A_213 = tpu.vector_load %arg7[%get3A_211, %get3A_212] {strides = array<i32>} : memref<16x768xf32, #tpu.memory_space<vmem>>, vector<1x16xf32>,
      %get3A_214 = vector.shape_cast %get3A_213 : vector<1x16xf32> to vector<16xf32>
      %get3A_215 = arith.index_cast %scan3A_27 : i32 to index
      %get3A_216 = arith.constant 736 : index
      %get3A_217 = tpu.vector_load %arg7[%get3A_215, %get3A_216] {strides = array<i32>} : memref<16x768xf32, #tpu.memory_space<vmem>>, vector<1x16xf32>,
      %get3A_218 = vector.shape_cast %get3A_217 : vector<1x16xf32> to vector<16xf32>
      %get3A_219 = arith.index_cast %scan3A_27 : i32 to index
      %get3A_220 = arith.constant 752 : index
      %get3A_221 = tpu.vector_load %arg7[%get3A_219, %get3A_220] {strides = array<i32>} : memref<16x768xf32, #tpu.memory_space<vmem>>, vector<1x16xf32>,
      %get3A_222 = vector.shape_cast %get3A_221 : vector<1x16xf32> to vector<16xf32>
      %mul3A_223 = arith.constant 128 : i32
      %mul3A_224 = arith.muli %scan3A_27, %mul3A_223 : i32
      %add3A_225 = arith.constant 0 : i32
      %add3A_226 = arith.addi %mul3A_224, %add3A_225 : i32
      %dma_wait3A_227 = tpu.memref_slice %arg6[%add3A_226] : memref<2048xi32, #tpu.memory_space<vmem>> -> memref<32xi32, #tpu.memory_space<vmem>>
      %dma_wait3A_228 = arith.constant 0 : i32
      %dma_wait3A_229 = arith.constant 0 : i32
      %dma_wait3A_230 = tpu.memref_slice %arg3[%dma_wait3A_228, %dma_wait3A_229] : memref<50265x768xf32, #tpu.memory_space<hbm>> -> memref<50265x768xf32, #tpu.memory_space<hbm>>
      tpu.wait_indirect_dma semaphore(%arg14 : memref<!tpu.dma_semaphore, #tpu.memory_space<semaphore_mem>>) src(%dma_wait3A_230 : memref<50265x768xf32, #tpu.memory_space<hbm>>) dst(%arg8 : memref<32x768xf32, #tpu.memory_space<vmem>>)
      %gt3A = arith.constant 0 : i32
      %gt3A_231 = arith.cmpi sgt, %scan3A_27, %gt3A : i32
      %convert_element_type3A = arith.extui %gt3A_231 : i1 to i32
      %cond3A = arith.constant 0 : i32
      %cond3A_232 = arith.cmpi ne, %convert_element_type3A, %cond3A : i32
      scf.if %cond3A_232 {
        %dma_wait3A_388 = arith.constant 0 : i32
        %dma_wait3A_389 = arith.constant 0 : i32
        %dma_wait3A_390 = tpu.memref_slice %arg5[%dma_wait3A_388, %dma_wait3A_389] : memref<65536x768xf32, #tpu.memory_space<hbm>> -> memref<65536x768xf32, #tpu.memory_space<hbm>>
        tpu.wait_indirect_dma semaphore(%arg16 : memref<!tpu.dma_semaphore, #tpu.memory_space<semaphore_mem>>) src(%arg10 : memref<32x768xf32, #tpu.memory_space<vmem>>) dst(%dma_wait3A_390 : memref<65536x768xf32, #tpu.memory_space<hbm>>)
      } else {
      }
      %parallel_loop3A = arith.constant 0 : i32
      %parallel_loop3A_233 = arith.constant 32 : i32
      %parallel_loop3A_234 = arith.constant 1 : i32
      scf.for %parallel_loop3A_388 = %parallel_loop3A to %parallel_loop3A_233 step %parallel_loop3A_234  : i32 {
        %parallel_loop3A_389 = arith.index_cast %parallel_loop3A_388 : i32 to index
        %parallel_loop3A_390 = arith.constant 0 : index
        %parallel_loop3A_391 = tpu.vector_load %arg8[%parallel_loop3A_389, %parallel_loop3A_390] {strides = array<i32>} : memref<32x768xf32, #tpu.memory_space<vmem>>, vector<1x16xf32>,
        %parallel_loop3A_392 = vector.shape_cast %parallel_loop3A_391 : vector<1x16xf32> to vector<16xf32>
        %parallel_loop3A_393 = arith.addf %parallel_loop3A_392, %get3A_34 : vector<16xf32>
        %parallel_loop3A_394 = arith.index_cast %parallel_loop3A_388 : i32 to index
        %parallel_loop3A_395 = arith.constant 0 : index
        %parallel_loop3A_396 = tpu.vector_load %arg10[%parallel_loop3A_394, %parallel_loop3A_395] {strides = array<i32>} : memref<32x768xf32, #tpu.memory_space<vmem>>, vector<1x16xf32>,
        %parallel_loop3A_397 = vector.shape_cast %parallel_loop3A_396 : vector<1x16xf32> to vector<16xf32>
        %parallel_loop3A_398 = vector.shape_cast %parallel_loop3A_393 : vector<16xf32> to vector<1x16xf32>
        tpu.vector_store %arg10[%parallel_loop3A_394, %parallel_loop3A_395], %parallel_loop3A_398 {strides = array<i32>} : memref<32x768xf32, #tpu.memory_space<vmem>>, vector<1x16xf32>,
        %parallel_loop3A_399 = arith.index_cast %parallel_loop3A_388 : i32 to index
        %parallel_loop3A_400 = arith.constant 16 : index
        %parallel_loop3A_401 = tpu.vector_load %arg8[%parallel_loop3A_399, %parallel_loop3A_400] {strides = array<i32>} : memref<32x768xf32, #tpu.memory_space<vmem>>, vector<1x16xf32>,
        %parallel_loop3A_402 = vector.shape_cast %parallel_loop3A_401 : vector<1x16xf32> to vector<16xf32>
        %parallel_loop3A_403 = arith.addf %parallel_loop3A_402, %get3A_38 : vector<16xf32>
        %parallel_loop3A_404 = arith.index_cast %parallel_loop3A_388 : i32 to index
        %parallel_loop3A_405 = arith.constant 16 : index
        %parallel_loop3A_406 = tpu.vector_load %arg10[%parallel_loop3A_404, %parallel_loop3A_405] {strides = array<i32>} : memref<32x768xf32, #tpu.memory_space<vmem>>, vector<1x16xf32>,
        %parallel_loop3A_407 = vector.shape_cast %parallel_loop3A_406 : vector<1x16xf32> to vector<16xf32>
        %parallel_loop3A_408 = vector.shape_cast %parallel_loop3A_403 : vector<16xf32> to vector<1x16xf32>
        tpu.vector_store %arg10[%parallel_loop3A_404, %parallel_loop3A_405], %parallel_loop3A_408 {strides = array<i32>} : memref<32x768xf32, #tpu.memory_space<vmem>>, vector<1x16xf32>,
        %parallel_loop3A_409 = arith.index_cast %parallel_loop3A_388 : i32 to index
        %parallel_loop3A_410 = arith.constant 32 : index
        %parallel_loop3A_411 = tpu.vector_load %arg8[%parallel_loop3A_409, %parallel_loop3A_410] {strides = array<i32>} : memref<32x768xf32, #tpu.memory_space<vmem>>, vector<1x16xf32>,
        %parallel_loop3A_412 = vector.shape_cast %parallel_loop3A_411 : vector<1x16xf32> to vector<16xf32>
        %parallel_loop3A_413 = arith.addf %parallel_loop3A_412, %get3A_42 : vector<16xf32>
        %parallel_loop3A_414 = arith.index_cast %parallel_loop3A_388 : i32 to index
        %parallel_loop3A_415 = arith.constant 32 : index
        %parallel_loop3A_416 = tpu.vector_load %arg10[%parallel_loop3A_414, %parallel_loop3A_415] {strides = array<i32>} : memref<32x768xf32, #tpu.memory_space<vmem>>, vector<1x16xf32>,
        %parallel_loop3A_417 = vector.shape_cast %parallel_loop3A_416 : vector<1x16xf32> to vector<16xf32>
        %parallel_loop3A_418 = vector.shape_cast %parallel_loop3A_413 : vector<16xf32> to vector<1x16xf32>
        tpu.vector_store %arg10[%parallel_loop3A_414, %parallel_loop3A_415], %parallel_loop3A_418 {strides = array<i32>} : memref<32x768xf32, #tpu.memory_space<vmem>>, vector<1x16xf32>,
        %parallel_loop3A_419 = arith.index_cast %parallel_loop3A_388 : i32 to index
        %parallel_loop3A_420 = arith.constant 48 : index
        %parallel_loop3A_421 = tpu.vector_load %arg8[%parallel_loop3A_419, %parallel_loop3A_420] {strides = array<i32>} : memref<32x768xf32, #tpu.memory_space<vmem>>, vector<1x16xf32>,
        %parallel_loop3A_422 = vector.shape_cast %parallel_loop3A_421 : vector<1x16xf32> to vector<16xf32>
        %parallel_loop3A_423 = arith.addf %parallel_loop3A_422, %get3A_46 : vector<16xf32>
        %parallel_loop3A_424 = arith.index_cast %parallel_loop3A_388 : i32 to index
        %parallel_loop3A_425 = arith.constant 48 : index
        %parallel_loop3A_426 = tpu.vector_load %arg10[%parallel_loop3A_424, %parallel_loop3A_425] {strides = array<i32>} : memref<32x768xf32, #tpu.memory_space<vmem>>, vector<1x16xf32>,
        %parallel_loop3A_427 = vector.shape_cast %parallel_loop3A_426 : vector<1x16xf32> to vector<16xf32>
        %parallel_loop3A_428 = vector.shape_cast %parallel_loop3A_423 : vector<16xf32> to vector<1x16xf32>
        tpu.vector_store %arg10[%parallel_loop3A_424, %parallel_loop3A_425], %parallel_loop3A_428 {strides = array<i32>} : memref<32x768xf32, #tpu.memory_space<vmem>>, vector<1x16xf32>,
        %parallel_loop3A_429 = arith.index_cast %parallel_loop3A_388 : i32 to index
        %parallel_loop3A_430 = arith.constant 64 : index
        %parallel_loop3A_431 = tpu.vector_load %arg8[%parallel_loop3A_429, %parallel_loop3A_430] {strides = array<i32>} : memref<32x768xf32, #tpu.memory_space<vmem>>, vector<1x16xf32>,
        %parallel_loop3A_432 = vector.shape_cast %parallel_loop3A_431 : vector<1x16xf32> to vector<16xf32>
        %parallel_loop3A_433 = arith.addf %parallel_loop3A_432, %get3A_50 : vector<16xf32>
        %parallel_loop3A_434 = arith.index_cast %parallel_loop3A_388 : i32 to index
        %parallel_loop3A_435 = arith.constant 64 : index
        %parallel_loop3A_436 = tpu.vector_load %arg10[%parallel_loop3A_434, %parallel_loop3A_435] {strides = array<i32>} : memref<32x768xf32, #tpu.memory_space<vmem>>, vector<1x16xf32>,
        %parallel_loop3A_437 = vector.shape_cast %parallel_loop3A_436 : vector<1x16xf32> to vector<16xf32>
        %parallel_loop3A_438 = vector.shape_cast %parallel_loop3A_433 : vector<16xf32> to vector<1x16xf32>
        tpu.vector_store %arg10[%parallel_loop3A_434, %parallel_loop3A_435], %parallel_loop3A_438 {strides = array<i32>} : memref<32x768xf32, #tpu.memory_space<vmem>>, vector<1x16xf32>,
        %parallel_loop3A_439 = arith.index_cast %parallel_loop3A_388 : i32 to index
        %parallel_loop3A_440 = arith.constant 80 : index
        %parallel_loop3A_441 = tpu.vector_load %arg8[%parallel_loop3A_439, %parallel_loop3A_440] {strides = array<i32>} : memref<32x768xf32, #tpu.memory_space<vmem>>, vector<1x16xf32>,
        %parallel_loop3A_442 = vector.shape_cast %parallel_loop3A_441 : vector<1x16xf32> to vector<16xf32>
        %parallel_loop3A_443 = arith.addf %parallel_loop3A_442, %get3A_54 : vector<16xf32>
        %parallel_loop3A_444 = arith.index_cast %parallel_loop3A_388 : i32 to index
        %parallel_loop3A_445 = arith.constant 80 : index
        %parallel_loop3A_446 = tpu.vector_load %arg10[%parallel_loop3A_444, %parallel_loop3A_445] {strides = array<i32>} : memref<32x768xf32, #tpu.memory_space<vmem>>, vector<1x16xf32>,
        %parallel_loop3A_447 = vector.shape_cast %parallel_loop3A_446 : vector<1x16xf32> to vector<16xf32>
        %parallel_loop3A_448 = vector.shape_cast %parallel_loop3A_443 : vector<16xf32> to vector<1x16xf32>
        tpu.vector_store %arg10[%parallel_loop3A_444, %parallel_loop3A_445], %parallel_loop3A_448 {strides = array<i32>} : memref<32x768xf32, #tpu.memory_space<vmem>>, vector<1x16xf32>,
        %parallel_loop3A_449 = arith.index_cast %parallel_loop3A_388 : i32 to index
        %parallel_loop3A_450 = arith.constant 96 : index
        %parallel_loop3A_451 = tpu.vector_load %arg8[%parallel_loop3A_449, %parallel_loop3A_450] {strides = array<i32>} : memref<32x768xf32, #tpu.memory_space<vmem>>, vector<1x16xf32>,
        %parallel_loop3A_452 = vector.shape_cast %parallel_loop3A_451 : vector<1x16xf32> to vector<16xf32>
        %parallel_loop3A_453 = arith.addf %parallel_loop3A_452, %get3A_58 : vector<16xf32>
        %parallel_loop3A_454 = arith.index_cast %parallel_loop3A_388 : i32 to index
        %parallel_loop3A_455 = arith.constant 96 : index
        %parallel_loop3A_456 = tpu.vector_load %arg10[%parallel_loop3A_454, %parallel_loop3A_455] {strides = array<i32>} : memref<32x768xf32, #tpu.memory_space<vmem>>, vector<1x16xf32>,
        %parallel_loop3A_457 = vector.shape_cast %parallel_loop3A_456 : vector<1x16xf32> to vector<16xf32>
        %parallel_loop3A_458 = vector.shape_cast %parallel_loop3A_453 : vector<16xf32> to vector<1x16xf32>
        tpu.vector_store %arg10[%parallel_loop3A_454, %parallel_loop3A_455], %parallel_loop3A_458 {strides = array<i32>} : memref<32x768xf32, #tpu.memory_space<vmem>>, vector<1x16xf32>,
        %parallel_loop3A_459 = arith.index_cast %parallel_loop3A_388 : i32 to index
        %parallel_loop3A_460 = arith.constant 112 : index
        %parallel_loop3A_461 = tpu.vector_load %arg8[%parallel_loop3A_459, %parallel_loop3A_460] {strides = array<i32>} : memref<32x768xf32, #tpu.memory_space<vmem>>, vector<1x16xf32>,
        %parallel_loop3A_462 = vector.shape_cast %parallel_loop3A_461 : vector<1x16xf32> to vector<16xf32>
        %parallel_loop3A_463 = arith.addf %parallel_loop3A_462, %get3A_62 : vector<16xf32>
        %parallel_loop3A_464 = arith.index_cast %parallel_loop3A_388 : i32 to index
        %parallel_loop3A_465 = arith.constant 112 : index
        %parallel_loop3A_466 = tpu.vector_load %arg10[%parallel_loop3A_464, %parallel_loop3A_465] {strides = array<i32>} : memref<32x768xf32, #tpu.memory_space<vmem>>, vector<1x16xf32>,
        %parallel_loop3A_467 = vector.shape_cast %parallel_loop3A_466 : vector<1x16xf32> to vector<16xf32>
        %parallel_loop3A_468 = vector.shape_cast %parallel_loop3A_463 : vector<16xf32> to vector<1x16xf32>
        tpu.vector_store %arg10[%parallel_loop3A_464, %parallel_loop3A_465], %parallel_loop3A_468 {strides = array<i32>} : memref<32x768xf32, #tpu.memory_space<vmem>>, vector<1x16xf32>,
        %parallel_loop3A_469 = arith.index_cast %parallel_loop3A_388 : i32 to index
        %parallel_loop3A_470 = arith.constant 128 : index
        %parallel_loop3A_471 = tpu.vector_load %arg8[%parallel_loop3A_469, %parallel_loop3A_470] {strides = array<i32>} : memref<32x768xf32, #tpu.memory_space<vmem>>, vector<1x16xf32>,
        %parallel_loop3A_472 = vector.shape_cast %parallel_loop3A_471 : vector<1x16xf32> to vector<16xf32>
        %parallel_loop3A_473 = arith.addf %parallel_loop3A_472, %get3A_66 : vector<16xf32>
        %parallel_loop3A_474 = arith.index_cast %parallel_loop3A_388 : i32 to index
        %parallel_loop3A_475 = arith.constant 128 : index
        %parallel_loop3A_476 = tpu.vector_load %arg10[%parallel_loop3A_474, %parallel_loop3A_475] {strides = array<i32>} : memref<32x768xf32, #tpu.memory_space<vmem>>, vector<1x16xf32>,
        %parallel_loop3A_477 = vector.shape_cast %parallel_loop3A_476 : vector<1x16xf32> to vector<16xf32>
        %parallel_loop3A_478 = vector.shape_cast %parallel_loop3A_473 : vector<16xf32> to vector<1x16xf32>
        tpu.vector_store %arg10[%parallel_loop3A_474, %parallel_loop3A_475], %parallel_loop3A_478 {strides = array<i32>} : memref<32x768xf32, #tpu.memory_space<vmem>>, vector<1x16xf32>,
        %parallel_loop3A_479 = arith.index_cast %parallel_loop3A_388 : i32 to index
        %parallel_loop3A_480 = arith.constant 144 : index
        %parallel_loop3A_481 = tpu.vector_load %arg8[%parallel_loop3A_479, %parallel_loop3A_480] {strides = array<i32>} : memref<32x768xf32, #tpu.memory_space<vmem>>, vector<1x16xf32>,
        %parallel_loop3A_482 = vector.shape_cast %parallel_loop3A_481 : vector<1x16xf32> to vector<16xf32>
        %parallel_loop3A_483 = arith.addf %parallel_loop3A_482, %get3A_70 : vector<16xf32>
        %parallel_loop3A_484 = arith.index_cast %parallel_loop3A_388 : i32 to index
        %parallel_loop3A_485 = arith.constant 144 : index
        %parallel_loop3A_486 = tpu.vector_load %arg10[%parallel_loop3A_484, %parallel_loop3A_485] {strides = array<i32>} : memref<32x768xf32, #tpu.memory_space<vmem>>, vector<1x16xf32>,
        %parallel_loop3A_487 = vector.shape_cast %parallel_loop3A_486 : vector<1x16xf32> to vector<16xf32>
        %parallel_loop3A_488 = vector.shape_cast %parallel_loop3A_483 : vector<16xf32> to vector<1x16xf32>
        tpu.vector_store %arg10[%parallel_loop3A_484, %parallel_loop3A_485], %parallel_loop3A_488 {strides = array<i32>} : memref<32x768xf32, #tpu.memory_space<vmem>>, vector<1x16xf32>,
        %parallel_loop3A_489 = arith.index_cast %parallel_loop3A_388 : i32 to index
        %parallel_loop3A_490 = arith.constant 160 : index
        %parallel_loop3A_491 = tpu.vector_load %arg8[%parallel_loop3A_489, %parallel_loop3A_490] {strides = array<i32>} : memref<32x768xf32, #tpu.memory_space<vmem>>, vector<1x16xf32>,
        %parallel_loop3A_492 = vector.shape_cast %parallel_loop3A_491 : vector<1x16xf32> to vector<16xf32>
        %parallel_loop3A_493 = arith.addf %parallel_loop3A_492, %get3A_74 : vector<16xf32>
        %parallel_loop3A_494 = arith.index_cast %parallel_loop3A_388 : i32 to index
        %parallel_loop3A_495 = arith.constant 160 : index
        %parallel_loop3A_496 = tpu.vector_load %arg10[%parallel_loop3A_494, %parallel_loop3A_495] {strides = array<i32>} : memref<32x768xf32, #tpu.memory_space<vmem>>, vector<1x16xf32>,
        %parallel_loop3A_497 = vector.shape_cast %parallel_loop3A_496 : vector<1x16xf32> to vector<16xf32>
        %parallel_loop3A_498 = vector.shape_cast %parallel_loop3A_493 : vector<16xf32> to vector<1x16xf32>
        tpu.vector_store %arg10[%parallel_loop3A_494, %parallel_loop3A_495], %parallel_loop3A_498 {strides = array<i32>} : memref<32x768xf32, #tpu.memory_space<vmem>>, vector<1x16xf32>,
        %parallel_loop3A_499 = arith.index_cast %parallel_loop3A_388 : i32 to index
        %parallel_loop3A_500 = arith.constant 176 : index
        %parallel_loop3A_501 = tpu.vector_load %arg8[%parallel_loop3A_499, %parallel_loop3A_500] {strides = array<i32>} : memref<32x768xf32, #tpu.memory_space<vmem>>, vector<1x16xf32>,
        %parallel_loop3A_502 = vector.shape_cast %parallel_loop3A_501 : vector<1x16xf32> to vector<16xf32>
        %parallel_loop3A_503 = arith.addf %parallel_loop3A_502, %get3A_78 : vector<16xf32>
        %parallel_loop3A_504 = arith.index_cast %parallel_loop3A_388 : i32 to index
        %parallel_loop3A_505 = arith.constant 176 : index
        %parallel_loop3A_506 = tpu.vector_load %arg10[%parallel_loop3A_504, %parallel_loop3A_505] {strides = array<i32>} : memref<32x768xf32, #tpu.memory_space<vmem>>, vector<1x16xf32>,
        %parallel_loop3A_507 = vector.shape_cast %parallel_loop3A_506 : vector<1x16xf32> to vector<16xf32>
        %parallel_loop3A_508 = vector.shape_cast %parallel_loop3A_503 : vector<16xf32> to vector<1x16xf32>
        tpu.vector_store %arg10[%parallel_loop3A_504, %parallel_loop3A_505], %parallel_loop3A_508 {strides = array<i32>} : memref<32x768xf32, #tpu.memory_space<vmem>>, vector<1x16xf32>,
        %parallel_loop3A_509 = arith.index_cast %parallel_loop3A_388 : i32 to index
        %parallel_loop3A_510 = arith.constant 192 : index
        %parallel_loop3A_511 = tpu.vector_load %arg8[%parallel_loop3A_509, %parallel_loop3A_510] {strides = array<i32>} : memref<32x768xf32, #tpu.memory_space<vmem>>, vector<1x16xf32>,
        %parallel_loop3A_512 = vector.shape_cast %parallel_loop3A_511 : vector<1x16xf32> to vector<16xf32>
        %parallel_loop3A_513 = arith.addf %parallel_loop3A_512, %get3A_82 : vector<16xf32>
        %parallel_loop3A_514 = arith.index_cast %parallel_loop3A_388 : i32 to index
        %parallel_loop3A_515 = arith.constant 192 : index
        %parallel_loop3A_516 = tpu.vector_load %arg10[%parallel_loop3A_514, %parallel_loop3A_515] {strides = array<i32>} : memref<32x768xf32, #tpu.memory_space<vmem>>, vector<1x16xf32>,
        %parallel_loop3A_517 = vector.shape_cast %parallel_loop3A_516 : vector<1x16xf32> to vector<16xf32>
        %parallel_loop3A_518 = vector.shape_cast %parallel_loop3A_513 : vector<16xf32> to vector<1x16xf32>
        tpu.vector_store %arg10[%parallel_loop3A_514, %parallel_loop3A_515], %parallel_loop3A_518 {strides = array<i32>} : memref<32x768xf32, #tpu.memory_space<vmem>>, vector<1x16xf32>,
        %parallel_loop3A_519 = arith.index_cast %parallel_loop3A_388 : i32 to index
        %parallel_loop3A_520 = arith.constant 208 : index
        %parallel_loop3A_521 = tpu.vector_load %arg8[%parallel_loop3A_519, %parallel_loop3A_520] {strides = array<i32>} : memref<32x768xf32, #tpu.memory_space<vmem>>, vector<1x16xf32>,
        %parallel_loop3A_522 = vector.shape_cast %parallel_loop3A_521 : vector<1x16xf32> to vector<16xf32>
        %parallel_loop3A_523 = arith.addf %parallel_loop3A_522, %get3A_86 : vector<16xf32>
        %parallel_loop3A_524 = arith.index_cast %parallel_loop3A_388 : i32 to index
        %parallel_loop3A_525 = arith.constant 208 : index
        %parallel_loop3A_526 = tpu.vector_load %arg10[%parallel_loop3A_524, %parallel_loop3A_525] {strides = array<i32>} : memref<32x768xf32, #tpu.memory_space<vmem>>, vector<1x16xf32>,
        %parallel_loop3A_527 = vector.shape_cast %parallel_loop3A_526 : vector<1x16xf32> to vector<16xf32>
        %parallel_loop3A_528 = vector.shape_cast %parallel_loop3A_523 : vector<16xf32> to vector<1x16xf32>
        tpu.vector_store %arg10[%parallel_loop3A_524, %parallel_loop3A_525], %parallel_loop3A_528 {strides = array<i32>} : memref<32x768xf32, #tpu.memory_space<vmem>>, vector<1x16xf32>,
        %parallel_loop3A_529 = arith.index_cast %parallel_loop3A_388 : i32 to index
        %parallel_loop3A_530 = arith.constant 224 : index
        %parallel_loop3A_531 = tpu.vector_load %arg8[%parallel_loop3A_529, %parallel_loop3A_530] {strides = array<i32>} : memref<32x768xf32, #tpu.memory_space<vmem>>, vector<1x16xf32>,
        %parallel_loop3A_532 = vector.shape_cast %parallel_loop3A_531 : vector<1x16xf32> to vector<16xf32>
        %parallel_loop3A_533 = arith.addf %parallel_loop3A_532, %get3A_90 : vector<16xf32>
        %parallel_loop3A_534 = arith.index_cast %parallel_loop3A_388 : i32 to index
        %parallel_loop3A_535 = arith.constant 224 : index
        %parallel_loop3A_536 = tpu.vector_load %arg10[%parallel_loop3A_534, %parallel_loop3A_535] {strides = array<i32>} : memref<32x768xf32, #tpu.memory_space<vmem>>, vector<1x16xf32>,
        %parallel_loop3A_537 = vector.shape_cast %parallel_loop3A_536 : vector<1x16xf32> to vector<16xf32>
        %parallel_loop3A_538 = vector.shape_cast %parallel_loop3A_533 : vector<16xf32> to vector<1x16xf32>
        tpu.vector_store %arg10[%parallel_loop3A_534, %parallel_loop3A_535], %parallel_loop3A_538 {strides = array<i32>} : memref<32x768xf32, #tpu.memory_space<vmem>>, vector<1x16xf32>,
        %parallel_loop3A_539 = arith.index_cast %parallel_loop3A_388 : i32 to index
        %parallel_loop3A_540 = arith.constant 240 : index
        %parallel_loop3A_541 = tpu.vector_load %arg8[%parallel_loop3A_539, %parallel_loop3A_540] {strides = array<i32>} : memref<32x768xf32, #tpu.memory_space<vmem>>, vector<1x16xf32>,
        %parallel_loop3A_542 = vector.shape_cast %parallel_loop3A_541 : vector<1x16xf32> to vector<16xf32>
        %parallel_loop3A_543 = arith.addf %parallel_loop3A_542, %get3A_94 : vector<16xf32>
        %parallel_loop3A_544 = arith.index_cast %parallel_loop3A_388 : i32 to index
        %parallel_loop3A_545 = arith.constant 240 : index
        %parallel_loop3A_546 = tpu.vector_load %arg10[%parallel_loop3A_544, %parallel_loop3A_545] {strides = array<i32>} : memref<32x768xf32, #tpu.memory_space<vmem>>, vector<1x16xf32>,
        %parallel_loop3A_547 = vector.shape_cast %parallel_loop3A_546 : vector<1x16xf32> to vector<16xf32>
        %parallel_loop3A_548 = vector.shape_cast %parallel_loop3A_543 : vector<16xf32> to vector<1x16xf32>
        tpu.vector_store %arg10[%parallel_loop3A_544, %parallel_loop3A_545], %parallel_loop3A_548 {strides = array<i32>} : memref<32x768xf32, #tpu.memory_space<vmem>>, vector<1x16xf32>,
        %parallel_loop3A_549 = arith.index_cast %parallel_loop3A_388 : i32 to index
        %parallel_loop3A_550 = arith.constant 256 : index
        %parallel_loop3A_551 = tpu.vector_load %arg8[%parallel_loop3A_549, %parallel_loop3A_550] {strides = array<i32>} : memref<32x768xf32, #tpu.memory_space<vmem>>, vector<1x16xf32>,
        %parallel_loop3A_552 = vector.shape_cast %parallel_loop3A_551 : vector<1x16xf32> to vector<16xf32>
        %parallel_loop3A_553 = arith.addf %parallel_loop3A_552, %get3A_98 : vector<16xf32>
        %parallel_loop3A_554 = arith.index_cast %parallel_loop3A_388 : i32 to index
        %parallel_loop3A_555 = arith.constant 256 : index
        %parallel_loop3A_556 = tpu.vector_load %arg10[%parallel_loop3A_554, %parallel_loop3A_555] {strides = array<i32>} : memref<32x768xf32, #tpu.memory_space<vmem>>, vector<1x16xf32>,
        %parallel_loop3A_557 = vector.shape_cast %parallel_loop3A_556 : vector<1x16xf32> to vector<16xf32>
        %parallel_loop3A_558 = vector.shape_cast %parallel_loop3A_553 : vector<16xf32> to vector<1x16xf32>
        tpu.vector_store %arg10[%parallel_loop3A_554, %parallel_loop3A_555], %parallel_loop3A_558 {strides = array<i32>} : memref<32x768xf32, #tpu.memory_space<vmem>>, vector<1x16xf32>,
        %parallel_loop3A_559 = arith.index_cast %parallel_loop3A_388 : i32 to index
        %parallel_loop3A_560 = arith.constant 272 : index
        %parallel_loop3A_561 = tpu.vector_load %arg8[%parallel_loop3A_559, %parallel_loop3A_560] {strides = array<i32>} : memref<32x768xf32, #tpu.memory_space<vmem>>, vector<1x16xf32>,
        %parallel_loop3A_562 = vector.shape_cast %parallel_loop3A_561 : vector<1x16xf32> to vector<16xf32>
        %parallel_loop3A_563 = arith.addf %parallel_loop3A_562, %get3A_102 : vector<16xf32>
        %parallel_loop3A_564 = arith.index_cast %parallel_loop3A_388 : i32 to index
        %parallel_loop3A_565 = arith.constant 272 : index
        %parallel_loop3A_566 = tpu.vector_load %arg10[%parallel_loop3A_564, %parallel_loop3A_565] {strides = array<i32>} : memref<32x768xf32, #tpu.memory_space<vmem>>, vector<1x16xf32>,
        %parallel_loop3A_567 = vector.shape_cast %parallel_loop3A_566 : vector<1x16xf32> to vector<16xf32>
        %parallel_loop3A_568 = vector.shape_cast %parallel_loop3A_563 : vector<16xf32> to vector<1x16xf32>
        tpu.vector_store %arg10[%parallel_loop3A_564, %parallel_loop3A_565], %parallel_loop3A_568 {strides = array<i32>} : memref<32x768xf32, #tpu.memory_space<vmem>>, vector<1x16xf32>,
        %parallel_loop3A_569 = arith.index_cast %parallel_loop3A_388 : i32 to index
        %parallel_loop3A_570 = arith.constant 288 : index
        %parallel_loop3A_571 = tpu.vector_load %arg8[%parallel_loop3A_569, %parallel_loop3A_570] {strides = array<i32>} : memref<32x768xf32, #tpu.memory_space<vmem>>, vector<1x16xf32>,
        %parallel_loop3A_572 = vector.shape_cast %parallel_loop3A_571 : vector<1x16xf32> to vector<16xf32>
        %parallel_loop3A_573 = arith.addf %parallel_loop3A_572, %get3A_106 : vector<16xf32>
        %parallel_loop3A_574 = arith.index_cast %parallel_loop3A_388 : i32 to index
        %parallel_loop3A_575 = arith.constant 288 : index
        %parallel_loop3A_576 = tpu.vector_load %arg10[%parallel_loop3A_574, %parallel_loop3A_575] {strides = array<i32>} : memref<32x768xf32, #tpu.memory_space<vmem>>, vector<1x16xf32>,
        %parallel_loop3A_577 = vector.shape_cast %parallel_loop3A_576 : vector<1x16xf32> to vector<16xf32>
        %parallel_loop3A_578 = vector.shape_cast %parallel_loop3A_573 : vector<16xf32> to vector<1x16xf32>
        tpu.vector_store %arg10[%parallel_loop3A_574, %parallel_loop3A_575], %parallel_loop3A_578 {strides = array<i32>} : memref<32x768xf32, #tpu.memory_space<vmem>>, vector<1x16xf32>,
        %parallel_loop3A_579 = arith.index_cast %parallel_loop3A_388 : i32 to index
        %parallel_loop3A_580 = arith.constant 304 : index
        %parallel_loop3A_581 = tpu.vector_load %arg8[%parallel_loop3A_579, %parallel_loop3A_580] {strides = array<i32>} : memref<32x768xf32, #tpu.memory_space<vmem>>, vector<1x16xf32>,
        %parallel_loop3A_582 = vector.shape_cast %parallel_loop3A_581 : vector<1x16xf32> to vector<16xf32>
        %parallel_loop3A_583 = arith.addf %parallel_loop3A_582, %get3A_110 : vector<16xf32>
        %parallel_loop3A_584 = arith.index_cast %parallel_loop3A_388 : i32 to index
        %parallel_loop3A_585 = arith.constant 304 : index
        %parallel_loop3A_586 = tpu.vector_load %arg10[%parallel_loop3A_584, %parallel_loop3A_585] {strides = array<i32>} : memref<32x768xf32, #tpu.memory_space<vmem>>, vector<1x16xf32>,
        %parallel_loop3A_587 = vector.shape_cast %parallel_loop3A_586 : vector<1x16xf32> to vector<16xf32>
        %parallel_loop3A_588 = vector.shape_cast %parallel_loop3A_583 : vector<16xf32> to vector<1x16xf32>
        tpu.vector_store %arg10[%parallel_loop3A_584, %parallel_loop3A_585], %parallel_loop3A_588 {strides = array<i32>} : memref<32x768xf32, #tpu.memory_space<vmem>>, vector<1x16xf32>,
        %parallel_loop3A_589 = arith.index_cast %parallel_loop3A_388 : i32 to index
        %parallel_loop3A_590 = arith.constant 320 : index
        %parallel_loop3A_591 = tpu.vector_load %arg8[%parallel_loop3A_589, %parallel_loop3A_590] {strides = array<i32>} : memref<32x768xf32, #tpu.memory_space<vmem>>, vector<1x16xf32>,
        %parallel_loop3A_592 = vector.shape_cast %parallel_loop3A_591 : vector<1x16xf32> to vector<16xf32>
        %parallel_loop3A_593 = arith.addf %parallel_loop3A_592, %get3A_114 : vector<16xf32>
        %parallel_loop3A_594 = arith.index_cast %parallel_loop3A_388 : i32 to index
        %parallel_loop3A_595 = arith.constant 320 : index
        %parallel_loop3A_596 = tpu.vector_load %arg10[%parallel_loop3A_594, %parallel_loop3A_595] {strides = array<i32>} : memref<32x768xf32, #tpu.memory_space<vmem>>, vector<1x16xf32>,
        %parallel_loop3A_597 = vector.shape_cast %parallel_loop3A_596 : vector<1x16xf32> to vector<16xf32>
        %parallel_loop3A_598 = vector.shape_cast %parallel_loop3A_593 : vector<16xf32> to vector<1x16xf32>
        tpu.vector_store %arg10[%parallel_loop3A_594, %parallel_loop3A_595], %parallel_loop3A_598 {strides = array<i32>} : memref<32x768xf32, #tpu.memory_space<vmem>>, vector<1x16xf32>,
        %parallel_loop3A_599 = arith.index_cast %parallel_loop3A_388 : i32 to index
        %parallel_loop3A_600 = arith.constant 336 : index
        %parallel_loop3A_601 = tpu.vector_load %arg8[%parallel_loop3A_599, %parallel_loop3A_600] {strides = array<i32>} : memref<32x768xf32, #tpu.memory_space<vmem>>, vector<1x16xf32>,
        %parallel_loop3A_602 = vector.shape_cast %parallel_loop3A_601 : vector<1x16xf32> to vector<16xf32>
        %parallel_loop3A_603 = arith.addf %parallel_loop3A_602, %get3A_118 : vector<16xf32>
        %parallel_loop3A_604 = arith.index_cast %parallel_loop3A_388 : i32 to index
        %parallel_loop3A_605 = arith.constant 336 : index
        %parallel_loop3A_606 = tpu.vector_load %arg10[%parallel_loop3A_604, %parallel_loop3A_605] {strides = array<i32>} : memref<32x768xf32, #tpu.memory_space<vmem>>, vector<1x16xf32>,
        %parallel_loop3A_607 = vector.shape_cast %parallel_loop3A_606 : vector<1x16xf32> to vector<16xf32>
        %parallel_loop3A_608 = vector.shape_cast %parallel_loop3A_603 : vector<16xf32> to vector<1x16xf32>
        tpu.vector_store %arg10[%parallel_loop3A_604, %parallel_loop3A_605], %parallel_loop3A_608 {strides = array<i32>} : memref<32x768xf32, #tpu.memory_space<vmem>>, vector<1x16xf32>,
        %parallel_loop3A_609 = arith.index_cast %parallel_loop3A_388 : i32 to index
        %parallel_loop3A_610 = arith.constant 352 : index
        %parallel_loop3A_611 = tpu.vector_load %arg8[%parallel_loop3A_609, %parallel_loop3A_610] {strides = array<i32>} : memref<32x768xf32, #tpu.memory_space<vmem>>, vector<1x16xf32>,
        %parallel_loop3A_612 = vector.shape_cast %parallel_loop3A_611 : vector<1x16xf32> to vector<16xf32>
        %parallel_loop3A_613 = arith.addf %parallel_loop3A_612, %get3A_122 : vector<16xf32>
        %parallel_loop3A_614 = arith.index_cast %parallel_loop3A_388 : i32 to index
        %parallel_loop3A_615 = arith.constant 352 : index
        %parallel_loop3A_616 = tpu.vector_load %arg10[%parallel_loop3A_614, %parallel_loop3A_615] {strides = array<i32>} : memref<32x768xf32, #tpu.memory_space<vmem>>, vector<1x16xf32>,
        %parallel_loop3A_617 = vector.shape_cast %parallel_loop3A_616 : vector<1x16xf32> to vector<16xf32>
        %parallel_loop3A_618 = vector.shape_cast %parallel_loop3A_613 : vector<16xf32> to vector<1x16xf32>
        tpu.vector_store %arg10[%parallel_loop3A_614, %parallel_loop3A_615], %parallel_loop3A_618 {strides = array<i32>} : memref<32x768xf32, #tpu.memory_space<vmem>>, vector<1x16xf32>,
        %parallel_loop3A_619 = arith.index_cast %parallel_loop3A_388 : i32 to index
        %parallel_loop3A_620 = arith.constant 368 : index
        %parallel_loop3A_621 = tpu.vector_load %arg8[%parallel_loop3A_619, %parallel_loop3A_620] {strides = array<i32>} : memref<32x768xf32, #tpu.memory_space<vmem>>, vector<1x16xf32>,
        %parallel_loop3A_622 = vector.shape_cast %parallel_loop3A_621 : vector<1x16xf32> to vector<16xf32>
        %parallel_loop3A_623 = arith.addf %parallel_loop3A_622, %get3A_126 : vector<16xf32>
        %parallel_loop3A_624 = arith.index_cast %parallel_loop3A_388 : i32 to index
        %parallel_loop3A_625 = arith.constant 368 : index
        %parallel_loop3A_626 = tpu.vector_load %arg10[%parallel_loop3A_624, %parallel_loop3A_625] {strides = array<i32>} : memref<32x768xf32, #tpu.memory_space<vmem>>, vector<1x16xf32>,
        %parallel_loop3A_627 = vector.shape_cast %parallel_loop3A_626 : vector<1x16xf32> to vector<16xf32>
        %parallel_loop3A_628 = vector.shape_cast %parallel_loop3A_623 : vector<16xf32> to vector<1x16xf32>
        tpu.vector_store %arg10[%parallel_loop3A_624, %parallel_loop3A_625], %parallel_loop3A_628 {strides = array<i32>} : memref<32x768xf32, #tpu.memory_space<vmem>>, vector<1x16xf32>,
        %parallel_loop3A_629 = arith.index_cast %parallel_loop3A_388 : i32 to index
        %parallel_loop3A_630 = arith.constant 384 : index
        %parallel_loop3A_631 = tpu.vector_load %arg8[%parallel_loop3A_629, %parallel_loop3A_630] {strides = array<i32>} : memref<32x768xf32, #tpu.memory_space<vmem>>, vector<1x16xf32>,
        %parallel_loop3A_632 = vector.shape_cast %parallel_loop3A_631 : vector<1x16xf32> to vector<16xf32>
        %parallel_loop3A_633 = arith.addf %parallel_loop3A_632, %get3A_130 : vector<16xf32>
        %parallel_loop3A_634 = arith.index_cast %parallel_loop3A_388 : i32 to index
        %parallel_loop3A_635 = arith.constant 384 : index
        %parallel_loop3A_636 = tpu.vector_load %arg10[%parallel_loop3A_634, %parallel_loop3A_635] {strides = array<i32>} : memref<32x768xf32, #tpu.memory_space<vmem>>, vector<1x16xf32>,
        %parallel_loop3A_637 = vector.shape_cast %parallel_loop3A_636 : vector<1x16xf32> to vector<16xf32>
        %parallel_loop3A_638 = vector.shape_cast %parallel_loop3A_633 : vector<16xf32> to vector<1x16xf32>
        tpu.vector_store %arg10[%parallel_loop3A_634, %parallel_loop3A_635], %parallel_loop3A_638 {strides = array<i32>} : memref<32x768xf32, #tpu.memory_space<vmem>>, vector<1x16xf32>,
        %parallel_loop3A_639 = arith.index_cast %parallel_loop3A_388 : i32 to index
        %parallel_loop3A_640 = arith.constant 400 : index
        %parallel_loop3A_641 = tpu.vector_load %arg8[%parallel_loop3A_639, %parallel_loop3A_640] {strides = array<i32>} : memref<32x768xf32, #tpu.memory_space<vmem>>, vector<1x16xf32>,
        %parallel_loop3A_642 = vector.shape_cast %parallel_loop3A_641 : vector<1x16xf32> to vector<16xf32>
        %parallel_loop3A_643 = arith.addf %parallel_loop3A_642, %get3A_134 : vector<16xf32>
        %parallel_loop3A_644 = arith.index_cast %parallel_loop3A_388 : i32 to index
        %parallel_loop3A_645 = arith.constant 400 : index
        %parallel_loop3A_646 = tpu.vector_load %arg10[%parallel_loop3A_644, %parallel_loop3A_645] {strides = array<i32>} : memref<32x768xf32, #tpu.memory_space<vmem>>, vector<1x16xf32>,
        %parallel_loop3A_647 = vector.shape_cast %parallel_loop3A_646 : vector<1x16xf32> to vector<16xf32>
        %parallel_loop3A_648 = vector.shape_cast %parallel_loop3A_643 : vector<16xf32> to vector<1x16xf32>
        tpu.vector_store %arg10[%parallel_loop3A_644, %parallel_loop3A_645], %parallel_loop3A_648 {strides = array<i32>} : memref<32x768xf32, #tpu.memory_space<vmem>>, vector<1x16xf32>,
        %parallel_loop3A_649 = arith.index_cast %parallel_loop3A_388 : i32 to index
        %parallel_loop3A_650 = arith.constant 416 : index
        %parallel_loop3A_651 = tpu.vector_load %arg8[%parallel_loop3A_649, %parallel_loop3A_650] {strides = array<i32>} : memref<32x768xf32, #tpu.memory_space<vmem>>, vector<1x16xf32>,
        %parallel_loop3A_652 = vector.shape_cast %parallel_loop3A_651 : vector<1x16xf32> to vector<16xf32>
        %parallel_loop3A_653 = arith.addf %parallel_loop3A_652, %get3A_138 : vector<16xf32>
        %parallel_loop3A_654 = arith.index_cast %parallel_loop3A_388 : i32 to index
        %parallel_loop3A_655 = arith.constant 416 : index
        %parallel_loop3A_656 = tpu.vector_load %arg10[%parallel_loop3A_654, %parallel_loop3A_655] {strides = array<i32>} : memref<32x768xf32, #tpu.memory_space<vmem>>, vector<1x16xf32>,
        %parallel_loop3A_657 = vector.shape_cast %parallel_loop3A_656 : vector<1x16xf32> to vector<16xf32>
        %parallel_loop3A_658 = vector.shape_cast %parallel_loop3A_653 : vector<16xf32> to vector<1x16xf32>
        tpu.vector_store %arg10[%parallel_loop3A_654, %parallel_loop3A_655], %parallel_loop3A_658 {strides = array<i32>} : memref<32x768xf32, #tpu.memory_space<vmem>>, vector<1x16xf32>,
        %parallel_loop3A_659 = arith.index_cast %parallel_loop3A_388 : i32 to index
        %parallel_loop3A_660 = arith.constant 432 : index
        %parallel_loop3A_661 = tpu.vector_load %arg8[%parallel_loop3A_659, %parallel_loop3A_660] {strides = array<i32>} : memref<32x768xf32, #tpu.memory_space<vmem>>, vector<1x16xf32>,
        %parallel_loop3A_662 = vector.shape_cast %parallel_loop3A_661 : vector<1x16xf32> to vector<16xf32>
        %parallel_loop3A_663 = arith.addf %parallel_loop3A_662, %get3A_142 : vector<16xf32>
        %parallel_loop3A_664 = arith.index_cast %parallel_loop3A_388 : i32 to index
        %parallel_loop3A_665 = arith.constant 432 : index
        %parallel_loop3A_666 = tpu.vector_load %arg10[%parallel_loop3A_664, %parallel_loop3A_665] {strides = array<i32>} : memref<32x768xf32, #tpu.memory_space<vmem>>, vector<1x16xf32>,
        %parallel_loop3A_667 = vector.shape_cast %parallel_loop3A_666 : vector<1x16xf32> to vector<16xf32>
        %parallel_loop3A_668 = vector.shape_cast %parallel_loop3A_663 : vector<16xf32> to vector<1x16xf32>
        tpu.vector_store %arg10[%parallel_loop3A_664, %parallel_loop3A_665], %parallel_loop3A_668 {strides = array<i32>} : memref<32x768xf32, #tpu.memory_space<vmem>>, vector<1x16xf32>,
        %parallel_loop3A_669 = arith.index_cast %parallel_loop3A_388 : i32 to index
        %parallel_loop3A_670 = arith.constant 448 : index
        %parallel_loop3A_671 = tpu.vector_load %arg8[%parallel_loop3A_669, %parallel_loop3A_670] {strides = array<i32>} : memref<32x768xf32, #tpu.memory_space<vmem>>, vector<1x16xf32>,
        %parallel_loop3A_672 = vector.shape_cast %parallel_loop3A_671 : vector<1x16xf32> to vector<16xf32>
        %parallel_loop3A_673 = arith.addf %parallel_loop3A_672, %get3A_146 : vector<16xf32>
        %parallel_loop3A_674 = arith.index_cast %parallel_loop3A_388 : i32 to index
        %parallel_loop3A_675 = arith.constant 448 : index
        %parallel_loop3A_676 = tpu.vector_load %arg10[%parallel_loop3A_674, %parallel_loop3A_675] {strides = array<i32>} : memref<32x768xf32, #tpu.memory_space<vmem>>, vector<1x16xf32>,
        %parallel_loop3A_677 = vector.shape_cast %parallel_loop3A_676 : vector<1x16xf32> to vector<16xf32>
        %parallel_loop3A_678 = vector.shape_cast %parallel_loop3A_673 : vector<16xf32> to vector<1x16xf32>
        tpu.vector_store %arg10[%parallel_loop3A_674, %parallel_loop3A_675], %parallel_loop3A_678 {strides = array<i32>} : memref<32x768xf32, #tpu.memory_space<vmem>>, vector<1x16xf32>,
        %parallel_loop3A_679 = arith.index_cast %parallel_loop3A_388 : i32 to index
        %parallel_loop3A_680 = arith.constant 464 : index
        %parallel_loop3A_681 = tpu.vector_load %arg8[%parallel_loop3A_679, %parallel_loop3A_680] {strides = array<i32>} : memref<32x768xf32, #tpu.memory_space<vmem>>, vector<1x16xf32>,
        %parallel_loop3A_682 = vector.shape_cast %parallel_loop3A_681 : vector<1x16xf32> to vector<16xf32>
        %parallel_loop3A_683 = arith.addf %parallel_loop3A_682, %get3A_150 : vector<16xf32>
        %parallel_loop3A_684 = arith.index_cast %parallel_loop3A_388 : i32 to index
        %parallel_loop3A_685 = arith.constant 464 : index
        %parallel_loop3A_686 = tpu.vector_load %arg10[%parallel_loop3A_684, %parallel_loop3A_685] {strides = array<i32>} : memref<32x768xf32, #tpu.memory_space<vmem>>, vector<1x16xf32>,
        %parallel_loop3A_687 = vector.shape_cast %parallel_loop3A_686 : vector<1x16xf32> to vector<16xf32>
        %parallel_loop3A_688 = vector.shape_cast %parallel_loop3A_683 : vector<16xf32> to vector<1x16xf32>
        tpu.vector_store %arg10[%parallel_loop3A_684, %parallel_loop3A_685], %parallel_loop3A_688 {strides = array<i32>} : memref<32x768xf32, #tpu.memory_space<vmem>>, vector<1x16xf32>,
        %parallel_loop3A_689 = arith.index_cast %parallel_loop3A_388 : i32 to index
        %parallel_loop3A_690 = arith.constant 480 : index
        %parallel_loop3A_691 = tpu.vector_load %arg8[%parallel_loop3A_689, %parallel_loop3A_690] {strides = array<i32>} : memref<32x768xf32, #tpu.memory_space<vmem>>, vector<1x16xf32>,
        %parallel_loop3A_692 = vector.shape_cast %parallel_loop3A_691 : vector<1x16xf32> to vector<16xf32>
        %parallel_loop3A_693 = arith.addf %parallel_loop3A_692, %get3A_154 : vector<16xf32>
        %parallel_loop3A_694 = arith.index_cast %parallel_loop3A_388 : i32 to index
        %parallel_loop3A_695 = arith.constant 480 : index
        %parallel_loop3A_696 = tpu.vector_load %arg10[%parallel_loop3A_694, %parallel_loop3A_695] {strides = array<i32>} : memref<32x768xf32, #tpu.memory_space<vmem>>, vector<1x16xf32>,
        %parallel_loop3A_697 = vector.shape_cast %parallel_loop3A_696 : vector<1x16xf32> to vector<16xf32>
        %parallel_loop3A_698 = vector.shape_cast %parallel_loop3A_693 : vector<16xf32> to vector<1x16xf32>
        tpu.vector_store %arg10[%parallel_loop3A_694, %parallel_loop3A_695], %parallel_loop3A_698 {strides = array<i32>} : memref<32x768xf32, #tpu.memory_space<vmem>>, vector<1x16xf32>,
        %parallel_loop3A_699 = arith.index_cast %parallel_loop3A_388 : i32 to index
        %parallel_loop3A_700 = arith.constant 496 : index
        %parallel_loop3A_701 = tpu.vector_load %arg8[%parallel_loop3A_699, %parallel_loop3A_700] {strides = array<i32>} : memref<32x768xf32, #tpu.memory_space<vmem>>, vector<1x16xf32>,
        %parallel_loop3A_702 = vector.shape_cast %parallel_loop3A_701 : vector<1x16xf32> to vector<16xf32>
        %parallel_loop3A_703 = arith.addf %parallel_loop3A_702, %get3A_158 : vector<16xf32>
        %parallel_loop3A_704 = arith.index_cast %parallel_loop3A_388 : i32 to index
        %parallel_loop3A_705 = arith.constant 496 : index
        %parallel_loop3A_706 = tpu.vector_load %arg10[%parallel_loop3A_704, %parallel_loop3A_705] {strides = array<i32>} : memref<32x768xf32, #tpu.memory_space<vmem>>, vector<1x16xf32>,
        %parallel_loop3A_707 = vector.shape_cast %parallel_loop3A_706 : vector<1x16xf32> to vector<16xf32>
        %parallel_loop3A_708 = vector.shape_cast %parallel_loop3A_703 : vector<16xf32> to vector<1x16xf32>
        tpu.vector_store %arg10[%parallel_loop3A_704, %parallel_loop3A_705], %parallel_loop3A_708 {strides = array<i32>} : memref<32x768xf32, #tpu.memory_space<vmem>>, vector<1x16xf32>,
        %parallel_loop3A_709 = arith.index_cast %parallel_loop3A_388 : i32 to index
        %parallel_loop3A_710 = arith.constant 512 : index
        %parallel_loop3A_711 = tpu.vector_load %arg8[%parallel_loop3A_709, %parallel_loop3A_710] {strides = array<i32>} : memref<32x768xf32, #tpu.memory_space<vmem>>, vector<1x16xf32>,
        %parallel_loop3A_712 = vector.shape_cast %parallel_loop3A_711 : vector<1x16xf32> to vector<16xf32>
        %parallel_loop3A_713 = arith.addf %parallel_loop3A_712, %get3A_162 : vector<16xf32>
        %parallel_loop3A_714 = arith.index_cast %parallel_loop3A_388 : i32 to index
        %parallel_loop3A_715 = arith.constant 512 : index
        %parallel_loop3A_716 = tpu.vector_load %arg10[%parallel_loop3A_714, %parallel_loop3A_715] {strides = array<i32>} : memref<32x768xf32, #tpu.memory_space<vmem>>, vector<1x16xf32>,
        %parallel_loop3A_717 = vector.shape_cast %parallel_loop3A_716 : vector<1x16xf32> to vector<16xf32>
        %parallel_loop3A_718 = vector.shape_cast %parallel_loop3A_713 : vector<16xf32> to vector<1x16xf32>
        tpu.vector_store %arg10[%parallel_loop3A_714, %parallel_loop3A_715], %parallel_loop3A_718 {strides = array<i32>} : memref<32x768xf32, #tpu.memory_space<vmem>>, vector<1x16xf32>,
        %parallel_loop3A_719 = arith.index_cast %parallel_loop3A_388 : i32 to index
        %parallel_loop3A_720 = arith.constant 528 : index
        %parallel_loop3A_721 = tpu.vector_load %arg8[%parallel_loop3A_719, %parallel_loop3A_720] {strides = array<i32>} : memref<32x768xf32, #tpu.memory_space<vmem>>, vector<1x16xf32>,
        %parallel_loop3A_722 = vector.shape_cast %parallel_loop3A_721 : vector<1x16xf32> to vector<16xf32>
        %parallel_loop3A_723 = arith.addf %parallel_loop3A_722, %get3A_166 : vector<16xf32>
        %parallel_loop3A_724 = arith.index_cast %parallel_loop3A_388 : i32 to index
        %parallel_loop3A_725 = arith.constant 528 : index
        %parallel_loop3A_726 = tpu.vector_load %arg10[%parallel_loop3A_724, %parallel_loop3A_725] {strides = array<i32>} : memref<32x768xf32, #tpu.memory_space<vmem>>, vector<1x16xf32>,
        %parallel_loop3A_727 = vector.shape_cast %parallel_loop3A_726 : vector<1x16xf32> to vector<16xf32>
        %parallel_loop3A_728 = vector.shape_cast %parallel_loop3A_723 : vector<16xf32> to vector<1x16xf32>
        tpu.vector_store %arg10[%parallel_loop3A_724, %parallel_loop3A_725], %parallel_loop3A_728 {strides = array<i32>} : memref<32x768xf32, #tpu.memory_space<vmem>>, vector<1x16xf32>,
        %parallel_loop3A_729 = arith.index_cast %parallel_loop3A_388 : i32 to index
        %parallel_loop3A_730 = arith.constant 544 : index
        %parallel_loop3A_731 = tpu.vector_load %arg8[%parallel_loop3A_729, %parallel_loop3A_730] {strides = array<i32>} : memref<32x768xf32, #tpu.memory_space<vmem>>, vector<1x16xf32>,
        %parallel_loop3A_732 = vector.shape_cast %parallel_loop3A_731 : vector<1x16xf32> to vector<16xf32>
        %parallel_loop3A_733 = arith.addf %parallel_loop3A_732, %get3A_170 : vector<16xf32>
        %parallel_loop3A_734 = arith.index_cast %parallel_loop3A_388 : i32 to index
        %parallel_loop3A_735 = arith.constant 544 : index
        %parallel_loop3A_736 = tpu.vector_load %arg10[%parallel_loop3A_734, %parallel_loop3A_735] {strides = array<i32>} : memref<32x768xf32, #tpu.memory_space<vmem>>, vector<1x16xf32>,
        %parallel_loop3A_737 = vector.shape_cast %parallel_loop3A_736 : vector<1x16xf32> to vector<16xf32>
        %parallel_loop3A_738 = vector.shape_cast %parallel_loop3A_733 : vector<16xf32> to vector<1x16xf32>
        tpu.vector_store %arg10[%parallel_loop3A_734, %parallel_loop3A_735], %parallel_loop3A_738 {strides = array<i32>} : memref<32x768xf32, #tpu.memory_space<vmem>>, vector<1x16xf32>,
        %parallel_loop3A_739 = arith.index_cast %parallel_loop3A_388 : i32 to index
        %parallel_loop3A_740 = arith.constant 560 : index
        %parallel_loop3A_741 = tpu.vector_load %arg8[%parallel_loop3A_739, %parallel_loop3A_740] {strides = array<i32>} : memref<32x768xf32, #tpu.memory_space<vmem>>, vector<1x16xf32>,
        %parallel_loop3A_742 = vector.shape_cast %parallel_loop3A_741 : vector<1x16xf32> to vector<16xf32>
        %parallel_loop3A_743 = arith.addf %parallel_loop3A_742, %get3A_174 : vector<16xf32>
        %parallel_loop3A_744 = arith.index_cast %parallel_loop3A_388 : i32 to index
        %parallel_loop3A_745 = arith.constant 560 : index
        %parallel_loop3A_746 = tpu.vector_load %arg10[%parallel_loop3A_744, %parallel_loop3A_745] {strides = array<i32>} : memref<32x768xf32, #tpu.memory_space<vmem>>, vector<1x16xf32>,
        %parallel_loop3A_747 = vector.shape_cast %parallel_loop3A_746 : vector<1x16xf32> to vector<16xf32>
        %parallel_loop3A_748 = vector.shape_cast %parallel_loop3A_743 : vector<16xf32> to vector<1x16xf32>
        tpu.vector_store %arg10[%parallel_loop3A_744, %parallel_loop3A_745], %parallel_loop3A_748 {strides = array<i32>} : memref<32x768xf32, #tpu.memory_space<vmem>>, vector<1x16xf32>,
        %parallel_loop3A_749 = arith.index_cast %parallel_loop3A_388 : i32 to index
        %parallel_loop3A_750 = arith.constant 576 : index
        %parallel_loop3A_751 = tpu.vector_load %arg8[%parallel_loop3A_749, %parallel_loop3A_750] {strides = array<i32>} : memref<32x768xf32, #tpu.memory_space<vmem>>, vector<1x16xf32>,
        %parallel_loop3A_752 = vector.shape_cast %parallel_loop3A_751 : vector<1x16xf32> to vector<16xf32>
        %parallel_loop3A_753 = arith.addf %parallel_loop3A_752, %get3A_178 : vector<16xf32>
        %parallel_loop3A_754 = arith.index_cast %parallel_loop3A_388 : i32 to index
        %parallel_loop3A_755 = arith.constant 576 : index
        %parallel_loop3A_756 = tpu.vector_load %arg10[%parallel_loop3A_754, %parallel_loop3A_755] {strides = array<i32>} : memref<32x768xf32, #tpu.memory_space<vmem>>, vector<1x16xf32>,
        %parallel_loop3A_757 = vector.shape_cast %parallel_loop3A_756 : vector<1x16xf32> to vector<16xf32>
        %parallel_loop3A_758 = vector.shape_cast %parallel_loop3A_753 : vector<16xf32> to vector<1x16xf32>
        tpu.vector_store %arg10[%parallel_loop3A_754, %parallel_loop3A_755], %parallel_loop3A_758 {strides = array<i32>} : memref<32x768xf32, #tpu.memory_space<vmem>>, vector<1x16xf32>,
        %parallel_loop3A_759 = arith.index_cast %parallel_loop3A_388 : i32 to index
        %parallel_loop3A_760 = arith.constant 592 : index
        %parallel_loop3A_761 = tpu.vector_load %arg8[%parallel_loop3A_759, %parallel_loop3A_760] {strides = array<i32>} : memref<32x768xf32, #tpu.memory_space<vmem>>, vector<1x16xf32>,
        %parallel_loop3A_762 = vector.shape_cast %parallel_loop3A_761 : vector<1x16xf32> to vector<16xf32>
        %parallel_loop3A_763 = arith.addf %parallel_loop3A_762, %get3A_182 : vector<16xf32>
        %parallel_loop3A_764 = arith.index_cast %parallel_loop3A_388 : i32 to index
        %parallel_loop3A_765 = arith.constant 592 : index
        %parallel_loop3A_766 = tpu.vector_load %arg10[%parallel_loop3A_764, %parallel_loop3A_765] {strides = array<i32>} : memref<32x768xf32, #tpu.memory_space<vmem>>, vector<1x16xf32>,
        %parallel_loop3A_767 = vector.shape_cast %parallel_loop3A_766 : vector<1x16xf32> to vector<16xf32>
        %parallel_loop3A_768 = vector.shape_cast %parallel_loop3A_763 : vector<16xf32> to vector<1x16xf32>
        tpu.vector_store %arg10[%parallel_loop3A_764, %parallel_loop3A_765], %parallel_loop3A_768 {strides = array<i32>} : memref<32x768xf32, #tpu.memory_space<vmem>>, vector<1x16xf32>,
        %parallel_loop3A_769 = arith.index_cast %parallel_loop3A_388 : i32 to index
        %parallel_loop3A_770 = arith.constant 608 : index
        %parallel_loop3A_771 = tpu.vector_load %arg8[%parallel_loop3A_769, %parallel_loop3A_770] {strides = array<i32>} : memref<32x768xf32, #tpu.memory_space<vmem>>, vector<1x16xf32>,
        %parallel_loop3A_772 = vector.shape_cast %parallel_loop3A_771 : vector<1x16xf32> to vector<16xf32>
        %parallel_loop3A_773 = arith.addf %parallel_loop3A_772, %get3A_186 : vector<16xf32>
        %parallel_loop3A_774 = arith.index_cast %parallel_loop3A_388 : i32 to index
        %parallel_loop3A_775 = arith.constant 608 : index
        %parallel_loop3A_776 = tpu.vector_load %arg10[%parallel_loop3A_774, %parallel_loop3A_775] {strides = array<i32>} : memref<32x768xf32, #tpu.memory_space<vmem>>, vector<1x16xf32>,
        %parallel_loop3A_777 = vector.shape_cast %parallel_loop3A_776 : vector<1x16xf32> to vector<16xf32>
        %parallel_loop3A_778 = vector.shape_cast %parallel_loop3A_773 : vector<16xf32> to vector<1x16xf32>
        tpu.vector_store %arg10[%parallel_loop3A_774, %parallel_loop3A_775], %parallel_loop3A_778 {strides = array<i32>} : memref<32x768xf32, #tpu.memory_space<vmem>>, vector<1x16xf32>,
        %parallel_loop3A_779 = arith.index_cast %parallel_loop3A_388 : i32 to index
        %parallel_loop3A_780 = arith.constant 624 : index
        %parallel_loop3A_781 = tpu.vector_load %arg8[%parallel_loop3A_779, %parallel_loop3A_780] {strides = array<i32>} : memref<32x768xf32, #tpu.memory_space<vmem>>, vector<1x16xf32>,
        %parallel_loop3A_782 = vector.shape_cast %parallel_loop3A_781 : vector<1x16xf32> to vector<16xf32>
        %parallel_loop3A_783 = arith.addf %parallel_loop3A_782, %get3A_190 : vector<16xf32>
        %parallel_loop3A_784 = arith.index_cast %parallel_loop3A_388 : i32 to index
        %parallel_loop3A_785 = arith.constant 624 : index
        %parallel_loop3A_786 = tpu.vector_load %arg10[%parallel_loop3A_784, %parallel_loop3A_785] {strides = array<i32>} : memref<32x768xf32, #tpu.memory_space<vmem>>, vector<1x16xf32>,
        %parallel_loop3A_787 = vector.shape_cast %parallel_loop3A_786 : vector<1x16xf32> to vector<16xf32>
        %parallel_loop3A_788 = vector.shape_cast %parallel_loop3A_783 : vector<16xf32> to vector<1x16xf32>
        tpu.vector_store %arg10[%parallel_loop3A_784, %parallel_loop3A_785], %parallel_loop3A_788 {strides = array<i32>} : memref<32x768xf32, #tpu.memory_space<vmem>>, vector<1x16xf32>,
        %parallel_loop3A_789 = arith.index_cast %parallel_loop3A_388 : i32 to index
        %parallel_loop3A_790 = arith.constant 640 : index
        %parallel_loop3A_791 = tpu.vector_load %arg8[%parallel_loop3A_789, %parallel_loop3A_790] {strides = array<i32>} : memref<32x768xf32, #tpu.memory_space<vmem>>, vector<1x16xf32>,
        %parallel_loop3A_792 = vector.shape_cast %parallel_loop3A_791 : vector<1x16xf32> to vector<16xf32>
        %parallel_loop3A_793 = arith.addf %parallel_loop3A_792, %get3A_194 : vector<16xf32>
        %parallel_loop3A_794 = arith.index_cast %parallel_loop3A_388 : i32 to index
        %parallel_loop3A_795 = arith.constant 640 : index
        %parallel_loop3A_796 = tpu.vector_load %arg10[%parallel_loop3A_794, %parallel_loop3A_795] {strides = array<i32>} : memref<32x768xf32, #tpu.memory_space<vmem>>, vector<1x16xf32>,
        %parallel_loop3A_797 = vector.shape_cast %parallel_loop3A_796 : vector<1x16xf32> to vector<16xf32>
        %parallel_loop3A_798 = vector.shape_cast %parallel_loop3A_793 : vector<16xf32> to vector<1x16xf32>
        tpu.vector_store %arg10[%parallel_loop3A_794, %parallel_loop3A_795], %parallel_loop3A_798 {strides = array<i32>} : memref<32x768xf32, #tpu.memory_space<vmem>>, vector<1x16xf32>,
        %parallel_loop3A_799 = arith.index_cast %parallel_loop3A_388 : i32 to index
        %parallel_loop3A_800 = arith.constant 656 : index
        %parallel_loop3A_801 = tpu.vector_load %arg8[%parallel_loop3A_799, %parallel_loop3A_800] {strides = array<i32>} : memref<32x768xf32, #tpu.memory_space<vmem>>, vector<1x16xf32>,
        %parallel_loop3A_802 = vector.shape_cast %parallel_loop3A_801 : vector<1x16xf32> to vector<16xf32>
        %parallel_loop3A_803 = arith.addf %parallel_loop3A_802, %get3A_198 : vector<16xf32>
        %parallel_loop3A_804 = arith.index_cast %parallel_loop3A_388 : i32 to index
        %parallel_loop3A_805 = arith.constant 656 : index
        %parallel_loop3A_806 = tpu.vector_load %arg10[%parallel_loop3A_804, %parallel_loop3A_805] {strides = array<i32>} : memref<32x768xf32, #tpu.memory_space<vmem>>, vector<1x16xf32>,
        %parallel_loop3A_807 = vector.shape_cast %parallel_loop3A_806 : vector<1x16xf32> to vector<16xf32>
        %parallel_loop3A_808 = vector.shape_cast %parallel_loop3A_803 : vector<16xf32> to vector<1x16xf32>
        tpu.vector_store %arg10[%parallel_loop3A_804, %parallel_loop3A_805], %parallel_loop3A_808 {strides = array<i32>} : memref<32x768xf32, #tpu.memory_space<vmem>>, vector<1x16xf32>,
        %parallel_loop3A_809 = arith.index_cast %parallel_loop3A_388 : i32 to index
        %parallel_loop3A_810 = arith.constant 672 : index
        %parallel_loop3A_811 = tpu.vector_load %arg8[%parallel_loop3A_809, %parallel_loop3A_810] {strides = array<i32>} : memref<32x768xf32, #tpu.memory_space<vmem>>, vector<1x16xf32>,
        %parallel_loop3A_812 = vector.shape_cast %parallel_loop3A_811 : vector<1x16xf32> to vector<16xf32>
        %parallel_loop3A_813 = arith.addf %parallel_loop3A_812, %get3A_202 : vector<16xf32>
        %parallel_loop3A_814 = arith.index_cast %parallel_loop3A_388 : i32 to index
        %parallel_loop3A_815 = arith.constant 672 : index
        %parallel_loop3A_816 = tpu.vector_load %arg10[%parallel_loop3A_814, %parallel_loop3A_815] {strides = array<i32>} : memref<32x768xf32, #tpu.memory_space<vmem>>, vector<1x16xf32>,
        %parallel_loop3A_817 = vector.shape_cast %parallel_loop3A_816 : vector<1x16xf32> to vector<16xf32>
        %parallel_loop3A_818 = vector.shape_cast %parallel_loop3A_813 : vector<16xf32> to vector<1x16xf32>
        tpu.vector_store %arg10[%parallel_loop3A_814, %parallel_loop3A_815], %parallel_loop3A_818 {strides = array<i32>} : memref<32x768xf32, #tpu.memory_space<vmem>>, vector<1x16xf32>,
        %parallel_loop3A_819 = arith.index_cast %parallel_loop3A_388 : i32 to index
        %parallel_loop3A_820 = arith.constant 688 : index
        %parallel_loop3A_821 = tpu.vector_load %arg8[%parallel_loop3A_819, %parallel_loop3A_820] {strides = array<i32>} : memref<32x768xf32, #tpu.memory_space<vmem>>, vector<1x16xf32>,
        %parallel_loop3A_822 = vector.shape_cast %parallel_loop3A_821 : vector<1x16xf32> to vector<16xf32>
        %parallel_loop3A_823 = arith.addf %parallel_loop3A_822, %get3A_206 : vector<16xf32>
        %parallel_loop3A_824 = arith.index_cast %parallel_loop3A_388 : i32 to index
        %parallel_loop3A_825 = arith.constant 688 : index
        %parallel_loop3A_826 = tpu.vector_load %arg10[%parallel_loop3A_824, %parallel_loop3A_825] {strides = array<i32>} : memref<32x768xf32, #tpu.memory_space<vmem>>, vector<1x16xf32>,
        %parallel_loop3A_827 = vector.shape_cast %parallel_loop3A_826 : vector<1x16xf32> to vector<16xf32>
        %parallel_loop3A_828 = vector.shape_cast %parallel_loop3A_823 : vector<16xf32> to vector<1x16xf32>
        tpu.vector_store %arg10[%parallel_loop3A_824, %parallel_loop3A_825], %parallel_loop3A_828 {strides = array<i32>} : memref<32x768xf32, #tpu.memory_space<vmem>>, vector<1x16xf32>,
        %parallel_loop3A_829 = arith.index_cast %parallel_loop3A_388 : i32 to index
        %parallel_loop3A_830 = arith.constant 704 : index
        %parallel_loop3A_831 = tpu.vector_load %arg8[%parallel_loop3A_829, %parallel_loop3A_830] {strides = array<i32>} : memref<32x768xf32, #tpu.memory_space<vmem>>, vector<1x16xf32>,
        %parallel_loop3A_832 = vector.shape_cast %parallel_loop3A_831 : vector<1x16xf32> to vector<16xf32>
        %parallel_loop3A_833 = arith.addf %parallel_loop3A_832, %get3A_210 : vector<16xf32>
        %parallel_loop3A_834 = arith.index_cast %parallel_loop3A_388 : i32 to index
        %parallel_loop3A_835 = arith.constant 704 : index
        %parallel_loop3A_836 = tpu.vector_load %arg10[%parallel_loop3A_834, %parallel_loop3A_835] {strides = array<i32>} : memref<32x768xf32, #tpu.memory_space<vmem>>, vector<1x16xf32>,
        %parallel_loop3A_837 = vector.shape_cast %parallel_loop3A_836 : vector<1x16xf32> to vector<16xf32>
        %parallel_loop3A_838 = vector.shape_cast %parallel_loop3A_833 : vector<16xf32> to vector<1x16xf32>
        tpu.vector_store %arg10[%parallel_loop3A_834, %parallel_loop3A_835], %parallel_loop3A_838 {strides = array<i32>} : memref<32x768xf32, #tpu.memory_space<vmem>>, vector<1x16xf32>,
        %parallel_loop3A_839 = arith.index_cast %parallel_loop3A_388 : i32 to index
        %parallel_loop3A_840 = arith.constant 720 : index
        %parallel_loop3A_841 = tpu.vector_load %arg8[%parallel_loop3A_839, %parallel_loop3A_840] {strides = array<i32>} : memref<32x768xf32, #tpu.memory_space<vmem>>, vector<1x16xf32>,
        %parallel_loop3A_842 = vector.shape_cast %parallel_loop3A_841 : vector<1x16xf32> to vector<16xf32>
        %parallel_loop3A_843 = arith.addf %parallel_loop3A_842, %get3A_214 : vector<16xf32>
        %parallel_loop3A_844 = arith.index_cast %parallel_loop3A_388 : i32 to index
        %parallel_loop3A_845 = arith.constant 720 : index
        %parallel_loop3A_846 = tpu.vector_load %arg10[%parallel_loop3A_844, %parallel_loop3A_845] {strides = array<i32>} : memref<32x768xf32, #tpu.memory_space<vmem>>, vector<1x16xf32>,
        %parallel_loop3A_847 = vector.shape_cast %parallel_loop3A_846 : vector<1x16xf32> to vector<16xf32>
        %parallel_loop3A_848 = vector.shape_cast %parallel_loop3A_843 : vector<16xf32> to vector<1x16xf32>
        tpu.vector_store %arg10[%parallel_loop3A_844, %parallel_loop3A_845], %parallel_loop3A_848 {strides = array<i32>} : memref<32x768xf32, #tpu.memory_space<vmem>>, vector<1x16xf32>,
        %parallel_loop3A_849 = arith.index_cast %parallel_loop3A_388 : i32 to index
        %parallel_loop3A_850 = arith.constant 736 : index
        %parallel_loop3A_851 = tpu.vector_load %arg8[%parallel_loop3A_849, %parallel_loop3A_850] {strides = array<i32>} : memref<32x768xf32, #tpu.memory_space<vmem>>, vector<1x16xf32>,
        %parallel_loop3A_852 = vector.shape_cast %parallel_loop3A_851 : vector<1x16xf32> to vector<16xf32>
        %parallel_loop3A_853 = arith.addf %parallel_loop3A_852, %get3A_218 : vector<16xf32>
        %parallel_loop3A_854 = arith.index_cast %parallel_loop3A_388 : i32 to index
        %parallel_loop3A_855 = arith.constant 736 : index
        %parallel_loop3A_856 = tpu.vector_load %arg10[%parallel_loop3A_854, %parallel_loop3A_855] {strides = array<i32>} : memref<32x768xf32, #tpu.memory_space<vmem>>, vector<1x16xf32>,
        %parallel_loop3A_857 = vector.shape_cast %parallel_loop3A_856 : vector<1x16xf32> to vector<16xf32>
        %parallel_loop3A_858 = vector.shape_cast %parallel_loop3A_853 : vector<16xf32> to vector<1x16xf32>
        tpu.vector_store %arg10[%parallel_loop3A_854, %parallel_loop3A_855], %parallel_loop3A_858 {strides = array<i32>} : memref<32x768xf32, #tpu.memory_space<vmem>>, vector<1x16xf32>,
        %parallel_loop3A_859 = arith.index_cast %parallel_loop3A_388 : i32 to index
        %parallel_loop3A_860 = arith.constant 752 : index
        %parallel_loop3A_861 = tpu.vector_load %arg8[%parallel_loop3A_859, %parallel_loop3A_860] {strides = array<i32>} : memref<32x768xf32, #tpu.memory_space<vmem>>, vector<1x16xf32>,
        %parallel_loop3A_862 = vector.shape_cast %parallel_loop3A_861 : vector<1x16xf32> to vector<16xf32>
        %parallel_loop3A_863 = arith.addf %parallel_loop3A_862, %get3A_222 : vector<16xf32>
        %parallel_loop3A_864 = arith.index_cast %parallel_loop3A_388 : i32 to index
        %parallel_loop3A_865 = arith.constant 752 : index
        %parallel_loop3A_866 = tpu.vector_load %arg10[%parallel_loop3A_864, %parallel_loop3A_865] {strides = array<i32>} : memref<32x768xf32, #tpu.memory_space<vmem>>, vector<1x16xf32>,
        %parallel_loop3A_867 = vector.shape_cast %parallel_loop3A_866 : vector<1x16xf32> to vector<16xf32>
        %parallel_loop3A_868 = vector.shape_cast %parallel_loop3A_863 : vector<16xf32> to vector<1x16xf32>
        tpu.vector_store %arg10[%parallel_loop3A_864, %parallel_loop3A_865], %parallel_loop3A_868 {strides = array<i32>} : memref<32x768xf32, #tpu.memory_space<vmem>>, vector<1x16xf32>,
      } {sc.loop_unroll_factor = 2 : i64, sc.parallel_access}
      %mul3A_235 = arith.constant 128 : i32
      %mul3A_236 = arith.muli %scan3A_27, %mul3A_235 : i32
      %add3A_237 = arith.constant 64 : i32
      %add3A_238 = arith.addi %mul3A_236, %add3A_237 : i32
      %dma_start3A_239 = tpu.memref_slice %arg6[%add3A_238] : memref<2048xi32, #tpu.memory_space<vmem>> -> memref<32xi32, #tpu.memory_space<vmem>>
      %dma_start3A_240 = arith.constant 0 : i32
      %dma_start3A_241 = arith.constant 0 : i32
      %dma_start3A_242 = tpu.memref_slice %arg3[%dma_start3A_240, %dma_start3A_241] : memref<50265x768xf32, #tpu.memory_space<hbm>> -> memref<50265x768xf32, #tpu.memory_space<hbm>>
      tpu.enqueue_indirect_dma source(%dma_start3A_242 : memref<50265x768xf32, #tpu.memory_space<hbm>>) target(%arg8 : memref<32x768xf32, #tpu.memory_space<vmem>>) offsets(%dma_start3A_239 : memref<32xi32, #tpu.memory_space<vmem>>) semaphore(%arg14 : memref<!tpu.dma_semaphore, #tpu.memory_space<semaphore_mem>>)
      %mul3A_243 = arith.constant 512 : i32
      %mul3A_244 = vector.broadcast %mul3A_243 : i32 to vector<16xi32>
      %mul3A_245 = arith.muli %iota3A, %mul3A_244 : vector<16xi32>
      %add3A_246 = arith.constant 0 : i32
      %add3A_247 = arith.addi %add3A_246, %add3A_31 : i32
      %add3A_248 = vector.broadcast %add3A_247 : i32 to vector<16xi32>
      %add3A_249 = arith.addi %mul3A_245, %add3A_248 : vector<16xi32>
      %swap3A = arith.constant 0 : index
      %swap3A_250 = tpu.vector_load %arg12[%swap3A] {strides = array<i32>} : memref<32xi32, #tpu.memory_space<vmem>>, vector<16xi32>,
      %swap3A_251 = vector.shape_cast %swap3A_250 : vector<16xi32> to vector<16xi32>
      %swap3A_252 = vector.shape_cast %add3A_249 : vector<16xi32> to vector<16xi32>
      tpu.vector_store %arg12[%swap3A], %swap3A_252 {strides = array<i32>} : memref<32xi32, #tpu.memory_space<vmem>>, vector<16xi32>,
      %add3A_253 = arith.constant 8192 : i32
      %add3A_254 = vector.broadcast %add3A_253 : i32 to vector<16xi32>
      %add3A_255 = arith.addi %add3A_249, %add3A_254 : vector<16xi32>
      %swap3A_256 = arith.constant 16 : index
      %swap3A_257 = tpu.vector_load %arg12[%swap3A_256] {strides = array<i32>} : memref<32xi32, #tpu.memory_space<vmem>>, vector<16xi32>,
      %swap3A_258 = vector.shape_cast %swap3A_257 : vector<16xi32> to vector<16xi32>
      %swap3A_259 = vector.shape_cast %add3A_255 : vector<16xi32> to vector<16xi32>
      tpu.vector_store %arg12[%swap3A_256], %swap3A_259 {strides = array<i32>} : memref<32xi32, #tpu.memory_space<vmem>>, vector<16xi32>,
      %dma_start3A_260 = arith.constant 0 : i32
      %dma_start3A_261 = arith.constant 0 : i32
      %dma_start3A_262 = tpu.memref_slice %arg5[%dma_start3A_260, %dma_start3A_261] : memref<65536x768xf32, #tpu.memory_space<hbm>> -> memref<65536x768xf32, #tpu.memory_space<hbm>>
      tpu.enqueue_indirect_dma source(%arg10 : memref<32x768xf32, #tpu.memory_space<vmem>>) target(%dma_start3A_262 : memref<65536x768xf32, #tpu.memory_space<hbm>>) offsets(%arg12 : memref<32xi32, #tpu.memory_space<vmem>>) semaphore(%arg16 : memref<!tpu.dma_semaphore, #tpu.memory_space<semaphore_mem>>)
      %mul3A_263 = arith.constant 128 : i32
      %mul3A_264 = arith.muli %scan3A_27, %mul3A_263 : i32
      %add3A_265 = arith.constant 32 : i32
      %add3A_266 = arith.addi %mul3A_264, %add3A_265 : i32
      %dma_wait3A_267 = tpu.memref_slice %arg6[%add3A_266] : memref<2048xi32, #tpu.memory_space<vmem>> -> memref<32xi32, #tpu.memory_space<vmem>>
      %dma_wait3A_268 = arith.constant 0 : i32
      %dma_wait3A_269 = arith.constant 0 : i32
      %dma_wait3A_270 = tpu.memref_slice %arg3[%dma_wait3A_268, %dma_wait3A_269] : memref<50265x768xf32, #tpu.memory_space<hbm>> -> memref<50265x768xf32, #tpu.memory_space<hbm>>
      tpu.wait_indirect_dma semaphore(%arg15 : memref<!tpu.dma_semaphore, #tpu.memory_space<semaphore_mem>>) src(%dma_wait3A_270 : memref<50265x768xf32, #tpu.memory_space<hbm>>) dst(%arg9 : memref<32x768xf32, #tpu.memory_space<vmem>>)
      %gt3A_271 = arith.constant 0 : i32
      %gt3A_272 = arith.cmpi sgt, %scan3A_27, %gt3A_271 : i32
      %convert_element_type3A_273 = arith.extui %gt3A_272 : i1 to i32
      %cond3A_274 = arith.constant 0 : i32
      %cond3A_275 = arith.cmpi ne, %convert_element_type3A_273, %cond3A_274 : i32
      scf.if %cond3A_275 {
        %dma_wait3A_388 = arith.constant 0 : i32
        %dma_wait3A_389 = arith.constant 0 : i32
        %dma_wait3A_390 = tpu.memref_slice %arg5[%dma_wait3A_388, %dma_wait3A_389] : memref<65536x768xf32, #tpu.memory_space<hbm>> -> memref<65536x768xf32, #tpu.memory_space<hbm>>
        tpu.wait_indirect_dma semaphore(%arg17 : memref<!tpu.dma_semaphore, #tpu.memory_space<semaphore_mem>>) src(%arg11 : memref<32x768xf32, #tpu.memory_space<vmem>>) dst(%dma_wait3A_390 : memref<65536x768xf32, #tpu.memory_space<hbm>>)
      } else {
      }
      %parallel_loop3A_276 = arith.constant 0 : i32
      %parallel_loop3A_277 = arith.constant 32 : i32
      %parallel_loop3A_278 = arith.constant 1 : i32
      scf.for %parallel_loop3A_388 = %parallel_loop3A_276 to %parallel_loop3A_277 step %parallel_loop3A_278  : i32 {
        %parallel_loop3A_389 = arith.index_cast %parallel_loop3A_388 : i32 to index
        %parallel_loop3A_390 = arith.constant 0 : index
        %parallel_loop3A_391 = tpu.vector_load %arg9[%parallel_loop3A_389, %parallel_loop3A_390] {strides = array<i32>} : memref<32x768xf32, #tpu.memory_space<vmem>>, vector<1x16xf32>,
        %parallel_loop3A_392 = vector.shape_cast %parallel_loop3A_391 : vector<1x16xf32> to vector<16xf32>
        %parallel_loop3A_393 = arith.addf %parallel_loop3A_392, %get3A_34 : vector<16xf32>
        %parallel_loop3A_394 = arith.index_cast %parallel_loop3A_388 : i32 to index
        %parallel_loop3A_395 = arith.constant 0 : index
        %parallel_loop3A_396 = tpu.vector_load %arg11[%parallel_loop3A_394, %parallel_loop3A_395] {strides = array<i32>} : memref<32x768xf32, #tpu.memory_space<vmem>>, vector<1x16xf32>,
        %parallel_loop3A_397 = vector.shape_cast %parallel_loop3A_396 : vector<1x16xf32> to vector<16xf32>
        %parallel_loop3A_398 = vector.shape_cast %parallel_loop3A_393 : vector<16xf32> to vector<1x16xf32>
        tpu.vector_store %arg11[%parallel_loop3A_394, %parallel_loop3A_395], %parallel_loop3A_398 {strides = array<i32>} : memref<32x768xf32, #tpu.memory_space<vmem>>, vector<1x16xf32>,
        %parallel_loop3A_399 = arith.index_cast %parallel_loop3A_388 : i32 to index
        %parallel_loop3A_400 = arith.constant 16 : index
        %parallel_loop3A_401 = tpu.vector_load %arg9[%parallel_loop3A_399, %parallel_loop3A_400] {strides = array<i32>} : memref<32x768xf32, #tpu.memory_space<vmem>>, vector<1x16xf32>,
        %parallel_loop3A_402 = vector.shape_cast %parallel_loop3A_401 : vector<1x16xf32> to vector<16xf32>
        %parallel_loop3A_403 = arith.addf %parallel_loop3A_402, %get3A_38 : vector<16xf32>
        %parallel_loop3A_404 = arith.index_cast %parallel_loop3A_388 : i32 to index
        %parallel_loop3A_405 = arith.constant 16 : index
        %parallel_loop3A_406 = tpu.vector_load %arg11[%parallel_loop3A_404, %parallel_loop3A_405] {strides = array<i32>} : memref<32x768xf32, #tpu.memory_space<vmem>>, vector<1x16xf32>,
        %parallel_loop3A_407 = vector.shape_cast %parallel_loop3A_406 : vector<1x16xf32> to vector<16xf32>
        %parallel_loop3A_408 = vector.shape_cast %parallel_loop3A_403 : vector<16xf32> to vector<1x16xf32>
        tpu.vector_store %arg11[%parallel_loop3A_404, %parallel_loop3A_405], %parallel_loop3A_408 {strides = array<i32>} : memref<32x768xf32, #tpu.memory_space<vmem>>, vector<1x16xf32>,
        %parallel_loop3A_409 = arith.index_cast %parallel_loop3A_388 : i32 to index
        %parallel_loop3A_410 = arith.constant 32 : index
        %parallel_loop3A_411 = tpu.vector_load %arg9[%parallel_loop3A_409, %parallel_loop3A_410] {strides = array<i32>} : memref<32x768xf32, #tpu.memory_space<vmem>>, vector<1x16xf32>,
        %parallel_loop3A_412 = vector.shape_cast %parallel_loop3A_411 : vector<1x16xf32> to vector<16xf32>
        %parallel_loop3A_413 = arith.addf %parallel_loop3A_412, %get3A_42 : vector<16xf32>
        %parallel_loop3A_414 = arith.index_cast %parallel_loop3A_388 : i32 to index
        %parallel_loop3A_415 = arith.constant 32 : index
        %parallel_loop3A_416 = tpu.vector_load %arg11[%parallel_loop3A_414, %parallel_loop3A_415] {strides = array<i32>} : memref<32x768xf32, #tpu.memory_space<vmem>>, vector<1x16xf32>,
        %parallel_loop3A_417 = vector.shape_cast %parallel_loop3A_416 : vector<1x16xf32> to vector<16xf32>
        %parallel_loop3A_418 = vector.shape_cast %parallel_loop3A_413 : vector<16xf32> to vector<1x16xf32>
        tpu.vector_store %arg11[%parallel_loop3A_414, %parallel_loop3A_415], %parallel_loop3A_418 {strides = array<i32>} : memref<32x768xf32, #tpu.memory_space<vmem>>, vector<1x16xf32>,
        %parallel_loop3A_419 = arith.index_cast %parallel_loop3A_388 : i32 to index
        %parallel_loop3A_420 = arith.constant 48 : index
        %parallel_loop3A_421 = tpu.vector_load %arg9[%parallel_loop3A_419, %parallel_loop3A_420] {strides = array<i32>} : memref<32x768xf32, #tpu.memory_space<vmem>>, vector<1x16xf32>,
        %parallel_loop3A_422 = vector.shape_cast %parallel_loop3A_421 : vector<1x16xf32> to vector<16xf32>
        %parallel_loop3A_423 = arith.addf %parallel_loop3A_422, %get3A_46 : vector<16xf32>
        %parallel_loop3A_424 = arith.index_cast %parallel_loop3A_388 : i32 to index
        %parallel_loop3A_425 = arith.constant 48 : index
        %parallel_loop3A_426 = tpu.vector_load %arg11[%parallel_loop3A_424, %parallel_loop3A_425] {strides = array<i32>} : memref<32x768xf32, #tpu.memory_space<vmem>>, vector<1x16xf32>,
        %parallel_loop3A_427 = vector.shape_cast %parallel_loop3A_426 : vector<1x16xf32> to vector<16xf32>
        %parallel_loop3A_428 = vector.shape_cast %parallel_loop3A_423 : vector<16xf32> to vector<1x16xf32>
        tpu.vector_store %arg11[%parallel_loop3A_424, %parallel_loop3A_425], %parallel_loop3A_428 {strides = array<i32>} : memref<32x768xf32, #tpu.memory_space<vmem>>, vector<1x16xf32>,
        %parallel_loop3A_429 = arith.index_cast %parallel_loop3A_388 : i32 to index
        %parallel_loop3A_430 = arith.constant 64 : index
        %parallel_loop3A_431 = tpu.vector_load %arg9[%parallel_loop3A_429, %parallel_loop3A_430] {strides = array<i32>} : memref<32x768xf32, #tpu.memory_space<vmem>>, vector<1x16xf32>,
        %parallel_loop3A_432 = vector.shape_cast %parallel_loop3A_431 : vector<1x16xf32> to vector<16xf32>
        %parallel_loop3A_433 = arith.addf %parallel_loop3A_432, %get3A_50 : vector<16xf32>
        %parallel_loop3A_434 = arith.index_cast %parallel_loop3A_388 : i32 to index
        %parallel_loop3A_435 = arith.constant 64 : index
        %parallel_loop3A_436 = tpu.vector_load %arg11[%parallel_loop3A_434, %parallel_loop3A_435] {strides = array<i32>} : memref<32x768xf32, #tpu.memory_space<vmem>>, vector<1x16xf32>,
        %parallel_loop3A_437 = vector.shape_cast %parallel_loop3A_436 : vector<1x16xf32> to vector<16xf32>
        %parallel_loop3A_438 = vector.shape_cast %parallel_loop3A_433 : vector<16xf32> to vector<1x16xf32>
        tpu.vector_store %arg11[%parallel_loop3A_434, %parallel_loop3A_435], %parallel_loop3A_438 {strides = array<i32>} : memref<32x768xf32, #tpu.memory_space<vmem>>, vector<1x16xf32>,
        %parallel_loop3A_439 = arith.index_cast %parallel_loop3A_388 : i32 to index
        %parallel_loop3A_440 = arith.constant 80 : index
        %parallel_loop3A_441 = tpu.vector_load %arg9[%parallel_loop3A_439, %parallel_loop3A_440] {strides = array<i32>} : memref<32x768xf32, #tpu.memory_space<vmem>>, vector<1x16xf32>,
        %parallel_loop3A_442 = vector.shape_cast %parallel_loop3A_441 : vector<1x16xf32> to vector<16xf32>
        %parallel_loop3A_443 = arith.addf %parallel_loop3A_442, %get3A_54 : vector<16xf32>
        %parallel_loop3A_444 = arith.index_cast %parallel_loop3A_388 : i32 to index
        %parallel_loop3A_445 = arith.constant 80 : index
        %parallel_loop3A_446 = tpu.vector_load %arg11[%parallel_loop3A_444, %parallel_loop3A_445] {strides = array<i32>} : memref<32x768xf32, #tpu.memory_space<vmem>>, vector<1x16xf32>,
        %parallel_loop3A_447 = vector.shape_cast %parallel_loop3A_446 : vector<1x16xf32> to vector<16xf32>
        %parallel_loop3A_448 = vector.shape_cast %parallel_loop3A_443 : vector<16xf32> to vector<1x16xf32>
        tpu.vector_store %arg11[%parallel_loop3A_444, %parallel_loop3A_445], %parallel_loop3A_448 {strides = array<i32>} : memref<32x768xf32, #tpu.memory_space<vmem>>, vector<1x16xf32>,
        %parallel_loop3A_449 = arith.index_cast %parallel_loop3A_388 : i32 to index
        %parallel_loop3A_450 = arith.constant 96 : index
        %parallel_loop3A_451 = tpu.vector_load %arg9[%parallel_loop3A_449, %parallel_loop3A_450] {strides = array<i32>} : memref<32x768xf32, #tpu.memory_space<vmem>>, vector<1x16xf32>,
        %parallel_loop3A_452 = vector.shape_cast %parallel_loop3A_451 : vector<1x16xf32> to vector<16xf32>
        %parallel_loop3A_453 = arith.addf %parallel_loop3A_452, %get3A_58 : vector<16xf32>
        %parallel_loop3A_454 = arith.index_cast %parallel_loop3A_388 : i32 to index
        %parallel_loop3A_455 = arith.constant 96 : index
        %parallel_loop3A_456 = tpu.vector_load %arg11[%parallel_loop3A_454, %parallel_loop3A_455] {strides = array<i32>} : memref<32x768xf32, #tpu.memory_space<vmem>>, vector<1x16xf32>,
        %parallel_loop3A_457 = vector.shape_cast %parallel_loop3A_456 : vector<1x16xf32> to vector<16xf32>
        %parallel_loop3A_458 = vector.shape_cast %parallel_loop3A_453 : vector<16xf32> to vector<1x16xf32>
        tpu.vector_store %arg11[%parallel_loop3A_454, %parallel_loop3A_455], %parallel_loop3A_458 {strides = array<i32>} : memref<32x768xf32, #tpu.memory_space<vmem>>, vector<1x16xf32>,
        %parallel_loop3A_459 = arith.index_cast %parallel_loop3A_388 : i32 to index
        %parallel_loop3A_460 = arith.constant 112 : index
        %parallel_loop3A_461 = tpu.vector_load %arg9[%parallel_loop3A_459, %parallel_loop3A_460] {strides = array<i32>} : memref<32x768xf32, #tpu.memory_space<vmem>>, vector<1x16xf32>,
        %parallel_loop3A_462 = vector.shape_cast %parallel_loop3A_461 : vector<1x16xf32> to vector<16xf32>
        %parallel_loop3A_463 = arith.addf %parallel_loop3A_462, %get3A_62 : vector<16xf32>
        %parallel_loop3A_464 = arith.index_cast %parallel_loop3A_388 : i32 to index
        %parallel_loop3A_465 = arith.constant 112 : index
        %parallel_loop3A_466 = tpu.vector_load %arg11[%parallel_loop3A_464, %parallel_loop3A_465] {strides = array<i32>} : memref<32x768xf32, #tpu.memory_space<vmem>>, vector<1x16xf32>,
        %parallel_loop3A_467 = vector.shape_cast %parallel_loop3A_466 : vector<1x16xf32> to vector<16xf32>
        %parallel_loop3A_468 = vector.shape_cast %parallel_loop3A_463 : vector<16xf32> to vector<1x16xf32>
        tpu.vector_store %arg11[%parallel_loop3A_464, %parallel_loop3A_465], %parallel_loop3A_468 {strides = array<i32>} : memref<32x768xf32, #tpu.memory_space<vmem>>, vector<1x16xf32>,
        %parallel_loop3A_469 = arith.index_cast %parallel_loop3A_388 : i32 to index
        %parallel_loop3A_470 = arith.constant 128 : index
        %parallel_loop3A_471 = tpu.vector_load %arg9[%parallel_loop3A_469, %parallel_loop3A_470] {strides = array<i32>} : memref<32x768xf32, #tpu.memory_space<vmem>>, vector<1x16xf32>,
        %parallel_loop3A_472 = vector.shape_cast %parallel_loop3A_471 : vector<1x16xf32> to vector<16xf32>
        %parallel_loop3A_473 = arith.addf %parallel_loop3A_472, %get3A_66 : vector<16xf32>
        %parallel_loop3A_474 = arith.index_cast %parallel_loop3A_388 : i32 to index
        %parallel_loop3A_475 = arith.constant 128 : index
        %parallel_loop3A_476 = tpu.vector_load %arg11[%parallel_loop3A_474, %parallel_loop3A_475] {strides = array<i32>} : memref<32x768xf32, #tpu.memory_space<vmem>>, vector<1x16xf32>,
        %parallel_loop3A_477 = vector.shape_cast %parallel_loop3A_476 : vector<1x16xf32> to vector<16xf32>
        %parallel_loop3A_478 = vector.shape_cast %parallel_loop3A_473 : vector<16xf32> to vector<1x16xf32>
        tpu.vector_store %arg11[%parallel_loop3A_474, %parallel_loop3A_475], %parallel_loop3A_478 {strides = array<i32>} : memref<32x768xf32, #tpu.memory_space<vmem>>, vector<1x16xf32>,
        %parallel_loop3A_479 = arith.index_cast %parallel_loop3A_388 : i32 to index
        %parallel_loop3A_480 = arith.constant 144 : index
        %parallel_loop3A_481 = tpu.vector_load %arg9[%parallel_loop3A_479, %parallel_loop3A_480] {strides = array<i32>} : memref<32x768xf32, #tpu.memory_space<vmem>>, vector<1x16xf32>,
        %parallel_loop3A_482 = vector.shape_cast %parallel_loop3A_481 : vector<1x16xf32> to vector<16xf32>
        %parallel_loop3A_483 = arith.addf %parallel_loop3A_482, %get3A_70 : vector<16xf32>
        %parallel_loop3A_484 = arith.index_cast %parallel_loop3A_388 : i32 to index
        %parallel_loop3A_485 = arith.constant 144 : index
        %parallel_loop3A_486 = tpu.vector_load %arg11[%parallel_loop3A_484, %parallel_loop3A_485] {strides = array<i32>} : memref<32x768xf32, #tpu.memory_space<vmem>>, vector<1x16xf32>,
        %parallel_loop3A_487 = vector.shape_cast %parallel_loop3A_486 : vector<1x16xf32> to vector<16xf32>
        %parallel_loop3A_488 = vector.shape_cast %parallel_loop3A_483 : vector<16xf32> to vector<1x16xf32>
        tpu.vector_store %arg11[%parallel_loop3A_484, %parallel_loop3A_485], %parallel_loop3A_488 {strides = array<i32>} : memref<32x768xf32, #tpu.memory_space<vmem>>, vector<1x16xf32>,
        %parallel_loop3A_489 = arith.index_cast %parallel_loop3A_388 : i32 to index
        %parallel_loop3A_490 = arith.constant 160 : index
        %parallel_loop3A_491 = tpu.vector_load %arg9[%parallel_loop3A_489, %parallel_loop3A_490] {strides = array<i32>} : memref<32x768xf32, #tpu.memory_space<vmem>>, vector<1x16xf32>,
        %parallel_loop3A_492 = vector.shape_cast %parallel_loop3A_491 : vector<1x16xf32> to vector<16xf32>
        %parallel_loop3A_493 = arith.addf %parallel_loop3A_492, %get3A_74 : vector<16xf32>
        %parallel_loop3A_494 = arith.index_cast %parallel_loop3A_388 : i32 to index
        %parallel_loop3A_495 = arith.constant 160 : index
        %parallel_loop3A_496 = tpu.vector_load %arg11[%parallel_loop3A_494, %parallel_loop3A_495] {strides = array<i32>} : memref<32x768xf32, #tpu.memory_space<vmem>>, vector<1x16xf32>,
        %parallel_loop3A_497 = vector.shape_cast %parallel_loop3A_496 : vector<1x16xf32> to vector<16xf32>
        %parallel_loop3A_498 = vector.shape_cast %parallel_loop3A_493 : vector<16xf32> to vector<1x16xf32>
        tpu.vector_store %arg11[%parallel_loop3A_494, %parallel_loop3A_495], %parallel_loop3A_498 {strides = array<i32>} : memref<32x768xf32, #tpu.memory_space<vmem>>, vector<1x16xf32>,
        %parallel_loop3A_499 = arith.index_cast %parallel_loop3A_388 : i32 to index
        %parallel_loop3A_500 = arith.constant 176 : index
        %parallel_loop3A_501 = tpu.vector_load %arg9[%parallel_loop3A_499, %parallel_loop3A_500] {strides = array<i32>} : memref<32x768xf32, #tpu.memory_space<vmem>>, vector<1x16xf32>,
        %parallel_loop3A_502 = vector.shape_cast %parallel_loop3A_501 : vector<1x16xf32> to vector<16xf32>
        %parallel_loop3A_503 = arith.addf %parallel_loop3A_502, %get3A_78 : vector<16xf32>
        %parallel_loop3A_504 = arith.index_cast %parallel_loop3A_388 : i32 to index
        %parallel_loop3A_505 = arith.constant 176 : index
        %parallel_loop3A_506 = tpu.vector_load %arg11[%parallel_loop3A_504, %parallel_loop3A_505] {strides = array<i32>} : memref<32x768xf32, #tpu.memory_space<vmem>>, vector<1x16xf32>,
        %parallel_loop3A_507 = vector.shape_cast %parallel_loop3A_506 : vector<1x16xf32> to vector<16xf32>
        %parallel_loop3A_508 = vector.shape_cast %parallel_loop3A_503 : vector<16xf32> to vector<1x16xf32>
        tpu.vector_store %arg11[%parallel_loop3A_504, %parallel_loop3A_505], %parallel_loop3A_508 {strides = array<i32>} : memref<32x768xf32, #tpu.memory_space<vmem>>, vector<1x16xf32>,
        %parallel_loop3A_509 = arith.index_cast %parallel_loop3A_388 : i32 to index
        %parallel_loop3A_510 = arith.constant 192 : index
        %parallel_loop3A_511 = tpu.vector_load %arg9[%parallel_loop3A_509, %parallel_loop3A_510] {strides = array<i32>} : memref<32x768xf32, #tpu.memory_space<vmem>>, vector<1x16xf32>,
        %parallel_loop3A_512 = vector.shape_cast %parallel_loop3A_511 : vector<1x16xf32> to vector<16xf32>
        %parallel_loop3A_513 = arith.addf %parallel_loop3A_512, %get3A_82 : vector<16xf32>
        %parallel_loop3A_514 = arith.index_cast %parallel_loop3A_388 : i32 to index
        %parallel_loop3A_515 = arith.constant 192 : index
        %parallel_loop3A_516 = tpu.vector_load %arg11[%parallel_loop3A_514, %parallel_loop3A_515] {strides = array<i32>} : memref<32x768xf32, #tpu.memory_space<vmem>>, vector<1x16xf32>,
        %parallel_loop3A_517 = vector.shape_cast %parallel_loop3A_516 : vector<1x16xf32> to vector<16xf32>
        %parallel_loop3A_518 = vector.shape_cast %parallel_loop3A_513 : vector<16xf32> to vector<1x16xf32>
        tpu.vector_store %arg11[%parallel_loop3A_514, %parallel_loop3A_515], %parallel_loop3A_518 {strides = array<i32>} : memref<32x768xf32, #tpu.memory_space<vmem>>, vector<1x16xf32>,
        %parallel_loop3A_519 = arith.index_cast %parallel_loop3A_388 : i32 to index
        %parallel_loop3A_520 = arith.constant 208 : index
        %parallel_loop3A_521 = tpu.vector_load %arg9[%parallel_loop3A_519, %parallel_loop3A_520] {strides = array<i32>} : memref<32x768xf32, #tpu.memory_space<vmem>>, vector<1x16xf32>,
        %parallel_loop3A_522 = vector.shape_cast %parallel_loop3A_521 : vector<1x16xf32> to vector<16xf32>
        %parallel_loop3A_523 = arith.addf %parallel_loop3A_522, %get3A_86 : vector<16xf32>
        %parallel_loop3A_524 = arith.index_cast %parallel_loop3A_388 : i32 to index
        %parallel_loop3A_525 = arith.constant 208 : index
        %parallel_loop3A_526 = tpu.vector_load %arg11[%parallel_loop3A_524, %parallel_loop3A_525] {strides = array<i32>} : memref<32x768xf32, #tpu.memory_space<vmem>>, vector<1x16xf32>,
        %parallel_loop3A_527 = vector.shape_cast %parallel_loop3A_526 : vector<1x16xf32> to vector<16xf32>
        %parallel_loop3A_528 = vector.shape_cast %parallel_loop3A_523 : vector<16xf32> to vector<1x16xf32>
        tpu.vector_store %arg11[%parallel_loop3A_524, %parallel_loop3A_525], %parallel_loop3A_528 {strides = array<i32>} : memref<32x768xf32, #tpu.memory_space<vmem>>, vector<1x16xf32>,
        %parallel_loop3A_529 = arith.index_cast %parallel_loop3A_388 : i32 to index
        %parallel_loop3A_530 = arith.constant 224 : index
        %parallel_loop3A_531 = tpu.vector_load %arg9[%parallel_loop3A_529, %parallel_loop3A_530] {strides = array<i32>} : memref<32x768xf32, #tpu.memory_space<vmem>>, vector<1x16xf32>,
        %parallel_loop3A_532 = vector.shape_cast %parallel_loop3A_531 : vector<1x16xf32> to vector<16xf32>
        %parallel_loop3A_533 = arith.addf %parallel_loop3A_532, %get3A_90 : vector<16xf32>
        %parallel_loop3A_534 = arith.index_cast %parallel_loop3A_388 : i32 to index
        %parallel_loop3A_535 = arith.constant 224 : index
        %parallel_loop3A_536 = tpu.vector_load %arg11[%parallel_loop3A_534, %parallel_loop3A_535] {strides = array<i32>} : memref<32x768xf32, #tpu.memory_space<vmem>>, vector<1x16xf32>,
        %parallel_loop3A_537 = vector.shape_cast %parallel_loop3A_536 : vector<1x16xf32> to vector<16xf32>
        %parallel_loop3A_538 = vector.shape_cast %parallel_loop3A_533 : vector<16xf32> to vector<1x16xf32>
        tpu.vector_store %arg11[%parallel_loop3A_534, %parallel_loop3A_535], %parallel_loop3A_538 {strides = array<i32>} : memref<32x768xf32, #tpu.memory_space<vmem>>, vector<1x16xf32>,
        %parallel_loop3A_539 = arith.index_cast %parallel_loop3A_388 : i32 to index
        %parallel_loop3A_540 = arith.constant 240 : index
        %parallel_loop3A_541 = tpu.vector_load %arg9[%parallel_loop3A_539, %parallel_loop3A_540] {strides = array<i32>} : memref<32x768xf32, #tpu.memory_space<vmem>>, vector<1x16xf32>,
        %parallel_loop3A_542 = vector.shape_cast %parallel_loop3A_541 : vector<1x16xf32> to vector<16xf32>
        %parallel_loop3A_543 = arith.addf %parallel_loop3A_542, %get3A_94 : vector<16xf32>
        %parallel_loop3A_544 = arith.index_cast %parallel_loop3A_388 : i32 to index
        %parallel_loop3A_545 = arith.constant 240 : index
        %parallel_loop3A_546 = tpu.vector_load %arg11[%parallel_loop3A_544, %parallel_loop3A_545] {strides = array<i32>} : memref<32x768xf32, #tpu.memory_space<vmem>>, vector<1x16xf32>,
        %parallel_loop3A_547 = vector.shape_cast %parallel_loop3A_546 : vector<1x16xf32> to vector<16xf32>
        %parallel_loop3A_548 = vector.shape_cast %parallel_loop3A_543 : vector<16xf32> to vector<1x16xf32>
        tpu.vector_store %arg11[%parallel_loop3A_544, %parallel_loop3A_545], %parallel_loop3A_548 {strides = array<i32>} : memref<32x768xf32, #tpu.memory_space<vmem>>, vector<1x16xf32>,
        %parallel_loop3A_549 = arith.index_cast %parallel_loop3A_388 : i32 to index
        %parallel_loop3A_550 = arith.constant 256 : index
        %parallel_loop3A_551 = tpu.vector_load %arg9[%parallel_loop3A_549, %parallel_loop3A_550] {strides = array<i32>} : memref<32x768xf32, #tpu.memory_space<vmem>>, vector<1x16xf32>,
        %parallel_loop3A_552 = vector.shape_cast %parallel_loop3A_551 : vector<1x16xf32> to vector<16xf32>
        %parallel_loop3A_553 = arith.addf %parallel_loop3A_552, %get3A_98 : vector<16xf32>
        %parallel_loop3A_554 = arith.index_cast %parallel_loop3A_388 : i32 to index
        %parallel_loop3A_555 = arith.constant 256 : index
        %parallel_loop3A_556 = tpu.vector_load %arg11[%parallel_loop3A_554, %parallel_loop3A_555] {strides = array<i32>} : memref<32x768xf32, #tpu.memory_space<vmem>>, vector<1x16xf32>,
        %parallel_loop3A_557 = vector.shape_cast %parallel_loop3A_556 : vector<1x16xf32> to vector<16xf32>
        %parallel_loop3A_558 = vector.shape_cast %parallel_loop3A_553 : vector<16xf32> to vector<1x16xf32>
        tpu.vector_store %arg11[%parallel_loop3A_554, %parallel_loop3A_555], %parallel_loop3A_558 {strides = array<i32>} : memref<32x768xf32, #tpu.memory_space<vmem>>, vector<1x16xf32>,
        %parallel_loop3A_559 = arith.index_cast %parallel_loop3A_388 : i32 to index
        %parallel_loop3A_560 = arith.constant 272 : index
        %parallel_loop3A_561 = tpu.vector_load %arg9[%parallel_loop3A_559, %parallel_loop3A_560] {strides = array<i32>} : memref<32x768xf32, #tpu.memory_space<vmem>>, vector<1x16xf32>,
        %parallel_loop3A_562 = vector.shape_cast %parallel_loop3A_561 : vector<1x16xf32> to vector<16xf32>
        %parallel_loop3A_563 = arith.addf %parallel_loop3A_562, %get3A_102 : vector<16xf32>
        %parallel_loop3A_564 = arith.index_cast %parallel_loop3A_388 : i32 to index
        %parallel_loop3A_565 = arith.constant 272 : index
        %parallel_loop3A_566 = tpu.vector_load %arg11[%parallel_loop3A_564, %parallel_loop3A_565] {strides = array<i32>} : memref<32x768xf32, #tpu.memory_space<vmem>>, vector<1x16xf32>,
        %parallel_loop3A_567 = vector.shape_cast %parallel_loop3A_566 : vector<1x16xf32> to vector<16xf32>
        %parallel_loop3A_568 = vector.shape_cast %parallel_loop3A_563 : vector<16xf32> to vector<1x16xf32>
        tpu.vector_store %arg11[%parallel_loop3A_564, %parallel_loop3A_565], %parallel_loop3A_568 {strides = array<i32>} : memref<32x768xf32, #tpu.memory_space<vmem>>, vector<1x16xf32>,
        %parallel_loop3A_569 = arith.index_cast %parallel_loop3A_388 : i32 to index
        %parallel_loop3A_570 = arith.constant 288 : index
        %parallel_loop3A_571 = tpu.vector_load %arg9[%parallel_loop3A_569, %parallel_loop3A_570] {strides = array<i32>} : memref<32x768xf32, #tpu.memory_space<vmem>>, vector<1x16xf32>,
        %parallel_loop3A_572 = vector.shape_cast %parallel_loop3A_571 : vector<1x16xf32> to vector<16xf32>
        %parallel_loop3A_573 = arith.addf %parallel_loop3A_572, %get3A_106 : vector<16xf32>
        %parallel_loop3A_574 = arith.index_cast %parallel_loop3A_388 : i32 to index
        %parallel_loop3A_575 = arith.constant 288 : index
        %parallel_loop3A_576 = tpu.vector_load %arg11[%parallel_loop3A_574, %parallel_loop3A_575] {strides = array<i32>} : memref<32x768xf32, #tpu.memory_space<vmem>>, vector<1x16xf32>,
        %parallel_loop3A_577 = vector.shape_cast %parallel_loop3A_576 : vector<1x16xf32> to vector<16xf32>
        %parallel_loop3A_578 = vector.shape_cast %parallel_loop3A_573 : vector<16xf32> to vector<1x16xf32>
        tpu.vector_store %arg11[%parallel_loop3A_574, %parallel_loop3A_575], %parallel_loop3A_578 {strides = array<i32>} : memref<32x768xf32, #tpu.memory_space<vmem>>, vector<1x16xf32>,
        %parallel_loop3A_579 = arith.index_cast %parallel_loop3A_388 : i32 to index
        %parallel_loop3A_580 = arith.constant 304 : index
        %parallel_loop3A_581 = tpu.vector_load %arg9[%parallel_loop3A_579, %parallel_loop3A_580] {strides = array<i32>} : memref<32x768xf32, #tpu.memory_space<vmem>>, vector<1x16xf32>,
        %parallel_loop3A_582 = vector.shape_cast %parallel_loop3A_581 : vector<1x16xf32> to vector<16xf32>
        %parallel_loop3A_583 = arith.addf %parallel_loop3A_582, %get3A_110 : vector<16xf32>
        %parallel_loop3A_584 = arith.index_cast %parallel_loop3A_388 : i32 to index
        %parallel_loop3A_585 = arith.constant 304 : index
        %parallel_loop3A_586 = tpu.vector_load %arg11[%parallel_loop3A_584, %parallel_loop3A_585] {strides = array<i32>} : memref<32x768xf32, #tpu.memory_space<vmem>>, vector<1x16xf32>,
        %parallel_loop3A_587 = vector.shape_cast %parallel_loop3A_586 : vector<1x16xf32> to vector<16xf32>
        %parallel_loop3A_588 = vector.shape_cast %parallel_loop3A_583 : vector<16xf32> to vector<1x16xf32>
        tpu.vector_store %arg11[%parallel_loop3A_584, %parallel_loop3A_585], %parallel_loop3A_588 {strides = array<i32>} : memref<32x768xf32, #tpu.memory_space<vmem>>, vector<1x16xf32>,
        %parallel_loop3A_589 = arith.index_cast %parallel_loop3A_388 : i32 to index
        %parallel_loop3A_590 = arith.constant 320 : index
        %parallel_loop3A_591 = tpu.vector_load %arg9[%parallel_loop3A_589, %parallel_loop3A_590] {strides = array<i32>} : memref<32x768xf32, #tpu.memory_space<vmem>>, vector<1x16xf32>,
        %parallel_loop3A_592 = vector.shape_cast %parallel_loop3A_591 : vector<1x16xf32> to vector<16xf32>
        %parallel_loop3A_593 = arith.addf %parallel_loop3A_592, %get3A_114 : vector<16xf32>
        %parallel_loop3A_594 = arith.index_cast %parallel_loop3A_388 : i32 to index
        %parallel_loop3A_595 = arith.constant 320 : index
        %parallel_loop3A_596 = tpu.vector_load %arg11[%parallel_loop3A_594, %parallel_loop3A_595] {strides = array<i32>} : memref<32x768xf32, #tpu.memory_space<vmem>>, vector<1x16xf32>,
        %parallel_loop3A_597 = vector.shape_cast %parallel_loop3A_596 : vector<1x16xf32> to vector<16xf32>
        %parallel_loop3A_598 = vector.shape_cast %parallel_loop3A_593 : vector<16xf32> to vector<1x16xf32>
        tpu.vector_store %arg11[%parallel_loop3A_594, %parallel_loop3A_595], %parallel_loop3A_598 {strides = array<i32>} : memref<32x768xf32, #tpu.memory_space<vmem>>, vector<1x16xf32>,
        %parallel_loop3A_599 = arith.index_cast %parallel_loop3A_388 : i32 to index
        %parallel_loop3A_600 = arith.constant 336 : index
        %parallel_loop3A_601 = tpu.vector_load %arg9[%parallel_loop3A_599, %parallel_loop3A_600] {strides = array<i32>} : memref<32x768xf32, #tpu.memory_space<vmem>>, vector<1x16xf32>,
        %parallel_loop3A_602 = vector.shape_cast %parallel_loop3A_601 : vector<1x16xf32> to vector<16xf32>
        %parallel_loop3A_603 = arith.addf %parallel_loop3A_602, %get3A_118 : vector<16xf32>
        %parallel_loop3A_604 = arith.index_cast %parallel_loop3A_388 : i32 to index
        %parallel_loop3A_605 = arith.constant 336 : index
        %parallel_loop3A_606 = tpu.vector_load %arg11[%parallel_loop3A_604, %parallel_loop3A_605] {strides = array<i32>} : memref<32x768xf32, #tpu.memory_space<vmem>>, vector<1x16xf32>,
        %parallel_loop3A_607 = vector.shape_cast %parallel_loop3A_606 : vector<1x16xf32> to vector<16xf32>
        %parallel_loop3A_608 = vector.shape_cast %parallel_loop3A_603 : vector<16xf32> to vector<1x16xf32>
        tpu.vector_store %arg11[%parallel_loop3A_604, %parallel_loop3A_605], %parallel_loop3A_608 {strides = array<i32>} : memref<32x768xf32, #tpu.memory_space<vmem>>, vector<1x16xf32>,
        %parallel_loop3A_609 = arith.index_cast %parallel_loop3A_388 : i32 to index
        %parallel_loop3A_610 = arith.constant 352 : index
        %parallel_loop3A_611 = tpu.vector_load %arg9[%parallel_loop3A_609, %parallel_loop3A_610] {strides = array<i32>} : memref<32x768xf32, #tpu.memory_space<vmem>>, vector<1x16xf32>,
        %parallel_loop3A_612 = vector.shape_cast %parallel_loop3A_611 : vector<1x16xf32> to vector<16xf32>
        %parallel_loop3A_613 = arith.addf %parallel_loop3A_612, %get3A_122 : vector<16xf32>
        %parallel_loop3A_614 = arith.index_cast %parallel_loop3A_388 : i32 to index
        %parallel_loop3A_615 = arith.constant 352 : index
        %parallel_loop3A_616 = tpu.vector_load %arg11[%parallel_loop3A_614, %parallel_loop3A_615] {strides = array<i32>} : memref<32x768xf32, #tpu.memory_space<vmem>>, vector<1x16xf32>,
        %parallel_loop3A_617 = vector.shape_cast %parallel_loop3A_616 : vector<1x16xf32> to vector<16xf32>
        %parallel_loop3A_618 = vector.shape_cast %parallel_loop3A_613 : vector<16xf32> to vector<1x16xf32>
        tpu.vector_store %arg11[%parallel_loop3A_614, %parallel_loop3A_615], %parallel_loop3A_618 {strides = array<i32>} : memref<32x768xf32, #tpu.memory_space<vmem>>, vector<1x16xf32>,
        %parallel_loop3A_619 = arith.index_cast %parallel_loop3A_388 : i32 to index
        %parallel_loop3A_620 = arith.constant 368 : index
        %parallel_loop3A_621 = tpu.vector_load %arg9[%parallel_loop3A_619, %parallel_loop3A_620] {strides = array<i32>} : memref<32x768xf32, #tpu.memory_space<vmem>>, vector<1x16xf32>,
        %parallel_loop3A_622 = vector.shape_cast %parallel_loop3A_621 : vector<1x16xf32> to vector<16xf32>
        %parallel_loop3A_623 = arith.addf %parallel_loop3A_622, %get3A_126 : vector<16xf32>
        %parallel_loop3A_624 = arith.index_cast %parallel_loop3A_388 : i32 to index
        %parallel_loop3A_625 = arith.constant 368 : index
        %parallel_loop3A_626 = tpu.vector_load %arg11[%parallel_loop3A_624, %parallel_loop3A_625] {strides = array<i32>} : memref<32x768xf32, #tpu.memory_space<vmem>>, vector<1x16xf32>,
        %parallel_loop3A_627 = vector.shape_cast %parallel_loop3A_626 : vector<1x16xf32> to vector<16xf32>
        %parallel_loop3A_628 = vector.shape_cast %parallel_loop3A_623 : vector<16xf32> to vector<1x16xf32>
        tpu.vector_store %arg11[%parallel_loop3A_624, %parallel_loop3A_625], %parallel_loop3A_628 {strides = array<i32>} : memref<32x768xf32, #tpu.memory_space<vmem>>, vector<1x16xf32>,
        %parallel_loop3A_629 = arith.index_cast %parallel_loop3A_388 : i32 to index
        %parallel_loop3A_630 = arith.constant 384 : index
        %parallel_loop3A_631 = tpu.vector_load %arg9[%parallel_loop3A_629, %parallel_loop3A_630] {strides = array<i32>} : memref<32x768xf32, #tpu.memory_space<vmem>>, vector<1x16xf32>,
        %parallel_loop3A_632 = vector.shape_cast %parallel_loop3A_631 : vector<1x16xf32> to vector<16xf32>
        %parallel_loop3A_633 = arith.addf %parallel_loop3A_632, %get3A_130 : vector<16xf32>
        %parallel_loop3A_634 = arith.index_cast %parallel_loop3A_388 : i32 to index
        %parallel_loop3A_635 = arith.constant 384 : index
        %parallel_loop3A_636 = tpu.vector_load %arg11[%parallel_loop3A_634, %parallel_loop3A_635] {strides = array<i32>} : memref<32x768xf32, #tpu.memory_space<vmem>>, vector<1x16xf32>,
        %parallel_loop3A_637 = vector.shape_cast %parallel_loop3A_636 : vector<1x16xf32> to vector<16xf32>
        %parallel_loop3A_638 = vector.shape_cast %parallel_loop3A_633 : vector<16xf32> to vector<1x16xf32>
        tpu.vector_store %arg11[%parallel_loop3A_634, %parallel_loop3A_635], %parallel_loop3A_638 {strides = array<i32>} : memref<32x768xf32, #tpu.memory_space<vmem>>, vector<1x16xf32>,
        %parallel_loop3A_639 = arith.index_cast %parallel_loop3A_388 : i32 to index
        %parallel_loop3A_640 = arith.constant 400 : index
        %parallel_loop3A_641 = tpu.vector_load %arg9[%parallel_loop3A_639, %parallel_loop3A_640] {strides = array<i32>} : memref<32x768xf32, #tpu.memory_space<vmem>>, vector<1x16xf32>,
        %parallel_loop3A_642 = vector.shape_cast %parallel_loop3A_641 : vector<1x16xf32> to vector<16xf32>
        %parallel_loop3A_643 = arith.addf %parallel_loop3A_642, %get3A_134 : vector<16xf32>
        %parallel_loop3A_644 = arith.index_cast %parallel_loop3A_388 : i32 to index
        %parallel_loop3A_645 = arith.constant 400 : index
        %parallel_loop3A_646 = tpu.vector_load %arg11[%parallel_loop3A_644, %parallel_loop3A_645] {strides = array<i32>} : memref<32x768xf32, #tpu.memory_space<vmem>>, vector<1x16xf32>,
        %parallel_loop3A_647 = vector.shape_cast %parallel_loop3A_646 : vector<1x16xf32> to vector<16xf32>
        %parallel_loop3A_648 = vector.shape_cast %parallel_loop3A_643 : vector<16xf32> to vector<1x16xf32>
        tpu.vector_store %arg11[%parallel_loop3A_644, %parallel_loop3A_645], %parallel_loop3A_648 {strides = array<i32>} : memref<32x768xf32, #tpu.memory_space<vmem>>, vector<1x16xf32>,
        %parallel_loop3A_649 = arith.index_cast %parallel_loop3A_388 : i32 to index
        %parallel_loop3A_650 = arith.constant 416 : index
        %parallel_loop3A_651 = tpu.vector_load %arg9[%parallel_loop3A_649, %parallel_loop3A_650] {strides = array<i32>} : memref<32x768xf32, #tpu.memory_space<vmem>>, vector<1x16xf32>,
        %parallel_loop3A_652 = vector.shape_cast %parallel_loop3A_651 : vector<1x16xf32> to vector<16xf32>
        %parallel_loop3A_653 = arith.addf %parallel_loop3A_652, %get3A_138 : vector<16xf32>
        %parallel_loop3A_654 = arith.index_cast %parallel_loop3A_388 : i32 to index
        %parallel_loop3A_655 = arith.constant 416 : index
        %parallel_loop3A_656 = tpu.vector_load %arg11[%parallel_loop3A_654, %parallel_loop3A_655] {strides = array<i32>} : memref<32x768xf32, #tpu.memory_space<vmem>>, vector<1x16xf32>,
        %parallel_loop3A_657 = vector.shape_cast %parallel_loop3A_656 : vector<1x16xf32> to vector<16xf32>
        %parallel_loop3A_658 = vector.shape_cast %parallel_loop3A_653 : vector<16xf32> to vector<1x16xf32>
        tpu.vector_store %arg11[%parallel_loop3A_654, %parallel_loop3A_655], %parallel_loop3A_658 {strides = array<i32>} : memref<32x768xf32, #tpu.memory_space<vmem>>, vector<1x16xf32>,
        %parallel_loop3A_659 = arith.index_cast %parallel_loop3A_388 : i32 to index
        %parallel_loop3A_660 = arith.constant 432 : index
        %parallel_loop3A_661 = tpu.vector_load %arg9[%parallel_loop3A_659, %parallel_loop3A_660] {strides = array<i32>} : memref<32x768xf32, #tpu.memory_space<vmem>>, vector<1x16xf32>,
        %parallel_loop3A_662 = vector.shape_cast %parallel_loop3A_661 : vector<1x16xf32> to vector<16xf32>
        %parallel_loop3A_663 = arith.addf %parallel_loop3A_662, %get3A_142 : vector<16xf32>
        %parallel_loop3A_664 = arith.index_cast %parallel_loop3A_388 : i32 to index
        %parallel_loop3A_665 = arith.constant 432 : index
        %parallel_loop3A_666 = tpu.vector_load %arg11[%parallel_loop3A_664, %parallel_loop3A_665] {strides = array<i32>} : memref<32x768xf32, #tpu.memory_space<vmem>>, vector<1x16xf32>,
        %parallel_loop3A_667 = vector.shape_cast %parallel_loop3A_666 : vector<1x16xf32> to vector<16xf32>
        %parallel_loop3A_668 = vector.shape_cast %parallel_loop3A_663 : vector<16xf32> to vector<1x16xf32>
        tpu.vector_store %arg11[%parallel_loop3A_664, %parallel_loop3A_665], %parallel_loop3A_668 {strides = array<i32>} : memref<32x768xf32, #tpu.memory_space<vmem>>, vector<1x16xf32>,
        %parallel_loop3A_669 = arith.index_cast %parallel_loop3A_388 : i32 to index
        %parallel_loop3A_670 = arith.constant 448 : index
        %parallel_loop3A_671 = tpu.vector_load %arg9[%parallel_loop3A_669, %parallel_loop3A_670] {strides = array<i32>} : memref<32x768xf32, #tpu.memory_space<vmem>>, vector<1x16xf32>,
        %parallel_loop3A_672 = vector.shape_cast %parallel_loop3A_671 : vector<1x16xf32> to vector<16xf32>
        %parallel_loop3A_673 = arith.addf %parallel_loop3A_672, %get3A_146 : vector<16xf32>
        %parallel_loop3A_674 = arith.index_cast %parallel_loop3A_388 : i32 to index
        %parallel_loop3A_675 = arith.constant 448 : index
        %parallel_loop3A_676 = tpu.vector_load %arg11[%parallel_loop3A_674, %parallel_loop3A_675] {strides = array<i32>} : memref<32x768xf32, #tpu.memory_space<vmem>>, vector<1x16xf32>,
        %parallel_loop3A_677 = vector.shape_cast %parallel_loop3A_676 : vector<1x16xf32> to vector<16xf32>
        %parallel_loop3A_678 = vector.shape_cast %parallel_loop3A_673 : vector<16xf32> to vector<1x16xf32>
        tpu.vector_store %arg11[%parallel_loop3A_674, %parallel_loop3A_675], %parallel_loop3A_678 {strides = array<i32>} : memref<32x768xf32, #tpu.memory_space<vmem>>, vector<1x16xf32>,
        %parallel_loop3A_679 = arith.index_cast %parallel_loop3A_388 : i32 to index
        %parallel_loop3A_680 = arith.constant 464 : index
        %parallel_loop3A_681 = tpu.vector_load %arg9[%parallel_loop3A_679, %parallel_loop3A_680] {strides = array<i32>} : memref<32x768xf32, #tpu.memory_space<vmem>>, vector<1x16xf32>,
        %parallel_loop3A_682 = vector.shape_cast %parallel_loop3A_681 : vector<1x16xf32> to vector<16xf32>
        %parallel_loop3A_683 = arith.addf %parallel_loop3A_682, %get3A_150 : vector<16xf32>
        %parallel_loop3A_684 = arith.index_cast %parallel_loop3A_388 : i32 to index
        %parallel_loop3A_685 = arith.constant 464 : index
        %parallel_loop3A_686 = tpu.vector_load %arg11[%parallel_loop3A_684, %parallel_loop3A_685] {strides = array<i32>} : memref<32x768xf32, #tpu.memory_space<vmem>>, vector<1x16xf32>,
        %parallel_loop3A_687 = vector.shape_cast %parallel_loop3A_686 : vector<1x16xf32> to vector<16xf32>
        %parallel_loop3A_688 = vector.shape_cast %parallel_loop3A_683 : vector<16xf32> to vector<1x16xf32>
        tpu.vector_store %arg11[%parallel_loop3A_684, %parallel_loop3A_685], %parallel_loop3A_688 {strides = array<i32>} : memref<32x768xf32, #tpu.memory_space<vmem>>, vector<1x16xf32>,
        %parallel_loop3A_689 = arith.index_cast %parallel_loop3A_388 : i32 to index
        %parallel_loop3A_690 = arith.constant 480 : index
        %parallel_loop3A_691 = tpu.vector_load %arg9[%parallel_loop3A_689, %parallel_loop3A_690] {strides = array<i32>} : memref<32x768xf32, #tpu.memory_space<vmem>>, vector<1x16xf32>,
        %parallel_loop3A_692 = vector.shape_cast %parallel_loop3A_691 : vector<1x16xf32> to vector<16xf32>
        %parallel_loop3A_693 = arith.addf %parallel_loop3A_692, %get3A_154 : vector<16xf32>
        %parallel_loop3A_694 = arith.index_cast %parallel_loop3A_388 : i32 to index
        %parallel_loop3A_695 = arith.constant 480 : index
        %parallel_loop3A_696 = tpu.vector_load %arg11[%parallel_loop3A_694, %parallel_loop3A_695] {strides = array<i32>} : memref<32x768xf32, #tpu.memory_space<vmem>>, vector<1x16xf32>,
        %parallel_loop3A_697 = vector.shape_cast %parallel_loop3A_696 : vector<1x16xf32> to vector<16xf32>
        %parallel_loop3A_698 = vector.shape_cast %parallel_loop3A_693 : vector<16xf32> to vector<1x16xf32>
        tpu.vector_store %arg11[%parallel_loop3A_694, %parallel_loop3A_695], %parallel_loop3A_698 {strides = array<i32>} : memref<32x768xf32, #tpu.memory_space<vmem>>, vector<1x16xf32>,
        %parallel_loop3A_699 = arith.index_cast %parallel_loop3A_388 : i32 to index
        %parallel_loop3A_700 = arith.constant 496 : index
        %parallel_loop3A_701 = tpu.vector_load %arg9[%parallel_loop3A_699, %parallel_loop3A_700] {strides = array<i32>} : memref<32x768xf32, #tpu.memory_space<vmem>>, vector<1x16xf32>,
        %parallel_loop3A_702 = vector.shape_cast %parallel_loop3A_701 : vector<1x16xf32> to vector<16xf32>
        %parallel_loop3A_703 = arith.addf %parallel_loop3A_702, %get3A_158 : vector<16xf32>
        %parallel_loop3A_704 = arith.index_cast %parallel_loop3A_388 : i32 to index
        %parallel_loop3A_705 = arith.constant 496 : index
        %parallel_loop3A_706 = tpu.vector_load %arg11[%parallel_loop3A_704, %parallel_loop3A_705] {strides = array<i32>} : memref<32x768xf32, #tpu.memory_space<vmem>>, vector<1x16xf32>,
        %parallel_loop3A_707 = vector.shape_cast %parallel_loop3A_706 : vector<1x16xf32> to vector<16xf32>
        %parallel_loop3A_708 = vector.shape_cast %parallel_loop3A_703 : vector<16xf32> to vector<1x16xf32>
        tpu.vector_store %arg11[%parallel_loop3A_704, %parallel_loop3A_705], %parallel_loop3A_708 {strides = array<i32>} : memref<32x768xf32, #tpu.memory_space<vmem>>, vector<1x16xf32>,
        %parallel_loop3A_709 = arith.index_cast %parallel_loop3A_388 : i32 to index
        %parallel_loop3A_710 = arith.constant 512 : index
        %parallel_loop3A_711 = tpu.vector_load %arg9[%parallel_loop3A_709, %parallel_loop3A_710] {strides = array<i32>} : memref<32x768xf32, #tpu.memory_space<vmem>>, vector<1x16xf32>,
        %parallel_loop3A_712 = vector.shape_cast %parallel_loop3A_711 : vector<1x16xf32> to vector<16xf32>
        %parallel_loop3A_713 = arith.addf %parallel_loop3A_712, %get3A_162 : vector<16xf32>
        %parallel_loop3A_714 = arith.index_cast %parallel_loop3A_388 : i32 to index
        %parallel_loop3A_715 = arith.constant 512 : index
        %parallel_loop3A_716 = tpu.vector_load %arg11[%parallel_loop3A_714, %parallel_loop3A_715] {strides = array<i32>} : memref<32x768xf32, #tpu.memory_space<vmem>>, vector<1x16xf32>,
        %parallel_loop3A_717 = vector.shape_cast %parallel_loop3A_716 : vector<1x16xf32> to vector<16xf32>
        %parallel_loop3A_718 = vector.shape_cast %parallel_loop3A_713 : vector<16xf32> to vector<1x16xf32>
        tpu.vector_store %arg11[%parallel_loop3A_714, %parallel_loop3A_715], %parallel_loop3A_718 {strides = array<i32>} : memref<32x768xf32, #tpu.memory_space<vmem>>, vector<1x16xf32>,
        %parallel_loop3A_719 = arith.index_cast %parallel_loop3A_388 : i32 to index
        %parallel_loop3A_720 = arith.constant 528 : index
        %parallel_loop3A_721 = tpu.vector_load %arg9[%parallel_loop3A_719, %parallel_loop3A_720] {strides = array<i32>} : memref<32x768xf32, #tpu.memory_space<vmem>>, vector<1x16xf32>,
        %parallel_loop3A_722 = vector.shape_cast %parallel_loop3A_721 : vector<1x16xf32> to vector<16xf32>
        %parallel_loop3A_723 = arith.addf %parallel_loop3A_722, %get3A_166 : vector<16xf32>
        %parallel_loop3A_724 = arith.index_cast %parallel_loop3A_388 : i32 to index
        %parallel_loop3A_725 = arith.constant 528 : index
        %parallel_loop3A_726 = tpu.vector_load %arg11[%parallel_loop3A_724, %parallel_loop3A_725] {strides = array<i32>} : memref<32x768xf32, #tpu.memory_space<vmem>>, vector<1x16xf32>,
        %parallel_loop3A_727 = vector.shape_cast %parallel_loop3A_726 : vector<1x16xf32> to vector<16xf32>
        %parallel_loop3A_728 = vector.shape_cast %parallel_loop3A_723 : vector<16xf32> to vector<1x16xf32>
        tpu.vector_store %arg11[%parallel_loop3A_724, %parallel_loop3A_725], %parallel_loop3A_728 {strides = array<i32>} : memref<32x768xf32, #tpu.memory_space<vmem>>, vector<1x16xf32>,
        %parallel_loop3A_729 = arith.index_cast %parallel_loop3A_388 : i32 to index
        %parallel_loop3A_730 = arith.constant 544 : index
        %parallel_loop3A_731 = tpu.vector_load %arg9[%parallel_loop3A_729, %parallel_loop3A_730] {strides = array<i32>} : memref<32x768xf32, #tpu.memory_space<vmem>>, vector<1x16xf32>,
        %parallel_loop3A_732 = vector.shape_cast %parallel_loop3A_731 : vector<1x16xf32> to vector<16xf32>
        %parallel_loop3A_733 = arith.addf %parallel_loop3A_732, %get3A_170 : vector<16xf32>
        %parallel_loop3A_734 = arith.index_cast %parallel_loop3A_388 : i32 to index
        %parallel_loop3A_735 = arith.constant 544 : index
        %parallel_loop3A_736 = tpu.vector_load %arg11[%parallel_loop3A_734, %parallel_loop3A_735] {strides = array<i32>} : memref<32x768xf32, #tpu.memory_space<vmem>>, vector<1x16xf32>,
        %parallel_loop3A_737 = vector.shape_cast %parallel_loop3A_736 : vector<1x16xf32> to vector<16xf32>
        %parallel_loop3A_738 = vector.shape_cast %parallel_loop3A_733 : vector<16xf32> to vector<1x16xf32>
        tpu.vector_store %arg11[%parallel_loop3A_734, %parallel_loop3A_735], %parallel_loop3A_738 {strides = array<i32>} : memref<32x768xf32, #tpu.memory_space<vmem>>, vector<1x16xf32>,
        %parallel_loop3A_739 = arith.index_cast %parallel_loop3A_388 : i32 to index
        %parallel_loop3A_740 = arith.constant 560 : index
        %parallel_loop3A_741 = tpu.vector_load %arg9[%parallel_loop3A_739, %parallel_loop3A_740] {strides = array<i32>} : memref<32x768xf32, #tpu.memory_space<vmem>>, vector<1x16xf32>,
        %parallel_loop3A_742 = vector.shape_cast %parallel_loop3A_741 : vector<1x16xf32> to vector<16xf32>
        %parallel_loop3A_743 = arith.addf %parallel_loop3A_742, %get3A_174 : vector<16xf32>
        %parallel_loop3A_744 = arith.index_cast %parallel_loop3A_388 : i32 to index
        %parallel_loop3A_745 = arith.constant 560 : index
        %parallel_loop3A_746 = tpu.vector_load %arg11[%parallel_loop3A_744, %parallel_loop3A_745] {strides = array<i32>} : memref<32x768xf32, #tpu.memory_space<vmem>>, vector<1x16xf32>,
        %parallel_loop3A_747 = vector.shape_cast %parallel_loop3A_746 : vector<1x16xf32> to vector<16xf32>
        %parallel_loop3A_748 = vector.shape_cast %parallel_loop3A_743 : vector<16xf32> to vector<1x16xf32>
        tpu.vector_store %arg11[%parallel_loop3A_744, %parallel_loop3A_745], %parallel_loop3A_748 {strides = array<i32>} : memref<32x768xf32, #tpu.memory_space<vmem>>, vector<1x16xf32>,
        %parallel_loop3A_749 = arith.index_cast %parallel_loop3A_388 : i32 to index
        %parallel_loop3A_750 = arith.constant 576 : index
        %parallel_loop3A_751 = tpu.vector_load %arg9[%parallel_loop3A_749, %parallel_loop3A_750] {strides = array<i32>} : memref<32x768xf32, #tpu.memory_space<vmem>>, vector<1x16xf32>,
        %parallel_loop3A_752 = vector.shape_cast %parallel_loop3A_751 : vector<1x16xf32> to vector<16xf32>
        %parallel_loop3A_753 = arith.addf %parallel_loop3A_752, %get3A_178 : vector<16xf32>
        %parallel_loop3A_754 = arith.index_cast %parallel_loop3A_388 : i32 to index
        %parallel_loop3A_755 = arith.constant 576 : index
        %parallel_loop3A_756 = tpu.vector_load %arg11[%parallel_loop3A_754, %parallel_loop3A_755] {strides = array<i32>} : memref<32x768xf32, #tpu.memory_space<vmem>>, vector<1x16xf32>,
        %parallel_loop3A_757 = vector.shape_cast %parallel_loop3A_756 : vector<1x16xf32> to vector<16xf32>
        %parallel_loop3A_758 = vector.shape_cast %parallel_loop3A_753 : vector<16xf32> to vector<1x16xf32>
        tpu.vector_store %arg11[%parallel_loop3A_754, %parallel_loop3A_755], %parallel_loop3A_758 {strides = array<i32>} : memref<32x768xf32, #tpu.memory_space<vmem>>, vector<1x16xf32>,
        %parallel_loop3A_759 = arith.index_cast %parallel_loop3A_388 : i32 to index
        %parallel_loop3A_760 = arith.constant 592 : index
        %parallel_loop3A_761 = tpu.vector_load %arg9[%parallel_loop3A_759, %parallel_loop3A_760] {strides = array<i32>} : memref<32x768xf32, #tpu.memory_space<vmem>>, vector<1x16xf32>,
        %parallel_loop3A_762 = vector.shape_cast %parallel_loop3A_761 : vector<1x16xf32> to vector<16xf32>
        %parallel_loop3A_763 = arith.addf %parallel_loop3A_762, %get3A_182 : vector<16xf32>
        %parallel_loop3A_764 = arith.index_cast %parallel_loop3A_388 : i32 to index
        %parallel_loop3A_765 = arith.constant 592 : index
        %parallel_loop3A_766 = tpu.vector_load %arg11[%parallel_loop3A_764, %parallel_loop3A_765] {strides = array<i32>} : memref<32x768xf32, #tpu.memory_space<vmem>>, vector<1x16xf32>,
        %parallel_loop3A_767 = vector.shape_cast %parallel_loop3A_766 : vector<1x16xf32> to vector<16xf32>
        %parallel_loop3A_768 = vector.shape_cast %parallel_loop3A_763 : vector<16xf32> to vector<1x16xf32>
        tpu.vector_store %arg11[%parallel_loop3A_764, %parallel_loop3A_765], %parallel_loop3A_768 {strides = array<i32>} : memref<32x768xf32, #tpu.memory_space<vmem>>, vector<1x16xf32>,
        %parallel_loop3A_769 = arith.index_cast %parallel_loop3A_388 : i32 to index
        %parallel_loop3A_770 = arith.constant 608 : index
        %parallel_loop3A_771 = tpu.vector_load %arg9[%parallel_loop3A_769, %parallel_loop3A_770] {strides = array<i32>} : memref<32x768xf32, #tpu.memory_space<vmem>>, vector<1x16xf32>,
        %parallel_loop3A_772 = vector.shape_cast %parallel_loop3A_771 : vector<1x16xf32> to vector<16xf32>
        %parallel_loop3A_773 = arith.addf %parallel_loop3A_772, %get3A_186 : vector<16xf32>
        %parallel_loop3A_774 = arith.index_cast %parallel_loop3A_388 : i32 to index
        %parallel_loop3A_775 = arith.constant 608 : index
        %parallel_loop3A_776 = tpu.vector_load %arg11[%parallel_loop3A_774, %parallel_loop3A_775] {strides = array<i32>} : memref<32x768xf32, #tpu.memory_space<vmem>>, vector<1x16xf32>,
        %parallel_loop3A_777 = vector.shape_cast %parallel_loop3A_776 : vector<1x16xf32> to vector<16xf32>
        %parallel_loop3A_778 = vector.shape_cast %parallel_loop3A_773 : vector<16xf32> to vector<1x16xf32>
        tpu.vector_store %arg11[%parallel_loop3A_774, %parallel_loop3A_775], %parallel_loop3A_778 {strides = array<i32>} : memref<32x768xf32, #tpu.memory_space<vmem>>, vector<1x16xf32>,
        %parallel_loop3A_779 = arith.index_cast %parallel_loop3A_388 : i32 to index
        %parallel_loop3A_780 = arith.constant 624 : index
        %parallel_loop3A_781 = tpu.vector_load %arg9[%parallel_loop3A_779, %parallel_loop3A_780] {strides = array<i32>} : memref<32x768xf32, #tpu.memory_space<vmem>>, vector<1x16xf32>,
        %parallel_loop3A_782 = vector.shape_cast %parallel_loop3A_781 : vector<1x16xf32> to vector<16xf32>
        %parallel_loop3A_783 = arith.addf %parallel_loop3A_782, %get3A_190 : vector<16xf32>
        %parallel_loop3A_784 = arith.index_cast %parallel_loop3A_388 : i32 to index
        %parallel_loop3A_785 = arith.constant 624 : index
        %parallel_loop3A_786 = tpu.vector_load %arg11[%parallel_loop3A_784, %parallel_loop3A_785] {strides = array<i32>} : memref<32x768xf32, #tpu.memory_space<vmem>>, vector<1x16xf32>,
        %parallel_loop3A_787 = vector.shape_cast %parallel_loop3A_786 : vector<1x16xf32> to vector<16xf32>
        %parallel_loop3A_788 = vector.shape_cast %parallel_loop3A_783 : vector<16xf32> to vector<1x16xf32>
        tpu.vector_store %arg11[%parallel_loop3A_784, %parallel_loop3A_785], %parallel_loop3A_788 {strides = array<i32>} : memref<32x768xf32, #tpu.memory_space<vmem>>, vector<1x16xf32>,
        %parallel_loop3A_789 = arith.index_cast %parallel_loop3A_388 : i32 to index
        %parallel_loop3A_790 = arith.constant 640 : index
        %parallel_loop3A_791 = tpu.vector_load %arg9[%parallel_loop3A_789, %parallel_loop3A_790] {strides = array<i32>} : memref<32x768xf32, #tpu.memory_space<vmem>>, vector<1x16xf32>,
        %parallel_loop3A_792 = vector.shape_cast %parallel_loop3A_791 : vector<1x16xf32> to vector<16xf32>
        %parallel_loop3A_793 = arith.addf %parallel_loop3A_792, %get3A_194 : vector<16xf32>
        %parallel_loop3A_794 = arith.index_cast %parallel_loop3A_388 : i32 to index
        %parallel_loop3A_795 = arith.constant 640 : index
        %parallel_loop3A_796 = tpu.vector_load %arg11[%parallel_loop3A_794, %parallel_loop3A_795] {strides = array<i32>} : memref<32x768xf32, #tpu.memory_space<vmem>>, vector<1x16xf32>,
        %parallel_loop3A_797 = vector.shape_cast %parallel_loop3A_796 : vector<1x16xf32> to vector<16xf32>
        %parallel_loop3A_798 = vector.shape_cast %parallel_loop3A_793 : vector<16xf32> to vector<1x16xf32>
        tpu.vector_store %arg11[%parallel_loop3A_794, %parallel_loop3A_795], %parallel_loop3A_798 {strides = array<i32>} : memref<32x768xf32, #tpu.memory_space<vmem>>, vector<1x16xf32>,
        %parallel_loop3A_799 = arith.index_cast %parallel_loop3A_388 : i32 to index
        %parallel_loop3A_800 = arith.constant 656 : index
        %parallel_loop3A_801 = tpu.vector_load %arg9[%parallel_loop3A_799, %parallel_loop3A_800] {strides = array<i32>} : memref<32x768xf32, #tpu.memory_space<vmem>>, vector<1x16xf32>,
        %parallel_loop3A_802 = vector.shape_cast %parallel_loop3A_801 : vector<1x16xf32> to vector<16xf32>
        %parallel_loop3A_803 = arith.addf %parallel_loop3A_802, %get3A_198 : vector<16xf32>
        %parallel_loop3A_804 = arith.index_cast %parallel_loop3A_388 : i32 to index
        %parallel_loop3A_805 = arith.constant 656 : index
        %parallel_loop3A_806 = tpu.vector_load %arg11[%parallel_loop3A_804, %parallel_loop3A_805] {strides = array<i32>} : memref<32x768xf32, #tpu.memory_space<vmem>>, vector<1x16xf32>,
        %parallel_loop3A_807 = vector.shape_cast %parallel_loop3A_806 : vector<1x16xf32> to vector<16xf32>
        %parallel_loop3A_808 = vector.shape_cast %parallel_loop3A_803 : vector<16xf32> to vector<1x16xf32>
        tpu.vector_store %arg11[%parallel_loop3A_804, %parallel_loop3A_805], %parallel_loop3A_808 {strides = array<i32>} : memref<32x768xf32, #tpu.memory_space<vmem>>, vector<1x16xf32>,
        %parallel_loop3A_809 = arith.index_cast %parallel_loop3A_388 : i32 to index
        %parallel_loop3A_810 = arith.constant 672 : index
        %parallel_loop3A_811 = tpu.vector_load %arg9[%parallel_loop3A_809, %parallel_loop3A_810] {strides = array<i32>} : memref<32x768xf32, #tpu.memory_space<vmem>>, vector<1x16xf32>,
        %parallel_loop3A_812 = vector.shape_cast %parallel_loop3A_811 : vector<1x16xf32> to vector<16xf32>
        %parallel_loop3A_813 = arith.addf %parallel_loop3A_812, %get3A_202 : vector<16xf32>
        %parallel_loop3A_814 = arith.index_cast %parallel_loop3A_388 : i32 to index
        %parallel_loop3A_815 = arith.constant 672 : index
        %parallel_loop3A_816 = tpu.vector_load %arg11[%parallel_loop3A_814, %parallel_loop3A_815] {strides = array<i32>} : memref<32x768xf32, #tpu.memory_space<vmem>>, vector<1x16xf32>,
        %parallel_loop3A_817 = vector.shape_cast %parallel_loop3A_816 : vector<1x16xf32> to vector<16xf32>
        %parallel_loop3A_818 = vector.shape_cast %parallel_loop3A_813 : vector<16xf32> to vector<1x16xf32>
        tpu.vector_store %arg11[%parallel_loop3A_814, %parallel_loop3A_815], %parallel_loop3A_818 {strides = array<i32>} : memref<32x768xf32, #tpu.memory_space<vmem>>, vector<1x16xf32>,
        %parallel_loop3A_819 = arith.index_cast %parallel_loop3A_388 : i32 to index
        %parallel_loop3A_820 = arith.constant 688 : index
        %parallel_loop3A_821 = tpu.vector_load %arg9[%parallel_loop3A_819, %parallel_loop3A_820] {strides = array<i32>} : memref<32x768xf32, #tpu.memory_space<vmem>>, vector<1x16xf32>,
        %parallel_loop3A_822 = vector.shape_cast %parallel_loop3A_821 : vector<1x16xf32> to vector<16xf32>
        %parallel_loop3A_823 = arith.addf %parallel_loop3A_822, %get3A_206 : vector<16xf32>
        %parallel_loop3A_824 = arith.index_cast %parallel_loop3A_388 : i32 to index
        %parallel_loop3A_825 = arith.constant 688 : index
        %parallel_loop3A_826 = tpu.vector_load %arg11[%parallel_loop3A_824, %parallel_loop3A_825] {strides = array<i32>} : memref<32x768xf32, #tpu.memory_space<vmem>>, vector<1x16xf32>,
        %parallel_loop3A_827 = vector.shape_cast %parallel_loop3A_826 : vector<1x16xf32> to vector<16xf32>
        %parallel_loop3A_828 = vector.shape_cast %parallel_loop3A_823 : vector<16xf32> to vector<1x16xf32>
        tpu.vector_store %arg11[%parallel_loop3A_824, %parallel_loop3A_825], %parallel_loop3A_828 {strides = array<i32>} : memref<32x768xf32, #tpu.memory_space<vmem>>, vector<1x16xf32>,
        %parallel_loop3A_829 = arith.index_cast %parallel_loop3A_388 : i32 to index
        %parallel_loop3A_830 = arith.constant 704 : index
        %parallel_loop3A_831 = tpu.vector_load %arg9[%parallel_loop3A_829, %parallel_loop3A_830] {strides = array<i32>} : memref<32x768xf32, #tpu.memory_space<vmem>>, vector<1x16xf32>,
        %parallel_loop3A_832 = vector.shape_cast %parallel_loop3A_831 : vector<1x16xf32> to vector<16xf32>
        %parallel_loop3A_833 = arith.addf %parallel_loop3A_832, %get3A_210 : vector<16xf32>
        %parallel_loop3A_834 = arith.index_cast %parallel_loop3A_388 : i32 to index
        %parallel_loop3A_835 = arith.constant 704 : index
        %parallel_loop3A_836 = tpu.vector_load %arg11[%parallel_loop3A_834, %parallel_loop3A_835] {strides = array<i32>} : memref<32x768xf32, #tpu.memory_space<vmem>>, vector<1x16xf32>,
        %parallel_loop3A_837 = vector.shape_cast %parallel_loop3A_836 : vector<1x16xf32> to vector<16xf32>
        %parallel_loop3A_838 = vector.shape_cast %parallel_loop3A_833 : vector<16xf32> to vector<1x16xf32>
        tpu.vector_store %arg11[%parallel_loop3A_834, %parallel_loop3A_835], %parallel_loop3A_838 {strides = array<i32>} : memref<32x768xf32, #tpu.memory_space<vmem>>, vector<1x16xf32>,
        %parallel_loop3A_839 = arith.index_cast %parallel_loop3A_388 : i32 to index
        %parallel_loop3A_840 = arith.constant 720 : index
        %parallel_loop3A_841 = tpu.vector_load %arg9[%parallel_loop3A_839, %parallel_loop3A_840] {strides = array<i32>} : memref<32x768xf32, #tpu.memory_space<vmem>>, vector<1x16xf32>,
        %parallel_loop3A_842 = vector.shape_cast %parallel_loop3A_841 : vector<1x16xf32> to vector<16xf32>
        %parallel_loop3A_843 = arith.addf %parallel_loop3A_842, %get3A_214 : vector<16xf32>
        %parallel_loop3A_844 = arith.index_cast %parallel_loop3A_388 : i32 to index
        %parallel_loop3A_845 = arith.constant 720 : index
        %parallel_loop3A_846 = tpu.vector_load %arg11[%parallel_loop3A_844, %parallel_loop3A_845] {strides = array<i32>} : memref<32x768xf32, #tpu.memory_space<vmem>>, vector<1x16xf32>,
        %parallel_loop3A_847 = vector.shape_cast %parallel_loop3A_846 : vector<1x16xf32> to vector<16xf32>
        %parallel_loop3A_848 = vector.shape_cast %parallel_loop3A_843 : vector<16xf32> to vector<1x16xf32>
        tpu.vector_store %arg11[%parallel_loop3A_844, %parallel_loop3A_845], %parallel_loop3A_848 {strides = array<i32>} : memref<32x768xf32, #tpu.memory_space<vmem>>, vector<1x16xf32>,
        %parallel_loop3A_849 = arith.index_cast %parallel_loop3A_388 : i32 to index
        %parallel_loop3A_850 = arith.constant 736 : index
        %parallel_loop3A_851 = tpu.vector_load %arg9[%parallel_loop3A_849, %parallel_loop3A_850] {strides = array<i32>} : memref<32x768xf32, #tpu.memory_space<vmem>>, vector<1x16xf32>,
        %parallel_loop3A_852 = vector.shape_cast %parallel_loop3A_851 : vector<1x16xf32> to vector<16xf32>
        %parallel_loop3A_853 = arith.addf %parallel_loop3A_852, %get3A_218 : vector<16xf32>
        %parallel_loop3A_854 = arith.index_cast %parallel_loop3A_388 : i32 to index
        %parallel_loop3A_855 = arith.constant 736 : index
        %parallel_loop3A_856 = tpu.vector_load %arg11[%parallel_loop3A_854, %parallel_loop3A_855] {strides = array<i32>} : memref<32x768xf32, #tpu.memory_space<vmem>>, vector<1x16xf32>,
        %parallel_loop3A_857 = vector.shape_cast %parallel_loop3A_856 : vector<1x16xf32> to vector<16xf32>
        %parallel_loop3A_858 = vector.shape_cast %parallel_loop3A_853 : vector<16xf32> to vector<1x16xf32>
        tpu.vector_store %arg11[%parallel_loop3A_854, %parallel_loop3A_855], %parallel_loop3A_858 {strides = array<i32>} : memref<32x768xf32, #tpu.memory_space<vmem>>, vector<1x16xf32>,
        %parallel_loop3A_859 = arith.index_cast %parallel_loop3A_388 : i32 to index
        %parallel_loop3A_860 = arith.constant 752 : index
        %parallel_loop3A_861 = tpu.vector_load %arg9[%parallel_loop3A_859, %parallel_loop3A_860] {strides = array<i32>} : memref<32x768xf32, #tpu.memory_space<vmem>>, vector<1x16xf32>,
        %parallel_loop3A_862 = vector.shape_cast %parallel_loop3A_861 : vector<1x16xf32> to vector<16xf32>
        %parallel_loop3A_863 = arith.addf %parallel_loop3A_862, %get3A_222 : vector<16xf32>
        %parallel_loop3A_864 = arith.index_cast %parallel_loop3A_388 : i32 to index
        %parallel_loop3A_865 = arith.constant 752 : index
        %parallel_loop3A_866 = tpu.vector_load %arg11[%parallel_loop3A_864, %parallel_loop3A_865] {strides = array<i32>} : memref<32x768xf32, #tpu.memory_space<vmem>>, vector<1x16xf32>,
        %parallel_loop3A_867 = vector.shape_cast %parallel_loop3A_866 : vector<1x16xf32> to vector<16xf32>
        %parallel_loop3A_868 = vector.shape_cast %parallel_loop3A_863 : vector<16xf32> to vector<1x16xf32>
        tpu.vector_store %arg11[%parallel_loop3A_864, %parallel_loop3A_865], %parallel_loop3A_868 {strides = array<i32>} : memref<32x768xf32, #tpu.memory_space<vmem>>, vector<1x16xf32>,
      } {sc.loop_unroll_factor = 2 : i64, sc.parallel_access}
      %mul3A_279 = arith.constant 128 : i32
      %mul3A_280 = arith.muli %scan3A_27, %mul3A_279 : i32
      %add3A_281 = arith.constant 96 : i32
      %add3A_282 = arith.addi %mul3A_280, %add3A_281 : i32
      %dma_start3A_283 = tpu.memref_slice %arg6[%add3A_282] : memref<2048xi32, #tpu.memory_space<vmem>> -> memref<32xi32, #tpu.memory_space<vmem>>
      %dma_start3A_284 = arith.constant 0 : i32
      %dma_start3A_285 = arith.constant 0 : i32
      %dma_start3A_286 = tpu.memref_slice %arg3[%dma_start3A_284, %dma_start3A_285] : memref<50265x768xf32, #tpu.memory_space<hbm>> -> memref<50265x768xf32, #tpu.memory_space<hbm>>
      tpu.enqueue_indirect_dma source(%dma_start3A_286 : memref<50265x768xf32, #tpu.memory_space<hbm>>) target(%arg9 : memref<32x768xf32, #tpu.memory_space<vmem>>) offsets(%dma_start3A_283 : memref<32xi32, #tpu.memory_space<vmem>>) semaphore(%arg15 : memref<!tpu.dma_semaphore, #tpu.memory_space<semaphore_mem>>)
      %mul3A_287 = arith.constant 512 : i32
      %mul3A_288 = vector.broadcast %mul3A_287 : i32 to vector<16xi32>
      %mul3A_289 = arith.muli %iota3A, %mul3A_288 : vector<16xi32>
      %add3A_290 = arith.constant 16384 : i32
      %add3A_291 = arith.addi %add3A_290, %add3A_31 : i32
      %add3A_292 = vector.broadcast %add3A_291 : i32 to vector<16xi32>
      %add3A_293 = arith.addi %mul3A_289, %add3A_292 : vector<16xi32>
      %swap3A_294 = arith.constant 0 : index
      %swap3A_295 = tpu.vector_load %arg13[%swap3A_294] {strides = array<i32>} : memref<32xi32, #tpu.memory_space<vmem>>, vector<16xi32>,
      %swap3A_296 = vector.shape_cast %swap3A_295 : vector<16xi32> to vector<16xi32>
      %swap3A_297 = vector.shape_cast %add3A_293 : vector<16xi32> to vector<16xi32>
      tpu.vector_store %arg13[%swap3A_294], %swap3A_297 {strides = array<i32>} : memref<32xi32, #tpu.memory_space<vmem>>, vector<16xi32>,
      %add3A_298 = arith.constant 8192 : i32
      %add3A_299 = vector.broadcast %add3A_298 : i32 to vector<16xi32>
      %add3A_300 = arith.addi %add3A_293, %add3A_299 : vector<16xi32>
      %swap3A_301 = arith.constant 16 : index
      %swap3A_302 = tpu.vector_load %arg13[%swap3A_301] {strides = array<i32>} : memref<32xi32, #tpu.memory_space<vmem>>, vector<16xi32>,
      %swap3A_303 = vector.shape_cast %swap3A_302 : vector<16xi32> to vector<16xi32>
      %swap3A_304 = vector.shape_cast %add3A_300 : vector<16xi32> to vector<16xi32>
      tpu.vector_store %arg13[%swap3A_301], %swap3A_304 {strides = array<i32>} : memref<32xi32, #tpu.memory_space<vmem>>, vector<16xi32>,
      %dma_start3A_305 = arith.constant 0 : i32
      %dma_start3A_306 = arith.constant 0 : i32
      %dma_start3A_307 = tpu.memref_slice %arg5[%dma_start3A_305, %dma_start3A_306] : memref<65536x768xf32, #tpu.memory_space<hbm>> -> memref<65536x768xf32, #tpu.memory_space<hbm>>
      tpu.enqueue_indirect_dma source(%arg11 : memref<32x768xf32, #tpu.memory_space<vmem>>) target(%dma_start3A_307 : memref<65536x768xf32, #tpu.memory_space<hbm>>) offsets(%arg13 : memref<32xi32, #tpu.memory_space<vmem>>) semaphore(%arg17 : memref<!tpu.dma_semaphore, #tpu.memory_space<semaphore_mem>>)
      %mul3A_308 = arith.constant 128 : i32
      %mul3A_309 = arith.muli %scan3A_27, %mul3A_308 : i32
      %add3A_310 = arith.constant 64 : i32
      %add3A_311 = arith.addi %mul3A_309, %add3A_310 : i32
      %dma_wait3A_312 = tpu.memref_slice %arg6[%add3A_311] : memref<2048xi32, #tpu.memory_space<vmem>> -> memref<32xi32, #tpu.memory_space<vmem>>
      %dma_wait3A_313 = arith.constant 0 : i32
      %dma_wait3A_314 = arith.constant 0 : i32
      %dma_wait3A_315 = tpu.memref_slice %arg3[%dma_wait3A_313, %dma_wait3A_314] : memref<50265x768xf32, #tpu.memory_space<hbm>> -> memref<50265x768xf32, #tpu.memory_space<hbm>>
      tpu.wait_indirect_dma semaphore(%arg14 : memref<!tpu.dma_semaphore, #tpu.memory_space<semaphore_mem>>) src(%dma_wait3A_315 : memref<50265x768xf32, #tpu.memory_space<hbm>>) dst(%arg8 : memref<32x768xf32, #tpu.memory_space<vmem>>)
      %dma_wait3A_316 = arith.constant 0 : i32
      %dma_wait3A_317 = arith.constant 0 : i32
      %dma_wait3A_318 = tpu.memref_slice %arg5[%dma_wait3A_316, %dma_wait3A_317] : memref<65536x768xf32, #tpu.memory_space<hbm>> -> memref<65536x768xf32, #tpu.memory_space<hbm>>
      tpu.wait_indirect_dma semaphore(%arg16 : memref<!tpu.dma_semaphore, #tpu.memory_space<semaphore_mem>>) src(%arg10 : memref<32x768xf32, #tpu.memory_space<vmem>>) dst(%dma_wait3A_318 : memref<65536x768xf32, #tpu.memory_space<hbm>>)
      %parallel_loop3A_319 = arith.constant 0 : i32
      %parallel_loop3A_320 = arith.constant 32 : i32
      %parallel_loop3A_321 = arith.constant 1 : i32
      scf.for %parallel_loop3A_388 = %parallel_loop3A_319 to %parallel_loop3A_320 step %parallel_loop3A_321  : i32 {
        %parallel_loop3A_389 = arith.index_cast %parallel_loop3A_388 : i32 to index
        %parallel_loop3A_390 = arith.constant 0 : index
        %parallel_loop3A_391 = tpu.vector_load %arg8[%parallel_loop3A_389, %parallel_loop3A_390] {strides = array<i32>} : memref<32x768xf32, #tpu.memory_space<vmem>>, vector<1x16xf32>,
        %parallel_loop3A_392 = vector.shape_cast %parallel_loop3A_391 : vector<1x16xf32> to vector<16xf32>
        %parallel_loop3A_393 = arith.addf %parallel_loop3A_392, %get3A_34 : vector<16xf32>
        %parallel_loop3A_394 = arith.index_cast %parallel_loop3A_388 : i32 to index
        %parallel_loop3A_395 = arith.constant 0 : index
        %parallel_loop3A_396 = tpu.vector_load %arg10[%parallel_loop3A_394, %parallel_loop3A_395] {strides = array<i32>} : memref<32x768xf32, #tpu.memory_space<vmem>>, vector<1x16xf32>,
        %parallel_loop3A_397 = vector.shape_cast %parallel_loop3A_396 : vector<1x16xf32> to vector<16xf32>
        %parallel_loop3A_398 = vector.shape_cast %parallel_loop3A_393 : vector<16xf32> to vector<1x16xf32>
        tpu.vector_store %arg10[%parallel_loop3A_394, %parallel_loop3A_395], %parallel_loop3A_398 {strides = array<i32>} : memref<32x768xf32, #tpu.memory_space<vmem>>, vector<1x16xf32>,
        %parallel_loop3A_399 = arith.index_cast %parallel_loop3A_388 : i32 to index
        %parallel_loop3A_400 = arith.constant 16 : index
        %parallel_loop3A_401 = tpu.vector_load %arg8[%parallel_loop3A_399, %parallel_loop3A_400] {strides = array<i32>} : memref<32x768xf32, #tpu.memory_space<vmem>>, vector<1x16xf32>,
        %parallel_loop3A_402 = vector.shape_cast %parallel_loop3A_401 : vector<1x16xf32> to vector<16xf32>
        %parallel_loop3A_403 = arith.addf %parallel_loop3A_402, %get3A_38 : vector<16xf32>
        %parallel_loop3A_404 = arith.index_cast %parallel_loop3A_388 : i32 to index
        %parallel_loop3A_405 = arith.constant 16 : index
        %parallel_loop3A_406 = tpu.vector_load %arg10[%parallel_loop3A_404, %parallel_loop3A_405] {strides = array<i32>} : memref<32x768xf32, #tpu.memory_space<vmem>>, vector<1x16xf32>,
        %parallel_loop3A_407 = vector.shape_cast %parallel_loop3A_406 : vector<1x16xf32> to vector<16xf32>
        %parallel_loop3A_408 = vector.shape_cast %parallel_loop3A_403 : vector<16xf32> to vector<1x16xf32>
        tpu.vector_store %arg10[%parallel_loop3A_404, %parallel_loop3A_405], %parallel_loop3A_408 {strides = array<i32>} : memref<32x768xf32, #tpu.memory_space<vmem>>, vector<1x16xf32>,
        %parallel_loop3A_409 = arith.index_cast %parallel_loop3A_388 : i32 to index
        %parallel_loop3A_410 = arith.constant 32 : index
        %parallel_loop3A_411 = tpu.vector_load %arg8[%parallel_loop3A_409, %parallel_loop3A_410] {strides = array<i32>} : memref<32x768xf32, #tpu.memory_space<vmem>>, vector<1x16xf32>,
        %parallel_loop3A_412 = vector.shape_cast %parallel_loop3A_411 : vector<1x16xf32> to vector<16xf32>
        %parallel_loop3A_413 = arith.addf %parallel_loop3A_412, %get3A_42 : vector<16xf32>
        %parallel_loop3A_414 = arith.index_cast %parallel_loop3A_388 : i32 to index
        %parallel_loop3A_415 = arith.constant 32 : index
        %parallel_loop3A_416 = tpu.vector_load %arg10[%parallel_loop3A_414, %parallel_loop3A_415] {strides = array<i32>} : memref<32x768xf32, #tpu.memory_space<vmem>>, vector<1x16xf32>,
        %parallel_loop3A_417 = vector.shape_cast %parallel_loop3A_416 : vector<1x16xf32> to vector<16xf32>
        %parallel_loop3A_418 = vector.shape_cast %parallel_loop3A_413 : vector<16xf32> to vector<1x16xf32>
        tpu.vector_store %arg10[%parallel_loop3A_414, %parallel_loop3A_415], %parallel_loop3A_418 {strides = array<i32>} : memref<32x768xf32, #tpu.memory_space<vmem>>, vector<1x16xf32>,
        %parallel_loop3A_419 = arith.index_cast %parallel_loop3A_388 : i32 to index
        %parallel_loop3A_420 = arith.constant 48 : index
        %parallel_loop3A_421 = tpu.vector_load %arg8[%parallel_loop3A_419, %parallel_loop3A_420] {strides = array<i32>} : memref<32x768xf32, #tpu.memory_space<vmem>>, vector<1x16xf32>,
        %parallel_loop3A_422 = vector.shape_cast %parallel_loop3A_421 : vector<1x16xf32> to vector<16xf32>
        %parallel_loop3A_423 = arith.addf %parallel_loop3A_422, %get3A_46 : vector<16xf32>
        %parallel_loop3A_424 = arith.index_cast %parallel_loop3A_388 : i32 to index
        %parallel_loop3A_425 = arith.constant 48 : index
        %parallel_loop3A_426 = tpu.vector_load %arg10[%parallel_loop3A_424, %parallel_loop3A_425] {strides = array<i32>} : memref<32x768xf32, #tpu.memory_space<vmem>>, vector<1x16xf32>,
        %parallel_loop3A_427 = vector.shape_cast %parallel_loop3A_426 : vector<1x16xf32> to vector<16xf32>
        %parallel_loop3A_428 = vector.shape_cast %parallel_loop3A_423 : vector<16xf32> to vector<1x16xf32>
        tpu.vector_store %arg10[%parallel_loop3A_424, %parallel_loop3A_425], %parallel_loop3A_428 {strides = array<i32>} : memref<32x768xf32, #tpu.memory_space<vmem>>, vector<1x16xf32>,
        %parallel_loop3A_429 = arith.index_cast %parallel_loop3A_388 : i32 to index
        %parallel_loop3A_430 = arith.constant 64 : index
        %parallel_loop3A_431 = tpu.vector_load %arg8[%parallel_loop3A_429, %parallel_loop3A_430] {strides = array<i32>} : memref<32x768xf32, #tpu.memory_space<vmem>>, vector<1x16xf32>,
        %parallel_loop3A_432 = vector.shape_cast %parallel_loop3A_431 : vector<1x16xf32> to vector<16xf32>
        %parallel_loop3A_433 = arith.addf %parallel_loop3A_432, %get3A_50 : vector<16xf32>
        %parallel_loop3A_434 = arith.index_cast %parallel_loop3A_388 : i32 to index
        %parallel_loop3A_435 = arith.constant 64 : index
        %parallel_loop3A_436 = tpu.vector_load %arg10[%parallel_loop3A_434, %parallel_loop3A_435] {strides = array<i32>} : memref<32x768xf32, #tpu.memory_space<vmem>>, vector<1x16xf32>,
        %parallel_loop3A_437 = vector.shape_cast %parallel_loop3A_436 : vector<1x16xf32> to vector<16xf32>
        %parallel_loop3A_438 = vector.shape_cast %parallel_loop3A_433 : vector<16xf32> to vector<1x16xf32>
        tpu.vector_store %arg10[%parallel_loop3A_434, %parallel_loop3A_435], %parallel_loop3A_438 {strides = array<i32>} : memref<32x768xf32, #tpu.memory_space<vmem>>, vector<1x16xf32>,
        %parallel_loop3A_439 = arith.index_cast %parallel_loop3A_388 : i32 to index
        %parallel_loop3A_440 = arith.constant 80 : index
        %parallel_loop3A_441 = tpu.vector_load %arg8[%parallel_loop3A_439, %parallel_loop3A_440] {strides = array<i32>} : memref<32x768xf32, #tpu.memory_space<vmem>>, vector<1x16xf32>,
        %parallel_loop3A_442 = vector.shape_cast %parallel_loop3A_441 : vector<1x16xf32> to vector<16xf32>
        %parallel_loop3A_443 = arith.addf %parallel_loop3A_442, %get3A_54 : vector<16xf32>
        %parallel_loop3A_444 = arith.index_cast %parallel_loop3A_388 : i32 to index
        %parallel_loop3A_445 = arith.constant 80 : index
        %parallel_loop3A_446 = tpu.vector_load %arg10[%parallel_loop3A_444, %parallel_loop3A_445] {strides = array<i32>} : memref<32x768xf32, #tpu.memory_space<vmem>>, vector<1x16xf32>,
        %parallel_loop3A_447 = vector.shape_cast %parallel_loop3A_446 : vector<1x16xf32> to vector<16xf32>
        %parallel_loop3A_448 = vector.shape_cast %parallel_loop3A_443 : vector<16xf32> to vector<1x16xf32>
        tpu.vector_store %arg10[%parallel_loop3A_444, %parallel_loop3A_445], %parallel_loop3A_448 {strides = array<i32>} : memref<32x768xf32, #tpu.memory_space<vmem>>, vector<1x16xf32>,
        %parallel_loop3A_449 = arith.index_cast %parallel_loop3A_388 : i32 to index
        %parallel_loop3A_450 = arith.constant 96 : index
        %parallel_loop3A_451 = tpu.vector_load %arg8[%parallel_loop3A_449, %parallel_loop3A_450] {strides = array<i32>} : memref<32x768xf32, #tpu.memory_space<vmem>>, vector<1x16xf32>,
        %parallel_loop3A_452 = vector.shape_cast %parallel_loop3A_451 : vector<1x16xf32> to vector<16xf32>
        %parallel_loop3A_453 = arith.addf %parallel_loop3A_452, %get3A_58 : vector<16xf32>
        %parallel_loop3A_454 = arith.index_cast %parallel_loop3A_388 : i32 to index
        %parallel_loop3A_455 = arith.constant 96 : index
        %parallel_loop3A_456 = tpu.vector_load %arg10[%parallel_loop3A_454, %parallel_loop3A_455] {strides = array<i32>} : memref<32x768xf32, #tpu.memory_space<vmem>>, vector<1x16xf32>,
        %parallel_loop3A_457 = vector.shape_cast %parallel_loop3A_456 : vector<1x16xf32> to vector<16xf32>
        %parallel_loop3A_458 = vector.shape_cast %parallel_loop3A_453 : vector<16xf32> to vector<1x16xf32>
        tpu.vector_store %arg10[%parallel_loop3A_454, %parallel_loop3A_455], %parallel_loop3A_458 {strides = array<i32>} : memref<32x768xf32, #tpu.memory_space<vmem>>, vector<1x16xf32>,
        %parallel_loop3A_459 = arith.index_cast %parallel_loop3A_388 : i32 to index
        %parallel_loop3A_460 = arith.constant 112 : index
        %parallel_loop3A_461 = tpu.vector_load %arg8[%parallel_loop3A_459, %parallel_loop3A_460] {strides = array<i32>} : memref<32x768xf32, #tpu.memory_space<vmem>>, vector<1x16xf32>,
        %parallel_loop3A_462 = vector.shape_cast %parallel_loop3A_461 : vector<1x16xf32> to vector<16xf32>
        %parallel_loop3A_463 = arith.addf %parallel_loop3A_462, %get3A_62 : vector<16xf32>
        %parallel_loop3A_464 = arith.index_cast %parallel_loop3A_388 : i32 to index
        %parallel_loop3A_465 = arith.constant 112 : index
        %parallel_loop3A_466 = tpu.vector_load %arg10[%parallel_loop3A_464, %parallel_loop3A_465] {strides = array<i32>} : memref<32x768xf32, #tpu.memory_space<vmem>>, vector<1x16xf32>,
        %parallel_loop3A_467 = vector.shape_cast %parallel_loop3A_466 : vector<1x16xf32> to vector<16xf32>
        %parallel_loop3A_468 = vector.shape_cast %parallel_loop3A_463 : vector<16xf32> to vector<1x16xf32>
        tpu.vector_store %arg10[%parallel_loop3A_464, %parallel_loop3A_465], %parallel_loop3A_468 {strides = array<i32>} : memref<32x768xf32, #tpu.memory_space<vmem>>, vector<1x16xf32>,
        %parallel_loop3A_469 = arith.index_cast %parallel_loop3A_388 : i32 to index
        %parallel_loop3A_470 = arith.constant 128 : index
        %parallel_loop3A_471 = tpu.vector_load %arg8[%parallel_loop3A_469, %parallel_loop3A_470] {strides = array<i32>} : memref<32x768xf32, #tpu.memory_space<vmem>>, vector<1x16xf32>,
        %parallel_loop3A_472 = vector.shape_cast %parallel_loop3A_471 : vector<1x16xf32> to vector<16xf32>
        %parallel_loop3A_473 = arith.addf %parallel_loop3A_472, %get3A_66 : vector<16xf32>
        %parallel_loop3A_474 = arith.index_cast %parallel_loop3A_388 : i32 to index
        %parallel_loop3A_475 = arith.constant 128 : index
        %parallel_loop3A_476 = tpu.vector_load %arg10[%parallel_loop3A_474, %parallel_loop3A_475] {strides = array<i32>} : memref<32x768xf32, #tpu.memory_space<vmem>>, vector<1x16xf32>,
        %parallel_loop3A_477 = vector.shape_cast %parallel_loop3A_476 : vector<1x16xf32> to vector<16xf32>
        %parallel_loop3A_478 = vector.shape_cast %parallel_loop3A_473 : vector<16xf32> to vector<1x16xf32>
        tpu.vector_store %arg10[%parallel_loop3A_474, %parallel_loop3A_475], %parallel_loop3A_478 {strides = array<i32>} : memref<32x768xf32, #tpu.memory_space<vmem>>, vector<1x16xf32>,
        %parallel_loop3A_479 = arith.index_cast %parallel_loop3A_388 : i32 to index
        %parallel_loop3A_480 = arith.constant 144 : index
        %parallel_loop3A_481 = tpu.vector_load %arg8[%parallel_loop3A_479, %parallel_loop3A_480] {strides = array<i32>} : memref<32x768xf32, #tpu.memory_space<vmem>>, vector<1x16xf32>,
        %parallel_loop3A_482 = vector.shape_cast %parallel_loop3A_481 : vector<1x16xf32> to vector<16xf32>
        %parallel_loop3A_483 = arith.addf %parallel_loop3A_482, %get3A_70 : vector<16xf32>
        %parallel_loop3A_484 = arith.index_cast %parallel_loop3A_388 : i32 to index
        %parallel_loop3A_485 = arith.constant 144 : index
        %parallel_loop3A_486 = tpu.vector_load %arg10[%parallel_loop3A_484, %parallel_loop3A_485] {strides = array<i32>} : memref<32x768xf32, #tpu.memory_space<vmem>>, vector<1x16xf32>,
        %parallel_loop3A_487 = vector.shape_cast %parallel_loop3A_486 : vector<1x16xf32> to vector<16xf32>
        %parallel_loop3A_488 = vector.shape_cast %parallel_loop3A_483 : vector<16xf32> to vector<1x16xf32>
        tpu.vector_store %arg10[%parallel_loop3A_484, %parallel_loop3A_485], %parallel_loop3A_488 {strides = array<i32>} : memref<32x768xf32, #tpu.memory_space<vmem>>, vector<1x16xf32>,
        %parallel_loop3A_489 = arith.index_cast %parallel_loop3A_388 : i32 to index
        %parallel_loop3A_490 = arith.constant 160 : index
        %parallel_loop3A_491 = tpu.vector_load %arg8[%parallel_loop3A_489, %parallel_loop3A_490] {strides = array<i32>} : memref<32x768xf32, #tpu.memory_space<vmem>>, vector<1x16xf32>,
        %parallel_loop3A_492 = vector.shape_cast %parallel_loop3A_491 : vector<1x16xf32> to vector<16xf32>
        %parallel_loop3A_493 = arith.addf %parallel_loop3A_492, %get3A_74 : vector<16xf32>
        %parallel_loop3A_494 = arith.index_cast %parallel_loop3A_388 : i32 to index
        %parallel_loop3A_495 = arith.constant 160 : index
        %parallel_loop3A_496 = tpu.vector_load %arg10[%parallel_loop3A_494, %parallel_loop3A_495] {strides = array<i32>} : memref<32x768xf32, #tpu.memory_space<vmem>>, vector<1x16xf32>,
        %parallel_loop3A_497 = vector.shape_cast %parallel_loop3A_496 : vector<1x16xf32> to vector<16xf32>
        %parallel_loop3A_498 = vector.shape_cast %parallel_loop3A_493 : vector<16xf32> to vector<1x16xf32>
        tpu.vector_store %arg10[%parallel_loop3A_494, %parallel_loop3A_495], %parallel_loop3A_498 {strides = array<i32>} : memref<32x768xf32, #tpu.memory_space<vmem>>, vector<1x16xf32>,
        %parallel_loop3A_499 = arith.index_cast %parallel_loop3A_388 : i32 to index
        %parallel_loop3A_500 = arith.constant 176 : index
        %parallel_loop3A_501 = tpu.vector_load %arg8[%parallel_loop3A_499, %parallel_loop3A_500] {strides = array<i32>} : memref<32x768xf32, #tpu.memory_space<vmem>>, vector<1x16xf32>,
        %parallel_loop3A_502 = vector.shape_cast %parallel_loop3A_501 : vector<1x16xf32> to vector<16xf32>
        %parallel_loop3A_503 = arith.addf %parallel_loop3A_502, %get3A_78 : vector<16xf32>
        %parallel_loop3A_504 = arith.index_cast %parallel_loop3A_388 : i32 to index
        %parallel_loop3A_505 = arith.constant 176 : index
        %parallel_loop3A_506 = tpu.vector_load %arg10[%parallel_loop3A_504, %parallel_loop3A_505] {strides = array<i32>} : memref<32x768xf32, #tpu.memory_space<vmem>>, vector<1x16xf32>,
        %parallel_loop3A_507 = vector.shape_cast %parallel_loop3A_506 : vector<1x16xf32> to vector<16xf32>
        %parallel_loop3A_508 = vector.shape_cast %parallel_loop3A_503 : vector<16xf32> to vector<1x16xf32>
        tpu.vector_store %arg10[%parallel_loop3A_504, %parallel_loop3A_505], %parallel_loop3A_508 {strides = array<i32>} : memref<32x768xf32, #tpu.memory_space<vmem>>, vector<1x16xf32>,
        %parallel_loop3A_509 = arith.index_cast %parallel_loop3A_388 : i32 to index
        %parallel_loop3A_510 = arith.constant 192 : index
        %parallel_loop3A_511 = tpu.vector_load %arg8[%parallel_loop3A_509, %parallel_loop3A_510] {strides = array<i32>} : memref<32x768xf32, #tpu.memory_space<vmem>>, vector<1x16xf32>,
        %parallel_loop3A_512 = vector.shape_cast %parallel_loop3A_511 : vector<1x16xf32> to vector<16xf32>
        %parallel_loop3A_513 = arith.addf %parallel_loop3A_512, %get3A_82 : vector<16xf32>
        %parallel_loop3A_514 = arith.index_cast %parallel_loop3A_388 : i32 to index
        %parallel_loop3A_515 = arith.constant 192 : index
        %parallel_loop3A_516 = tpu.vector_load %arg10[%parallel_loop3A_514, %parallel_loop3A_515] {strides = array<i32>} : memref<32x768xf32, #tpu.memory_space<vmem>>, vector<1x16xf32>,
        %parallel_loop3A_517 = vector.shape_cast %parallel_loop3A_516 : vector<1x16xf32> to vector<16xf32>
        %parallel_loop3A_518 = vector.shape_cast %parallel_loop3A_513 : vector<16xf32> to vector<1x16xf32>
        tpu.vector_store %arg10[%parallel_loop3A_514, %parallel_loop3A_515], %parallel_loop3A_518 {strides = array<i32>} : memref<32x768xf32, #tpu.memory_space<vmem>>, vector<1x16xf32>,
        %parallel_loop3A_519 = arith.index_cast %parallel_loop3A_388 : i32 to index
        %parallel_loop3A_520 = arith.constant 208 : index
        %parallel_loop3A_521 = tpu.vector_load %arg8[%parallel_loop3A_519, %parallel_loop3A_520] {strides = array<i32>} : memref<32x768xf32, #tpu.memory_space<vmem>>, vector<1x16xf32>,
        %parallel_loop3A_522 = vector.shape_cast %parallel_loop3A_521 : vector<1x16xf32> to vector<16xf32>
        %parallel_loop3A_523 = arith.addf %parallel_loop3A_522, %get3A_86 : vector<16xf32>
        %parallel_loop3A_524 = arith.index_cast %parallel_loop3A_388 : i32 to index
        %parallel_loop3A_525 = arith.constant 208 : index
        %parallel_loop3A_526 = tpu.vector_load %arg10[%parallel_loop3A_524, %parallel_loop3A_525] {strides = array<i32>} : memref<32x768xf32, #tpu.memory_space<vmem>>, vector<1x16xf32>,
        %parallel_loop3A_527 = vector.shape_cast %parallel_loop3A_526 : vector<1x16xf32> to vector<16xf32>
        %parallel_loop3A_528 = vector.shape_cast %parallel_loop3A_523 : vector<16xf32> to vector<1x16xf32>
        tpu.vector_store %arg10[%parallel_loop3A_524, %parallel_loop3A_525], %parallel_loop3A_528 {strides = array<i32>} : memref<32x768xf32, #tpu.memory_space<vmem>>, vector<1x16xf32>,
        %parallel_loop3A_529 = arith.index_cast %parallel_loop3A_388 : i32 to index
        %parallel_loop3A_530 = arith.constant 224 : index
        %parallel_loop3A_531 = tpu.vector_load %arg8[%parallel_loop3A_529, %parallel_loop3A_530] {strides = array<i32>} : memref<32x768xf32, #tpu.memory_space<vmem>>, vector<1x16xf32>,
        %parallel_loop3A_532 = vector.shape_cast %parallel_loop3A_531 : vector<1x16xf32> to vector<16xf32>
        %parallel_loop3A_533 = arith.addf %parallel_loop3A_532, %get3A_90 : vector<16xf32>
        %parallel_loop3A_534 = arith.index_cast %parallel_loop3A_388 : i32 to index
        %parallel_loop3A_535 = arith.constant 224 : index
        %parallel_loop3A_536 = tpu.vector_load %arg10[%parallel_loop3A_534, %parallel_loop3A_535] {strides = array<i32>} : memref<32x768xf32, #tpu.memory_space<vmem>>, vector<1x16xf32>,
        %parallel_loop3A_537 = vector.shape_cast %parallel_loop3A_536 : vector<1x16xf32> to vector<16xf32>
        %parallel_loop3A_538 = vector.shape_cast %parallel_loop3A_533 : vector<16xf32> to vector<1x16xf32>
        tpu.vector_store %arg10[%parallel_loop3A_534, %parallel_loop3A_535], %parallel_loop3A_538 {strides = array<i32>} : memref<32x768xf32, #tpu.memory_space<vmem>>, vector<1x16xf32>,
        %parallel_loop3A_539 = arith.index_cast %parallel_loop3A_388 : i32 to index
        %parallel_loop3A_540 = arith.constant 240 : index
        %parallel_loop3A_541 = tpu.vector_load %arg8[%parallel_loop3A_539, %parallel_loop3A_540] {strides = array<i32>} : memref<32x768xf32, #tpu.memory_space<vmem>>, vector<1x16xf32>,
        %parallel_loop3A_542 = vector.shape_cast %parallel_loop3A_541 : vector<1x16xf32> to vector<16xf32>
        %parallel_loop3A_543 = arith.addf %parallel_loop3A_542, %get3A_94 : vector<16xf32>
        %parallel_loop3A_544 = arith.index_cast %parallel_loop3A_388 : i32 to index
        %parallel_loop3A_545 = arith.constant 240 : index
        %parallel_loop3A_546 = tpu.vector_load %arg10[%parallel_loop3A_544, %parallel_loop3A_545] {strides = array<i32>} : memref<32x768xf32, #tpu.memory_space<vmem>>, vector<1x16xf32>,
        %parallel_loop3A_547 = vector.shape_cast %parallel_loop3A_546 : vector<1x16xf32> to vector<16xf32>
        %parallel_loop3A_548 = vector.shape_cast %parallel_loop3A_543 : vector<16xf32> to vector<1x16xf32>
        tpu.vector_store %arg10[%parallel_loop3A_544, %parallel_loop3A_545], %parallel_loop3A_548 {strides = array<i32>} : memref<32x768xf32, #tpu.memory_space<vmem>>, vector<1x16xf32>,
        %parallel_loop3A_549 = arith.index_cast %parallel_loop3A_388 : i32 to index
        %parallel_loop3A_550 = arith.constant 256 : index
        %parallel_loop3A_551 = tpu.vector_load %arg8[%parallel_loop3A_549, %parallel_loop3A_550] {strides = array<i32>} : memref<32x768xf32, #tpu.memory_space<vmem>>, vector<1x16xf32>,
        %parallel_loop3A_552 = vector.shape_cast %parallel_loop3A_551 : vector<1x16xf32> to vector<16xf32>
        %parallel_loop3A_553 = arith.addf %parallel_loop3A_552, %get3A_98 : vector<16xf32>
        %parallel_loop3A_554 = arith.index_cast %parallel_loop3A_388 : i32 to index
        %parallel_loop3A_555 = arith.constant 256 : index
        %parallel_loop3A_556 = tpu.vector_load %arg10[%parallel_loop3A_554, %parallel_loop3A_555] {strides = array<i32>} : memref<32x768xf32, #tpu.memory_space<vmem>>, vector<1x16xf32>,
        %parallel_loop3A_557 = vector.shape_cast %parallel_loop3A_556 : vector<1x16xf32> to vector<16xf32>
        %parallel_loop3A_558 = vector.shape_cast %parallel_loop3A_553 : vector<16xf32> to vector<1x16xf32>
        tpu.vector_store %arg10[%parallel_loop3A_554, %parallel_loop3A_555], %parallel_loop3A_558 {strides = array<i32>} : memref<32x768xf32, #tpu.memory_space<vmem>>, vector<1x16xf32>,
        %parallel_loop3A_559 = arith.index_cast %parallel_loop3A_388 : i32 to index
        %parallel_loop3A_560 = arith.constant 272 : index
        %parallel_loop3A_561 = tpu.vector_load %arg8[%parallel_loop3A_559, %parallel_loop3A_560] {strides = array<i32>} : memref<32x768xf32, #tpu.memory_space<vmem>>, vector<1x16xf32>,
        %parallel_loop3A_562 = vector.shape_cast %parallel_loop3A_561 : vector<1x16xf32> to vector<16xf32>
        %parallel_loop3A_563 = arith.addf %parallel_loop3A_562, %get3A_102 : vector<16xf32>
        %parallel_loop3A_564 = arith.index_cast %parallel_loop3A_388 : i32 to index
        %parallel_loop3A_565 = arith.constant 272 : index
        %parallel_loop3A_566 = tpu.vector_load %arg10[%parallel_loop3A_564, %parallel_loop3A_565] {strides = array<i32>} : memref<32x768xf32, #tpu.memory_space<vmem>>, vector<1x16xf32>,
        %parallel_loop3A_567 = vector.shape_cast %parallel_loop3A_566 : vector<1x16xf32> to vector<16xf32>
        %parallel_loop3A_568 = vector.shape_cast %parallel_loop3A_563 : vector<16xf32> to vector<1x16xf32>
        tpu.vector_store %arg10[%parallel_loop3A_564, %parallel_loop3A_565], %parallel_loop3A_568 {strides = array<i32>} : memref<32x768xf32, #tpu.memory_space<vmem>>, vector<1x16xf32>,
        %parallel_loop3A_569 = arith.index_cast %parallel_loop3A_388 : i32 to index
        %parallel_loop3A_570 = arith.constant 288 : index
        %parallel_loop3A_571 = tpu.vector_load %arg8[%parallel_loop3A_569, %parallel_loop3A_570] {strides = array<i32>} : memref<32x768xf32, #tpu.memory_space<vmem>>, vector<1x16xf32>,
        %parallel_loop3A_572 = vector.shape_cast %parallel_loop3A_571 : vector<1x16xf32> to vector<16xf32>
        %parallel_loop3A_573 = arith.addf %parallel_loop3A_572, %get3A_106 : vector<16xf32>
        %parallel_loop3A_574 = arith.index_cast %parallel_loop3A_388 : i32 to index
        %parallel_loop3A_575 = arith.constant 288 : index
        %parallel_loop3A_576 = tpu.vector_load %arg10[%parallel_loop3A_574, %parallel_loop3A_575] {strides = array<i32>} : memref<32x768xf32, #tpu.memory_space<vmem>>, vector<1x16xf32>,
        %parallel_loop3A_577 = vector.shape_cast %parallel_loop3A_576 : vector<1x16xf32> to vector<16xf32>
        %parallel_loop3A_578 = vector.shape_cast %parallel_loop3A_573 : vector<16xf32> to vector<1x16xf32>
        tpu.vector_store %arg10[%parallel_loop3A_574, %parallel_loop3A_575], %parallel_loop3A_578 {strides = array<i32>} : memref<32x768xf32, #tpu.memory_space<vmem>>, vector<1x16xf32>,
        %parallel_loop3A_579 = arith.index_cast %parallel_loop3A_388 : i32 to index
        %parallel_loop3A_580 = arith.constant 304 : index
        %parallel_loop3A_581 = tpu.vector_load %arg8[%parallel_loop3A_579, %parallel_loop3A_580] {strides = array<i32>} : memref<32x768xf32, #tpu.memory_space<vmem>>, vector<1x16xf32>,
        %parallel_loop3A_582 = vector.shape_cast %parallel_loop3A_581 : vector<1x16xf32> to vector<16xf32>
        %parallel_loop3A_583 = arith.addf %parallel_loop3A_582, %get3A_110 : vector<16xf32>
        %parallel_loop3A_584 = arith.index_cast %parallel_loop3A_388 : i32 to index
        %parallel_loop3A_585 = arith.constant 304 : index
        %parallel_loop3A_586 = tpu.vector_load %arg10[%parallel_loop3A_584, %parallel_loop3A_585] {strides = array<i32>} : memref<32x768xf32, #tpu.memory_space<vmem>>, vector<1x16xf32>,
        %parallel_loop3A_587 = vector.shape_cast %parallel_loop3A_586 : vector<1x16xf32> to vector<16xf32>
        %parallel_loop3A_588 = vector.shape_cast %parallel_loop3A_583 : vector<16xf32> to vector<1x16xf32>
        tpu.vector_store %arg10[%parallel_loop3A_584, %parallel_loop3A_585], %parallel_loop3A_588 {strides = array<i32>} : memref<32x768xf32, #tpu.memory_space<vmem>>, vector<1x16xf32>,
        %parallel_loop3A_589 = arith.index_cast %parallel_loop3A_388 : i32 to index
        %parallel_loop3A_590 = arith.constant 320 : index
        %parallel_loop3A_591 = tpu.vector_load %arg8[%parallel_loop3A_589, %parallel_loop3A_590] {strides = array<i32>} : memref<32x768xf32, #tpu.memory_space<vmem>>, vector<1x16xf32>,
        %parallel_loop3A_592 = vector.shape_cast %parallel_loop3A_591 : vector<1x16xf32> to vector<16xf32>
        %parallel_loop3A_593 = arith.addf %parallel_loop3A_592, %get3A_114 : vector<16xf32>
        %parallel_loop3A_594 = arith.index_cast %parallel_loop3A_388 : i32 to index
        %parallel_loop3A_595 = arith.constant 320 : index
        %parallel_loop3A_596 = tpu.vector_load %arg10[%parallel_loop3A_594, %parallel_loop3A_595] {strides = array<i32>} : memref<32x768xf32, #tpu.memory_space<vmem>>, vector<1x16xf32>,
        %parallel_loop3A_597 = vector.shape_cast %parallel_loop3A_596 : vector<1x16xf32> to vector<16xf32>
        %parallel_loop3A_598 = vector.shape_cast %parallel_loop3A_593 : vector<16xf32> to vector<1x16xf32>
        tpu.vector_store %arg10[%parallel_loop3A_594, %parallel_loop3A_595], %parallel_loop3A_598 {strides = array<i32>} : memref<32x768xf32, #tpu.memory_space<vmem>>, vector<1x16xf32>,
        %parallel_loop3A_599 = arith.index_cast %parallel_loop3A_388 : i32 to index
        %parallel_loop3A_600 = arith.constant 336 : index
        %parallel_loop3A_601 = tpu.vector_load %arg8[%parallel_loop3A_599, %parallel_loop3A_600] {strides = array<i32>} : memref<32x768xf32, #tpu.memory_space<vmem>>, vector<1x16xf32>,
        %parallel_loop3A_602 = vector.shape_cast %parallel_loop3A_601 : vector<1x16xf32> to vector<16xf32>
        %parallel_loop3A_603 = arith.addf %parallel_loop3A_602, %get3A_118 : vector<16xf32>
        %parallel_loop3A_604 = arith.index_cast %parallel_loop3A_388 : i32 to index
        %parallel_loop3A_605 = arith.constant 336 : index
        %parallel_loop3A_606 = tpu.vector_load %arg10[%parallel_loop3A_604, %parallel_loop3A_605] {strides = array<i32>} : memref<32x768xf32, #tpu.memory_space<vmem>>, vector<1x16xf32>,
        %parallel_loop3A_607 = vector.shape_cast %parallel_loop3A_606 : vector<1x16xf32> to vector<16xf32>
        %parallel_loop3A_608 = vector.shape_cast %parallel_loop3A_603 : vector<16xf32> to vector<1x16xf32>
        tpu.vector_store %arg10[%parallel_loop3A_604, %parallel_loop3A_605], %parallel_loop3A_608 {strides = array<i32>} : memref<32x768xf32, #tpu.memory_space<vmem>>, vector<1x16xf32>,
        %parallel_loop3A_609 = arith.index_cast %parallel_loop3A_388 : i32 to index
        %parallel_loop3A_610 = arith.constant 352 : index
        %parallel_loop3A_611 = tpu.vector_load %arg8[%parallel_loop3A_609, %parallel_loop3A_610] {strides = array<i32>} : memref<32x768xf32, #tpu.memory_space<vmem>>, vector<1x16xf32>,
        %parallel_loop3A_612 = vector.shape_cast %parallel_loop3A_611 : vector<1x16xf32> to vector<16xf32>
        %parallel_loop3A_613 = arith.addf %parallel_loop3A_612, %get3A_122 : vector<16xf32>
        %parallel_loop3A_614 = arith.index_cast %parallel_loop3A_388 : i32 to index
        %parallel_loop3A_615 = arith.constant 352 : index
        %parallel_loop3A_616 = tpu.vector_load %arg10[%parallel_loop3A_614, %parallel_loop3A_615] {strides = array<i32>} : memref<32x768xf32, #tpu.memory_space<vmem>>, vector<1x16xf32>,
        %parallel_loop3A_617 = vector.shape_cast %parallel_loop3A_616 : vector<1x16xf32> to vector<16xf32>
        %parallel_loop3A_618 = vector.shape_cast %parallel_loop3A_613 : vector<16xf32> to vector<1x16xf32>
        tpu.vector_store %arg10[%parallel_loop3A_614, %parallel_loop3A_615], %parallel_loop3A_618 {strides = array<i32>} : memref<32x768xf32, #tpu.memory_space<vmem>>, vector<1x16xf32>,
        %parallel_loop3A_619 = arith.index_cast %parallel_loop3A_388 : i32 to index
        %parallel_loop3A_620 = arith.constant 368 : index
        %parallel_loop3A_621 = tpu.vector_load %arg8[%parallel_loop3A_619, %parallel_loop3A_620] {strides = array<i32>} : memref<32x768xf32, #tpu.memory_space<vmem>>, vector<1x16xf32>,
        %parallel_loop3A_622 = vector.shape_cast %parallel_loop3A_621 : vector<1x16xf32> to vector<16xf32>
        %parallel_loop3A_623 = arith.addf %parallel_loop3A_622, %get3A_126 : vector<16xf32>
        %parallel_loop3A_624 = arith.index_cast %parallel_loop3A_388 : i32 to index
        %parallel_loop3A_625 = arith.constant 368 : index
        %parallel_loop3A_626 = tpu.vector_load %arg10[%parallel_loop3A_624, %parallel_loop3A_625] {strides = array<i32>} : memref<32x768xf32, #tpu.memory_space<vmem>>, vector<1x16xf32>,
        %parallel_loop3A_627 = vector.shape_cast %parallel_loop3A_626 : vector<1x16xf32> to vector<16xf32>
        %parallel_loop3A_628 = vector.shape_cast %parallel_loop3A_623 : vector<16xf32> to vector<1x16xf32>
        tpu.vector_store %arg10[%parallel_loop3A_624, %parallel_loop3A_625], %parallel_loop3A_628 {strides = array<i32>} : memref<32x768xf32, #tpu.memory_space<vmem>>, vector<1x16xf32>,
        %parallel_loop3A_629 = arith.index_cast %parallel_loop3A_388 : i32 to index
        %parallel_loop3A_630 = arith.constant 384 : index
        %parallel_loop3A_631 = tpu.vector_load %arg8[%parallel_loop3A_629, %parallel_loop3A_630] {strides = array<i32>} : memref<32x768xf32, #tpu.memory_space<vmem>>, vector<1x16xf32>,
        %parallel_loop3A_632 = vector.shape_cast %parallel_loop3A_631 : vector<1x16xf32> to vector<16xf32>
        %parallel_loop3A_633 = arith.addf %parallel_loop3A_632, %get3A_130 : vector<16xf32>
        %parallel_loop3A_634 = arith.index_cast %parallel_loop3A_388 : i32 to index
        %parallel_loop3A_635 = arith.constant 384 : index
        %parallel_loop3A_636 = tpu.vector_load %arg10[%parallel_loop3A_634, %parallel_loop3A_635] {strides = array<i32>} : memref<32x768xf32, #tpu.memory_space<vmem>>, vector<1x16xf32>,
        %parallel_loop3A_637 = vector.shape_cast %parallel_loop3A_636 : vector<1x16xf32> to vector<16xf32>
        %parallel_loop3A_638 = vector.shape_cast %parallel_loop3A_633 : vector<16xf32> to vector<1x16xf32>
        tpu.vector_store %arg10[%parallel_loop3A_634, %parallel_loop3A_635], %parallel_loop3A_638 {strides = array<i32>} : memref<32x768xf32, #tpu.memory_space<vmem>>, vector<1x16xf32>,
        %parallel_loop3A_639 = arith.index_cast %parallel_loop3A_388 : i32 to index
        %parallel_loop3A_640 = arith.constant 400 : index
        %parallel_loop3A_641 = tpu.vector_load %arg8[%parallel_loop3A_639, %parallel_loop3A_640] {strides = array<i32>} : memref<32x768xf32, #tpu.memory_space<vmem>>, vector<1x16xf32>,
        %parallel_loop3A_642 = vector.shape_cast %parallel_loop3A_641 : vector<1x16xf32> to vector<16xf32>
        %parallel_loop3A_643 = arith.addf %parallel_loop3A_642, %get3A_134 : vector<16xf32>
        %parallel_loop3A_644 = arith.index_cast %parallel_loop3A_388 : i32 to index
        %parallel_loop3A_645 = arith.constant 400 : index
        %parallel_loop3A_646 = tpu.vector_load %arg10[%parallel_loop3A_644, %parallel_loop3A_645] {strides = array<i32>} : memref<32x768xf32, #tpu.memory_space<vmem>>, vector<1x16xf32>,
        %parallel_loop3A_647 = vector.shape_cast %parallel_loop3A_646 : vector<1x16xf32> to vector<16xf32>
        %parallel_loop3A_648 = vector.shape_cast %parallel_loop3A_643 : vector<16xf32> to vector<1x16xf32>
        tpu.vector_store %arg10[%parallel_loop3A_644, %parallel_loop3A_645], %parallel_loop3A_648 {strides = array<i32>} : memref<32x768xf32, #tpu.memory_space<vmem>>, vector<1x16xf32>,
        %parallel_loop3A_649 = arith.index_cast %parallel_loop3A_388 : i32 to index
        %parallel_loop3A_650 = arith.constant 416 : index
        %parallel_loop3A_651 = tpu.vector_load %arg8[%parallel_loop3A_649, %parallel_loop3A_650] {strides = array<i32>} : memref<32x768xf32, #tpu.memory_space<vmem>>, vector<1x16xf32>,
        %parallel_loop3A_652 = vector.shape_cast %parallel_loop3A_651 : vector<1x16xf32> to vector<16xf32>
        %parallel_loop3A_653 = arith.addf %parallel_loop3A_652, %get3A_138 : vector<16xf32>
        %parallel_loop3A_654 = arith.index_cast %parallel_loop3A_388 : i32 to index
        %parallel_loop3A_655 = arith.constant 416 : index
        %parallel_loop3A_656 = tpu.vector_load %arg10[%parallel_loop3A_654, %parallel_loop3A_655] {strides = array<i32>} : memref<32x768xf32, #tpu.memory_space<vmem>>, vector<1x16xf32>,
        %parallel_loop3A_657 = vector.shape_cast %parallel_loop3A_656 : vector<1x16xf32> to vector<16xf32>
        %parallel_loop3A_658 = vector.shape_cast %parallel_loop3A_653 : vector<16xf32> to vector<1x16xf32>
        tpu.vector_store %arg10[%parallel_loop3A_654, %parallel_loop3A_655], %parallel_loop3A_658 {strides = array<i32>} : memref<32x768xf32, #tpu.memory_space<vmem>>, vector<1x16xf32>,
        %parallel_loop3A_659 = arith.index_cast %parallel_loop3A_388 : i32 to index
        %parallel_loop3A_660 = arith.constant 432 : index
        %parallel_loop3A_661 = tpu.vector_load %arg8[%parallel_loop3A_659, %parallel_loop3A_660] {strides = array<i32>} : memref<32x768xf32, #tpu.memory_space<vmem>>, vector<1x16xf32>,
        %parallel_loop3A_662 = vector.shape_cast %parallel_loop3A_661 : vector<1x16xf32> to vector<16xf32>
        %parallel_loop3A_663 = arith.addf %parallel_loop3A_662, %get3A_142 : vector<16xf32>
        %parallel_loop3A_664 = arith.index_cast %parallel_loop3A_388 : i32 to index
        %parallel_loop3A_665 = arith.constant 432 : index
        %parallel_loop3A_666 = tpu.vector_load %arg10[%parallel_loop3A_664, %parallel_loop3A_665] {strides = array<i32>} : memref<32x768xf32, #tpu.memory_space<vmem>>, vector<1x16xf32>,
        %parallel_loop3A_667 = vector.shape_cast %parallel_loop3A_666 : vector<1x16xf32> to vector<16xf32>
        %parallel_loop3A_668 = vector.shape_cast %parallel_loop3A_663 : vector<16xf32> to vector<1x16xf32>
        tpu.vector_store %arg10[%parallel_loop3A_664, %parallel_loop3A_665], %parallel_loop3A_668 {strides = array<i32>} : memref<32x768xf32, #tpu.memory_space<vmem>>, vector<1x16xf32>,
        %parallel_loop3A_669 = arith.index_cast %parallel_loop3A_388 : i32 to index
        %parallel_loop3A_670 = arith.constant 448 : index
        %parallel_loop3A_671 = tpu.vector_load %arg8[%parallel_loop3A_669, %parallel_loop3A_670] {strides = array<i32>} : memref<32x768xf32, #tpu.memory_space<vmem>>, vector<1x16xf32>,
        %parallel_loop3A_672 = vector.shape_cast %parallel_loop3A_671 : vector<1x16xf32> to vector<16xf32>
        %parallel_loop3A_673 = arith.addf %parallel_loop3A_672, %get3A_146 : vector<16xf32>
        %parallel_loop3A_674 = arith.index_cast %parallel_loop3A_388 : i32 to index
        %parallel_loop3A_675 = arith.constant 448 : index
        %parallel_loop3A_676 = tpu.vector_load %arg10[%parallel_loop3A_674, %parallel_loop3A_675] {strides = array<i32>} : memref<32x768xf32, #tpu.memory_space<vmem>>, vector<1x16xf32>,
        %parallel_loop3A_677 = vector.shape_cast %parallel_loop3A_676 : vector<1x16xf32> to vector<16xf32>
        %parallel_loop3A_678 = vector.shape_cast %parallel_loop3A_673 : vector<16xf32> to vector<1x16xf32>
        tpu.vector_store %arg10[%parallel_loop3A_674, %parallel_loop3A_675], %parallel_loop3A_678 {strides = array<i32>} : memref<32x768xf32, #tpu.memory_space<vmem>>, vector<1x16xf32>,
        %parallel_loop3A_679 = arith.index_cast %parallel_loop3A_388 : i32 to index
        %parallel_loop3A_680 = arith.constant 464 : index
        %parallel_loop3A_681 = tpu.vector_load %arg8[%parallel_loop3A_679, %parallel_loop3A_680] {strides = array<i32>} : memref<32x768xf32, #tpu.memory_space<vmem>>, vector<1x16xf32>,
        %parallel_loop3A_682 = vector.shape_cast %parallel_loop3A_681 : vector<1x16xf32> to vector<16xf32>
        %parallel_loop3A_683 = arith.addf %parallel_loop3A_682, %get3A_150 : vector<16xf32>
        %parallel_loop3A_684 = arith.index_cast %parallel_loop3A_388 : i32 to index
        %parallel_loop3A_685 = arith.constant 464 : index
        %parallel_loop3A_686 = tpu.vector_load %arg10[%parallel_loop3A_684, %parallel_loop3A_685] {strides = array<i32>} : memref<32x768xf32, #tpu.memory_space<vmem>>, vector<1x16xf32>,
        %parallel_loop3A_687 = vector.shape_cast %parallel_loop3A_686 : vector<1x16xf32> to vector<16xf32>
        %parallel_loop3A_688 = vector.shape_cast %parallel_loop3A_683 : vector<16xf32> to vector<1x16xf32>
        tpu.vector_store %arg10[%parallel_loop3A_684, %parallel_loop3A_685], %parallel_loop3A_688 {strides = array<i32>} : memref<32x768xf32, #tpu.memory_space<vmem>>, vector<1x16xf32>,
        %parallel_loop3A_689 = arith.index_cast %parallel_loop3A_388 : i32 to index
        %parallel_loop3A_690 = arith.constant 480 : index
        %parallel_loop3A_691 = tpu.vector_load %arg8[%parallel_loop3A_689, %parallel_loop3A_690] {strides = array<i32>} : memref<32x768xf32, #tpu.memory_space<vmem>>, vector<1x16xf32>,
        %parallel_loop3A_692 = vector.shape_cast %parallel_loop3A_691 : vector<1x16xf32> to vector<16xf32>
        %parallel_loop3A_693 = arith.addf %parallel_loop3A_692, %get3A_154 : vector<16xf32>
        %parallel_loop3A_694 = arith.index_cast %parallel_loop3A_388 : i32 to index
        %parallel_loop3A_695 = arith.constant 480 : index
        %parallel_loop3A_696 = tpu.vector_load %arg10[%parallel_loop3A_694, %parallel_loop3A_695] {strides = array<i32>} : memref<32x768xf32, #tpu.memory_space<vmem>>, vector<1x16xf32>,
        %parallel_loop3A_697 = vector.shape_cast %parallel_loop3A_696 : vector<1x16xf32> to vector<16xf32>
        %parallel_loop3A_698 = vector.shape_cast %parallel_loop3A_693 : vector<16xf32> to vector<1x16xf32>
        tpu.vector_store %arg10[%parallel_loop3A_694, %parallel_loop3A_695], %parallel_loop3A_698 {strides = array<i32>} : memref<32x768xf32, #tpu.memory_space<vmem>>, vector<1x16xf32>,
        %parallel_loop3A_699 = arith.index_cast %parallel_loop3A_388 : i32 to index
        %parallel_loop3A_700 = arith.constant 496 : index
        %parallel_loop3A_701 = tpu.vector_load %arg8[%parallel_loop3A_699, %parallel_loop3A_700] {strides = array<i32>} : memref<32x768xf32, #tpu.memory_space<vmem>>, vector<1x16xf32>,
        %parallel_loop3A_702 = vector.shape_cast %parallel_loop3A_701 : vector<1x16xf32> to vector<16xf32>
        %parallel_loop3A_703 = arith.addf %parallel_loop3A_702, %get3A_158 : vector<16xf32>
        %parallel_loop3A_704 = arith.index_cast %parallel_loop3A_388 : i32 to index
        %parallel_loop3A_705 = arith.constant 496 : index
        %parallel_loop3A_706 = tpu.vector_load %arg10[%parallel_loop3A_704, %parallel_loop3A_705] {strides = array<i32>} : memref<32x768xf32, #tpu.memory_space<vmem>>, vector<1x16xf32>,
        %parallel_loop3A_707 = vector.shape_cast %parallel_loop3A_706 : vector<1x16xf32> to vector<16xf32>
        %parallel_loop3A_708 = vector.shape_cast %parallel_loop3A_703 : vector<16xf32> to vector<1x16xf32>
        tpu.vector_store %arg10[%parallel_loop3A_704, %parallel_loop3A_705], %parallel_loop3A_708 {strides = array<i32>} : memref<32x768xf32, #tpu.memory_space<vmem>>, vector<1x16xf32>,
        %parallel_loop3A_709 = arith.index_cast %parallel_loop3A_388 : i32 to index
        %parallel_loop3A_710 = arith.constant 512 : index
        %parallel_loop3A_711 = tpu.vector_load %arg8[%parallel_loop3A_709, %parallel_loop3A_710] {strides = array<i32>} : memref<32x768xf32, #tpu.memory_space<vmem>>, vector<1x16xf32>,
        %parallel_loop3A_712 = vector.shape_cast %parallel_loop3A_711 : vector<1x16xf32> to vector<16xf32>
        %parallel_loop3A_713 = arith.addf %parallel_loop3A_712, %get3A_162 : vector<16xf32>
        %parallel_loop3A_714 = arith.index_cast %parallel_loop3A_388 : i32 to index
        %parallel_loop3A_715 = arith.constant 512 : index
        %parallel_loop3A_716 = tpu.vector_load %arg10[%parallel_loop3A_714, %parallel_loop3A_715] {strides = array<i32>} : memref<32x768xf32, #tpu.memory_space<vmem>>, vector<1x16xf32>,
        %parallel_loop3A_717 = vector.shape_cast %parallel_loop3A_716 : vector<1x16xf32> to vector<16xf32>
        %parallel_loop3A_718 = vector.shape_cast %parallel_loop3A_713 : vector<16xf32> to vector<1x16xf32>
        tpu.vector_store %arg10[%parallel_loop3A_714, %parallel_loop3A_715], %parallel_loop3A_718 {strides = array<i32>} : memref<32x768xf32, #tpu.memory_space<vmem>>, vector<1x16xf32>,
        %parallel_loop3A_719 = arith.index_cast %parallel_loop3A_388 : i32 to index
        %parallel_loop3A_720 = arith.constant 528 : index
        %parallel_loop3A_721 = tpu.vector_load %arg8[%parallel_loop3A_719, %parallel_loop3A_720] {strides = array<i32>} : memref<32x768xf32, #tpu.memory_space<vmem>>, vector<1x16xf32>,
        %parallel_loop3A_722 = vector.shape_cast %parallel_loop3A_721 : vector<1x16xf32> to vector<16xf32>
        %parallel_loop3A_723 = arith.addf %parallel_loop3A_722, %get3A_166 : vector<16xf32>
        %parallel_loop3A_724 = arith.index_cast %parallel_loop3A_388 : i32 to index
        %parallel_loop3A_725 = arith.constant 528 : index
        %parallel_loop3A_726 = tpu.vector_load %arg10[%parallel_loop3A_724, %parallel_loop3A_725] {strides = array<i32>} : memref<32x768xf32, #tpu.memory_space<vmem>>, vector<1x16xf32>,
        %parallel_loop3A_727 = vector.shape_cast %parallel_loop3A_726 : vector<1x16xf32> to vector<16xf32>
        %parallel_loop3A_728 = vector.shape_cast %parallel_loop3A_723 : vector<16xf32> to vector<1x16xf32>
        tpu.vector_store %arg10[%parallel_loop3A_724, %parallel_loop3A_725], %parallel_loop3A_728 {strides = array<i32>} : memref<32x768xf32, #tpu.memory_space<vmem>>, vector<1x16xf32>,
        %parallel_loop3A_729 = arith.index_cast %parallel_loop3A_388 : i32 to index
        %parallel_loop3A_730 = arith.constant 544 : index
        %parallel_loop3A_731 = tpu.vector_load %arg8[%parallel_loop3A_729, %parallel_loop3A_730] {strides = array<i32>} : memref<32x768xf32, #tpu.memory_space<vmem>>, vector<1x16xf32>,
        %parallel_loop3A_732 = vector.shape_cast %parallel_loop3A_731 : vector<1x16xf32> to vector<16xf32>
        %parallel_loop3A_733 = arith.addf %parallel_loop3A_732, %get3A_170 : vector<16xf32>
        %parallel_loop3A_734 = arith.index_cast %parallel_loop3A_388 : i32 to index
        %parallel_loop3A_735 = arith.constant 544 : index
        %parallel_loop3A_736 = tpu.vector_load %arg10[%parallel_loop3A_734, %parallel_loop3A_735] {strides = array<i32>} : memref<32x768xf32, #tpu.memory_space<vmem>>, vector<1x16xf32>,
        %parallel_loop3A_737 = vector.shape_cast %parallel_loop3A_736 : vector<1x16xf32> to vector<16xf32>
        %parallel_loop3A_738 = vector.shape_cast %parallel_loop3A_733 : vector<16xf32> to vector<1x16xf32>
        tpu.vector_store %arg10[%parallel_loop3A_734, %parallel_loop3A_735], %parallel_loop3A_738 {strides = array<i32>} : memref<32x768xf32, #tpu.memory_space<vmem>>, vector<1x16xf32>,
        %parallel_loop3A_739 = arith.index_cast %parallel_loop3A_388 : i32 to index
        %parallel_loop3A_740 = arith.constant 560 : index
        %parallel_loop3A_741 = tpu.vector_load %arg8[%parallel_loop3A_739, %parallel_loop3A_740] {strides = array<i32>} : memref<32x768xf32, #tpu.memory_space<vmem>>, vector<1x16xf32>,
        %parallel_loop3A_742 = vector.shape_cast %parallel_loop3A_741 : vector<1x16xf32> to vector<16xf32>
        %parallel_loop3A_743 = arith.addf %parallel_loop3A_742, %get3A_174 : vector<16xf32>
        %parallel_loop3A_744 = arith.index_cast %parallel_loop3A_388 : i32 to index
        %parallel_loop3A_745 = arith.constant 560 : index
        %parallel_loop3A_746 = tpu.vector_load %arg10[%parallel_loop3A_744, %parallel_loop3A_745] {strides = array<i32>} : memref<32x768xf32, #tpu.memory_space<vmem>>, vector<1x16xf32>,
        %parallel_loop3A_747 = vector.shape_cast %parallel_loop3A_746 : vector<1x16xf32> to vector<16xf32>
        %parallel_loop3A_748 = vector.shape_cast %parallel_loop3A_743 : vector<16xf32> to vector<1x16xf32>
        tpu.vector_store %arg10[%parallel_loop3A_744, %parallel_loop3A_745], %parallel_loop3A_748 {strides = array<i32>} : memref<32x768xf32, #tpu.memory_space<vmem>>, vector<1x16xf32>,
        %parallel_loop3A_749 = arith.index_cast %parallel_loop3A_388 : i32 to index
        %parallel_loop3A_750 = arith.constant 576 : index
        %parallel_loop3A_751 = tpu.vector_load %arg8[%parallel_loop3A_749, %parallel_loop3A_750] {strides = array<i32>} : memref<32x768xf32, #tpu.memory_space<vmem>>, vector<1x16xf32>,
        %parallel_loop3A_752 = vector.shape_cast %parallel_loop3A_751 : vector<1x16xf32> to vector<16xf32>
        %parallel_loop3A_753 = arith.addf %parallel_loop3A_752, %get3A_178 : vector<16xf32>
        %parallel_loop3A_754 = arith.index_cast %parallel_loop3A_388 : i32 to index
        %parallel_loop3A_755 = arith.constant 576 : index
        %parallel_loop3A_756 = tpu.vector_load %arg10[%parallel_loop3A_754, %parallel_loop3A_755] {strides = array<i32>} : memref<32x768xf32, #tpu.memory_space<vmem>>, vector<1x16xf32>,
        %parallel_loop3A_757 = vector.shape_cast %parallel_loop3A_756 : vector<1x16xf32> to vector<16xf32>
        %parallel_loop3A_758 = vector.shape_cast %parallel_loop3A_753 : vector<16xf32> to vector<1x16xf32>
        tpu.vector_store %arg10[%parallel_loop3A_754, %parallel_loop3A_755], %parallel_loop3A_758 {strides = array<i32>} : memref<32x768xf32, #tpu.memory_space<vmem>>, vector<1x16xf32>,
        %parallel_loop3A_759 = arith.index_cast %parallel_loop3A_388 : i32 to index
        %parallel_loop3A_760 = arith.constant 592 : index
        %parallel_loop3A_761 = tpu.vector_load %arg8[%parallel_loop3A_759, %parallel_loop3A_760] {strides = array<i32>} : memref<32x768xf32, #tpu.memory_space<vmem>>, vector<1x16xf32>,
        %parallel_loop3A_762 = vector.shape_cast %parallel_loop3A_761 : vector<1x16xf32> to vector<16xf32>
        %parallel_loop3A_763 = arith.addf %parallel_loop3A_762, %get3A_182 : vector<16xf32>
        %parallel_loop3A_764 = arith.index_cast %parallel_loop3A_388 : i32 to index
        %parallel_loop3A_765 = arith.constant 592 : index
        %parallel_loop3A_766 = tpu.vector_load %arg10[%parallel_loop3A_764, %parallel_loop3A_765] {strides = array<i32>} : memref<32x768xf32, #tpu.memory_space<vmem>>, vector<1x16xf32>,
        %parallel_loop3A_767 = vector.shape_cast %parallel_loop3A_766 : vector<1x16xf32> to vector<16xf32>
        %parallel_loop3A_768 = vector.shape_cast %parallel_loop3A_763 : vector<16xf32> to vector<1x16xf32>
        tpu.vector_store %arg10[%parallel_loop3A_764, %parallel_loop3A_765], %parallel_loop3A_768 {strides = array<i32>} : memref<32x768xf32, #tpu.memory_space<vmem>>, vector<1x16xf32>,
        %parallel_loop3A_769 = arith.index_cast %parallel_loop3A_388 : i32 to index
        %parallel_loop3A_770 = arith.constant 608 : index
        %parallel_loop3A_771 = tpu.vector_load %arg8[%parallel_loop3A_769, %parallel_loop3A_770] {strides = array<i32>} : memref<32x768xf32, #tpu.memory_space<vmem>>, vector<1x16xf32>,
        %parallel_loop3A_772 = vector.shape_cast %parallel_loop3A_771 : vector<1x16xf32> to vector<16xf32>
        %parallel_loop3A_773 = arith.addf %parallel_loop3A_772, %get3A_186 : vector<16xf32>
        %parallel_loop3A_774 = arith.index_cast %parallel_loop3A_388 : i32 to index
        %parallel_loop3A_775 = arith.constant 608 : index
        %parallel_loop3A_776 = tpu.vector_load %arg10[%parallel_loop3A_774, %parallel_loop3A_775] {strides = array<i32>} : memref<32x768xf32, #tpu.memory_space<vmem>>, vector<1x16xf32>,
        %parallel_loop3A_777 = vector.shape_cast %parallel_loop3A_776 : vector<1x16xf32> to vector<16xf32>
        %parallel_loop3A_778 = vector.shape_cast %parallel_loop3A_773 : vector<16xf32> to vector<1x16xf32>
        tpu.vector_store %arg10[%parallel_loop3A_774, %parallel_loop3A_775], %parallel_loop3A_778 {strides = array<i32>} : memref<32x768xf32, #tpu.memory_space<vmem>>, vector<1x16xf32>,
        %parallel_loop3A_779 = arith.index_cast %parallel_loop3A_388 : i32 to index
        %parallel_loop3A_780 = arith.constant 624 : index
        %parallel_loop3A_781 = tpu.vector_load %arg8[%parallel_loop3A_779, %parallel_loop3A_780] {strides = array<i32>} : memref<32x768xf32, #tpu.memory_space<vmem>>, vector<1x16xf32>,
        %parallel_loop3A_782 = vector.shape_cast %parallel_loop3A_781 : vector<1x16xf32> to vector<16xf32>
        %parallel_loop3A_783 = arith.addf %parallel_loop3A_782, %get3A_190 : vector<16xf32>
        %parallel_loop3A_784 = arith.index_cast %parallel_loop3A_388 : i32 to index
        %parallel_loop3A_785 = arith.constant 624 : index
        %parallel_loop3A_786 = tpu.vector_load %arg10[%parallel_loop3A_784, %parallel_loop3A_785] {strides = array<i32>} : memref<32x768xf32, #tpu.memory_space<vmem>>, vector<1x16xf32>,
        %parallel_loop3A_787 = vector.shape_cast %parallel_loop3A_786 : vector<1x16xf32> to vector<16xf32>
        %parallel_loop3A_788 = vector.shape_cast %parallel_loop3A_783 : vector<16xf32> to vector<1x16xf32>
        tpu.vector_store %arg10[%parallel_loop3A_784, %parallel_loop3A_785], %parallel_loop3A_788 {strides = array<i32>} : memref<32x768xf32, #tpu.memory_space<vmem>>, vector<1x16xf32>,
        %parallel_loop3A_789 = arith.index_cast %parallel_loop3A_388 : i32 to index
        %parallel_loop3A_790 = arith.constant 640 : index
        %parallel_loop3A_791 = tpu.vector_load %arg8[%parallel_loop3A_789, %parallel_loop3A_790] {strides = array<i32>} : memref<32x768xf32, #tpu.memory_space<vmem>>, vector<1x16xf32>,
        %parallel_loop3A_792 = vector.shape_cast %parallel_loop3A_791 : vector<1x16xf32> to vector<16xf32>
        %parallel_loop3A_793 = arith.addf %parallel_loop3A_792, %get3A_194 : vector<16xf32>
        %parallel_loop3A_794 = arith.index_cast %parallel_loop3A_388 : i32 to index
        %parallel_loop3A_795 = arith.constant 640 : index
        %parallel_loop3A_796 = tpu.vector_load %arg10[%parallel_loop3A_794, %parallel_loop3A_795] {strides = array<i32>} : memref<32x768xf32, #tpu.memory_space<vmem>>, vector<1x16xf32>,
        %parallel_loop3A_797 = vector.shape_cast %parallel_loop3A_796 : vector<1x16xf32> to vector<16xf32>
        %parallel_loop3A_798 = vector.shape_cast %parallel_loop3A_793 : vector<16xf32> to vector<1x16xf32>
        tpu.vector_store %arg10[%parallel_loop3A_794, %parallel_loop3A_795], %parallel_loop3A_798 {strides = array<i32>} : memref<32x768xf32, #tpu.memory_space<vmem>>, vector<1x16xf32>,
        %parallel_loop3A_799 = arith.index_cast %parallel_loop3A_388 : i32 to index
        %parallel_loop3A_800 = arith.constant 656 : index
        %parallel_loop3A_801 = tpu.vector_load %arg8[%parallel_loop3A_799, %parallel_loop3A_800] {strides = array<i32>} : memref<32x768xf32, #tpu.memory_space<vmem>>, vector<1x16xf32>,
        %parallel_loop3A_802 = vector.shape_cast %parallel_loop3A_801 : vector<1x16xf32> to vector<16xf32>
        %parallel_loop3A_803 = arith.addf %parallel_loop3A_802, %get3A_198 : vector<16xf32>
        %parallel_loop3A_804 = arith.index_cast %parallel_loop3A_388 : i32 to index
        %parallel_loop3A_805 = arith.constant 656 : index
        %parallel_loop3A_806 = tpu.vector_load %arg10[%parallel_loop3A_804, %parallel_loop3A_805] {strides = array<i32>} : memref<32x768xf32, #tpu.memory_space<vmem>>, vector<1x16xf32>,
        %parallel_loop3A_807 = vector.shape_cast %parallel_loop3A_806 : vector<1x16xf32> to vector<16xf32>
        %parallel_loop3A_808 = vector.shape_cast %parallel_loop3A_803 : vector<16xf32> to vector<1x16xf32>
        tpu.vector_store %arg10[%parallel_loop3A_804, %parallel_loop3A_805], %parallel_loop3A_808 {strides = array<i32>} : memref<32x768xf32, #tpu.memory_space<vmem>>, vector<1x16xf32>,
        %parallel_loop3A_809 = arith.index_cast %parallel_loop3A_388 : i32 to index
        %parallel_loop3A_810 = arith.constant 672 : index
        %parallel_loop3A_811 = tpu.vector_load %arg8[%parallel_loop3A_809, %parallel_loop3A_810] {strides = array<i32>} : memref<32x768xf32, #tpu.memory_space<vmem>>, vector<1x16xf32>,
        %parallel_loop3A_812 = vector.shape_cast %parallel_loop3A_811 : vector<1x16xf32> to vector<16xf32>
        %parallel_loop3A_813 = arith.addf %parallel_loop3A_812, %get3A_202 : vector<16xf32>
        %parallel_loop3A_814 = arith.index_cast %parallel_loop3A_388 : i32 to index
        %parallel_loop3A_815 = arith.constant 672 : index
        %parallel_loop3A_816 = tpu.vector_load %arg10[%parallel_loop3A_814, %parallel_loop3A_815] {strides = array<i32>} : memref<32x768xf32, #tpu.memory_space<vmem>>, vector<1x16xf32>,
        %parallel_loop3A_817 = vector.shape_cast %parallel_loop3A_816 : vector<1x16xf32> to vector<16xf32>
        %parallel_loop3A_818 = vector.shape_cast %parallel_loop3A_813 : vector<16xf32> to vector<1x16xf32>
        tpu.vector_store %arg10[%parallel_loop3A_814, %parallel_loop3A_815], %parallel_loop3A_818 {strides = array<i32>} : memref<32x768xf32, #tpu.memory_space<vmem>>, vector<1x16xf32>,
        %parallel_loop3A_819 = arith.index_cast %parallel_loop3A_388 : i32 to index
        %parallel_loop3A_820 = arith.constant 688 : index
        %parallel_loop3A_821 = tpu.vector_load %arg8[%parallel_loop3A_819, %parallel_loop3A_820] {strides = array<i32>} : memref<32x768xf32, #tpu.memory_space<vmem>>, vector<1x16xf32>,
        %parallel_loop3A_822 = vector.shape_cast %parallel_loop3A_821 : vector<1x16xf32> to vector<16xf32>
        %parallel_loop3A_823 = arith.addf %parallel_loop3A_822, %get3A_206 : vector<16xf32>
        %parallel_loop3A_824 = arith.index_cast %parallel_loop3A_388 : i32 to index
        %parallel_loop3A_825 = arith.constant 688 : index
        %parallel_loop3A_826 = tpu.vector_load %arg10[%parallel_loop3A_824, %parallel_loop3A_825] {strides = array<i32>} : memref<32x768xf32, #tpu.memory_space<vmem>>, vector<1x16xf32>,
        %parallel_loop3A_827 = vector.shape_cast %parallel_loop3A_826 : vector<1x16xf32> to vector<16xf32>
        %parallel_loop3A_828 = vector.shape_cast %parallel_loop3A_823 : vector<16xf32> to vector<1x16xf32>
        tpu.vector_store %arg10[%parallel_loop3A_824, %parallel_loop3A_825], %parallel_loop3A_828 {strides = array<i32>} : memref<32x768xf32, #tpu.memory_space<vmem>>, vector<1x16xf32>,
        %parallel_loop3A_829 = arith.index_cast %parallel_loop3A_388 : i32 to index
        %parallel_loop3A_830 = arith.constant 704 : index
        %parallel_loop3A_831 = tpu.vector_load %arg8[%parallel_loop3A_829, %parallel_loop3A_830] {strides = array<i32>} : memref<32x768xf32, #tpu.memory_space<vmem>>, vector<1x16xf32>,
        %parallel_loop3A_832 = vector.shape_cast %parallel_loop3A_831 : vector<1x16xf32> to vector<16xf32>
        %parallel_loop3A_833 = arith.addf %parallel_loop3A_832, %get3A_210 : vector<16xf32>
        %parallel_loop3A_834 = arith.index_cast %parallel_loop3A_388 : i32 to index
        %parallel_loop3A_835 = arith.constant 704 : index
        %parallel_loop3A_836 = tpu.vector_load %arg10[%parallel_loop3A_834, %parallel_loop3A_835] {strides = array<i32>} : memref<32x768xf32, #tpu.memory_space<vmem>>, vector<1x16xf32>,
        %parallel_loop3A_837 = vector.shape_cast %parallel_loop3A_836 : vector<1x16xf32> to vector<16xf32>
        %parallel_loop3A_838 = vector.shape_cast %parallel_loop3A_833 : vector<16xf32> to vector<1x16xf32>
        tpu.vector_store %arg10[%parallel_loop3A_834, %parallel_loop3A_835], %parallel_loop3A_838 {strides = array<i32>} : memref<32x768xf32, #tpu.memory_space<vmem>>, vector<1x16xf32>,
        %parallel_loop3A_839 = arith.index_cast %parallel_loop3A_388 : i32 to index
        %parallel_loop3A_840 = arith.constant 720 : index
        %parallel_loop3A_841 = tpu.vector_load %arg8[%parallel_loop3A_839, %parallel_loop3A_840] {strides = array<i32>} : memref<32x768xf32, #tpu.memory_space<vmem>>, vector<1x16xf32>,
        %parallel_loop3A_842 = vector.shape_cast %parallel_loop3A_841 : vector<1x16xf32> to vector<16xf32>
        %parallel_loop3A_843 = arith.addf %parallel_loop3A_842, %get3A_214 : vector<16xf32>
        %parallel_loop3A_844 = arith.index_cast %parallel_loop3A_388 : i32 to index
        %parallel_loop3A_845 = arith.constant 720 : index
        %parallel_loop3A_846 = tpu.vector_load %arg10[%parallel_loop3A_844, %parallel_loop3A_845] {strides = array<i32>} : memref<32x768xf32, #tpu.memory_space<vmem>>, vector<1x16xf32>,
        %parallel_loop3A_847 = vector.shape_cast %parallel_loop3A_846 : vector<1x16xf32> to vector<16xf32>
        %parallel_loop3A_848 = vector.shape_cast %parallel_loop3A_843 : vector<16xf32> to vector<1x16xf32>
        tpu.vector_store %arg10[%parallel_loop3A_844, %parallel_loop3A_845], %parallel_loop3A_848 {strides = array<i32>} : memref<32x768xf32, #tpu.memory_space<vmem>>, vector<1x16xf32>,
        %parallel_loop3A_849 = arith.index_cast %parallel_loop3A_388 : i32 to index
        %parallel_loop3A_850 = arith.constant 736 : index
        %parallel_loop3A_851 = tpu.vector_load %arg8[%parallel_loop3A_849, %parallel_loop3A_850] {strides = array<i32>} : memref<32x768xf32, #tpu.memory_space<vmem>>, vector<1x16xf32>,
        %parallel_loop3A_852 = vector.shape_cast %parallel_loop3A_851 : vector<1x16xf32> to vector<16xf32>
        %parallel_loop3A_853 = arith.addf %parallel_loop3A_852, %get3A_218 : vector<16xf32>
        %parallel_loop3A_854 = arith.index_cast %parallel_loop3A_388 : i32 to index
        %parallel_loop3A_855 = arith.constant 736 : index
        %parallel_loop3A_856 = tpu.vector_load %arg10[%parallel_loop3A_854, %parallel_loop3A_855] {strides = array<i32>} : memref<32x768xf32, #tpu.memory_space<vmem>>, vector<1x16xf32>,
        %parallel_loop3A_857 = vector.shape_cast %parallel_loop3A_856 : vector<1x16xf32> to vector<16xf32>
        %parallel_loop3A_858 = vector.shape_cast %parallel_loop3A_853 : vector<16xf32> to vector<1x16xf32>
        tpu.vector_store %arg10[%parallel_loop3A_854, %parallel_loop3A_855], %parallel_loop3A_858 {strides = array<i32>} : memref<32x768xf32, #tpu.memory_space<vmem>>, vector<1x16xf32>,
        %parallel_loop3A_859 = arith.index_cast %parallel_loop3A_388 : i32 to index
        %parallel_loop3A_860 = arith.constant 752 : index
        %parallel_loop3A_861 = tpu.vector_load %arg8[%parallel_loop3A_859, %parallel_loop3A_860] {strides = array<i32>} : memref<32x768xf32, #tpu.memory_space<vmem>>, vector<1x16xf32>,
        %parallel_loop3A_862 = vector.shape_cast %parallel_loop3A_861 : vector<1x16xf32> to vector<16xf32>
        %parallel_loop3A_863 = arith.addf %parallel_loop3A_862, %get3A_222 : vector<16xf32>
        %parallel_loop3A_864 = arith.index_cast %parallel_loop3A_388 : i32 to index
        %parallel_loop3A_865 = arith.constant 752 : index
        %parallel_loop3A_866 = tpu.vector_load %arg10[%parallel_loop3A_864, %parallel_loop3A_865] {strides = array<i32>} : memref<32x768xf32, #tpu.memory_space<vmem>>, vector<1x16xf32>,
        %parallel_loop3A_867 = vector.shape_cast %parallel_loop3A_866 : vector<1x16xf32> to vector<16xf32>
        %parallel_loop3A_868 = vector.shape_cast %parallel_loop3A_863 : vector<16xf32> to vector<1x16xf32>
        tpu.vector_store %arg10[%parallel_loop3A_864, %parallel_loop3A_865], %parallel_loop3A_868 {strides = array<i32>} : memref<32x768xf32, #tpu.memory_space<vmem>>, vector<1x16xf32>,
      } {sc.loop_unroll_factor = 2 : i64, sc.parallel_access}
      %lt3A = arith.constant 15 : i32
      %lt3A_322 = arith.cmpi slt, %scan3A_27, %lt3A : i32
      %convert_element_type3A_323 = arith.extui %lt3A_322 : i1 to i32
      %cond3A_324 = arith.constant 0 : i32
      %cond3A_325 = arith.cmpi ne, %convert_element_type3A_323, %cond3A_324 : i32
      scf.if %cond3A_325 {
        %add3A_388 = arith.constant 1 : i32
        %add3A_389 = arith.addi %scan3A_27, %add3A_388 : i32
        %mul3A_390 = arith.constant 128 : i32
        %mul3A_391 = arith.muli %add3A_389, %mul3A_390 : i32
        %add3A_392 = arith.constant 0 : i32
        %add3A_393 = arith.addi %mul3A_391, %add3A_392 : i32
        %dma_start3A_394 = tpu.memref_slice %arg6[%add3A_393] : memref<2048xi32, #tpu.memory_space<vmem>> -> memref<32xi32, #tpu.memory_space<vmem>>
        %dma_start3A_395 = arith.constant 0 : i32
        %dma_start3A_396 = arith.constant 0 : i32
        %dma_start3A_397 = tpu.memref_slice %arg3[%dma_start3A_395, %dma_start3A_396] : memref<50265x768xf32, #tpu.memory_space<hbm>> -> memref<50265x768xf32, #tpu.memory_space<hbm>>
        tpu.enqueue_indirect_dma source(%dma_start3A_397 : memref<50265x768xf32, #tpu.memory_space<hbm>>) target(%arg8 : memref<32x768xf32, #tpu.memory_space<vmem>>) offsets(%dma_start3A_394 : memref<32xi32, #tpu.memory_space<vmem>>) semaphore(%arg14 : memref<!tpu.dma_semaphore, #tpu.memory_space<semaphore_mem>>)
      } else {
      }
      %mul3A_326 = arith.constant 512 : i32
      %mul3A_327 = vector.broadcast %mul3A_326 : i32 to vector<16xi32>
      %mul3A_328 = arith.muli %iota3A, %mul3A_327 : vector<16xi32>
      %add3A_329 = arith.constant 32768 : i32
      %add3A_330 = arith.addi %add3A_329, %add3A_31 : i32
      %add3A_331 = vector.broadcast %add3A_330 : i32 to vector<16xi32>
      %add3A_332 = arith.addi %mul3A_328, %add3A_331 : vector<16xi32>
      %swap3A_333 = arith.constant 0 : index
      %swap3A_334 = tpu.vector_load %arg12[%swap3A_333] {strides = array<i32>} : memref<32xi32, #tpu.memory_space<vmem>>, vector<16xi32>,
      %swap3A_335 = vector.shape_cast %swap3A_334 : vector<16xi32> to vector<16xi32>
      %swap3A_336 = vector.shape_cast %add3A_332 : vector<16xi32> to vector<16xi32>
      tpu.vector_store %arg12[%swap3A_333], %swap3A_336 {strides = array<i32>} : memref<32xi32, #tpu.memory_space<vmem>>, vector<16xi32>,
      %add3A_337 = arith.constant 8192 : i32
      %add3A_338 = vector.broadcast %add3A_337 : i32 to vector<16xi32>
      %add3A_339 = arith.addi %add3A_332, %add3A_338 : vector<16xi32>
      %swap3A_340 = arith.constant 16 : index
      %swap3A_341 = tpu.vector_load %arg12[%swap3A_340] {strides = array<i32>} : memref<32xi32, #tpu.memory_space<vmem>>, vector<16xi32>,
      %swap3A_342 = vector.shape_cast %swap3A_341 : vector<16xi32> to vector<16xi32>
      %swap3A_343 = vector.shape_cast %add3A_339 : vector<16xi32> to vector<16xi32>
      tpu.vector_store %arg12[%swap3A_340], %swap3A_343 {strides = array<i32>} : memref<32xi32, #tpu.memory_space<vmem>>, vector<16xi32>,
      %dma_start3A_344 = arith.constant 0 : i32
      %dma_start3A_345 = arith.constant 0 : i32
      %dma_start3A_346 = tpu.memref_slice %arg5[%dma_start3A_344, %dma_start3A_345] : memref<65536x768xf32, #tpu.memory_space<hbm>> -> memref<65536x768xf32, #tpu.memory_space<hbm>>
      tpu.enqueue_indirect_dma source(%arg10 : memref<32x768xf32, #tpu.memory_space<vmem>>) target(%dma_start3A_346 : memref<65536x768xf32, #tpu.memory_space<hbm>>) offsets(%arg12 : memref<32xi32, #tpu.memory_space<vmem>>) semaphore(%arg16 : memref<!tpu.dma_semaphore, #tpu.memory_space<semaphore_mem>>)
      %mul3A_347 = arith.constant 128 : i32
      %mul3A_348 = arith.muli %scan3A_27, %mul3A_347 : i32
      %add3A_349 = arith.constant 96 : i32
      %add3A_350 = arith.addi %mul3A_348, %add3A_349 : i32
      %dma_wait3A_351 = tpu.memref_slice %arg6[%add3A_350] : memref<2048xi32, #tpu.memory_space<vmem>> -> memref<32xi32, #tpu.memory_space<vmem>>
      %dma_wait3A_352 = arith.constant 0 : i32
      %dma_wait3A_353 = arith.constant 0 : i32
      %dma_wait3A_354 = tpu.memref_slice %arg3[%dma_wait3A_352, %dma_wait3A_353] : memref<50265x768xf32, #tpu.memory_space<hbm>> -> memref<50265x768xf32, #tpu.memory_space<hbm>>
      tpu.wait_indirect_dma semaphore(%arg15 : memref<!tpu.dma_semaphore, #tpu.memory_space<semaphore_mem>>) src(%dma_wait3A_354 : memref<50265x768xf32, #tpu.memory_space<hbm>>) dst(%arg9 : memref<32x768xf32, #tpu.memory_space<vmem>>)
      %dma_wait3A_355 = arith.constant 0 : i32
      %dma_wait3A_356 = arith.constant 0 : i32
      %dma_wait3A_357 = tpu.memref_slice %arg5[%dma_wait3A_355, %dma_wait3A_356] : memref<65536x768xf32, #tpu.memory_space<hbm>> -> memref<65536x768xf32, #tpu.memory_space<hbm>>
      tpu.wait_indirect_dma semaphore(%arg17 : memref<!tpu.dma_semaphore, #tpu.memory_space<semaphore_mem>>) src(%arg11 : memref<32x768xf32, #tpu.memory_space<vmem>>) dst(%dma_wait3A_357 : memref<65536x768xf32, #tpu.memory_space<hbm>>)
      %parallel_loop3A_358 = arith.constant 0 : i32
      %parallel_loop3A_359 = arith.constant 32 : i32
      %parallel_loop3A_360 = arith.constant 1 : i32
      scf.for %parallel_loop3A_388 = %parallel_loop3A_358 to %parallel_loop3A_359 step %parallel_loop3A_360  : i32 {
        %parallel_loop3A_389 = arith.index_cast %parallel_loop3A_388 : i32 to index
        %parallel_loop3A_390 = arith.constant 0 : index
        %parallel_loop3A_391 = tpu.vector_load %arg9[%parallel_loop3A_389, %parallel_loop3A_390] {strides = array<i32>} : memref<32x768xf32, #tpu.memory_space<vmem>>, vector<1x16xf32>,
        %parallel_loop3A_392 = vector.shape_cast %parallel_loop3A_391 : vector<1x16xf32> to vector<16xf32>
        %parallel_loop3A_393 = arith.addf %parallel_loop3A_392, %get3A_34 : vector<16xf32>
        %parallel_loop3A_394 = arith.index_cast %parallel_loop3A_388 : i32 to index
        %parallel_loop3A_395 = arith.constant 0 : index
        %parallel_loop3A_396 = tpu.vector_load %arg11[%parallel_loop3A_394, %parallel_loop3A_395] {strides = array<i32>} : memref<32x768xf32, #tpu.memory_space<vmem>>, vector<1x16xf32>,
        %parallel_loop3A_397 = vector.shape_cast %parallel_loop3A_396 : vector<1x16xf32> to vector<16xf32>
        %parallel_loop3A_398 = vector.shape_cast %parallel_loop3A_393 : vector<16xf32> to vector<1x16xf32>
        tpu.vector_store %arg11[%parallel_loop3A_394, %parallel_loop3A_395], %parallel_loop3A_398 {strides = array<i32>} : memref<32x768xf32, #tpu.memory_space<vmem>>, vector<1x16xf32>,
        %parallel_loop3A_399 = arith.index_cast %parallel_loop3A_388 : i32 to index
        %parallel_loop3A_400 = arith.constant 16 : index
        %parallel_loop3A_401 = tpu.vector_load %arg9[%parallel_loop3A_399, %parallel_loop3A_400] {strides = array<i32>} : memref<32x768xf32, #tpu.memory_space<vmem>>, vector<1x16xf32>,
        %parallel_loop3A_402 = vector.shape_cast %parallel_loop3A_401 : vector<1x16xf32> to vector<16xf32>
        %parallel_loop3A_403 = arith.addf %parallel_loop3A_402, %get3A_38 : vector<16xf32>
        %parallel_loop3A_404 = arith.index_cast %parallel_loop3A_388 : i32 to index
        %parallel_loop3A_405 = arith.constant 16 : index
        %parallel_loop3A_406 = tpu.vector_load %arg11[%parallel_loop3A_404, %parallel_loop3A_405] {strides = array<i32>} : memref<32x768xf32, #tpu.memory_space<vmem>>, vector<1x16xf32>,
        %parallel_loop3A_407 = vector.shape_cast %parallel_loop3A_406 : vector<1x16xf32> to vector<16xf32>
        %parallel_loop3A_408 = vector.shape_cast %parallel_loop3A_403 : vector<16xf32> to vector<1x16xf32>
        tpu.vector_store %arg11[%parallel_loop3A_404, %parallel_loop3A_405], %parallel_loop3A_408 {strides = array<i32>} : memref<32x768xf32, #tpu.memory_space<vmem>>, vector<1x16xf32>,
        %parallel_loop3A_409 = arith.index_cast %parallel_loop3A_388 : i32 to index
        %parallel_loop3A_410 = arith.constant 32 : index
        %parallel_loop3A_411 = tpu.vector_load %arg9[%parallel_loop3A_409, %parallel_loop3A_410] {strides = array<i32>} : memref<32x768xf32, #tpu.memory_space<vmem>>, vector<1x16xf32>,
        %parallel_loop3A_412 = vector.shape_cast %parallel_loop3A_411 : vector<1x16xf32> to vector<16xf32>
        %parallel_loop3A_413 = arith.addf %parallel_loop3A_412, %get3A_42 : vector<16xf32>
        %parallel_loop3A_414 = arith.index_cast %parallel_loop3A_388 : i32 to index
        %parallel_loop3A_415 = arith.constant 32 : index
        %parallel_loop3A_416 = tpu.vector_load %arg11[%parallel_loop3A_414, %parallel_loop3A_415] {strides = array<i32>} : memref<32x768xf32, #tpu.memory_space<vmem>>, vector<1x16xf32>,
        %parallel_loop3A_417 = vector.shape_cast %parallel_loop3A_416 : vector<1x16xf32> to vector<16xf32>
        %parallel_loop3A_418 = vector.shape_cast %parallel_loop3A_413 : vector<16xf32> to vector<1x16xf32>
        tpu.vector_store %arg11[%parallel_loop3A_414, %parallel_loop3A_415], %parallel_loop3A_418 {strides = array<i32>} : memref<32x768xf32, #tpu.memory_space<vmem>>, vector<1x16xf32>,
        %parallel_loop3A_419 = arith.index_cast %parallel_loop3A_388 : i32 to index
        %parallel_loop3A_420 = arith.constant 48 : index
        %parallel_loop3A_421 = tpu.vector_load %arg9[%parallel_loop3A_419, %parallel_loop3A_420] {strides = array<i32>} : memref<32x768xf32, #tpu.memory_space<vmem>>, vector<1x16xf32>,
        %parallel_loop3A_422 = vector.shape_cast %parallel_loop3A_421 : vector<1x16xf32> to vector<16xf32>
        %parallel_loop3A_423 = arith.addf %parallel_loop3A_422, %get3A_46 : vector<16xf32>
        %parallel_loop3A_424 = arith.index_cast %parallel_loop3A_388 : i32 to index
        %parallel_loop3A_425 = arith.constant 48 : index
        %parallel_loop3A_426 = tpu.vector_load %arg11[%parallel_loop3A_424, %parallel_loop3A_425] {strides = array<i32>} : memref<32x768xf32, #tpu.memory_space<vmem>>, vector<1x16xf32>,
        %parallel_loop3A_427 = vector.shape_cast %parallel_loop3A_426 : vector<1x16xf32> to vector<16xf32>
        %parallel_loop3A_428 = vector.shape_cast %parallel_loop3A_423 : vector<16xf32> to vector<1x16xf32>
        tpu.vector_store %arg11[%parallel_loop3A_424, %parallel_loop3A_425], %parallel_loop3A_428 {strides = array<i32>} : memref<32x768xf32, #tpu.memory_space<vmem>>, vector<1x16xf32>,
        %parallel_loop3A_429 = arith.index_cast %parallel_loop3A_388 : i32 to index
        %parallel_loop3A_430 = arith.constant 64 : index
        %parallel_loop3A_431 = tpu.vector_load %arg9[%parallel_loop3A_429, %parallel_loop3A_430] {strides = array<i32>} : memref<32x768xf32, #tpu.memory_space<vmem>>, vector<1x16xf32>,
        %parallel_loop3A_432 = vector.shape_cast %parallel_loop3A_431 : vector<1x16xf32> to vector<16xf32>
        %parallel_loop3A_433 = arith.addf %parallel_loop3A_432, %get3A_50 : vector<16xf32>
        %parallel_loop3A_434 = arith.index_cast %parallel_loop3A_388 : i32 to index
        %parallel_loop3A_435 = arith.constant 64 : index
        %parallel_loop3A_436 = tpu.vector_load %arg11[%parallel_loop3A_434, %parallel_loop3A_435] {strides = array<i32>} : memref<32x768xf32, #tpu.memory_space<vmem>>, vector<1x16xf32>,
        %parallel_loop3A_437 = vector.shape_cast %parallel_loop3A_436 : vector<1x16xf32> to vector<16xf32>
        %parallel_loop3A_438 = vector.shape_cast %parallel_loop3A_433 : vector<16xf32> to vector<1x16xf32>
        tpu.vector_store %arg11[%parallel_loop3A_434, %parallel_loop3A_435], %parallel_loop3A_438 {strides = array<i32>} : memref<32x768xf32, #tpu.memory_space<vmem>>, vector<1x16xf32>,
        %parallel_loop3A_439 = arith.index_cast %parallel_loop3A_388 : i32 to index
        %parallel_loop3A_440 = arith.constant 80 : index
        %parallel_loop3A_441 = tpu.vector_load %arg9[%parallel_loop3A_439, %parallel_loop3A_440] {strides = array<i32>} : memref<32x768xf32, #tpu.memory_space<vmem>>, vector<1x16xf32>,
        %parallel_loop3A_442 = vector.shape_cast %parallel_loop3A_441 : vector<1x16xf32> to vector<16xf32>
        %parallel_loop3A_443 = arith.addf %parallel_loop3A_442, %get3A_54 : vector<16xf32>
        %parallel_loop3A_444 = arith.index_cast %parallel_loop3A_388 : i32 to index
        %parallel_loop3A_445 = arith.constant 80 : index
        %parallel_loop3A_446 = tpu.vector_load %arg11[%parallel_loop3A_444, %parallel_loop3A_445] {strides = array<i32>} : memref<32x768xf32, #tpu.memory_space<vmem>>, vector<1x16xf32>,
        %parallel_loop3A_447 = vector.shape_cast %parallel_loop3A_446 : vector<1x16xf32> to vector<16xf32>
        %parallel_loop3A_448 = vector.shape_cast %parallel_loop3A_443 : vector<16xf32> to vector<1x16xf32>
        tpu.vector_store %arg11[%parallel_loop3A_444, %parallel_loop3A_445], %parallel_loop3A_448 {strides = array<i32>} : memref<32x768xf32, #tpu.memory_space<vmem>>, vector<1x16xf32>,
        %parallel_loop3A_449 = arith.index_cast %parallel_loop3A_388 : i32 to index
        %parallel_loop3A_450 = arith.constant 96 : index
        %parallel_loop3A_451 = tpu.vector_load %arg9[%parallel_loop3A_449, %parallel_loop3A_450] {strides = array<i32>} : memref<32x768xf32, #tpu.memory_space<vmem>>, vector<1x16xf32>,
        %parallel_loop3A_452 = vector.shape_cast %parallel_loop3A_451 : vector<1x16xf32> to vector<16xf32>
        %parallel_loop3A_453 = arith.addf %parallel_loop3A_452, %get3A_58 : vector<16xf32>
        %parallel_loop3A_454 = arith.index_cast %parallel_loop3A_388 : i32 to index
        %parallel_loop3A_455 = arith.constant 96 : index
        %parallel_loop3A_456 = tpu.vector_load %arg11[%parallel_loop3A_454, %parallel_loop3A_455] {strides = array<i32>} : memref<32x768xf32, #tpu.memory_space<vmem>>, vector<1x16xf32>,
        %parallel_loop3A_457 = vector.shape_cast %parallel_loop3A_456 : vector<1x16xf32> to vector<16xf32>
        %parallel_loop3A_458 = vector.shape_cast %parallel_loop3A_453 : vector<16xf32> to vector<1x16xf32>
        tpu.vector_store %arg11[%parallel_loop3A_454, %parallel_loop3A_455], %parallel_loop3A_458 {strides = array<i32>} : memref<32x768xf32, #tpu.memory_space<vmem>>, vector<1x16xf32>,
        %parallel_loop3A_459 = arith.index_cast %parallel_loop3A_388 : i32 to index
        %parallel_loop3A_460 = arith.constant 112 : index
        %parallel_loop3A_461 = tpu.vector_load %arg9[%parallel_loop3A_459, %parallel_loop3A_460] {strides = array<i32>} : memref<32x768xf32, #tpu.memory_space<vmem>>, vector<1x16xf32>,
        %parallel_loop3A_462 = vector.shape_cast %parallel_loop3A_461 : vector<1x16xf32> to vector<16xf32>
        %parallel_loop3A_463 = arith.addf %parallel_loop3A_462, %get3A_62 : vector<16xf32>
        %parallel_loop3A_464 = arith.index_cast %parallel_loop3A_388 : i32 to index
        %parallel_loop3A_465 = arith.constant 112 : index
        %parallel_loop3A_466 = tpu.vector_load %arg11[%parallel_loop3A_464, %parallel_loop3A_465] {strides = array<i32>} : memref<32x768xf32, #tpu.memory_space<vmem>>, vector<1x16xf32>,
        %parallel_loop3A_467 = vector.shape_cast %parallel_loop3A_466 : vector<1x16xf32> to vector<16xf32>
        %parallel_loop3A_468 = vector.shape_cast %parallel_loop3A_463 : vector<16xf32> to vector<1x16xf32>
        tpu.vector_store %arg11[%parallel_loop3A_464, %parallel_loop3A_465], %parallel_loop3A_468 {strides = array<i32>} : memref<32x768xf32, #tpu.memory_space<vmem>>, vector<1x16xf32>,
        %parallel_loop3A_469 = arith.index_cast %parallel_loop3A_388 : i32 to index
        %parallel_loop3A_470 = arith.constant 128 : index
        %parallel_loop3A_471 = tpu.vector_load %arg9[%parallel_loop3A_469, %parallel_loop3A_470] {strides = array<i32>} : memref<32x768xf32, #tpu.memory_space<vmem>>, vector<1x16xf32>,
        %parallel_loop3A_472 = vector.shape_cast %parallel_loop3A_471 : vector<1x16xf32> to vector<16xf32>
        %parallel_loop3A_473 = arith.addf %parallel_loop3A_472, %get3A_66 : vector<16xf32>
        %parallel_loop3A_474 = arith.index_cast %parallel_loop3A_388 : i32 to index
        %parallel_loop3A_475 = arith.constant 128 : index
        %parallel_loop3A_476 = tpu.vector_load %arg11[%parallel_loop3A_474, %parallel_loop3A_475] {strides = array<i32>} : memref<32x768xf32, #tpu.memory_space<vmem>>, vector<1x16xf32>,
        %parallel_loop3A_477 = vector.shape_cast %parallel_loop3A_476 : vector<1x16xf32> to vector<16xf32>
        %parallel_loop3A_478 = vector.shape_cast %parallel_loop3A_473 : vector<16xf32> to vector<1x16xf32>
        tpu.vector_store %arg11[%parallel_loop3A_474, %parallel_loop3A_475], %parallel_loop3A_478 {strides = array<i32>} : memref<32x768xf32, #tpu.memory_space<vmem>>, vector<1x16xf32>,
        %parallel_loop3A_479 = arith.index_cast %parallel_loop3A_388 : i32 to index
        %parallel_loop3A_480 = arith.constant 144 : index
        %parallel_loop3A_481 = tpu.vector_load %arg9[%parallel_loop3A_479, %parallel_loop3A_480] {strides = array<i32>} : memref<32x768xf32, #tpu.memory_space<vmem>>, vector<1x16xf32>,
        %parallel_loop3A_482 = vector.shape_cast %parallel_loop3A_481 : vector<1x16xf32> to vector<16xf32>
        %parallel_loop3A_483 = arith.addf %parallel_loop3A_482, %get3A_70 : vector<16xf32>
        %parallel_loop3A_484 = arith.index_cast %parallel_loop3A_388 : i32 to index
        %parallel_loop3A_485 = arith.constant 144 : index
        %parallel_loop3A_486 = tpu.vector_load %arg11[%parallel_loop3A_484, %parallel_loop3A_485] {strides = array<i32>} : memref<32x768xf32, #tpu.memory_space<vmem>>, vector<1x16xf32>,
        %parallel_loop3A_487 = vector.shape_cast %parallel_loop3A_486 : vector<1x16xf32> to vector<16xf32>
        %parallel_loop3A_488 = vector.shape_cast %parallel_loop3A_483 : vector<16xf32> to vector<1x16xf32>
        tpu.vector_store %arg11[%parallel_loop3A_484, %parallel_loop3A_485], %parallel_loop3A_488 {strides = array<i32>} : memref<32x768xf32, #tpu.memory_space<vmem>>, vector<1x16xf32>,
        %parallel_loop3A_489 = arith.index_cast %parallel_loop3A_388 : i32 to index
        %parallel_loop3A_490 = arith.constant 160 : index
        %parallel_loop3A_491 = tpu.vector_load %arg9[%parallel_loop3A_489, %parallel_loop3A_490] {strides = array<i32>} : memref<32x768xf32, #tpu.memory_space<vmem>>, vector<1x16xf32>,
        %parallel_loop3A_492 = vector.shape_cast %parallel_loop3A_491 : vector<1x16xf32> to vector<16xf32>
        %parallel_loop3A_493 = arith.addf %parallel_loop3A_492, %get3A_74 : vector<16xf32>
        %parallel_loop3A_494 = arith.index_cast %parallel_loop3A_388 : i32 to index
        %parallel_loop3A_495 = arith.constant 160 : index
        %parallel_loop3A_496 = tpu.vector_load %arg11[%parallel_loop3A_494, %parallel_loop3A_495] {strides = array<i32>} : memref<32x768xf32, #tpu.memory_space<vmem>>, vector<1x16xf32>,
        %parallel_loop3A_497 = vector.shape_cast %parallel_loop3A_496 : vector<1x16xf32> to vector<16xf32>
        %parallel_loop3A_498 = vector.shape_cast %parallel_loop3A_493 : vector<16xf32> to vector<1x16xf32>
        tpu.vector_store %arg11[%parallel_loop3A_494, %parallel_loop3A_495], %parallel_loop3A_498 {strides = array<i32>} : memref<32x768xf32, #tpu.memory_space<vmem>>, vector<1x16xf32>,
        %parallel_loop3A_499 = arith.index_cast %parallel_loop3A_388 : i32 to index
        %parallel_loop3A_500 = arith.constant 176 : index
        %parallel_loop3A_501 = tpu.vector_load %arg9[%parallel_loop3A_499, %parallel_loop3A_500] {strides = array<i32>} : memref<32x768xf32, #tpu.memory_space<vmem>>, vector<1x16xf32>,
        %parallel_loop3A_502 = vector.shape_cast %parallel_loop3A_501 : vector<1x16xf32> to vector<16xf32>
        %parallel_loop3A_503 = arith.addf %parallel_loop3A_502, %get3A_78 : vector<16xf32>
        %parallel_loop3A_504 = arith.index_cast %parallel_loop3A_388 : i32 to index
        %parallel_loop3A_505 = arith.constant 176 : index
        %parallel_loop3A_506 = tpu.vector_load %arg11[%parallel_loop3A_504, %parallel_loop3A_505] {strides = array<i32>} : memref<32x768xf32, #tpu.memory_space<vmem>>, vector<1x16xf32>,
        %parallel_loop3A_507 = vector.shape_cast %parallel_loop3A_506 : vector<1x16xf32> to vector<16xf32>
        %parallel_loop3A_508 = vector.shape_cast %parallel_loop3A_503 : vector<16xf32> to vector<1x16xf32>
        tpu.vector_store %arg11[%parallel_loop3A_504, %parallel_loop3A_505], %parallel_loop3A_508 {strides = array<i32>} : memref<32x768xf32, #tpu.memory_space<vmem>>, vector<1x16xf32>,
        %parallel_loop3A_509 = arith.index_cast %parallel_loop3A_388 : i32 to index
        %parallel_loop3A_510 = arith.constant 192 : index
        %parallel_loop3A_511 = tpu.vector_load %arg9[%parallel_loop3A_509, %parallel_loop3A_510] {strides = array<i32>} : memref<32x768xf32, #tpu.memory_space<vmem>>, vector<1x16xf32>,
        %parallel_loop3A_512 = vector.shape_cast %parallel_loop3A_511 : vector<1x16xf32> to vector<16xf32>
        %parallel_loop3A_513 = arith.addf %parallel_loop3A_512, %get3A_82 : vector<16xf32>
        %parallel_loop3A_514 = arith.index_cast %parallel_loop3A_388 : i32 to index
        %parallel_loop3A_515 = arith.constant 192 : index
        %parallel_loop3A_516 = tpu.vector_load %arg11[%parallel_loop3A_514, %parallel_loop3A_515] {strides = array<i32>} : memref<32x768xf32, #tpu.memory_space<vmem>>, vector<1x16xf32>,
        %parallel_loop3A_517 = vector.shape_cast %parallel_loop3A_516 : vector<1x16xf32> to vector<16xf32>
        %parallel_loop3A_518 = vector.shape_cast %parallel_loop3A_513 : vector<16xf32> to vector<1x16xf32>
        tpu.vector_store %arg11[%parallel_loop3A_514, %parallel_loop3A_515], %parallel_loop3A_518 {strides = array<i32>} : memref<32x768xf32, #tpu.memory_space<vmem>>, vector<1x16xf32>,
        %parallel_loop3A_519 = arith.index_cast %parallel_loop3A_388 : i32 to index
        %parallel_loop3A_520 = arith.constant 208 : index
        %parallel_loop3A_521 = tpu.vector_load %arg9[%parallel_loop3A_519, %parallel_loop3A_520] {strides = array<i32>} : memref<32x768xf32, #tpu.memory_space<vmem>>, vector<1x16xf32>,
        %parallel_loop3A_522 = vector.shape_cast %parallel_loop3A_521 : vector<1x16xf32> to vector<16xf32>
        %parallel_loop3A_523 = arith.addf %parallel_loop3A_522, %get3A_86 : vector<16xf32>
        %parallel_loop3A_524 = arith.index_cast %parallel_loop3A_388 : i32 to index
        %parallel_loop3A_525 = arith.constant 208 : index
        %parallel_loop3A_526 = tpu.vector_load %arg11[%parallel_loop3A_524, %parallel_loop3A_525] {strides = array<i32>} : memref<32x768xf32, #tpu.memory_space<vmem>>, vector<1x16xf32>,
        %parallel_loop3A_527 = vector.shape_cast %parallel_loop3A_526 : vector<1x16xf32> to vector<16xf32>
        %parallel_loop3A_528 = vector.shape_cast %parallel_loop3A_523 : vector<16xf32> to vector<1x16xf32>
        tpu.vector_store %arg11[%parallel_loop3A_524, %parallel_loop3A_525], %parallel_loop3A_528 {strides = array<i32>} : memref<32x768xf32, #tpu.memory_space<vmem>>, vector<1x16xf32>,
        %parallel_loop3A_529 = arith.index_cast %parallel_loop3A_388 : i32 to index
        %parallel_loop3A_530 = arith.constant 224 : index
        %parallel_loop3A_531 = tpu.vector_load %arg9[%parallel_loop3A_529, %parallel_loop3A_530] {strides = array<i32>} : memref<32x768xf32, #tpu.memory_space<vmem>>, vector<1x16xf32>,
        %parallel_loop3A_532 = vector.shape_cast %parallel_loop3A_531 : vector<1x16xf32> to vector<16xf32>
        %parallel_loop3A_533 = arith.addf %parallel_loop3A_532, %get3A_90 : vector<16xf32>
        %parallel_loop3A_534 = arith.index_cast %parallel_loop3A_388 : i32 to index
        %parallel_loop3A_535 = arith.constant 224 : index
        %parallel_loop3A_536 = tpu.vector_load %arg11[%parallel_loop3A_534, %parallel_loop3A_535] {strides = array<i32>} : memref<32x768xf32, #tpu.memory_space<vmem>>, vector<1x16xf32>,
        %parallel_loop3A_537 = vector.shape_cast %parallel_loop3A_536 : vector<1x16xf32> to vector<16xf32>
        %parallel_loop3A_538 = vector.shape_cast %parallel_loop3A_533 : vector<16xf32> to vector<1x16xf32>
        tpu.vector_store %arg11[%parallel_loop3A_534, %parallel_loop3A_535], %parallel_loop3A_538 {strides = array<i32>} : memref<32x768xf32, #tpu.memory_space<vmem>>, vector<1x16xf32>,
        %parallel_loop3A_539 = arith.index_cast %parallel_loop3A_388 : i32 to index
        %parallel_loop3A_540 = arith.constant 240 : index
        %parallel_loop3A_541 = tpu.vector_load %arg9[%parallel_loop3A_539, %parallel_loop3A_540] {strides = array<i32>} : memref<32x768xf32, #tpu.memory_space<vmem>>, vector<1x16xf32>,
        %parallel_loop3A_542 = vector.shape_cast %parallel_loop3A_541 : vector<1x16xf32> to vector<16xf32>
        %parallel_loop3A_543 = arith.addf %parallel_loop3A_542, %get3A_94 : vector<16xf32>
        %parallel_loop3A_544 = arith.index_cast %parallel_loop3A_388 : i32 to index
        %parallel_loop3A_545 = arith.constant 240 : index
        %parallel_loop3A_546 = tpu.vector_load %arg11[%parallel_loop3A_544, %parallel_loop3A_545] {strides = array<i32>} : memref<32x768xf32, #tpu.memory_space<vmem>>, vector<1x16xf32>,
        %parallel_loop3A_547 = vector.shape_cast %parallel_loop3A_546 : vector<1x16xf32> to vector<16xf32>
        %parallel_loop3A_548 = vector.shape_cast %parallel_loop3A_543 : vector<16xf32> to vector<1x16xf32>
        tpu.vector_store %arg11[%parallel_loop3A_544, %parallel_loop3A_545], %parallel_loop3A_548 {strides = array<i32>} : memref<32x768xf32, #tpu.memory_space<vmem>>, vector<1x16xf32>,
        %parallel_loop3A_549 = arith.index_cast %parallel_loop3A_388 : i32 to index
        %parallel_loop3A_550 = arith.constant 256 : index
        %parallel_loop3A_551 = tpu.vector_load %arg9[%parallel_loop3A_549, %parallel_loop3A_550] {strides = array<i32>} : memref<32x768xf32, #tpu.memory_space<vmem>>, vector<1x16xf32>,
        %parallel_loop3A_552 = vector.shape_cast %parallel_loop3A_551 : vector<1x16xf32> to vector<16xf32>
        %parallel_loop3A_553 = arith.addf %parallel_loop3A_552, %get3A_98 : vector<16xf32>
        %parallel_loop3A_554 = arith.index_cast %parallel_loop3A_388 : i32 to index
        %parallel_loop3A_555 = arith.constant 256 : index
        %parallel_loop3A_556 = tpu.vector_load %arg11[%parallel_loop3A_554, %parallel_loop3A_555] {strides = array<i32>} : memref<32x768xf32, #tpu.memory_space<vmem>>, vector<1x16xf32>,
        %parallel_loop3A_557 = vector.shape_cast %parallel_loop3A_556 : vector<1x16xf32> to vector<16xf32>
        %parallel_loop3A_558 = vector.shape_cast %parallel_loop3A_553 : vector<16xf32> to vector<1x16xf32>
        tpu.vector_store %arg11[%parallel_loop3A_554, %parallel_loop3A_555], %parallel_loop3A_558 {strides = array<i32>} : memref<32x768xf32, #tpu.memory_space<vmem>>, vector<1x16xf32>,
        %parallel_loop3A_559 = arith.index_cast %parallel_loop3A_388 : i32 to index
        %parallel_loop3A_560 = arith.constant 272 : index
        %parallel_loop3A_561 = tpu.vector_load %arg9[%parallel_loop3A_559, %parallel_loop3A_560] {strides = array<i32>} : memref<32x768xf32, #tpu.memory_space<vmem>>, vector<1x16xf32>,
        %parallel_loop3A_562 = vector.shape_cast %parallel_loop3A_561 : vector<1x16xf32> to vector<16xf32>
        %parallel_loop3A_563 = arith.addf %parallel_loop3A_562, %get3A_102 : vector<16xf32>
        %parallel_loop3A_564 = arith.index_cast %parallel_loop3A_388 : i32 to index
        %parallel_loop3A_565 = arith.constant 272 : index
        %parallel_loop3A_566 = tpu.vector_load %arg11[%parallel_loop3A_564, %parallel_loop3A_565] {strides = array<i32>} : memref<32x768xf32, #tpu.memory_space<vmem>>, vector<1x16xf32>,
        %parallel_loop3A_567 = vector.shape_cast %parallel_loop3A_566 : vector<1x16xf32> to vector<16xf32>
        %parallel_loop3A_568 = vector.shape_cast %parallel_loop3A_563 : vector<16xf32> to vector<1x16xf32>
        tpu.vector_store %arg11[%parallel_loop3A_564, %parallel_loop3A_565], %parallel_loop3A_568 {strides = array<i32>} : memref<32x768xf32, #tpu.memory_space<vmem>>, vector<1x16xf32>,
        %parallel_loop3A_569 = arith.index_cast %parallel_loop3A_388 : i32 to index
        %parallel_loop3A_570 = arith.constant 288 : index
        %parallel_loop3A_571 = tpu.vector_load %arg9[%parallel_loop3A_569, %parallel_loop3A_570] {strides = array<i32>} : memref<32x768xf32, #tpu.memory_space<vmem>>, vector<1x16xf32>,
        %parallel_loop3A_572 = vector.shape_cast %parallel_loop3A_571 : vector<1x16xf32> to vector<16xf32>
        %parallel_loop3A_573 = arith.addf %parallel_loop3A_572, %get3A_106 : vector<16xf32>
        %parallel_loop3A_574 = arith.index_cast %parallel_loop3A_388 : i32 to index
        %parallel_loop3A_575 = arith.constant 288 : index
        %parallel_loop3A_576 = tpu.vector_load %arg11[%parallel_loop3A_574, %parallel_loop3A_575] {strides = array<i32>} : memref<32x768xf32, #tpu.memory_space<vmem>>, vector<1x16xf32>,
        %parallel_loop3A_577 = vector.shape_cast %parallel_loop3A_576 : vector<1x16xf32> to vector<16xf32>
        %parallel_loop3A_578 = vector.shape_cast %parallel_loop3A_573 : vector<16xf32> to vector<1x16xf32>
        tpu.vector_store %arg11[%parallel_loop3A_574, %parallel_loop3A_575], %parallel_loop3A_578 {strides = array<i32>} : memref<32x768xf32, #tpu.memory_space<vmem>>, vector<1x16xf32>,
        %parallel_loop3A_579 = arith.index_cast %parallel_loop3A_388 : i32 to index
        %parallel_loop3A_580 = arith.constant 304 : index
        %parallel_loop3A_581 = tpu.vector_load %arg9[%parallel_loop3A_579, %parallel_loop3A_580] {strides = array<i32>} : memref<32x768xf32, #tpu.memory_space<vmem>>, vector<1x16xf32>,
        %parallel_loop3A_582 = vector.shape_cast %parallel_loop3A_581 : vector<1x16xf32> to vector<16xf32>
        %parallel_loop3A_583 = arith.addf %parallel_loop3A_582, %get3A_110 : vector<16xf32>
        %parallel_loop3A_584 = arith.index_cast %parallel_loop3A_388 : i32 to index
        %parallel_loop3A_585 = arith.constant 304 : index
        %parallel_loop3A_586 = tpu.vector_load %arg11[%parallel_loop3A_584, %parallel_loop3A_585] {strides = array<i32>} : memref<32x768xf32, #tpu.memory_space<vmem>>, vector<1x16xf32>,
        %parallel_loop3A_587 = vector.shape_cast %parallel_loop3A_586 : vector<1x16xf32> to vector<16xf32>
        %parallel_loop3A_588 = vector.shape_cast %parallel_loop3A_583 : vector<16xf32> to vector<1x16xf32>
        tpu.vector_store %arg11[%parallel_loop3A_584, %parallel_loop3A_585], %parallel_loop3A_588 {strides = array<i32>} : memref<32x768xf32, #tpu.memory_space<vmem>>, vector<1x16xf32>,
        %parallel_loop3A_589 = arith.index_cast %parallel_loop3A_388 : i32 to index
        %parallel_loop3A_590 = arith.constant 320 : index
        %parallel_loop3A_591 = tpu.vector_load %arg9[%parallel_loop3A_589, %parallel_loop3A_590] {strides = array<i32>} : memref<32x768xf32, #tpu.memory_space<vmem>>, vector<1x16xf32>,
        %parallel_loop3A_592 = vector.shape_cast %parallel_loop3A_591 : vector<1x16xf32> to vector<16xf32>
        %parallel_loop3A_593 = arith.addf %parallel_loop3A_592, %get3A_114 : vector<16xf32>
        %parallel_loop3A_594 = arith.index_cast %parallel_loop3A_388 : i32 to index
        %parallel_loop3A_595 = arith.constant 320 : index
        %parallel_loop3A_596 = tpu.vector_load %arg11[%parallel_loop3A_594, %parallel_loop3A_595] {strides = array<i32>} : memref<32x768xf32, #tpu.memory_space<vmem>>, vector<1x16xf32>,
        %parallel_loop3A_597 = vector.shape_cast %parallel_loop3A_596 : vector<1x16xf32> to vector<16xf32>
        %parallel_loop3A_598 = vector.shape_cast %parallel_loop3A_593 : vector<16xf32> to vector<1x16xf32>
        tpu.vector_store %arg11[%parallel_loop3A_594, %parallel_loop3A_595], %parallel_loop3A_598 {strides = array<i32>} : memref<32x768xf32, #tpu.memory_space<vmem>>, vector<1x16xf32>,
        %parallel_loop3A_599 = arith.index_cast %parallel_loop3A_388 : i32 to index
        %parallel_loop3A_600 = arith.constant 336 : index
        %parallel_loop3A_601 = tpu.vector_load %arg9[%parallel_loop3A_599, %parallel_loop3A_600] {strides = array<i32>} : memref<32x768xf32, #tpu.memory_space<vmem>>, vector<1x16xf32>,
        %parallel_loop3A_602 = vector.shape_cast %parallel_loop3A_601 : vector<1x16xf32> to vector<16xf32>
        %parallel_loop3A_603 = arith.addf %parallel_loop3A_602, %get3A_118 : vector<16xf32>
        %parallel_loop3A_604 = arith.index_cast %parallel_loop3A_388 : i32 to index
        %parallel_loop3A_605 = arith.constant 336 : index
        %parallel_loop3A_606 = tpu.vector_load %arg11[%parallel_loop3A_604, %parallel_loop3A_605] {strides = array<i32>} : memref<32x768xf32, #tpu.memory_space<vmem>>, vector<1x16xf32>,
        %parallel_loop3A_607 = vector.shape_cast %parallel_loop3A_606 : vector<1x16xf32> to vector<16xf32>
        %parallel_loop3A_608 = vector.shape_cast %parallel_loop3A_603 : vector<16xf32> to vector<1x16xf32>
        tpu.vector_store %arg11[%parallel_loop3A_604, %parallel_loop3A_605], %parallel_loop3A_608 {strides = array<i32>} : memref<32x768xf32, #tpu.memory_space<vmem>>, vector<1x16xf32>,
        %parallel_loop3A_609 = arith.index_cast %parallel_loop3A_388 : i32 to index
        %parallel_loop3A_610 = arith.constant 352 : index
        %parallel_loop3A_611 = tpu.vector_load %arg9[%parallel_loop3A_609, %parallel_loop3A_610] {strides = array<i32>} : memref<32x768xf32, #tpu.memory_space<vmem>>, vector<1x16xf32>,
        %parallel_loop3A_612 = vector.shape_cast %parallel_loop3A_611 : vector<1x16xf32> to vector<16xf32>
        %parallel_loop3A_613 = arith.addf %parallel_loop3A_612, %get3A_122 : vector<16xf32>
        %parallel_loop3A_614 = arith.index_cast %parallel_loop3A_388 : i32 to index
        %parallel_loop3A_615 = arith.constant 352 : index
        %parallel_loop3A_616 = tpu.vector_load %arg11[%parallel_loop3A_614, %parallel_loop3A_615] {strides = array<i32>} : memref<32x768xf32, #tpu.memory_space<vmem>>, vector<1x16xf32>,
        %parallel_loop3A_617 = vector.shape_cast %parallel_loop3A_616 : vector<1x16xf32> to vector<16xf32>
        %parallel_loop3A_618 = vector.shape_cast %parallel_loop3A_613 : vector<16xf32> to vector<1x16xf32>
        tpu.vector_store %arg11[%parallel_loop3A_614, %parallel_loop3A_615], %parallel_loop3A_618 {strides = array<i32>} : memref<32x768xf32, #tpu.memory_space<vmem>>, vector<1x16xf32>,
        %parallel_loop3A_619 = arith.index_cast %parallel_loop3A_388 : i32 to index
        %parallel_loop3A_620 = arith.constant 368 : index
        %parallel_loop3A_621 = tpu.vector_load %arg9[%parallel_loop3A_619, %parallel_loop3A_620] {strides = array<i32>} : memref<32x768xf32, #tpu.memory_space<vmem>>, vector<1x16xf32>,
        %parallel_loop3A_622 = vector.shape_cast %parallel_loop3A_621 : vector<1x16xf32> to vector<16xf32>
        %parallel_loop3A_623 = arith.addf %parallel_loop3A_622, %get3A_126 : vector<16xf32>
        %parallel_loop3A_624 = arith.index_cast %parallel_loop3A_388 : i32 to index
        %parallel_loop3A_625 = arith.constant 368 : index
        %parallel_loop3A_626 = tpu.vector_load %arg11[%parallel_loop3A_624, %parallel_loop3A_625] {strides = array<i32>} : memref<32x768xf32, #tpu.memory_space<vmem>>, vector<1x16xf32>,
        %parallel_loop3A_627 = vector.shape_cast %parallel_loop3A_626 : vector<1x16xf32> to vector<16xf32>
        %parallel_loop3A_628 = vector.shape_cast %parallel_loop3A_623 : vector<16xf32> to vector<1x16xf32>
        tpu.vector_store %arg11[%parallel_loop3A_624, %parallel_loop3A_625], %parallel_loop3A_628 {strides = array<i32>} : memref<32x768xf32, #tpu.memory_space<vmem>>, vector<1x16xf32>,
        %parallel_loop3A_629 = arith.index_cast %parallel_loop3A_388 : i32 to index
        %parallel_loop3A_630 = arith.constant 384 : index
        %parallel_loop3A_631 = tpu.vector_load %arg9[%parallel_loop3A_629, %parallel_loop3A_630] {strides = array<i32>} : memref<32x768xf32, #tpu.memory_space<vmem>>, vector<1x16xf32>,
        %parallel_loop3A_632 = vector.shape_cast %parallel_loop3A_631 : vector<1x16xf32> to vector<16xf32>
        %parallel_loop3A_633 = arith.addf %parallel_loop3A_632, %get3A_130 : vector<16xf32>
        %parallel_loop3A_634 = arith.index_cast %parallel_loop3A_388 : i32 to index
        %parallel_loop3A_635 = arith.constant 384 : index
        %parallel_loop3A_636 = tpu.vector_load %arg11[%parallel_loop3A_634, %parallel_loop3A_635] {strides = array<i32>} : memref<32x768xf32, #tpu.memory_space<vmem>>, vector<1x16xf32>,
        %parallel_loop3A_637 = vector.shape_cast %parallel_loop3A_636 : vector<1x16xf32> to vector<16xf32>
        %parallel_loop3A_638 = vector.shape_cast %parallel_loop3A_633 : vector<16xf32> to vector<1x16xf32>
        tpu.vector_store %arg11[%parallel_loop3A_634, %parallel_loop3A_635], %parallel_loop3A_638 {strides = array<i32>} : memref<32x768xf32, #tpu.memory_space<vmem>>, vector<1x16xf32>,
        %parallel_loop3A_639 = arith.index_cast %parallel_loop3A_388 : i32 to index
        %parallel_loop3A_640 = arith.constant 400 : index
        %parallel_loop3A_641 = tpu.vector_load %arg9[%parallel_loop3A_639, %parallel_loop3A_640] {strides = array<i32>} : memref<32x768xf32, #tpu.memory_space<vmem>>, vector<1x16xf32>,
        %parallel_loop3A_642 = vector.shape_cast %parallel_loop3A_641 : vector<1x16xf32> to vector<16xf32>
        %parallel_loop3A_643 = arith.addf %parallel_loop3A_642, %get3A_134 : vector<16xf32>
        %parallel_loop3A_644 = arith.index_cast %parallel_loop3A_388 : i32 to index
        %parallel_loop3A_645 = arith.constant 400 : index
        %parallel_loop3A_646 = tpu.vector_load %arg11[%parallel_loop3A_644, %parallel_loop3A_645] {strides = array<i32>} : memref<32x768xf32, #tpu.memory_space<vmem>>, vector<1x16xf32>,
        %parallel_loop3A_647 = vector.shape_cast %parallel_loop3A_646 : vector<1x16xf32> to vector<16xf32>
        %parallel_loop3A_648 = vector.shape_cast %parallel_loop3A_643 : vector<16xf32> to vector<1x16xf32>
        tpu.vector_store %arg11[%parallel_loop3A_644, %parallel_loop3A_645], %parallel_loop3A_648 {strides = array<i32>} : memref<32x768xf32, #tpu.memory_space<vmem>>, vector<1x16xf32>,
        %parallel_loop3A_649 = arith.index_cast %parallel_loop3A_388 : i32 to index
        %parallel_loop3A_650 = arith.constant 416 : index
        %parallel_loop3A_651 = tpu.vector_load %arg9[%parallel_loop3A_649, %parallel_loop3A_650] {strides = array<i32>} : memref<32x768xf32, #tpu.memory_space<vmem>>, vector<1x16xf32>,
        %parallel_loop3A_652 = vector.shape_cast %parallel_loop3A_651 : vector<1x16xf32> to vector<16xf32>
        %parallel_loop3A_653 = arith.addf %parallel_loop3A_652, %get3A_138 : vector<16xf32>
        %parallel_loop3A_654 = arith.index_cast %parallel_loop3A_388 : i32 to index
        %parallel_loop3A_655 = arith.constant 416 : index
        %parallel_loop3A_656 = tpu.vector_load %arg11[%parallel_loop3A_654, %parallel_loop3A_655] {strides = array<i32>} : memref<32x768xf32, #tpu.memory_space<vmem>>, vector<1x16xf32>,
        %parallel_loop3A_657 = vector.shape_cast %parallel_loop3A_656 : vector<1x16xf32> to vector<16xf32>
        %parallel_loop3A_658 = vector.shape_cast %parallel_loop3A_653 : vector<16xf32> to vector<1x16xf32>
        tpu.vector_store %arg11[%parallel_loop3A_654, %parallel_loop3A_655], %parallel_loop3A_658 {strides = array<i32>} : memref<32x768xf32, #tpu.memory_space<vmem>>, vector<1x16xf32>,
        %parallel_loop3A_659 = arith.index_cast %parallel_loop3A_388 : i32 to index
        %parallel_loop3A_660 = arith.constant 432 : index
        %parallel_loop3A_661 = tpu.vector_load %arg9[%parallel_loop3A_659, %parallel_loop3A_660] {strides = array<i32>} : memref<32x768xf32, #tpu.memory_space<vmem>>, vector<1x16xf32>,
        %parallel_loop3A_662 = vector.shape_cast %parallel_loop3A_661 : vector<1x16xf32> to vector<16xf32>
        %parallel_loop3A_663 = arith.addf %parallel_loop3A_662, %get3A_142 : vector<16xf32>
        %parallel_loop3A_664 = arith.index_cast %parallel_loop3A_388 : i32 to index
        %parallel_loop3A_665 = arith.constant 432 : index
        %parallel_loop3A_666 = tpu.vector_load %arg11[%parallel_loop3A_664, %parallel_loop3A_665] {strides = array<i32>} : memref<32x768xf32, #tpu.memory_space<vmem>>, vector<1x16xf32>,
        %parallel_loop3A_667 = vector.shape_cast %parallel_loop3A_666 : vector<1x16xf32> to vector<16xf32>
        %parallel_loop3A_668 = vector.shape_cast %parallel_loop3A_663 : vector<16xf32> to vector<1x16xf32>
        tpu.vector_store %arg11[%parallel_loop3A_664, %parallel_loop3A_665], %parallel_loop3A_668 {strides = array<i32>} : memref<32x768xf32, #tpu.memory_space<vmem>>, vector<1x16xf32>,
        %parallel_loop3A_669 = arith.index_cast %parallel_loop3A_388 : i32 to index
        %parallel_loop3A_670 = arith.constant 448 : index
        %parallel_loop3A_671 = tpu.vector_load %arg9[%parallel_loop3A_669, %parallel_loop3A_670] {strides = array<i32>} : memref<32x768xf32, #tpu.memory_space<vmem>>, vector<1x16xf32>,
        %parallel_loop3A_672 = vector.shape_cast %parallel_loop3A_671 : vector<1x16xf32> to vector<16xf32>
        %parallel_loop3A_673 = arith.addf %parallel_loop3A_672, %get3A_146 : vector<16xf32>
        %parallel_loop3A_674 = arith.index_cast %parallel_loop3A_388 : i32 to index
        %parallel_loop3A_675 = arith.constant 448 : index
        %parallel_loop3A_676 = tpu.vector_load %arg11[%parallel_loop3A_674, %parallel_loop3A_675] {strides = array<i32>} : memref<32x768xf32, #tpu.memory_space<vmem>>, vector<1x16xf32>,
        %parallel_loop3A_677 = vector.shape_cast %parallel_loop3A_676 : vector<1x16xf32> to vector<16xf32>
        %parallel_loop3A_678 = vector.shape_cast %parallel_loop3A_673 : vector<16xf32> to vector<1x16xf32>
        tpu.vector_store %arg11[%parallel_loop3A_674, %parallel_loop3A_675], %parallel_loop3A_678 {strides = array<i32>} : memref<32x768xf32, #tpu.memory_space<vmem>>, vector<1x16xf32>,
        %parallel_loop3A_679 = arith.index_cast %parallel_loop3A_388 : i32 to index
        %parallel_loop3A_680 = arith.constant 464 : index
        %parallel_loop3A_681 = tpu.vector_load %arg9[%parallel_loop3A_679, %parallel_loop3A_680] {strides = array<i32>} : memref<32x768xf32, #tpu.memory_space<vmem>>, vector<1x16xf32>,
        %parallel_loop3A_682 = vector.shape_cast %parallel_loop3A_681 : vector<1x16xf32> to vector<16xf32>
        %parallel_loop3A_683 = arith.addf %parallel_loop3A_682, %get3A_150 : vector<16xf32>
        %parallel_loop3A_684 = arith.index_cast %parallel_loop3A_388 : i32 to index
        %parallel_loop3A_685 = arith.constant 464 : index
        %parallel_loop3A_686 = tpu.vector_load %arg11[%parallel_loop3A_684, %parallel_loop3A_685] {strides = array<i32>} : memref<32x768xf32, #tpu.memory_space<vmem>>, vector<1x16xf32>,
        %parallel_loop3A_687 = vector.shape_cast %parallel_loop3A_686 : vector<1x16xf32> to vector<16xf32>
        %parallel_loop3A_688 = vector.shape_cast %parallel_loop3A_683 : vector<16xf32> to vector<1x16xf32>
        tpu.vector_store %arg11[%parallel_loop3A_684, %parallel_loop3A_685], %parallel_loop3A_688 {strides = array<i32>} : memref<32x768xf32, #tpu.memory_space<vmem>>, vector<1x16xf32>,
        %parallel_loop3A_689 = arith.index_cast %parallel_loop3A_388 : i32 to index
        %parallel_loop3A_690 = arith.constant 480 : index
        %parallel_loop3A_691 = tpu.vector_load %arg9[%parallel_loop3A_689, %parallel_loop3A_690] {strides = array<i32>} : memref<32x768xf32, #tpu.memory_space<vmem>>, vector<1x16xf32>,
        %parallel_loop3A_692 = vector.shape_cast %parallel_loop3A_691 : vector<1x16xf32> to vector<16xf32>
        %parallel_loop3A_693 = arith.addf %parallel_loop3A_692, %get3A_154 : vector<16xf32>
        %parallel_loop3A_694 = arith.index_cast %parallel_loop3A_388 : i32 to index
        %parallel_loop3A_695 = arith.constant 480 : index
        %parallel_loop3A_696 = tpu.vector_load %arg11[%parallel_loop3A_694, %parallel_loop3A_695] {strides = array<i32>} : memref<32x768xf32, #tpu.memory_space<vmem>>, vector<1x16xf32>,
        %parallel_loop3A_697 = vector.shape_cast %parallel_loop3A_696 : vector<1x16xf32> to vector<16xf32>
        %parallel_loop3A_698 = vector.shape_cast %parallel_loop3A_693 : vector<16xf32> to vector<1x16xf32>
        tpu.vector_store %arg11[%parallel_loop3A_694, %parallel_loop3A_695], %parallel_loop3A_698 {strides = array<i32>} : memref<32x768xf32, #tpu.memory_space<vmem>>, vector<1x16xf32>,
        %parallel_loop3A_699 = arith.index_cast %parallel_loop3A_388 : i32 to index
        %parallel_loop3A_700 = arith.constant 496 : index
        %parallel_loop3A_701 = tpu.vector_load %arg9[%parallel_loop3A_699, %parallel_loop3A_700] {strides = array<i32>} : memref<32x768xf32, #tpu.memory_space<vmem>>, vector<1x16xf32>,
        %parallel_loop3A_702 = vector.shape_cast %parallel_loop3A_701 : vector<1x16xf32> to vector<16xf32>
        %parallel_loop3A_703 = arith.addf %parallel_loop3A_702, %get3A_158 : vector<16xf32>
        %parallel_loop3A_704 = arith.index_cast %parallel_loop3A_388 : i32 to index
        %parallel_loop3A_705 = arith.constant 496 : index
        %parallel_loop3A_706 = tpu.vector_load %arg11[%parallel_loop3A_704, %parallel_loop3A_705] {strides = array<i32>} : memref<32x768xf32, #tpu.memory_space<vmem>>, vector<1x16xf32>,
        %parallel_loop3A_707 = vector.shape_cast %parallel_loop3A_706 : vector<1x16xf32> to vector<16xf32>
        %parallel_loop3A_708 = vector.shape_cast %parallel_loop3A_703 : vector<16xf32> to vector<1x16xf32>
        tpu.vector_store %arg11[%parallel_loop3A_704, %parallel_loop3A_705], %parallel_loop3A_708 {strides = array<i32>} : memref<32x768xf32, #tpu.memory_space<vmem>>, vector<1x16xf32>,
        %parallel_loop3A_709 = arith.index_cast %parallel_loop3A_388 : i32 to index
        %parallel_loop3A_710 = arith.constant 512 : index
        %parallel_loop3A_711 = tpu.vector_load %arg9[%parallel_loop3A_709, %parallel_loop3A_710] {strides = array<i32>} : memref<32x768xf32, #tpu.memory_space<vmem>>, vector<1x16xf32>,
        %parallel_loop3A_712 = vector.shape_cast %parallel_loop3A_711 : vector<1x16xf32> to vector<16xf32>
        %parallel_loop3A_713 = arith.addf %parallel_loop3A_712, %get3A_162 : vector<16xf32>
        %parallel_loop3A_714 = arith.index_cast %parallel_loop3A_388 : i32 to index
        %parallel_loop3A_715 = arith.constant 512 : index
        %parallel_loop3A_716 = tpu.vector_load %arg11[%parallel_loop3A_714, %parallel_loop3A_715] {strides = array<i32>} : memref<32x768xf32, #tpu.memory_space<vmem>>, vector<1x16xf32>,
        %parallel_loop3A_717 = vector.shape_cast %parallel_loop3A_716 : vector<1x16xf32> to vector<16xf32>
        %parallel_loop3A_718 = vector.shape_cast %parallel_loop3A_713 : vector<16xf32> to vector<1x16xf32>
        tpu.vector_store %arg11[%parallel_loop3A_714, %parallel_loop3A_715], %parallel_loop3A_718 {strides = array<i32>} : memref<32x768xf32, #tpu.memory_space<vmem>>, vector<1x16xf32>,
        %parallel_loop3A_719 = arith.index_cast %parallel_loop3A_388 : i32 to index
        %parallel_loop3A_720 = arith.constant 528 : index
        %parallel_loop3A_721 = tpu.vector_load %arg9[%parallel_loop3A_719, %parallel_loop3A_720] {strides = array<i32>} : memref<32x768xf32, #tpu.memory_space<vmem>>, vector<1x16xf32>,
        %parallel_loop3A_722 = vector.shape_cast %parallel_loop3A_721 : vector<1x16xf32> to vector<16xf32>
        %parallel_loop3A_723 = arith.addf %parallel_loop3A_722, %get3A_166 : vector<16xf32>
        %parallel_loop3A_724 = arith.index_cast %parallel_loop3A_388 : i32 to index
        %parallel_loop3A_725 = arith.constant 528 : index
        %parallel_loop3A_726 = tpu.vector_load %arg11[%parallel_loop3A_724, %parallel_loop3A_725] {strides = array<i32>} : memref<32x768xf32, #tpu.memory_space<vmem>>, vector<1x16xf32>,
        %parallel_loop3A_727 = vector.shape_cast %parallel_loop3A_726 : vector<1x16xf32> to vector<16xf32>
        %parallel_loop3A_728 = vector.shape_cast %parallel_loop3A_723 : vector<16xf32> to vector<1x16xf32>
        tpu.vector_store %arg11[%parallel_loop3A_724, %parallel_loop3A_725], %parallel_loop3A_728 {strides = array<i32>} : memref<32x768xf32, #tpu.memory_space<vmem>>, vector<1x16xf32>,
        %parallel_loop3A_729 = arith.index_cast %parallel_loop3A_388 : i32 to index
        %parallel_loop3A_730 = arith.constant 544 : index
        %parallel_loop3A_731 = tpu.vector_load %arg9[%parallel_loop3A_729, %parallel_loop3A_730] {strides = array<i32>} : memref<32x768xf32, #tpu.memory_space<vmem>>, vector<1x16xf32>,
        %parallel_loop3A_732 = vector.shape_cast %parallel_loop3A_731 : vector<1x16xf32> to vector<16xf32>
        %parallel_loop3A_733 = arith.addf %parallel_loop3A_732, %get3A_170 : vector<16xf32>
        %parallel_loop3A_734 = arith.index_cast %parallel_loop3A_388 : i32 to index
        %parallel_loop3A_735 = arith.constant 544 : index
        %parallel_loop3A_736 = tpu.vector_load %arg11[%parallel_loop3A_734, %parallel_loop3A_735] {strides = array<i32>} : memref<32x768xf32, #tpu.memory_space<vmem>>, vector<1x16xf32>,
        %parallel_loop3A_737 = vector.shape_cast %parallel_loop3A_736 : vector<1x16xf32> to vector<16xf32>
        %parallel_loop3A_738 = vector.shape_cast %parallel_loop3A_733 : vector<16xf32> to vector<1x16xf32>
        tpu.vector_store %arg11[%parallel_loop3A_734, %parallel_loop3A_735], %parallel_loop3A_738 {strides = array<i32>} : memref<32x768xf32, #tpu.memory_space<vmem>>, vector<1x16xf32>,
        %parallel_loop3A_739 = arith.index_cast %parallel_loop3A_388 : i32 to index
        %parallel_loop3A_740 = arith.constant 560 : index
        %parallel_loop3A_741 = tpu.vector_load %arg9[%parallel_loop3A_739, %parallel_loop3A_740] {strides = array<i32>} : memref<32x768xf32, #tpu.memory_space<vmem>>, vector<1x16xf32>,
        %parallel_loop3A_742 = vector.shape_cast %parallel_loop3A_741 : vector<1x16xf32> to vector<16xf32>
        %parallel_loop3A_743 = arith.addf %parallel_loop3A_742, %get3A_174 : vector<16xf32>
        %parallel_loop3A_744 = arith.index_cast %parallel_loop3A_388 : i32 to index
        %parallel_loop3A_745 = arith.constant 560 : index
        %parallel_loop3A_746 = tpu.vector_load %arg11[%parallel_loop3A_744, %parallel_loop3A_745] {strides = array<i32>} : memref<32x768xf32, #tpu.memory_space<vmem>>, vector<1x16xf32>,
        %parallel_loop3A_747 = vector.shape_cast %parallel_loop3A_746 : vector<1x16xf32> to vector<16xf32>
        %parallel_loop3A_748 = vector.shape_cast %parallel_loop3A_743 : vector<16xf32> to vector<1x16xf32>
        tpu.vector_store %arg11[%parallel_loop3A_744, %parallel_loop3A_745], %parallel_loop3A_748 {strides = array<i32>} : memref<32x768xf32, #tpu.memory_space<vmem>>, vector<1x16xf32>,
        %parallel_loop3A_749 = arith.index_cast %parallel_loop3A_388 : i32 to index
        %parallel_loop3A_750 = arith.constant 576 : index
        %parallel_loop3A_751 = tpu.vector_load %arg9[%parallel_loop3A_749, %parallel_loop3A_750] {strides = array<i32>} : memref<32x768xf32, #tpu.memory_space<vmem>>, vector<1x16xf32>,
        %parallel_loop3A_752 = vector.shape_cast %parallel_loop3A_751 : vector<1x16xf32> to vector<16xf32>
        %parallel_loop3A_753 = arith.addf %parallel_loop3A_752, %get3A_178 : vector<16xf32>
        %parallel_loop3A_754 = arith.index_cast %parallel_loop3A_388 : i32 to index
        %parallel_loop3A_755 = arith.constant 576 : index
        %parallel_loop3A_756 = tpu.vector_load %arg11[%parallel_loop3A_754, %parallel_loop3A_755] {strides = array<i32>} : memref<32x768xf32, #tpu.memory_space<vmem>>, vector<1x16xf32>,
        %parallel_loop3A_757 = vector.shape_cast %parallel_loop3A_756 : vector<1x16xf32> to vector<16xf32>
        %parallel_loop3A_758 = vector.shape_cast %parallel_loop3A_753 : vector<16xf32> to vector<1x16xf32>
        tpu.vector_store %arg11[%parallel_loop3A_754, %parallel_loop3A_755], %parallel_loop3A_758 {strides = array<i32>} : memref<32x768xf32, #tpu.memory_space<vmem>>, vector<1x16xf32>,
        %parallel_loop3A_759 = arith.index_cast %parallel_loop3A_388 : i32 to index
        %parallel_loop3A_760 = arith.constant 592 : index
        %parallel_loop3A_761 = tpu.vector_load %arg9[%parallel_loop3A_759, %parallel_loop3A_760] {strides = array<i32>} : memref<32x768xf32, #tpu.memory_space<vmem>>, vector<1x16xf32>,
        %parallel_loop3A_762 = vector.shape_cast %parallel_loop3A_761 : vector<1x16xf32> to vector<16xf32>
        %parallel_loop3A_763 = arith.addf %parallel_loop3A_762, %get3A_182 : vector<16xf32>
        %parallel_loop3A_764 = arith.index_cast %parallel_loop3A_388 : i32 to index
        %parallel_loop3A_765 = arith.constant 592 : index
        %parallel_loop3A_766 = tpu.vector_load %arg11[%parallel_loop3A_764, %parallel_loop3A_765] {strides = array<i32>} : memref<32x768xf32, #tpu.memory_space<vmem>>, vector<1x16xf32>,
        %parallel_loop3A_767 = vector.shape_cast %parallel_loop3A_766 : vector<1x16xf32> to vector<16xf32>
        %parallel_loop3A_768 = vector.shape_cast %parallel_loop3A_763 : vector<16xf32> to vector<1x16xf32>
        tpu.vector_store %arg11[%parallel_loop3A_764, %parallel_loop3A_765], %parallel_loop3A_768 {strides = array<i32>} : memref<32x768xf32, #tpu.memory_space<vmem>>, vector<1x16xf32>,
        %parallel_loop3A_769 = arith.index_cast %parallel_loop3A_388 : i32 to index
        %parallel_loop3A_770 = arith.constant 608 : index
        %parallel_loop3A_771 = tpu.vector_load %arg9[%parallel_loop3A_769, %parallel_loop3A_770] {strides = array<i32>} : memref<32x768xf32, #tpu.memory_space<vmem>>, vector<1x16xf32>,
        %parallel_loop3A_772 = vector.shape_cast %parallel_loop3A_771 : vector<1x16xf32> to vector<16xf32>
        %parallel_loop3A_773 = arith.addf %parallel_loop3A_772, %get3A_186 : vector<16xf32>
        %parallel_loop3A_774 = arith.index_cast %parallel_loop3A_388 : i32 to index
        %parallel_loop3A_775 = arith.constant 608 : index
        %parallel_loop3A_776 = tpu.vector_load %arg11[%parallel_loop3A_774, %parallel_loop3A_775] {strides = array<i32>} : memref<32x768xf32, #tpu.memory_space<vmem>>, vector<1x16xf32>,
        %parallel_loop3A_777 = vector.shape_cast %parallel_loop3A_776 : vector<1x16xf32> to vector<16xf32>
        %parallel_loop3A_778 = vector.shape_cast %parallel_loop3A_773 : vector<16xf32> to vector<1x16xf32>
        tpu.vector_store %arg11[%parallel_loop3A_774, %parallel_loop3A_775], %parallel_loop3A_778 {strides = array<i32>} : memref<32x768xf32, #tpu.memory_space<vmem>>, vector<1x16xf32>,
        %parallel_loop3A_779 = arith.index_cast %parallel_loop3A_388 : i32 to index
        %parallel_loop3A_780 = arith.constant 624 : index
        %parallel_loop3A_781 = tpu.vector_load %arg9[%parallel_loop3A_779, %parallel_loop3A_780] {strides = array<i32>} : memref<32x768xf32, #tpu.memory_space<vmem>>, vector<1x16xf32>,
        %parallel_loop3A_782 = vector.shape_cast %parallel_loop3A_781 : vector<1x16xf32> to vector<16xf32>
        %parallel_loop3A_783 = arith.addf %parallel_loop3A_782, %get3A_190 : vector<16xf32>
        %parallel_loop3A_784 = arith.index_cast %parallel_loop3A_388 : i32 to index
        %parallel_loop3A_785 = arith.constant 624 : index
        %parallel_loop3A_786 = tpu.vector_load %arg11[%parallel_loop3A_784, %parallel_loop3A_785] {strides = array<i32>} : memref<32x768xf32, #tpu.memory_space<vmem>>, vector<1x16xf32>,
        %parallel_loop3A_787 = vector.shape_cast %parallel_loop3A_786 : vector<1x16xf32> to vector<16xf32>
        %parallel_loop3A_788 = vector.shape_cast %parallel_loop3A_783 : vector<16xf32> to vector<1x16xf32>
        tpu.vector_store %arg11[%parallel_loop3A_784, %parallel_loop3A_785], %parallel_loop3A_788 {strides = array<i32>} : memref<32x768xf32, #tpu.memory_space<vmem>>, vector<1x16xf32>,
        %parallel_loop3A_789 = arith.index_cast %parallel_loop3A_388 : i32 to index
        %parallel_loop3A_790 = arith.constant 640 : index
        %parallel_loop3A_791 = tpu.vector_load %arg9[%parallel_loop3A_789, %parallel_loop3A_790] {strides = array<i32>} : memref<32x768xf32, #tpu.memory_space<vmem>>, vector<1x16xf32>,
        %parallel_loop3A_792 = vector.shape_cast %parallel_loop3A_791 : vector<1x16xf32> to vector<16xf32>
        %parallel_loop3A_793 = arith.addf %parallel_loop3A_792, %get3A_194 : vector<16xf32>
        %parallel_loop3A_794 = arith.index_cast %parallel_loop3A_388 : i32 to index
        %parallel_loop3A_795 = arith.constant 640 : index
        %parallel_loop3A_796 = tpu.vector_load %arg11[%parallel_loop3A_794, %parallel_loop3A_795] {strides = array<i32>} : memref<32x768xf32, #tpu.memory_space<vmem>>, vector<1x16xf32>,
        %parallel_loop3A_797 = vector.shape_cast %parallel_loop3A_796 : vector<1x16xf32> to vector<16xf32>
        %parallel_loop3A_798 = vector.shape_cast %parallel_loop3A_793 : vector<16xf32> to vector<1x16xf32>
        tpu.vector_store %arg11[%parallel_loop3A_794, %parallel_loop3A_795], %parallel_loop3A_798 {strides = array<i32>} : memref<32x768xf32, #tpu.memory_space<vmem>>, vector<1x16xf32>,
        %parallel_loop3A_799 = arith.index_cast %parallel_loop3A_388 : i32 to index
        %parallel_loop3A_800 = arith.constant 656 : index
        %parallel_loop3A_801 = tpu.vector_load %arg9[%parallel_loop3A_799, %parallel_loop3A_800] {strides = array<i32>} : memref<32x768xf32, #tpu.memory_space<vmem>>, vector<1x16xf32>,
        %parallel_loop3A_802 = vector.shape_cast %parallel_loop3A_801 : vector<1x16xf32> to vector<16xf32>
        %parallel_loop3A_803 = arith.addf %parallel_loop3A_802, %get3A_198 : vector<16xf32>
        %parallel_loop3A_804 = arith.index_cast %parallel_loop3A_388 : i32 to index
        %parallel_loop3A_805 = arith.constant 656 : index
        %parallel_loop3A_806 = tpu.vector_load %arg11[%parallel_loop3A_804, %parallel_loop3A_805] {strides = array<i32>} : memref<32x768xf32, #tpu.memory_space<vmem>>, vector<1x16xf32>,
        %parallel_loop3A_807 = vector.shape_cast %parallel_loop3A_806 : vector<1x16xf32> to vector<16xf32>
        %parallel_loop3A_808 = vector.shape_cast %parallel_loop3A_803 : vector<16xf32> to vector<1x16xf32>
        tpu.vector_store %arg11[%parallel_loop3A_804, %parallel_loop3A_805], %parallel_loop3A_808 {strides = array<i32>} : memref<32x768xf32, #tpu.memory_space<vmem>>, vector<1x16xf32>,
        %parallel_loop3A_809 = arith.index_cast %parallel_loop3A_388 : i32 to index
        %parallel_loop3A_810 = arith.constant 672 : index
        %parallel_loop3A_811 = tpu.vector_load %arg9[%parallel_loop3A_809, %parallel_loop3A_810] {strides = array<i32>} : memref<32x768xf32, #tpu.memory_space<vmem>>, vector<1x16xf32>,
        %parallel_loop3A_812 = vector.shape_cast %parallel_loop3A_811 : vector<1x16xf32> to vector<16xf32>
        %parallel_loop3A_813 = arith.addf %parallel_loop3A_812, %get3A_202 : vector<16xf32>
        %parallel_loop3A_814 = arith.index_cast %parallel_loop3A_388 : i32 to index
        %parallel_loop3A_815 = arith.constant 672 : index
        %parallel_loop3A_816 = tpu.vector_load %arg11[%parallel_loop3A_814, %parallel_loop3A_815] {strides = array<i32>} : memref<32x768xf32, #tpu.memory_space<vmem>>, vector<1x16xf32>,
        %parallel_loop3A_817 = vector.shape_cast %parallel_loop3A_816 : vector<1x16xf32> to vector<16xf32>
        %parallel_loop3A_818 = vector.shape_cast %parallel_loop3A_813 : vector<16xf32> to vector<1x16xf32>
        tpu.vector_store %arg11[%parallel_loop3A_814, %parallel_loop3A_815], %parallel_loop3A_818 {strides = array<i32>} : memref<32x768xf32, #tpu.memory_space<vmem>>, vector<1x16xf32>,
        %parallel_loop3A_819 = arith.index_cast %parallel_loop3A_388 : i32 to index
        %parallel_loop3A_820 = arith.constant 688 : index
        %parallel_loop3A_821 = tpu.vector_load %arg9[%parallel_loop3A_819, %parallel_loop3A_820] {strides = array<i32>} : memref<32x768xf32, #tpu.memory_space<vmem>>, vector<1x16xf32>,
        %parallel_loop3A_822 = vector.shape_cast %parallel_loop3A_821 : vector<1x16xf32> to vector<16xf32>
        %parallel_loop3A_823 = arith.addf %parallel_loop3A_822, %get3A_206 : vector<16xf32>
        %parallel_loop3A_824 = arith.index_cast %parallel_loop3A_388 : i32 to index
        %parallel_loop3A_825 = arith.constant 688 : index
        %parallel_loop3A_826 = tpu.vector_load %arg11[%parallel_loop3A_824, %parallel_loop3A_825] {strides = array<i32>} : memref<32x768xf32, #tpu.memory_space<vmem>>, vector<1x16xf32>,
        %parallel_loop3A_827 = vector.shape_cast %parallel_loop3A_826 : vector<1x16xf32> to vector<16xf32>
        %parallel_loop3A_828 = vector.shape_cast %parallel_loop3A_823 : vector<16xf32> to vector<1x16xf32>
        tpu.vector_store %arg11[%parallel_loop3A_824, %parallel_loop3A_825], %parallel_loop3A_828 {strides = array<i32>} : memref<32x768xf32, #tpu.memory_space<vmem>>, vector<1x16xf32>,
        %parallel_loop3A_829 = arith.index_cast %parallel_loop3A_388 : i32 to index
        %parallel_loop3A_830 = arith.constant 704 : index
        %parallel_loop3A_831 = tpu.vector_load %arg9[%parallel_loop3A_829, %parallel_loop3A_830] {strides = array<i32>} : memref<32x768xf32, #tpu.memory_space<vmem>>, vector<1x16xf32>,
        %parallel_loop3A_832 = vector.shape_cast %parallel_loop3A_831 : vector<1x16xf32> to vector<16xf32>
        %parallel_loop3A_833 = arith.addf %parallel_loop3A_832, %get3A_210 : vector<16xf32>
        %parallel_loop3A_834 = arith.index_cast %parallel_loop3A_388 : i32 to index
        %parallel_loop3A_835 = arith.constant 704 : index
        %parallel_loop3A_836 = tpu.vector_load %arg11[%parallel_loop3A_834, %parallel_loop3A_835] {strides = array<i32>} : memref<32x768xf32, #tpu.memory_space<vmem>>, vector<1x16xf32>,
        %parallel_loop3A_837 = vector.shape_cast %parallel_loop3A_836 : vector<1x16xf32> to vector<16xf32>
        %parallel_loop3A_838 = vector.shape_cast %parallel_loop3A_833 : vector<16xf32> to vector<1x16xf32>
        tpu.vector_store %arg11[%parallel_loop3A_834, %parallel_loop3A_835], %parallel_loop3A_838 {strides = array<i32>} : memref<32x768xf32, #tpu.memory_space<vmem>>, vector<1x16xf32>,
        %parallel_loop3A_839 = arith.index_cast %parallel_loop3A_388 : i32 to index
        %parallel_loop3A_840 = arith.constant 720 : index
        %parallel_loop3A_841 = tpu.vector_load %arg9[%parallel_loop3A_839, %parallel_loop3A_840] {strides = array<i32>} : memref<32x768xf32, #tpu.memory_space<vmem>>, vector<1x16xf32>,
        %parallel_loop3A_842 = vector.shape_cast %parallel_loop3A_841 : vector<1x16xf32> to vector<16xf32>
        %parallel_loop3A_843 = arith.addf %parallel_loop3A_842, %get3A_214 : vector<16xf32>
        %parallel_loop3A_844 = arith.index_cast %parallel_loop3A_388 : i32 to index
        %parallel_loop3A_845 = arith.constant 720 : index
        %parallel_loop3A_846 = tpu.vector_load %arg11[%parallel_loop3A_844, %parallel_loop3A_845] {strides = array<i32>} : memref<32x768xf32, #tpu.memory_space<vmem>>, vector<1x16xf32>,
        %parallel_loop3A_847 = vector.shape_cast %parallel_loop3A_846 : vector<1x16xf32> to vector<16xf32>
        %parallel_loop3A_848 = vector.shape_cast %parallel_loop3A_843 : vector<16xf32> to vector<1x16xf32>
        tpu.vector_store %arg11[%parallel_loop3A_844, %parallel_loop3A_845], %parallel_loop3A_848 {strides = array<i32>} : memref<32x768xf32, #tpu.memory_space<vmem>>, vector<1x16xf32>,
        %parallel_loop3A_849 = arith.index_cast %parallel_loop3A_388 : i32 to index
        %parallel_loop3A_850 = arith.constant 736 : index
        %parallel_loop3A_851 = tpu.vector_load %arg9[%parallel_loop3A_849, %parallel_loop3A_850] {strides = array<i32>} : memref<32x768xf32, #tpu.memory_space<vmem>>, vector<1x16xf32>,
        %parallel_loop3A_852 = vector.shape_cast %parallel_loop3A_851 : vector<1x16xf32> to vector<16xf32>
        %parallel_loop3A_853 = arith.addf %parallel_loop3A_852, %get3A_218 : vector<16xf32>
        %parallel_loop3A_854 = arith.index_cast %parallel_loop3A_388 : i32 to index
        %parallel_loop3A_855 = arith.constant 736 : index
        %parallel_loop3A_856 = tpu.vector_load %arg11[%parallel_loop3A_854, %parallel_loop3A_855] {strides = array<i32>} : memref<32x768xf32, #tpu.memory_space<vmem>>, vector<1x16xf32>,
        %parallel_loop3A_857 = vector.shape_cast %parallel_loop3A_856 : vector<1x16xf32> to vector<16xf32>
        %parallel_loop3A_858 = vector.shape_cast %parallel_loop3A_853 : vector<16xf32> to vector<1x16xf32>
        tpu.vector_store %arg11[%parallel_loop3A_854, %parallel_loop3A_855], %parallel_loop3A_858 {strides = array<i32>} : memref<32x768xf32, #tpu.memory_space<vmem>>, vector<1x16xf32>,
        %parallel_loop3A_859 = arith.index_cast %parallel_loop3A_388 : i32 to index
        %parallel_loop3A_860 = arith.constant 752 : index
        %parallel_loop3A_861 = tpu.vector_load %arg9[%parallel_loop3A_859, %parallel_loop3A_860] {strides = array<i32>} : memref<32x768xf32, #tpu.memory_space<vmem>>, vector<1x16xf32>,
        %parallel_loop3A_862 = vector.shape_cast %parallel_loop3A_861 : vector<1x16xf32> to vector<16xf32>
        %parallel_loop3A_863 = arith.addf %parallel_loop3A_862, %get3A_222 : vector<16xf32>
        %parallel_loop3A_864 = arith.index_cast %parallel_loop3A_388 : i32 to index
        %parallel_loop3A_865 = arith.constant 752 : index
        %parallel_loop3A_866 = tpu.vector_load %arg11[%parallel_loop3A_864, %parallel_loop3A_865] {strides = array<i32>} : memref<32x768xf32, #tpu.memory_space<vmem>>, vector<1x16xf32>,
        %parallel_loop3A_867 = vector.shape_cast %parallel_loop3A_866 : vector<1x16xf32> to vector<16xf32>
        %parallel_loop3A_868 = vector.shape_cast %parallel_loop3A_863 : vector<16xf32> to vector<1x16xf32>
        tpu.vector_store %arg11[%parallel_loop3A_864, %parallel_loop3A_865], %parallel_loop3A_868 {strides = array<i32>} : memref<32x768xf32, #tpu.memory_space<vmem>>, vector<1x16xf32>,
      } {sc.loop_unroll_factor = 2 : i64, sc.parallel_access}
      %lt3A_361 = arith.constant 15 : i32
      %lt3A_362 = arith.cmpi slt, %scan3A_27, %lt3A_361 : i32
      %convert_element_type3A_363 = arith.extui %lt3A_362 : i1 to i32
      %cond3A_364 = arith.constant 0 : i32
      %cond3A_365 = arith.cmpi ne, %convert_element_type3A_363, %cond3A_364 : i32
      scf.if %cond3A_365 {
        %add3A_388 = arith.constant 1 : i32
        %add3A_389 = arith.addi %scan3A_27, %add3A_388 : i32
        %mul3A_390 = arith.constant 128 : i32
        %mul3A_391 = arith.muli %add3A_389, %mul3A_390 : i32
        %add3A_392 = arith.constant 32 : i32
        %add3A_393 = arith.addi %mul3A_391, %add3A_392 : i32
        %dma_start3A_394 = tpu.memref_slice %arg6[%add3A_393] : memref<2048xi32, #tpu.memory_space<vmem>> -> memref<32xi32, #tpu.memory_space<vmem>>
        %dma_start3A_395 = arith.constant 0 : i32
        %dma_start3A_396 = arith.constant 0 : i32
        %dma_start3A_397 = tpu.memref_slice %arg3[%dma_start3A_395, %dma_start3A_396] : memref<50265x768xf32, #tpu.memory_space<hbm>> -> memref<50265x768xf32, #tpu.memory_space<hbm>>
        tpu.enqueue_indirect_dma source(%dma_start3A_397 : memref<50265x768xf32, #tpu.memory_space<hbm>>) target(%arg9 : memref<32x768xf32, #tpu.memory_space<vmem>>) offsets(%dma_start3A_394 : memref<32xi32, #tpu.memory_space<vmem>>) semaphore(%arg15 : memref<!tpu.dma_semaphore, #tpu.memory_space<semaphore_mem>>)
      } else {
      }
      %mul3A_366 = arith.constant 512 : i32
      %mul3A_367 = vector.broadcast %mul3A_366 : i32 to vector<16xi32>
      %mul3A_368 = arith.muli %iota3A, %mul3A_367 : vector<16xi32>
      %add3A_369 = arith.constant 49152 : i32
      %add3A_370 = arith.addi %add3A_369, %add3A_31 : i32
      %add3A_371 = vector.broadcast %add3A_370 : i32 to vector<16xi32>
      %add3A_372 = arith.addi %mul3A_368, %add3A_371 : vector<16xi32>
      %swap3A_373 = arith.constant 0 : index
      %swap3A_374 = tpu.vector_load %arg13[%swap3A_373] {strides = array<i32>} : memref<32xi32, #tpu.memory_space<vmem>>, vector<16xi32>,
      %swap3A_375 = vector.shape_cast %swap3A_374 : vector<16xi32> to vector<16xi32>
      %swap3A_376 = vector.shape_cast %add3A_372 : vector<16xi32> to vector<16xi32>
      tpu.vector_store %arg13[%swap3A_373], %swap3A_376 {strides = array<i32>} : memref<32xi32, #tpu.memory_space<vmem>>, vector<16xi32>,
      %add3A_377 = arith.constant 8192 : i32
      %add3A_378 = vector.broadcast %add3A_377 : i32 to vector<16xi32>
      %add3A_379 = arith.addi %add3A_372, %add3A_378 : vector<16xi32>
      %swap3A_380 = arith.constant 16 : index
      %swap3A_381 = tpu.vector_load %arg13[%swap3A_380] {strides = array<i32>} : memref<32xi32, #tpu.memory_space<vmem>>, vector<16xi32>,
      %swap3A_382 = vector.shape_cast %swap3A_381 : vector<16xi32> to vector<16xi32>
      %swap3A_383 = vector.shape_cast %add3A_379 : vector<16xi32> to vector<16xi32>
      tpu.vector_store %arg13[%swap3A_380], %swap3A_383 {strides = array<i32>} : memref<32xi32, #tpu.memory_space<vmem>>, vector<16xi32>,
      %dma_start3A_384 = arith.constant 0 : i32
      %dma_start3A_385 = arith.constant 0 : i32
      %dma_start3A_386 = tpu.memref_slice %arg5[%dma_start3A_384, %dma_start3A_385] : memref<65536x768xf32, #tpu.memory_space<hbm>> -> memref<65536x768xf32, #tpu.memory_space<hbm>>
      tpu.enqueue_indirect_dma source(%arg11 : memref<32x768xf32, #tpu.memory_space<vmem>>) target(%dma_start3A_386 : memref<65536x768xf32, #tpu.memory_space<hbm>>) offsets(%arg13 : memref<32xi32, #tpu.memory_space<vmem>>) semaphore(%arg17 : memref<!tpu.dma_semaphore, #tpu.memory_space<semaphore_mem>>)
      %scan3A_387 = arith.constant 0 : i32
      scf.yield %scan3A_387 : i32
    }
    %scan3A_21 = arith.constant 16 : i32
    %dma_wait3A = arith.constant 0 : i32
    %dma_wait3A_22 = arith.constant 0 : i32
    %dma_wait3A_23 = tpu.memref_slice %arg5[%dma_wait3A, %dma_wait3A_22] : memref<65536x768xf32, #tpu.memory_space<hbm>> -> memref<65536x768xf32, #tpu.memory_space<hbm>>
    tpu.wait_indirect_dma semaphore(%arg16 : memref<!tpu.dma_semaphore, #tpu.memory_space<semaphore_mem>>) src(%arg10 : memref<32x768xf32, #tpu.memory_space<vmem>>) dst(%dma_wait3A_23 : memref<65536x768xf32, #tpu.memory_space<hbm>>)
    %dma_wait3A_24 = arith.constant 0 : i32
    %dma_wait3A_25 = arith.constant 0 : i32
    %dma_wait3A_26 = tpu.memref_slice %arg5[%dma_wait3A_24, %dma_wait3A_25] : memref<65536x768xf32, #tpu.memory_space<hbm>> -> memref<65536x768xf32, #tpu.memory_space<hbm>>
    tpu.wait_indirect_dma semaphore(%arg17 : memref<!tpu.dma_semaphore, #tpu.memory_space<semaphore_mem>>) src(%arg11 : memref<32x768xf32, #tpu.memory_space<vmem>>) dst(%dma_wait3A_26 : memref<65536x768xf32, #tpu.memory_space<hbm>>)
    return
  }
}

</mosaic_0001>

<sc_bundles>
// kernel: kernel.3.cloned.1.call-start
scs
__scs_entry_jumppad:
0x0: {  	(pc) =	sbr.rel $0x88, $3  }
0x1: {  	(tag) =	ssettag $0x0;
	lr =	simm.s32 $0x1  }
0x2: {  	[smem:$0x3F9E] =	sst lr;
	_ =	strace $0xD0000000  }
0x3: {  	_ = 	snop  }
0x4: {  	_ = 	snop  }
0x5: {  	_ = 	snop  }
0x6: {  	_ = 	snop  }
0x7: {  	_ = 	snop  }
__scs_overlays_trampoline_lowered:
0x8: {  	[smem:$0x3FAD] =	sst s0  }
0x9: {  	[smem:$0x3FAE] =	sst s1  }
0xa: {  	[smem:$0x3FAF] =	sst s2  }
0xb: {  	[smem:$0x3FB0] =	sst s3  }
0xc: {  	[smem:$0x3FB1] =	sst s4  }
0xd: {  	[smem:$0x3FB2] =	sst s5  }
0xe: {  	[smem:$0x3FB3] =	sst s6  }
0xf: {  	[smem:$0x3FB4] =	sst s7  }
0x10: {  	[smem:$0x3FB5] =	sst s8  }
0x11: {  	[smem:$0x3FB6] =	sst s9;
	s0 =	simm.s32 @!p0 $0x0  }
0x12: {  	s1 =	sld [smem:$0x3F9C];
	s0 =	simm.s32 @p0 $0x1  }
0x13: {  	[smem:$0x3FB7] =	sst s0;
	s0 =	simm.s32 @!p1 $0x0  }
0x14: {  	s2 =	sld [smem:$0x3F9B];
	s0 =	simm.s32 @p1 $0x1  }
0x15: {  	[smem:$0x3FB8] =	sst s0;
	s0 =	simm.s32 @!p2 $0x0  }
0x16: {  	s3 =	sld [smem:$0x3FDB];
	s0 =	simm.s32 @p2 $0x1  }
0x17: {  	s4 =	simm.s32 $0x1BF5;
	[smem:$0x3FBA] =	sst s0  }
0x18: {  	s0 =	sld [smem:$0x3F9D];
	_ =	swait.ge [sflag:s4], $0x0  }
0x19: {  	s7 =	sld [smem:$0x3F9E]  }
0x1a: {  	s8 =	sadd.s32 $0xFFFFE003, lr  }
0x1b: {  	s9 =	sadd.s32 $0xFFFFFEF7, lr;
	s5 =	simm.s32 $0xFFFFFFFF;
	p2 =	slt.u32 s8, $0xFFFFF086  }
0x1c: {  	p1 =	slt.u32 s9, $0xF7A;
	s5 =	simm.s32 @!p2 $0x0  }
0x1d: {  	s5 =	simm.s32 @p1 $0x1;
	p0 =	seq.s32 s7, s2  }
0x1e: {  	s7 =	smul.u32 @!p0 $0xF7A, s2;
	p2 =	seq.s32 @!p0 s5, $0x0  }
0x1f: {  	s9 =	smul.u32 $0xF7A, s1;
	s8 =	simm.s32 @!p0 $0x1BF5;
	p2 =	por !p2, p0  }
0x20: {  	[sflag:s8] =	ssyncset.s32 @!p0 $0xFFFFF086;
	s6 =	sadd.s32 @!p0 s3, s7;
	s7 =	simm.s32 @!p0 $0x108  }
0x21: {  	s3 =	sadd.s32 s3, s9;
	s6 =	sadd.s32 @!p0 $0x88, s6;
	s7 =	simm.s32 @p2 $0x1082  }
0x22: {  	[simem:s7], [sflag:s8] =	dma.local @!p0 [hbm:s6], $0xF7A  }
0x23: {  	s9 =	sor.u32 $0xD0000000, s2;
	s6 =	simm.s32 $0x108;
	_ =	swait.ge @!p0 [sflag:s8], $0x0  }
0x24: {  	s3 =	sadd.s32 $0x88, s3;
	s6 =	simm.s32 @!p1 $0x1082;
	[sflag:s4] =	ssyncset.s32 $0xFFFFF086  }
0x25: {  	[simem:s6], [sflag:s4] =	dma.local [hbm:s3], $0xF7A  }
0x26: {  	[smem:$0x3F9E] =	sst s1;
	(tag) =	ssettag s2;
	_ =	strace s9  }
0x27: {  	s1 =	sld [smem:$0x3FAE]  }
0x28: {  	s2 =	sld [smem:$0x3FAF]  }
0x29: {  	s4 =	sld [smem:$0x3FB1]  }
0x2a: {  	p0 =	seq.s32 s5, $0x0;
	s5 =	sld [smem:$0x3FB2]  }
0x2b: {  	s6 =	sld [smem:$0x3FB3]  }
0x2c: {  	s7 =	sld [smem:$0x3FB4]  }
0x2d: {  	s3 =	simm.s32 $0x108;
	s8 =	sld [smem:$0x3FB5]  }
0x2e: {  	s3 =	simm.s32 @!p0 $0x1082;
	s9 =	sld [smem:$0x3FB6]  }
0x2f: {  	lr =	sadd.s32 s0, s3;
	s0 =	sld [smem:$0x3FAD]  }
0x30: {  	s3 =	sld [smem:$0x3FB0]  }
0x31: {  	[smem:$0x3FB9] =	sst s10  }
0x32: {  	s10 =	sld [smem:$0x3FB7];
	_ =	sdelay $0x3  }
0x33: {  	p0 =	seq.s32 s10, $0x1;
	s10 =	sld [smem:$0x3FB9];
	_ =	sdelay $0x3  }
0x34: {  	[smem:$0x3FB9] =	sst s10  }
0x35: {  	s10 =	sld [smem:$0x3FB8];
	_ =	sdelay $0x3  }
0x36: {  	p1 =	seq.s32 s10, $0x1;
	s10 =	sld [smem:$0x3FB9];
	_ =	sdelay $0x3  }
0x37: {  	[smem:$0x3FB9] =	sst s10  }
0x38: {  	s10 =	sld [smem:$0x3FBA]  }
0x39: {  	_ = 	snop;
	(pc) =	sbr.ind lr, $3  }
0x3a: {  	_ = 	snop  }
0x3b: {  	_ = 	snop  }
0x3c: {  	p2 =	seq.s32 s10, $0x1;
	s10 =	sld [smem:$0x3FB9]  }
0x3d: {  	_ =	shalt  }
0x3e: {  	_ =	shalt  }
0x3f: {  	_ =	shalt  }
0x40: {  	_ =	shalt  }
0x41: {  	_ =	shalt  }
0x42: {  	_ =	shalt  }
0x43: {  	_ =	shalt  }
0x44: {  	_ =	shalt  }
0x45: {  	_ =	shalt  }
0x46: {  	_ =	shalt  }
0x47: {  	_ =	shalt  }
0x48: {  	_ =	shalt  }
0x49: {  	_ =	shalt  }
0x4a: {  	_ =	shalt  }
0x4b: {  	_ =	shalt  }
0x4c: {  	_ =	shalt  }
0x4d: {  	_ =	shalt  }
0x4e: {  	_ =	shalt  }
0x4f: {  	_ =	shalt  }
0x50: {  	_ =	shalt  }
0x51: {  	_ =	shalt  }
0x52: {  	_ =	shalt  }
0x53: {  	_ =	shalt  }
0x54: {  	_ =	shalt  }
0x55: {  	_ =	shalt  }
0x56: {  	_ =	shalt  }
0x57: {  	_ =	shalt  }
0x58: {  	_ =	shalt  }
0x59: {  	_ =	shalt  }
0x5a: {  	_ =	shalt  }
0x5b: {  	_ =	shalt  }
0x5c: {  	_ =	shalt  }
0x5d: {  	_ =	shalt  }
0x5e: {  	_ =	shalt  }
0x5f: {  	_ =	shalt  }
0x60: {  	_ =	shalt  }
0x61: {  	_ =	shalt  }
0x62: {  	_ =	shalt  }
0x63: {  	_ =	shalt  }
0x64: {  	_ =	shalt  }
0x65: {  	_ =	shalt  }
0x66: {  	_ =	shalt  }
0x67: {  	_ =	shalt  }
0x68: {  	_ =	shalt  }
0x69: {  	_ =	shalt  }
0x6a: {  	_ =	shalt  }
0x6b: {  	_ =	shalt  }
0x6c: {  	_ =	shalt  }
0x6d: {  	_ =	shalt  }
0x6e: {  	_ =	shalt  }
0x6f: {  	_ =	shalt  }
0x70: {  	_ =	shalt  }
0x71: {  	_ =	shalt  }
0x72: {  	_ =	shalt  }
0x73: {  	_ =	shalt  }
0x74: {  	_ =	shalt  }
0x75: {  	_ =	shalt  }
0x76: {  	_ =	shalt  }
0x77: {  	_ =	shalt  }
0x78: {  	_ =	shalt  }
0x79: {  	_ =	shalt  }
0x7a: {  	_ =	shalt  }
0x7b: {  	_ =	shalt  }
0x7c: {  	_ =	shalt  }
0x7d: {  	_ =	shalt  }
0x7e: {  	_ =	shalt  }
0x7f: {  	_ =	shalt  }
0x80: {  	_ =	shalt  }
0x81: {  	_ =	shalt  }
0x82: {  	_ =	shalt  }
0x83: {  	_ =	shalt  }
0x84: {  	_ =	shalt  }
0x85: {  	_ =	shalt  }
0x86: {  	_ =	shalt  }
0x87: {  	_ =	shalt  }
.Lfunc_end0:
.L_simem_size_0:
called_computation_lowered:
.L_overlay_start_0:
0x88: {  	s2 =	sld [smem:$0x3FD9]  }
0x89: {  	s3 =	sld [smem:$0x3FFE];
	_ =	sdelay $0x1  }
0x8a: {  	s1 =	srdreg.scid  }
0x8b: {  	s0 =	sand.u32 $0x1, s1  }
0x8c: {  	s17 =	sshll.u32 s0, $0xA;
	s2 =	sadd.s32 s3, s2  }
0x8d: {  	s2 =	sadd.s32 s2, s17  }
0x8e: {  	[smem:$0x3FC5] =	sst s2  }
0x8f: {  	_ = 	snop  }
0x90: {  	s2 =	sld [smem:$0x3FC8]  }
0x91: {  	s18 =	sld [smem:$0x3FC7]  }
0x92: {  	s4 =	sld [smem:$0x3FD0];
	(tm) =	ssettm $0x1  }
0x93: {  	s5 =	sld [smem:$0x3FFB];
	_ =	sdelay $0x3  }
0x94: {  	_ =	strace s5  }
0x95: {  	s5 =	sld [smem:$0x3FFC];
	_ =	sdelay $0x3  }
0x96: {  	_ =	strace s5  }
0x97: {  	s5 =	sld [smem:$0x3FFD];
	_ =	sdelay $0x3  }
0x98: {  	_ =	strace s5  }
0x99: {  	_ =	strace $0x8FFFFFFF  }
0x9a: {  	s19 =	sld [smem:$0x3FDB];
	_ =	sdelay $0x1  }
0x9b: {  	s6 =	simm.s32 $_scs_section_size  }
0x9c: {  	s7 =	simm.s32 $_size__tile_overlayer_lowered;
	s8 =	simm.s32 $_tile_overlayer_lowered  }
0x9d: {  	s22 =	simm.s32 $0x1BFF;
	s21 =	sshll.u32 s8, $0x1;
	s5 =	sadd.s32 s6, s19  }
0x9e: {  	s9 =	simm.s32 $0x0;
	s20 =	sshll.u32 s7, $0x1;
	s7 =	sadd.s32 s21, s5  }
0x9f: {  	[timem:s9], [sflag:s22] =	dma.local [hbm:s7], s20  }
0xa0: {  	_ =	swait.ge [sflag:s22], s20  }
0xa1: {  	s6 =	ssub.s32 $0x0, s20;
	[sflag:s22] =	ssyncset.done $0x0  }
0xa2: {  	[sflag:s22] =	ssyncadd.s32 s6;
	_ =	sdelay $0x1  }
0xa3: {  	s23 =	simm.s32 $0x1B8B  }
0xa4: {  	_ =	swait.ge [sflag:s23], $0x1  }
0xa5: {  	[sflag:s23] =	ssyncset.done $0x0  }
0xa6: {  	s25 =	simm.s32 $0x1B8E;
	s24 =	sld [smem:$0x3FFE];
	[sflag:s23] =	ssyncadd.s32 $0xFFFFFFFF  }
0xa7: {  	s26 =	simm.s32 $execute0_lowered;
	[smem:$0x3FD2] =	sst s25  }
0xa8: {  	s7 =	sshll.u32 s26, $0x1;
	_ =	strace $0x80000046;
	[dreg:$0x1] =	wrdreg $0xFFFFFFFF  }
0xa9: {  	s28 =	simm.s32 $_size_execute0_lowered;
	s5 =	sadd.s32 s5, s7;
	[dreg:$0x0] =	wrdreg $0x0  }
0xaa: {  	s7 =	sshll.u32 s28, $0x1;
	[dreg:$0x2] =	wrdreg s5  }
0xab: {  	[dreg:$0x3] =	wrdreg s7  }
0xac: {  	[dreg:$0x4] =	wrdreg $0xC0  }
0xad: {  	_ =	task [dreg:s9], $0x5FFFF  }
0xae: {  	[dreg:$0x1] =	wrdreg $0xFFFFFFFF  }
0xaf: {  	[dreg:$0x0] =	wrdreg $0x60  }
0xb0: {  	[dreg:$0x2] =	wrdreg s24  }
0xb1: {  	[dreg:$0x3] =	wrdreg s2  }
0xb2: {  	[dreg:$0x4] =	wrdreg s18  }
0xb3: {  	[dreg:$0x5] =	wrdreg s4  }
0xb4: {  	[dreg:$0x6] =	wrdreg $0x9  }
0xb5: {  	_ =	task.clear_ibuf [dreg:s9], $0x7FFFF;
	_ =	strace $0x90000046  }
0xb6: {  	s29 =	simm.s32 $0x9;
	_ =	strace $0x80000048  }
0xb7: {  	_ =	swait.ge [sflag:s29], $0x1  }
0xb8: {  	[sflag:s29] =	ssyncadd.s32 $0xFFFFFFFF  }
0xb9: {  	_ =	strace $0x90000048  }
0xba: {  	_ =	sfence  }
0xbb: {  	s30 =	sld [smem:$0x0];
	_ =	sdelay $0x2  }
0xbc: {  	s31 =	sshll.u32 s1, $0xD;
	s1 =	sshrl.u32 s1, $0x2  }
0xbd: {  	s3 =	sand.u32 $0x4000, s31;
	s1 =	sadd.s32 s1, s30  }
0xbe: {  	s0 =	sor.u32 s3, s0;
	s1 =	sshll.u32 s1, $0x11  }
0xbf: {  	s0 =	sor.u32 s1, s0  }
0xc0: {  	s0 =	sadd.s32 $0x8F2B, s0  }
0xc1: {  	[sflag:s0] =	ssyncadd.remote.s32 $0x1  }
0xc2: {  	_ =	sfence.sel $0xFFFF  }
0xc3: {  	[dreg:$0x0] =	wrdreg $0xFFFFFFFF;
	(pc) =	sbr.abs _section_cstart, $3  }
0xc4: {  	[dreg:$0x1] =	wrdreg $0xFFFFFFFF  }
0xc5: {  	_ =	task.clear_ibuf [dreg:s9], $0x2FFFF;
	_ =	strace $0x9FFFFFFF  }
0xc6: {  	(tm) =	ssettm $0x7FFFFFFF  }
0xc7: {  	_ =	shalt  }
tec
execute0_lowered:
.L_overlay_start_1:
0x0: {  	(tag) =	ssettag $0x1  }
0x1: {  	s0 =	rddreg [dreg:$0x0]  }
0x2: {  	s1 =	rddreg [dreg:$0x1]  }
0x3: {  	s2 =	rddreg [dreg:$0x2]  }
0x4: {  	s3 =	rddreg [dreg:$0x3];
	s5 =	srdreg.scid  }
0x5: {  	s6 =	stileid.u32;
	s4 =	simm.s32 $0x0;
	s16 =	simm.s32 $0x1  }
0x6: {  	s30 =	simm.s32 $0x2;
	s17 =	simm.s32 $0x1A800;
	s18 =	simm.s32 $0x1B000  }
0x7: {  	s19 =	simm.s32 $0x3;
	s20 =	simm.s32 $0x4;
	s5 =	sand.u32 $0x1, s5  }
0x8: {  	s6 =	sshll.u32 s6, $0x1;
	[smem:$0x7FF] =	sst s4;
	s10 =	sadd.s32 $0x100, s3  }
0x9: {  	s11 =	sadd.s32 $0x200, s3;
	s6 =	sor.u32 s5, s6;
	s5 =	ssub.s32 $0x2, s5  }
0xa: {  	_ =	strace $0x80000047;
	s7 =	sshll.u32 s6, $0x8;
	s8 =	sshrl.u32 s5, $0x1  }
0xb: {  	s9 =	smul.u32 $0x600, s6;
	s28 =	sshll.u32 s6, $0x4;
	s0 =	sadd.s32 s7, s0  }
0xc: {  	s6 =	simm.s32 $0x1A000;
	[dreg:$0x6] =	wrdreg s28;
	s0 =	sadd.s32 $0x400, s0  }
0xd: {  	v0 =	vlaneseq.u32;
	s5 =	ssub.s32 s5, s8;
	s29 =	sadd.s32 s2, s9;
	[dreg:$0x5] =	wrdreg s0  }
0xe: {  	vm0 =	vmmov $0xffff;
	v2 =	vshrl.u32 v0, $0x3;
	s8 =	sadd.s32 $0x100, s1;
	s31 =	smax.u32 s5, $0x1;
	[dreg:$0x7] =	wrdreg s29  }
0xf: {  	v1 =	vand.u32 $0x7, v0;
	v3 =	vor.u32 $0x8, v0;
	v2 =	vmul.u32 $0x8, v2;
	s9 =	sadd.s32 $0x200, s1;
	s2 =	simm.s32 $0x0;
	[dreg:$0x8] =	wrdreg s31  }
.LBB2_1:
0x10: {  	[dreg:$0x9] =	wrdreg s2  }
0x11: {  	s0 =	rddreg [dreg:$0x5];
	s15 =	simm.s32 $0x5  }
0x12: {  	[tilespmem:s4], [sflag:$0x5] =	stream.linear.gather [hbm4b:s0+s4], $0x800, $0x38;
	[tilespmem:$0x1B900] =	vst v63  }
0x13: {  	_ =	swait.ge [sflag:s15], $0x800  }
0x14: {  	[sflag:s15] =	ssyncset.done $0x0  }
0x15: {  	s5 =	simm.s32 $0x800;
	s21 =	rddreg [dreg:$0x7];
	[sflag:s15] =	ssyncadd.s32 $0xFFFFF800  }
0x16: {  	[tilespmem:s5], [sflag:$0x5] =	stream.linear.gather [hbm4b:s21+s4], $0x3000, $0x38;
	[tilespmem:$0x1B900] =	vst v63  }
0x17: {  	_ =	swait.ge [sflag:s15], $0x3000  }
0x18: {  	[sflag:s15] =	ssyncset.done $0x0  }
0x19: {  	[sflag:s15] =	ssyncadd.s32 $0xFFFFD000  }
0x1a: {  	v4 =	vld [tilespmem:$0x0];
	_ =	sdelay $0x4  }
0x1b: {  	v5 =	vshrl.u32 v4, $0x3  }
0x1c: {  	v5 =	vmul.u32 $0x30, v5  }
0x1d: {  	v4 =	vand.u32 $0x7, v4  }
0x1e: {  	v4 =	vor.u32 v4, v5  }
0x1f: {  	v5 =	vperm.xlane v4, v1;
	_ =	sdelay $0x1  }
0x20: {  	v5 =	vadd.s32 v2, v5;
	_ =	sdelay $0x3  }
0x21: {  	s22 =	simm.s32 $0x3800;
	v4 =	vperm.xlane v4, v3  }
0x22: {  	[tilespmem:s22], [sflag:$0x1] =	stream.indirect_vreg.gather [hbm4b:s1+s4], $0x80, v5, vm0, $0xb8;
	[tilespmem:$0x1B900] =	vst v63  }
0x23: {  	s23 =	simm.s32 $0x4000;
	v4 =	vadd.s32 v2, v4  }
0x24: {  	[tilespmem:s23], [sflag:$0x1] =	stream.indirect_vreg.gather [hbm4b:s8+s4], $0x80, v5, vm0, $0xb8;
	[tilespmem:$0x1B900] =	vst v63  }
0x25: {  	s24 =	simm.s32 $0x4800  }
0x26: {  	[tilespmem:s24], [sflag:$0x1] =	stream.indirect_vreg.gather [hbm4b:s9+s4], $0x80, v5, vm0, $0xb8;
	[tilespmem:$0x1B900] =	vst v63  }
0x27: {  	s25 =	simm.s32 $0x5000  }
0x28: {  	[tilespmem:s25], [sflag:$0x1] =	stream.indirect_vreg.gather [hbm4b:s1+s4], $0x80, v4, vm0, $0xb8;
	[tilespmem:$0x1B900] =	vst v63  }
0x29: {  	s26 =	simm.s32 $0x5800  }
0x2a: {  	[tilespmem:s26], [sflag:$0x1] =	stream.indirect_vreg.gather [hbm4b:s8+s4], $0x80, v4, vm0, $0xb8;
	[tilespmem:$0x1B900] =	vst v63  }
0x2b: {  	s28 =	simm.s32 $0x6000  }
0x2c: {  	[tilespmem:s28], [sflag:$0x1] =	stream.indirect_vreg.gather [hbm4b:s9+s4], $0x80, v4, vm0, $0xb8;
	[tilespmem:$0x1B900] =	vst v63  }
0x2d: {  	v4 =	vld [tilespmem:$0x10];
	_ =	sdelay $0x4  }
0x2e: {  	v5 =	vshrl.u32 v4, $0x3  }
0x2f: {  	v5 =	vmul.u32 $0x30, v5  }
0x30: {  	v4 =	vand.u32 $0x7, v4  }
0x31: {  	v4 =	vor.u32 v4, v5  }
0x32: {  	v5 =	vperm.xlane v4, v1;
	_ =	sdelay $0x1  }
0x33: {  	v5 =	vadd.s32 v2, v5;
	_ =	sdelay $0x3  }
0x34: {  	s29 =	simm.s32 $0x6800;
	v4 =	vperm.xlane v4, v3  }
0x35: {  	[tilespmem:s29], [sflag:$0x1] =	stream.indirect_vreg.gather [hbm4b:s1+s4], $0x80, v5, vm0, $0xb8;
	[tilespmem:$0x1B900] =	vst v63  }
0x36: {  	s31 =	simm.s32 $0x7000;
	v4 =	vadd.s32 v2, v4  }
0x37: {  	[tilespmem:s31], [sflag:$0x1] =	stream.indirect_vreg.gather [hbm4b:s8+s4], $0x80, v5, vm0, $0xb8;
	[tilespmem:$0x1B900] =	vst v63  }
0x38: {  	s2 =	simm.s32 $0x7800  }
0x39: {  	[tilespmem:s2], [sflag:$0x1] =	stream.indirect_vreg.gather [hbm4b:s9+s4], $0x80, v5, vm0, $0xb8;
	[tilespmem:$0x1B900] =	vst v63  }
0x3a: {  	s5 =	simm.s32 $0x8000  }
0x3b: {  	[tilespmem:s5], [sflag:$0x1] =	stream.indirect_vreg.gather [hbm4b:s1+s4], $0x80, v4, vm0, $0xb8;
	[tilespmem:$0x1B900] =	vst v63  }
0x3c: {  	s7 =	simm.s32 $0x8800  }
0x3d: {  	[tilespmem:s7], [sflag:$0x1] =	stream.indirect_vreg.gather [hbm4b:s8+s4], $0x80, v4, vm0, $0xb8;
	[tilespmem:$0x1B900] =	vst v63  }
0x3e: {  	s12 =	simm.s32 $0x9000  }
0x3f: {  	[tilespmem:s12], [sflag:$0x1] =	stream.indirect_vreg.gather [hbm4b:s9+s4], $0x80, v4, vm0, $0xb8;
	[tilespmem:$0x1B900] =	vst v63  }
0x40: {  	v4 =	vld [tilespmem:$0x20];
	_ =	sdelay $0x4  }
0x41: {  	v5 =	vshrl.u32 v4, $0x3  }
0x42: {  	v5 =	vmul.u32 $0x30, v5  }
0x43: {  	v4 =	vand.u32 $0x7, v4  }
0x44: {  	v4 =	vor.u32 v4, v5  }
0x45: {  	v5 =	vperm.xlane v4, v1;
	_ =	sdelay $0x1  }
0x46: {  	v5 =	vadd.s32 v2, v5;
	_ =	sdelay $0x3  }
0x47: {  	s13 =	simm.s32 $0x9800;
	v4 =	vperm.xlane v4, v3  }
0x48: {  	[tilespmem:s13], [sflag:$0x2] =	stream.indirect_vreg.gather [hbm4b:s1+s4], $0x80, v5, vm0, $0xb8;
	[tilespmem:$0x1B900] =	vst v63  }
0x49: {  	s14 =	simm.s32 $0xA000;
	v4 =	vadd.s32 v2, v4  }
0x4a: {  	[tilespmem:s14], [sflag:$0x2] =	stream.indirect_vreg.gather [hbm4b:s8+s4], $0x80, v5, vm0, $0xb8;
	[tilespmem:$0x1B900] =	vst v63  }
0x4b: {  	s15 =	simm.s32 $0xA800  }
0x4c: {  	[tilespmem:s15], [sflag:$0x2] =	stream.indirect_vreg.gather [hbm4b:s9+s4], $0x80, v5, vm0, $0xb8;
	[tilespmem:$0x1B900] =	vst v63  }
0x4d: {  	s21 =	simm.s32 $0xB000  }
0x4e: {  	[tilespmem:s21], [sflag:$0x2] =	stream.indirect_vreg.gather [hbm4b:s1+s4], $0x80, v4, vm0, $0xb8;
	[tilespmem:$0x1B900] =	vst v63  }
0x4f: {  	s22 =	simm.s32 $0xB800  }
0x50: {  	[tilespmem:s22], [sflag:$0x2] =	stream.indirect_vreg.gather [hbm4b:s8+s4], $0x80, v4, vm0, $0xb8;
	[tilespmem:$0x1B900] =	vst v63  }
0x51: {  	s23 =	simm.s32 $0xC000  }
0x52: {  	[tilespmem:s23], [sflag:$0x2] =	stream.indirect_vreg.gather [hbm4b:s9+s4], $0x80, v4, vm0, $0xb8;
	[tilespmem:$0x1B900] =	vst v63  }
0x53: {  	v4 =	vld [tilespmem:$0x30];
	_ =	sdelay $0x4  }
0x54: {  	v5 =	vshrl.u32 v4, $0x3  }
0x55: {  	v5 =	vmul.u32 $0x30, v5  }
0x56: {  	v4 =	vand.u32 $0x7, v4  }
0x57: {  	v4 =	vor.u32 v4, v5  }
0x58: {  	v5 =	vperm.xlane v4, v1;
	_ =	sdelay $0x1  }
0x59: {  	v5 =	vadd.s32 v2, v5;
	_ =	sdelay $0x3  }
0x5a: {  	s24 =	simm.s32 $0xC800;
	v4 =	vperm.xlane v4, v3  }
0x5b: {  	[tilespmem:s24], [sflag:$0x2] =	stream.indirect_vreg.gather [hbm4b:s1+s4], $0x80, v5, vm0, $0xb8;
	[tilespmem:$0x1B900] =	vst v63  }
0x5c: {  	s25 =	simm.s32 $0xD000;
	v4 =	vadd.s32 v2, v4  }
0x5d: {  	[tilespmem:s25], [sflag:$0x2] =	stream.indirect_vreg.gather [hbm4b:s8+s4], $0x80, v5, vm0, $0xb8;
	[tilespmem:$0x1B900] =	vst v63  }
0x5e: {  	s26 =	simm.s32 $0xD800  }
0x5f: {  	[tilespmem:s26], [sflag:$0x2] =	stream.indirect_vreg.gather [hbm4b:s9+s4], $0x80, v5, vm0, $0xb8;
	[tilespmem:$0x1B900] =	vst v63  }
0x60: {  	s28 =	simm.s32 $0xE000  }
0x61: {  	[tilespmem:s28], [sflag:$0x2] =	stream.indirect_vreg.gather [hbm4b:s1+s4], $0x80, v4, vm0, $0xb8;
	[tilespmem:$0x1B900] =	vst v63  }
0x62: {  	s29 =	simm.s32 $0xE800  }
0x63: {  	[tilespmem:s29], [sflag:$0x2] =	stream.indirect_vreg.gather [hbm4b:s8+s4], $0x80, v4, vm0, $0xb8;
	[tilespmem:$0x1B900] =	vst v63  }
0x64: {  	s31 =	simm.s32 $0xF000;
	s21 =	simm.s32 $0x0  }
0x65: {  	[tilespmem:s31], [sflag:$0x2] =	stream.indirect_vreg.gather [hbm4b:s9+s4], $0x80, v4, vm0, $0xb8;
	[tilespmem:$0x1B900] =	vst v63  }
.LBB2_2:
0x66: {  	s0 =	sshrl.u32 s21, $0x3  }
0x67: {  	s0 =	smul.u32 $0x6000, s0  }
0x68: {  	s23 =	sshll.u32 s21, $0x7  }
0x69: {  	s2 =	sand.u32 $0x380, s23;
	s0 =	sshra.s32 s0, $0x2  }
0x6a: {  	s0 =	sor.u32 s2, s0  }
0x6b: {  	v12 =	vld [tilespmem:s0+$0x800]  }
0x6c: {  	v13 =	vld [tilespmem:s0+$0x810]  }
0x6d: {  	v14 =	vld [tilespmem:s0+$0x820]  }
0x6e: {  	v15 =	vld [tilespmem:s0+$0x830]  }
0x6f: {  	v16 =	vld [tilespmem:s0+$0x840]  }
0x70: {  	v17 =	vld [tilespmem:s0+$0x850]  }
0x71: {  	v18 =	vld [tilespmem:s0+$0x860]  }
0x72: {  	v19 =	vld [tilespmem:s0+$0x870]  }
0x73: {  	v20 =	vld [tilespmem:s0+$0xC00]  }
0x74: {  	v21 =	vld [tilespmem:s0+$0xC10]  }
0x75: {  	v22 =	vld [tilespmem:s0+$0xC20]  }
0x76: {  	v23 =	vld [tilespmem:s0+$0xC30]  }
0x77: {  	v24 =	vld [tilespmem:s0+$0xC40]  }
0x78: {  	v25 =	vld [tilespmem:s0+$0xC50]  }
0x79: {  	v26 =	vld [tilespmem:s0+$0xC60]  }
0x7a: {  	v27 =	vld [tilespmem:s0+$0xC70]  }
0x7b: {  	v29 =	vld [tilespmem:s0+$0x1000]  }
0x7c: {  	v31 =	vld [tilespmem:s0+$0x1010]  }
0x7d: {  	v34 =	vld [tilespmem:s0+$0x1020]  }
0x7e: {  	v35 =	vld [tilespmem:s0+$0x1030]  }
0x7f: {  	v36 =	vld [tilespmem:s0+$0x1040]  }
0x80: {  	v37 =	vld [tilespmem:s0+$0x1050]  }
0x81: {  	v38 =	vld [tilespmem:s0+$0x1060]  }
0x82: {  	v39 =	vld [tilespmem:s0+$0x1070]  }
0x83: {  	v41 =	vld [tilespmem:s0+$0x1400]  }
0x84: {  	v43 =	vld [tilespmem:s0+$0x1410]  }
0x85: {  	v46 =	vld [tilespmem:s0+$0x1420]  }
0x86: {  	v47 =	vld [tilespmem:s0+$0x1430]  }
0x87: {  	v48 =	vld [tilespmem:s0+$0x1440]  }
0x88: {  	v49 =	vld [tilespmem:s0+$0x1450]  }
0x89: {  	v50 =	vld [tilespmem:s0+$0x1460]  }
0x8a: {  	v51 =	vld [tilespmem:s0+$0x1470]  }
0x8b: {  	v44 =	vld [tilespmem:s0+$0x1800]  }
0x8c: {  	v45 =	vld [tilespmem:s0+$0x1810]  }
0x8d: {  	v42 =	vld [tilespmem:s0+$0x1820]  }
0x8e: {  	v40 =	vld [tilespmem:s0+$0x1830]  }
0x8f: {  	v32 =	vld [tilespmem:s0+$0x1840]  }
0x90: {  	v33 =	vld [tilespmem:s0+$0x1850]  }
0x91: {  	v30 =	vld [tilespmem:s0+$0x1860]  }
0x92: {  	v28 =	vld [tilespmem:s0+$0x1870]  }
0x93: {  	v11 =	vld [tilespmem:s0+$0x1C00]  }
0x94: {  	v10 =	vld [tilespmem:s0+$0x1C10]  }
0x95: {  	v9 =	vld [tilespmem:s0+$0x1C20]  }
0x96: {  	v8 =	vld [tilespmem:s0+$0x1C30]  }
0x97: {  	v7 =	vld [tilespmem:s0+$0x1C40]  }
0x98: {  	v6 =	vld [tilespmem:s0+$0x1C50]  }
0x99: {  	v5 =	vld [tilespmem:s0+$0x1C60]  }
0x9a: {  	v4 =	vld [tilespmem:s0+$0x1C70];
	_ =	swait.ge [sflag:s16], $0x6000  }
0x9b: {  	p0 =	seq.s32 s21, $0x0;
	s13 =	simm.s32 $0x0;
	[sflag:s16] =	ssyncset.done $0x0  }
0x9c: {  	s14 =	simm.s32 $0x0;
	s5 =	simm.s32 @!p0 $0x3;
	[sflag:s16] =	ssyncadd.s32 $0xFFFFA000  }
0x9d: {  	s22 =	sand.u32 $0x300, s13;
	s0 =	smul.u32 $0x1800, s14;
	_ =	swait.ge @!p0 [sflag:s5], $0x6000  }
0x9e: {  	s2 =	sor.u32 $0x80, s22;
	[sflag:s5] =	ssyncset.done @!p0 $0x0  }
0x9f: {  	s12 =	sor.u32 s0, s2;
	[sflag:s5] =	ssyncadd.s32 @!p0 $0xFFFFA000  }
0xa0: {  	v52 =	vld [tilespmem:s12+$0x3800]  }
0xa1: {  	v53 =	vld [tilespmem:s12+$0x3810]  }
0xa2: {  	v54 =	vld [tilespmem:s12+$0x3820]  }
0xa3: {  	v55 =	vld [tilespmem:s12+$0x3830]  }
0xa4: {  	v56 =	vld [tilespmem:s12+$0x3840]  }
0xa5: {  	v57 =	vld [tilespmem:s12+$0x3850];
	v52 =	vadd.f32 v52, v12  }
0xa6: {  	v58 =	vld [tilespmem:s12+$0x3860];
	v53 =	vadd.f32 v53, v13  }
0xa7: {  	v61 =	vadd.f32 v54, v14;
	v54 =	vld [tilespmem:s12+$0x3870];
	[tilespmem:s12+$0xF800] =	vst v52  }
0xa8: {  	v62 =	vadd.f32 v55, v15;
	v55 =	vld [tilespmem:s12+$0x3C00];
	[tilespmem:s12+$0xF810] =	vst v53  }
0xa9: {  	v63 =	vadd.f32 v56, v16;
	v56 =	vld [tilespmem:s12+$0x3C10];
	[tilespmem:s12+$0xF820] =	vst v61  }
0xaa: {  	v60 =	vadd.f32 v57, v17;
	v57 =	vld [tilespmem:s12+$0x3C20];
	[tilespmem:s12+$0xF830] =	vst v62  }
0xab: {  	[tilespmem:s12+$0xF840] =	vst v63;
	v61 =	vadd.f32 v58, v18;
	v58 =	vld [tilespmem:s12+$0x3C30]  }
0xac: {  	[tilespmem:s12+$0xF850] =	vst v60;
	v62 =	vadd.f32 v54, v19;
	v54 =	vld [tilespmem:s12+$0x3C40]  }
0xad: {  	[tilespmem:s12+$0xF860] =	vst v61;
	v63 =	vadd.f32 v55, v20;
	v55 =	vld [tilespmem:s12+$0x3C50]  }
0xae: {  	v60 =	vadd.f32 v56, v21;
	v56 =	vld [tilespmem:s12+$0x3C60];
	[tilespmem:s12+$0xF870] =	vst v62  }
0xaf: {  	s15 =	sor.u32 s22, s0;
	v61 =	vadd.f32 v57, v22;
	v57 =	vld [tilespmem:s12+$0x3C70];
	[tilespmem:s12+$0xFC00] =	vst v63  }
0xb0: {  	v59 =	vld [tilespmem:s15+$0x3800];
	[tilespmem:s12+$0xFC10] =	vst v60;
	v62 =	vadd.f32 v58, v23  }
0xb1: {  	v58 =	vld [tilespmem:s15+$0x3810];
	[tilespmem:s12+$0xFC20] =	vst v61;
	v63 =	vadd.f32 v54, v24  }
0xb2: {  	[tilespmem:s12+$0xFC30] =	vst v62;
	v54 =	vld [tilespmem:s15+$0x3820];
	v60 =	vadd.f32 v55, v25  }
0xb3: {  	v55 =	vld [tilespmem:s15+$0x3830];
	v61 =	vadd.f32 v56, v26;
	[tilespmem:s12+$0xFC40] =	vst v63  }
0xb4: {  	v56 =	vld [tilespmem:s15+$0x3840];
	v62 =	vadd.f32 v57, v27;
	[tilespmem:s12+$0xFC50] =	vst v60  }
0xb5: {  	s7 =	sadd.s32 $0x800, s0;
	v63 =	vadd.f32 v59, v12;
	v59 =	vld [tilespmem:s15+$0x3850];
	[tilespmem:s12+$0xFC60] =	vst v61  }
0xb6: {  	s24 =	sor.u32 s2, s7;
	v60 =	vadd.f32 v58, v13;
	v58 =	vld [tilespmem:s15+$0x3860];
	[tilespmem:s12+$0xFC70] =	vst v62  }
0xb7: {  	v57 =	vld [tilespmem:s24+$0x3830]  }
0xb8: {  	[tilespmem:s15+$0xF800] =	vst v63;
	v61 =	vadd.f32 v54, v14;
	v54 =	vld [tilespmem:s24+$0x3800]  }
0xb9: {  	[tilespmem:s15+$0xF810] =	vst v60;
	v62 =	vadd.f32 v55, v15;
	v55 =	vld [tilespmem:s24+$0x3810]  }
0xba: {  	v63 =	vadd.f32 v56, v16;
	v56 =	vld [tilespmem:s24+$0x3820];
	[tilespmem:s15+$0xF820] =	vst v61  }
0xbb: {  	[tilespmem:s15+$0xF830] =	vst v62;
	v61 =	vadd.f32 v58, v18;
	v58 =	vld [tilespmem:s24+$0x3840]  }
0xbc: {  	v60 =	vadd.f32 v59, v17;
	[tilespmem:s15+$0xF840] =	vst v63;
	v59 =	vld [tilespmem:s15+$0x3870]  }
0xbd: {  	[tilespmem:s15+$0xF860] =	vst v61;
	v61 =	vadd.f32 v57, v35;
	v62 =	vadd.f32 v54, v29;
	v54 =	vld [tilespmem:s24+$0x3850]  }
0xbe: {  	[tilespmem:s15+$0xF850] =	vst v60;
	v63 =	vadd.f32 v55, v31;
	v55 =	vld [tilespmem:s24+$0x3860]  }
0xbf: {  	v60 =	vadd.f32 v56, v34;
	v56 =	vld [tilespmem:s24+$0x3870];
	[tilespmem:s24+$0xF830] =	vst v61  }
0xc0: {  	v57 =	vld [tilespmem:s15+$0x3C00];
	[tilespmem:s24+$0xF800] =	vst v62  }
0xc1: {  	[tilespmem:s24+$0xF810] =	vst v63;
	v62 =	vadd.f32 v58, v36  }
0xc2: {  	[tilespmem:s24+$0xF820] =	vst v60;
	v58 =	vld [tilespmem:s15+$0x3C10];
	v63 =	vadd.f32 v54, v37  }
0xc3: {  	[tilespmem:s24+$0xF840] =	vst v62;
	v62 =	vadd.f32 v59, v19;
	v59 =	vld [tilespmem:s15+$0x3C40];
	v60 =	vadd.f32 v55, v38  }
0xc4: {  	v54 =	vld [tilespmem:s15+$0x3C20];
	v61 =	vadd.f32 v56, v39;
	[tilespmem:s24+$0xF850] =	vst v63  }
0xc5: {  	s14 =	sadd.s32 $0xC00, s0;
	[tilespmem:s24+$0xF860] =	vst v60;
	v63 =	vadd.f32 v57, v20;
	v57 =	vld [tilespmem:s15+$0x3C50]  }
0xc6: {  	v55 =	vld [tilespmem:s15+$0x3C30];
	[tilespmem:s24+$0xF870] =	vst v61;
	s24 =	sor.u32 s2, s14  }
0xc7: {  	v60 =	vadd.f32 v58, v21;
	v58 =	vld [tilespmem:s24+$0x3830]  }
0xc8: {  	[tilespmem:s15+$0xF870] =	vst v62;
	v56 =	vld [tilespmem:s24+$0x3800]  }
0xc9: {  	[tilespmem:s15+$0xFC00] =	vst v63;
	v63 =	vadd.f32 v59, v24;
	v59 =	vld [tilespmem:s15+$0x3C60]  }
0xca: {  	[tilespmem:s15+$0xFC10] =	vst v60;
	v60 =	vadd.f32 v57, v25;
	v57 =	vld [tilespmem:s24+$0x3840]  }
0xcb: {  	v61 =	vadd.f32 v54, v22;
	v54 =	vld [tilespmem:s24+$0x3810];
	[tilespmem:s15+$0xFC40] =	vst v63  }
0xcc: {  	v62 =	vadd.f32 v55, v23;
	[tilespmem:s15+$0xFC50] =	vst v60;
	v60 =	vadd.f32 v58, v47;
	v58 =	vld [tilespmem:s15+$0x3C70]  }
0xcd: {  	[tilespmem:s15+$0xFC20] =	vst v61;
	v61 =	vadd.f32 v56, v41  }
0xce: {  	v55 =	vld [tilespmem:s24+$0x3820];
	[tilespmem:s15+$0xFC30] =	vst v62  }
0xcf: {  	v56 =	vld [tilespmem:s24+$0x3850];
	[tilespmem:s24+$0xF800] =	vst v61;
	v61 =	vadd.f32 v57, v48  }
0xd0: {  	v62 =	vadd.f32 v54, v43;
	v54 =	vld [tilespmem:s24+$0x3860];
	[tilespmem:s24+$0xF830] =	vst v60;
	v60 =	vadd.f32 v59, v26  }
0xd1: {  	[tilespmem:s24+$0xF840] =	vst v61;
	v61 =	vadd.f32 v58, v27  }
0xd2: {  	[tilespmem:s15+$0xFC60] =	vst v60  }
0xd3: {  	s7 =	sor.u32 s22, s7;
	v63 =	vadd.f32 v55, v46;
	v55 =	vld [tilespmem:s24+$0x3870];
	[tilespmem:s15+$0xFC70] =	vst v61  }
0xd4: {  	[tilespmem:s24+$0xF810] =	vst v62;
	v62 =	vadd.f32 v56, v49;
	v52 =	vld [tilespmem:s7+$0x3800]  }
0xd5: {  	[tilespmem:s24+$0xF820] =	vst v63;
	v63 =	vadd.f32 v54, v50;
	v54 =	vld [tilespmem:s7+$0x3810]  }
0xd6: {  	[tilespmem:s24+$0xF850] =	vst v62;
	v62 =	vld [tilespmem:s7+$0x3820]  }
0xd7: {  	[tilespmem:s24+$0xF860] =	vst v63;
	v63 =	vld [tilespmem:s7+$0x3830]  }
0xd8: {  	v57 =	vadd.f32 v55, v51;
	v60 =	vld [tilespmem:s7+$0x3840]  }
0xd9: {  	s25 =	sadd.s32 $0x1000, s0;
	v58 =	vld [tilespmem:s7+$0x3850]  }
0xda: {  	s26 =	sor.u32 s2, s25;
	[tilespmem:s24+$0xF870] =	vst v57;
	v55 =	vld [tilespmem:s7+$0x3870];
	v52 =	vadd.f32 v52, v29  }
0xdb: {  	v59 =	vld [tilespmem:s26+$0x3810];
	v61 =	vadd.f32 v54, v31  }
0xdc: {  	v54 =	vld [tilespmem:s7+$0x3860];
	v62 =	vadd.f32 v62, v34;
	[tilespmem:s7+$0xF800] =	vst v52  }
0xdd: {  	v53 =	vld [tilespmem:s26+$0x3800];
	v63 =	vadd.f32 v63, v35;
	[tilespmem:s7+$0xF810] =	vst v61  }
0xde: {  	v56 =	vld [tilespmem:s26+$0x3820];
	v60 =	vadd.f32 v60, v36;
	[tilespmem:s7+$0xF820] =	vst v62  }
0xdf: {  	v57 =	vld [tilespmem:s26+$0x3830];
	[tilespmem:s7+$0xF830] =	vst v63;
	v61 =	vadd.f32 v58, v37  }
0xe0: {  	v58 =	vld [tilespmem:s26+$0x3840];
	[tilespmem:s7+$0xF840] =	vst v60;
	v63 =	vadd.f32 v55, v39  }
0xe1: {  	v60 =	vadd.f32 v59, v45;
	v59 =	vld [tilespmem:s26+$0x3860];
	[tilespmem:s7+$0xF850] =	vst v61;
	v62 =	vadd.f32 v54, v38  }
0xe2: {  	v53 =	vadd.f32 v53, v44;
	[tilespmem:s7+$0xF870] =	vst v63;
	v54 =	vld [tilespmem:s26+$0x3850]  }
0xe3: {  	s31 =	sor.u32 s22, s14;
	v61 =	vadd.f32 v56, v42;
	v56 =	vld [tilespmem:s26+$0x3870];
	[tilespmem:s7+$0xF860] =	vst v62  }
0xe4: {  	[tilespmem:s26+$0xF800] =	vst v53;
	v55 =	vld [tilespmem:s31+$0x3800]  }
0xe5: {  	[tilespmem:s26+$0xF810] =	vst v60;
	v62 =	vadd.f32 v57, v40;
	v57 =	vld [tilespmem:s31+$0x3810]  }
0xe6: {  	[tilespmem:s26+$0xF820] =	vst v61;
	v63 =	vadd.f32 v58, v32;
	v58 =	vld [tilespmem:s31+$0x3830]  }
0xe7: {  	v61 =	vadd.f32 v59, v30;
	[tilespmem:s26+$0xF830] =	vst v62;
	v60 =	vadd.f32 v54, v33;
	v54 =	vld [tilespmem:s31+$0x3820]  }
0xe8: {  	[tilespmem:s26+$0xF840] =	vst v63;
	v62 =	vadd.f32 v56, v28  }
0xe9: {  	v56 =	vld [tilespmem:s31+$0x3840];
	[tilespmem:s26+$0xF860] =	vst v61  }
0xea: {  	[tilespmem:s26+$0xF870] =	vst v62;
	v63 =	vadd.f32 v55, v41;
	v55 =	vld [tilespmem:s31+$0x3850]  }
0xeb: {  	s0 =	sadd.s32 $0x1400, s0;
	[tilespmem:s26+$0xF850] =	vst v60;
	v60 =	vadd.f32 v57, v43;
	v57 =	vld [tilespmem:s31+$0x3860]  }
0xec: {  	s2 =	sor.u32 s2, s0;
	v62 =	vadd.f32 v58, v47;
	[tilespmem:s31+$0xF800] =	vst v63;
	v61 =	vadd.f32 v54, v46;
	v54 =	vld [tilespmem:s31+$0x3870]  }
0xed: {  	v52 =	vld [tilespmem:s2+$0x3840];
	[tilespmem:s31+$0xF810] =	vst v60  }
0xee: {  	v59 =	vld [tilespmem:s2+$0x3870];
	v63 =	vadd.f32 v56, v48;
	[tilespmem:s31+$0xF830] =	vst v62  }
0xef: {  	v56 =	vld [tilespmem:s2+$0x3800];
	[tilespmem:s31+$0xF820] =	vst v61;
	v60 =	vadd.f32 v55, v49  }
0xf0: {  	v62 =	vld [tilespmem:s2+$0x3820];
	[tilespmem:s31+$0xF840] =	vst v63;
	v61 =	vadd.f32 v57, v50  }
0xf1: {  	v55 =	vld [tilespmem:s2+$0x3810];
	[tilespmem:s31+$0xF850] =	vst v60;
	v63 =	vadd.f32 v54, v51  }
0xf2: {  	v52 =	vadd.f32 v52, v7;
	v54 =	vld [tilespmem:s2+$0x3830];
	[tilespmem:s31+$0xF860] =	vst v61  }
0xf3: {  	s13 =	simm.s32 $0x0;
	s14 =	sor.u32 s22, s25;
	s24 =	simm.s32 $0x100;
	v60 =	vadd.f32 v59, v4;
	v61 =	vld [tilespmem:s2+$0x3850];
	[tilespmem:s31+$0xF870] =	vst v63  }
0xf4: {  	s5 =	smul.u32 $0x1800, s13;
	v56 =	vadd.f32 v56, v11;
	[tilespmem:s2+$0xF840] =	vst v52;
	s31 =	sand.u32 $0x300, s24;
	v59 =	vld [tilespmem:s14+$0x3800]  }
0xf5: {  	v62 =	vadd.f32 v62, v9;
	[tilespmem:s2+$0xF870] =	vst v60;
	v58 =	vld [tilespmem:s14+$0x3810];
	s7 =	sor.u32 $0x80, s31  }
0xf6: {  	[tilespmem:s2+$0xF800] =	vst v56;
	v55 =	vadd.f32 v55, v10;
	v63 =	vld [tilespmem:s14+$0x3820];
	s26 =	sor.u32 s5, s7  }
0xf7: {  	[tilespmem:s2+$0xF820] =	vst v62;
	v54 =	vadd.f32 v54, v8;
	v60 =	vld [tilespmem:s26+$0x3800]  }
0xf8: {  	[tilespmem:s2+$0xF810] =	vst v55;
	v53 =	vadd.f32 v61, v6;
	v61 =	vld [tilespmem:s26+$0x3810]  }
0xf9: {  	v62 =	vld [tilespmem:s26+$0x3820];
	[tilespmem:s2+$0xF830] =	vst v54;
	v59 =	vadd.f32 v59, v44  }
0xfa: {  	v55 =	vld [tilespmem:s14+$0x3830];
	[tilespmem:s2+$0xF850] =	vst v53;
	v58 =	vadd.f32 v58, v45  }
0xfb: {  	v53 =	vld [tilespmem:s26+$0x3830];
	v57 =	vadd.f32 v63, v42;
	[tilespmem:s14+$0xF800] =	vst v59  }
0xfc: {  	v63 =	vld [tilespmem:s26+$0x3840];
	[tilespmem:s14+$0xF810] =	vst v58;
	v56 =	vadd.f32 v60, v12  }
0xfd: {  	v60 =	vld [tilespmem:s26+$0x3850];
	[tilespmem:s14+$0xF820] =	vst v57;
	v54 =	vadd.f32 v61, v13  }
0xfe: {  	v61 =	vld [tilespmem:s26+$0x3860];
	v52 =	vadd.f32 v62, v14;
	[tilespmem:s26+$0xF800] =	vst v56  }
0xff: {  	v62 =	vld [tilespmem:s26+$0x3870];
	v55 =	vadd.f32 v55, v40;
	[tilespmem:s26+$0xF810] =	vst v54  }
0x100: {  	v57 =	vld [tilespmem:s26+$0x3C30];
	v53 =	vadd.f32 v53, v15;
	[tilespmem:s26+$0xF820] =	vst v52  }
0x101: {  	v54 =	vld [tilespmem:s26+$0x3C00];
	[tilespmem:s14+$0xF830] =	vst v55;
	v63 =	vadd.f32 v63, v16  }
0x102: {  	v59 =	vld [tilespmem:s26+$0x3C10];
	[tilespmem:s26+$0xF830] =	vst v53;
	v60 =	vadd.f32 v60, v17  }
0x103: {  	v58 =	vld [tilespmem:s26+$0x3C20];
	[tilespmem:s26+$0xF840] =	vst v63;
	v61 =	vadd.f32 v61, v18  }
0x104: {  	s25 =	sor.u32 s31, s5;
	v56 =	vld [tilespmem:s26+$0x3C40];
	v62 =	vadd.f32 v62, v19;
	[tilespmem:s26+$0xF850] =	vst v60  }
0x105: {  	v52 =	vld [tilespmem:s25+$0x3810];
	v57 =	vadd.f32 v57, v23;
	[tilespmem:s26+$0xF860] =	vst v61  }
0x106: {  	v53 =	vld [tilespmem:s25+$0x3800];
	v63 =	vadd.f32 v54, v20;
	[tilespmem:s26+$0xF870] =	vst v62  }
0x107: {  	v54 =	vld [tilespmem:s26+$0x3C50];
	v60 =	vadd.f32 v59, v21;
	[tilespmem:s26+$0xFC30] =	vst v57  }
0x108: {  	v59 =	vld [tilespmem:s26+$0x3C60];
	v61 =	vadd.f32 v58, v22;
	[tilespmem:s26+$0xFC00] =	vst v63  }
0x109: {  	v62 =	vld [tilespmem:s26+$0x3C70];
	v56 =	vadd.f32 v56, v24;
	[tilespmem:s26+$0xFC10] =	vst v60  }
0x10a: {  	v52 =	vadd.f32 v52, v13;
	[tilespmem:s26+$0xFC20] =	vst v61;
	v63 =	vld [tilespmem:s25+$0x3820]  }
0x10b: {  	[tilespmem:s26+$0xFC40] =	vst v56;
	v60 =	vld [tilespmem:s25+$0x3830];
	v53 =	vadd.f32 v53, v12  }
0x10c: {  	v61 =	vld [tilespmem:s25+$0x3840];
	[tilespmem:s25+$0xF810] =	vst v52;
	v54 =	vadd.f32 v54, v25  }
0x10d: {  	v52 =	vld [tilespmem:s25+$0x3870];
	[tilespmem:s25+$0xF800] =	vst v53;
	v59 =	vadd.f32 v59, v26  }
0x10e: {  	v53 =	vld [tilespmem:s25+$0x3C00];
	v58 =	vadd.f32 v62, v27;
	[tilespmem:s26+$0xFC50] =	vst v54  }
0x10f: {  	s12 =	sadd.s32 $0x800, s5;
	v62 =	vld [tilespmem:s25+$0x3850];
	[tilespmem:s26+$0xFC60] =	vst v59;
	v63 =	vadd.f32 v63, v14  }
0x110: {  	s15 =	sor.u32 s7, s12;
	[tilespmem:s26+$0xFC70] =	vst v58;
	v58 =	vld [tilespmem:s25+$0x3860];
	v60 =	vadd.f32 v60, v15  }
0x111: {  	v61 =	vadd.f32 v61, v16;
	v55 =	vld [tilespmem:s15+$0x3800];
	[tilespmem:s25+$0xF820] =	vst v63  }
0x112: {  	v52 =	vadd.f32 v52, v19;
	v57 =	vld [tilespmem:s15+$0x3810];
	[tilespmem:s25+$0xF830] =	vst v60  }
0x113: {  	v56 =	vld [tilespmem:s15+$0x3820];
	[tilespmem:s25+$0xF840] =	vst v61;
	v53 =	vadd.f32 v53, v20  }
0x114: {  	v54 =	vld [tilespmem:s15+$0x3830];
	[tilespmem:s25+$0xF870] =	vst v52;
	v62 =	vadd.f32 v62, v17  }
0x115: {  	v59 =	vld [tilespmem:s15+$0x3840];
	[tilespmem:s25+$0xFC00] =	vst v53;
	v58 =	vadd.f32 v58, v18  }
0x116: {  	[tilespmem:s25+$0xF850] =	vst v62;
	v62 =	vld [tilespmem:s15+$0x3870];
	v63 =	vadd.f32 v55, v29  }
0x117: {  	v55 =	vld [tilespmem:s15+$0x3850];
	v60 =	vadd.f32 v57, v31;
	[tilespmem:s25+$0xF860] =	vst v58  }
0x118: {  	v57 =	vld [tilespmem:s15+$0x3860];
	v61 =	vadd.f32 v56, v34;
	[tilespmem:s15+$0xF800] =	vst v63  }
0x119: {  	v52 =	vld [tilespmem:s25+$0x3C70];
	v54 =	vadd.f32 v54, v35;
	[tilespmem:s15+$0xF810] =	vst v60  }
0x11a: {  	v53 =	vld [tilespmem:s25+$0x3C60];
	v59 =	vadd.f32 v59, v36;
	[tilespmem:s15+$0xF820] =	vst v61  }
0x11b: {  	[tilespmem:s15+$0xF830] =	vst v54;
	v63 =	vld [tilespmem:s25+$0x3C10];
	v56 =	vadd.f32 v62, v39  }
0x11c: {  	[tilespmem:s15+$0xF840] =	vst v59;
	v60 =	vld [tilespmem:s25+$0x3C20];
	v55 =	vadd.f32 v55, v37  }
0x11d: {  	v61 =	vld [tilespmem:s25+$0x3C30];
	v57 =	vadd.f32 v57, v38;
	[tilespmem:s15+$0xF870] =	vst v56  }
0x11e: {  	s29 =	sadd.s32 $0xC00, s5;
	v52 =	vadd.f32 v52, v27;
	v62 =	vld [tilespmem:s25+$0x3C40];
	[tilespmem:s15+$0xF850] =	vst v55  }
0x11f: {  	s13 =	sor.u32 s7, s29;
	v53 =	vadd.f32 v53, v26;
	v56 =	vld [tilespmem:s25+$0x3C50];
	[tilespmem:s15+$0xF860] =	vst v57  }
0x120: {  	[tilespmem:s25+$0xFC70] =	vst v52;
	v63 =	vadd.f32 v63, v21;
	v58 =	vld [tilespmem:s13+$0x3800]  }
0x121: {  	[tilespmem:s25+$0xFC60] =	vst v53;
	v60 =	vadd.f32 v60, v22;
	v54 =	vld [tilespmem:s13+$0x3810]  }
0x122: {  	v61 =	vadd.f32 v61, v23;
	v59 =	vld [tilespmem:s13+$0x3820];
	[tilespmem:s25+$0xFC10] =	vst v63  }
0x123: {  	v55 =	vld [tilespmem:s13+$0x3830];
	[tilespmem:s25+$0xFC20] =	vst v60;
	v62 =	vadd.f32 v62, v24  }
0x124: {  	[tilespmem:s25+$0xFC30] =	vst v61;
	v60 =	vld [tilespmem:s13+$0x3850];
	v56 =	vadd.f32 v56, v25  }
0x125: {  	v57 =	vld [tilespmem:s13+$0x3840];
	[tilespmem:s25+$0xFC40] =	vst v62;
	v63 =	vadd.f32 v58, v41  }
0x126: {  	v61 =	vadd.f32 v54, v43;
	v54 =	vld [tilespmem:s13+$0x3860];
	[tilespmem:s25+$0xFC50] =	vst v56  }
0x127: {  	s12 =	sor.u32 s31, s12;
	v62 =	vadd.f32 v59, v46;
	[tilespmem:s13+$0xF800] =	vst v63;
	v63 =	vld [tilespmem:s13+$0x3870]  }
0x128: {  	v55 =	vadd.f32 v55, v47;
	v52 =	vld [tilespmem:s12+$0x3800];
	[tilespmem:s13+$0xF810] =	vst v61  }
0x129: {  	v60 =	vadd.f32 v60, v49;
	v53 =	vld [tilespmem:s12+$0x3810];
	[tilespmem:s13+$0xF820] =	vst v62  }
0x12a: {  	v57 =	vadd.f32 v57, v48;
	[tilespmem:s13+$0xF830] =	vst v55;
	v61 =	vld [tilespmem:s14+$0x3840]  }
0x12b: {  	[tilespmem:s13+$0xF850] =	vst v60;
	v60 =	vld [tilespmem:s14+$0x3870];
	v54 =	vadd.f32 v54, v50  }
0x12c: {  	[tilespmem:s13+$0xF840] =	vst v57;
	v57 =	vld [tilespmem:s14+$0x3850];
	v62 =	vadd.f32 v63, v51  }
0x12d: {  	s28 =	sadd.s32 $0x1000, s5;
	v55 =	vld [tilespmem:s2+$0x3860];
	[tilespmem:s13+$0xF860] =	vst v54  }
0x12e: {  	s15 =	sor.u32 s7, s28;
	v52 =	vadd.f32 v52, v29;
	v63 =	vld [tilespmem:s14+$0x3860];
	[tilespmem:s13+$0xF870] =	vst v62  }
0x12f: {  	v53 =	vadd.f32 v53, v31;
	v56 =	vld [tilespmem:s15+$0x3800]  }
0x130: {  	v60 =	vadd.f32 v60, v28;
	[tilespmem:s12+$0xF800] =	vst v52;
	v58 =	vld [tilespmem:s15+$0x3810]  }
0x131: {  	v61 =	vadd.f32 v61, v32;
	[tilespmem:s12+$0xF810] =	vst v53;
	v62 =	vadd.f32 v57, v33;
	v57 =	vld [tilespmem:s15+$0x3820]  }
0x132: {  	v55 =	vadd.f32 v55, v5;
	[tilespmem:s14+$0xF870] =	vst v60;
	v60 =	vld [tilespmem:s15+$0x3870]  }
0x133: {  	[tilespmem:s14+$0xF840] =	vst v61;
	v59 =	vld [tilespmem:s15+$0x3830]  }
0x134: {  	[tilespmem:s2+$0xF860] =	vst v55;
	v54 =	vld [tilespmem:s15+$0x3840];
	v63 =	vadd.f32 v63, v30  }
0x135: {  	[tilespmem:s14+$0xF850] =	vst v62;
	v61 =	vadd.f32 v56, v44;
	v56 =	vld [tilespmem:s15+$0x3850]  }
0x136: {  	[tilespmem:s14+$0xF860] =	vst v63;
	v62 =	vadd.f32 v58, v45;
	v58 =	vld [tilespmem:s15+$0x3860]  }
0x137: {  	s25 =	sor.u32 s22, s0;
	v63 =	vadd.f32 v57, v42;
	v57 =	vadd.f32 v60, v28;
	v60 =	vld [tilespmem:s12+$0x3850];
	[tilespmem:s15+$0xF800] =	vst v61  }
0x138: {  	v59 =	vadd.f32 v59, v40;
	v52 =	vld [tilespmem:s25+$0x3850];
	[tilespmem:s15+$0xF810] =	vst v62  }
0x139: {  	v54 =	vadd.f32 v54, v32;
	[tilespmem:s15+$0xF820] =	vst v63;
	v61 =	vld [tilespmem:s12+$0x3820]  }
0x13a: {  	[tilespmem:s15+$0xF830] =	vst v59;
	v62 =	vld [tilespmem:s12+$0x3830]  }
0x13b: {  	[tilespmem:s15+$0xF840] =	vst v54;
	v63 =	vld [tilespmem:s12+$0x3840];
	v56 =	vadd.f32 v56, v33  }
0x13c: {  	[tilespmem:s15+$0xF870] =	vst v57;
	v57 =	vld [tilespmem:s12+$0x3860];
	v58 =	vadd.f32 v58, v30  }
0x13d: {  	v59 =	vld [tilespmem:s12+$0x3870];
	v60 =	vadd.f32 v60, v37;
	[tilespmem:s15+$0xF850] =	vst v56  }
0x13e: {  	v53 =	vld [tilespmem:s25+$0x3860];
	[tilespmem:s15+$0xF860] =	vst v58;
	v61 =	vadd.f32 v61, v34  }
0x13f: {  	v54 =	vld [tilespmem:s25+$0x3800];
	v62 =	vadd.f32 v62, v35;
	[tilespmem:s12+$0xF850] =	vst v60  }
0x140: {  	s5 =	sadd.s32 $0x1400, s5;
	v63 =	vadd.f32 v63, v36;
	v56 =	vld [tilespmem:s25+$0x3810];
	[tilespmem:s12+$0xF820] =	vst v61  }
0x141: {  	s26 =	sor.u32 s7, s5;
	v58 =	vld [tilespmem:s25+$0x3820];
	[tilespmem:s12+$0xF830] =	vst v62;
	v61 =	vadd.f32 v57, v38  }
0x142: {  	v55 =	vld [tilespmem:s26+$0x3870];
	[tilespmem:s12+$0xF840] =	vst v63;
	v63 =	vadd.f32 v59, v39  }
0x143: {  	v52 =	vadd.f32 v52, v6;
	v62 =	vld [tilespmem:s25+$0x3830];
	[tilespmem:s12+$0xF860] =	vst v61  }
0x144: {  	s14 =	sor.u32 s31, s29;
	v53 =	vadd.f32 v53, v5;
	v59 =	vld [tilespmem:s25+$0x3840];
	[tilespmem:s12+$0xF870] =	vst v63  }
0x145: {  	v54 =	vadd.f32 v54, v11;
	[tilespmem:s25+$0xF850] =	vst v52;
	v60 =	vadd.f32 v56, v10;
	v56 =	vld [tilespmem:s14+$0x3800]  }
0x146: {  	[tilespmem:s25+$0xF860] =	vst v53;
	v61 =	vadd.f32 v58, v9;
	v58 =	vld [tilespmem:s14+$0x3810]  }
0x147: {  	[tilespmem:s25+$0xF800] =	vst v54;
	v63 =	vld [tilespmem:s14+$0x3820]  }
0x148: {  	v52 =	vld [tilespmem:s14+$0x3860];
	v55 =	vadd.f32 v55, v4;
	[tilespmem:s25+$0xF810] =	vst v60  }
0x149: {  	v62 =	vadd.f32 v62, v8;
	[tilespmem:s25+$0xF820] =	vst v61;
	v61 =	vld [tilespmem:s14+$0x3830]  }
0x14a: {  	v60 =	vadd.f32 v59, v7;
	[tilespmem:s26+$0xF870] =	vst v55;
	v55 =	vld [tilespmem:s14+$0x3840]  }
0x14b: {  	[tilespmem:s25+$0xF830] =	vst v62;
	v62 =	vadd.f32 v56, v41;
	v56 =	vld [tilespmem:s14+$0x3850]  }
0x14c: {  	[tilespmem:s25+$0xF840] =	vst v60;
	v58 =	vadd.f32 v58, v43  }
0x14d: {  	v54 =	vld [tilespmem:s14+$0x3870];
	v63 =	vadd.f32 v63, v46;
	[tilespmem:s14+$0xF800] =	vst v62  }
0x14e: {  	[tilespmem:s14+$0xF810] =	vst v58;
	v60 =	vadd.f32 v61, v47;
	v61 =	vld [tilespmem:s25+$0x3870]  }
0x14f: {  	v57 =	vld [tilespmem:s26+$0x3800];
	[tilespmem:s14+$0xF820] =	vst v63;
	v62 =	vadd.f32 v55, v48  }
0x150: {  	v52 =	vadd.f32 v52, v50;
	[tilespmem:s14+$0xF830] =	vst v60;
	v63 =	vadd.f32 v56, v49;
	v56 =	vld [tilespmem:s26+$0x3810]  }
0x151: {  	v55 =	vld [tilespmem:s26+$0x3820];
	[tilespmem:s14+$0xF840] =	vst v62  }
0x152: {  	s5 =	sor.u32 s31, s5;
	v53 =	vld [tilespmem:s26+$0x3830];
	v58 =	vadd.f32 v54, v51;
	s22 =	rddreg [dreg:$0x6];
	[tilespmem:s14+$0xF860] =	vst v52  }
0x153: {  	s28 =	sor.u32 s31, s28;
	s29 =	simm.s32 $0x2;
	v54 =	vld [tilespmem:s26+$0x3840];
	s22 =	sadd.s32 s22, s21;
	[tilespmem:s14+$0xF850] =	vst v63;
	v52 =	vadd.f32 v61, v4  }
.LBB2_3:
0x154: {  	s29 =	sadd.s32 $0x2, s29;
	[tilespmem:s14+$0xF870] =	vst v58;
	v57 =	vadd.f32 v57, v11;
	v58 =	vld [tilespmem:s26+$0x3850]  }
0x155: {  	s24 =	sadd.s32 $0x100, s24;
	s0 =	sshrl.u32 s29, $0x3;
	p1 =	slt.u32 s29, $0x1E;
	v59 =	vld [tilespmem:s28+$0x3800];
	v56 =	vadd.f32 v56, v10;
	[tilespmem:s25+$0xF870] =	vst v52  }
0x156: {  	s31 =	sand.u32 $0x300, s24;
	s25 =	smov.u32 s5;
	s0 =	smul.u32 $0x1800, s0;
	v52 =	vld [tilespmem:s28+$0x3810];
	[tilespmem:s26+$0xF800] =	vst v57;
	v55 =	vadd.f32 v55, v9  }
0x157: {  	s2 =	sor.u32 $0x80, s31;
	v57 =	vld [tilespmem:s28+$0x3820];
	[tilespmem:s26+$0xF810] =	vst v56;
	v53 =	vadd.f32 v53, v8  }
0x158: {  	s5 =	sor.u32 s31, s0;
	s12 =	sor.u32 s0, s2;
	v56 =	vld [tilespmem:s28+$0x3830];
	[tilespmem:s26+$0xF820] =	vst v55;
	v54 =	vadd.f32 v54, v7  }
0x159: {  	v55 =	vld [tilespmem:s12+$0x3800];
	[tilespmem:s26+$0xF830] =	vst v53;
	v53 =	vadd.f32 v58, v6  }
0x15a: {  	v58 =	vld [tilespmem:s12+$0x3810];
	v59 =	vadd.f32 v59, v44;
	[tilespmem:s26+$0xF840] =	vst v54  }
0x15b: {  	v54 =	vld [tilespmem:s12+$0x3820];
	v52 =	vadd.f32 v52, v45;
	[tilespmem:s26+$0xF850] =	vst v53  }
0x15c: {  	v53 =	vld [tilespmem:s12+$0x3830];
	[tilespmem:s28+$0xF800] =	vst v59;
	v57 =	vadd.f32 v57, v42  }
0x15d: {  	v59 =	vld [tilespmem:s12+$0x3840];
	[tilespmem:s28+$0xF810] =	vst v52;
	v52 =	vadd.f32 v56, v40  }
0x15e: {  	v55 =	vadd.f32 v55, v12;
	v56 =	vld [tilespmem:s12+$0x3850];
	[tilespmem:s28+$0xF820] =	vst v57  }
0x15f: {  	v57 =	vadd.f32 v58, v13;
	v58 =	vld [tilespmem:s12+$0x3860];
	[tilespmem:s28+$0xF830] =	vst v52  }
0x160: {  	[tilespmem:s12+$0xF800] =	vst v55;
	v52 =	vadd.f32 v54, v14;
	v54 =	vld [tilespmem:s12+$0x3870]  }
0x161: {  	[tilespmem:s12+$0xF810] =	vst v57;
	v53 =	vadd.f32 v53, v15;
	v55 =	vld [tilespmem:s12+$0x3C00]  }
0x162: {  	[tilespmem:s12+$0xF820] =	vst v52;
	v52 =	vadd.f32 v59, v16;
	v57 =	vld [tilespmem:s12+$0x3C10]  }
0x163: {  	[tilespmem:s12+$0xF830] =	vst v53;
	v53 =	vadd.f32 v56, v17;
	v56 =	vld [tilespmem:s12+$0x3C20]  }
0x164: {  	[tilespmem:s12+$0xF840] =	vst v52;
	v52 =	vadd.f32 v58, v18;
	v58 =	vld [tilespmem:s12+$0x3C30]  }
0x165: {  	[tilespmem:s12+$0xF850] =	vst v53;
	v53 =	vadd.f32 v54, v19;
	v54 =	vld [tilespmem:s12+$0x3C40]  }
0x166: {  	[tilespmem:s12+$0xF860] =	vst v52;
	v52 =	vadd.f32 v55, v20;
	v55 =	vld [tilespmem:s12+$0x3C50]  }
0x167: {  	[tilespmem:s12+$0xF870] =	vst v53;
	v53 =	vadd.f32 v57, v21;
	v57 =	vld [tilespmem:s12+$0x3C60]  }
0x168: {  	[tilespmem:s12+$0xFC00] =	vst v52;
	v52 =	vadd.f32 v56, v22;
	v56 =	vld [tilespmem:s12+$0x3C70]  }
0x169: {  	v59 =	vld [tilespmem:s5+$0x3800];
	[tilespmem:s12+$0xFC10] =	vst v53;
	v53 =	vadd.f32 v58, v23  }
0x16a: {  	v58 =	vld [tilespmem:s5+$0x3810];
	[tilespmem:s12+$0xFC20] =	vst v52;
	v52 =	vadd.f32 v54, v24  }
0x16b: {  	v54 =	vld [tilespmem:s5+$0x3820];
	[tilespmem:s12+$0xFC30] =	vst v53;
	v53 =	vadd.f32 v55, v25  }
0x16c: {  	v55 =	vld [tilespmem:s5+$0x3830];
	[tilespmem:s12+$0xFC40] =	vst v52;
	v52 =	vadd.f32 v57, v26  }
0x16d: {  	v57 =	vld [tilespmem:s5+$0x3840];
	[tilespmem:s12+$0xFC50] =	vst v53;
	v53 =	vadd.f32 v56, v27  }
0x16e: {  	s14 =	sadd.s32 $0x800, s0;
	v56 =	vadd.f32 v59, v12;
	v59 =	vld [tilespmem:s5+$0x3850];
	[tilespmem:s12+$0xFC60] =	vst v52  }
0x16f: {  	s7 =	sor.u32 s31, s14;
	v52 =	vadd.f32 v58, v13;
	v58 =	vld [tilespmem:s5+$0x3860];
	[tilespmem:s12+$0xFC70] =	vst v53;
	s12 =	sor.u32 s2, s14  }
0x170: {  	[tilespmem:s5+$0xF800] =	vst v56;
	v53 =	vadd.f32 v54, v14;
	v54 =	vld [tilespmem:s12+$0x3800]  }
0x171: {  	[tilespmem:s5+$0xF810] =	vst v52;
	v52 =	vadd.f32 v55, v15;
	v55 =	vld [tilespmem:s12+$0x3810]  }
0x172: {  	[tilespmem:s5+$0xF820] =	vst v53;
	v53 =	vadd.f32 v57, v16;
	v56 =	vld [tilespmem:s12+$0x3820]  }
0x173: {  	[tilespmem:s5+$0xF830] =	vst v52;
	v52 =	vadd.f32 v59, v17;
	v57 =	vld [tilespmem:s12+$0x3830]  }
0x174: {  	[tilespmem:s5+$0xF840] =	vst v53;
	v53 =	vadd.f32 v58, v18;
	v58 =	vld [tilespmem:s12+$0x3840]  }
0x175: {  	[tilespmem:s5+$0xF850] =	vst v52;
	v52 =	vadd.f32 v54, v29;
	v54 =	vld [tilespmem:s12+$0x3850]  }
0x176: {  	[tilespmem:s5+$0xF860] =	vst v53;
	v53 =	vadd.f32 v55, v31;
	v55 =	vld [tilespmem:s12+$0x3860]  }
0x177: {  	[tilespmem:s12+$0xF800] =	vst v52;
	v52 =	vadd.f32 v56, v34;
	v56 =	vld [tilespmem:s12+$0x3870]  }
0x178: {  	v59 =	vld [tilespmem:s5+$0x3870];
	[tilespmem:s12+$0xF810] =	vst v53;
	v53 =	vadd.f32 v57, v35  }
0x179: {  	v57 =	vld [tilespmem:s5+$0x3C00];
	[tilespmem:s12+$0xF820] =	vst v52;
	v52 =	vadd.f32 v58, v36  }
0x17a: {  	v58 =	vld [tilespmem:s5+$0x3C10];
	[tilespmem:s12+$0xF830] =	vst v53;
	v53 =	vadd.f32 v54, v37  }
0x17b: {  	v54 =	vld [tilespmem:s5+$0x3C20];
	[tilespmem:s12+$0xF840] =	vst v52;
	v52 =	vadd.f32 v55, v38  }
0x17c: {  	v55 =	vld [tilespmem:s5+$0x3C30];
	[tilespmem:s12+$0xF850] =	vst v53;
	v53 =	vadd.f32 v56, v39  }
0x17d: {  	s13 =	sadd.s32 $0xC00, s0;
	v56 =	vadd.f32 v59, v19;
	v59 =	vld [tilespmem:s5+$0x3C40];
	[tilespmem:s12+$0xF860] =	vst v52  }
0x17e: {  	s14 =	sor.u32 s31, s13;
	v52 =	vadd.f32 v57, v20;
	v57 =	vld [tilespmem:s5+$0x3C50];
	[tilespmem:s12+$0xF870] =	vst v53;
	s12 =	sor.u32 s2, s13  }
0x17f: {  	[tilespmem:s5+$0xF870] =	vst v56;
	v53 =	vadd.f32 v58, v21;
	v56 =	vld [tilespmem:s12+$0x3800]  }
0x180: {  	[tilespmem:s5+$0xFC00] =	vst v52;
	v52 =	vadd.f32 v54, v22;
	v54 =	vld [tilespmem:s12+$0x3810]  }
0x181: {  	[tilespmem:s5+$0xFC10] =	vst v53;
	v53 =	vadd.f32 v55, v23;
	v55 =	vld [tilespmem:s12+$0x3820]  }
0x182: {  	[tilespmem:s5+$0xFC20] =	vst v52;
	v52 =	vadd.f32 v59, v24;
	v58 =	vld [tilespmem:s12+$0x3830]  }
0x183: {  	[tilespmem:s5+$0xFC30] =	vst v53;
	v53 =	vadd.f32 v57, v25;
	v57 =	vld [tilespmem:s12+$0x3840]  }
0x184: {  	[tilespmem:s5+$0xFC40] =	vst v52;
	v52 =	vadd.f32 v56, v41;
	v56 =	vld [tilespmem:s12+$0x3850]  }
0x185: {  	[tilespmem:s5+$0xFC50] =	vst v53;
	v53 =	vadd.f32 v54, v43;
	v54 =	vld [tilespmem:s12+$0x3860]  }
0x186: {  	[tilespmem:s12+$0xF800] =	vst v52;
	v52 =	vadd.f32 v55, v46;
	v55 =	vld [tilespmem:s12+$0x3870]  }
0x187: {  	v59 =	vld [tilespmem:s5+$0x3C60];
	[tilespmem:s12+$0xF810] =	vst v53;
	v53 =	vadd.f32 v58, v47  }
0x188: {  	v58 =	vld [tilespmem:s5+$0x3C70];
	[tilespmem:s12+$0xF820] =	vst v52;
	v52 =	vadd.f32 v57, v48  }
0x189: {  	[tilespmem:s12+$0xF830] =	vst v53;
	v53 =	vadd.f32 v56, v49;
	v56 =	vld [tilespmem:s28+$0x3840]  }
0x18a: {  	[tilespmem:s12+$0xF840] =	vst v52;
	v52 =	vadd.f32 v54, v50;
	v54 =	vld [tilespmem:s28+$0x3850]  }
0x18b: {  	[tilespmem:s12+$0xF850] =	vst v53;
	v53 =	vadd.f32 v55, v51;
	v55 =	vld [tilespmem:s28+$0x3860]  }
0x18c: {  	s13 =	sadd.s32 $0x1000, s0;
	v57 =	vadd.f32 v59, v26;
	[tilespmem:s12+$0xF860] =	vst v52;
	v52 =	vld [tilespmem:s28+$0x3870]  }
0x18d: {  	s15 =	sor.u32 s31, s13;
	v58 =	vadd.f32 v58, v27;
	[tilespmem:s12+$0xF870] =	vst v53;
	s12 =	sor.u32 s2, s13;
	v53 =	vld [tilespmem:s26+$0x3860]  }
0x18e: {  	[tilespmem:s5+$0xFC60] =	vst v57;
	v57 =	vld [tilespmem:s12+$0x3800];
	v56 =	vadd.f32 v56, v32  }
0x18f: {  	[tilespmem:s5+$0xFC70] =	vst v58;
	v58 =	vld [tilespmem:s12+$0x3810];
	v54 =	vadd.f32 v54, v33  }
0x190: {  	v59 =	vld [tilespmem:s12+$0x3820];
	[tilespmem:s28+$0xF840] =	vst v56;
	v55 =	vadd.f32 v55, v30  }
0x191: {  	v56 =	vld [tilespmem:s12+$0x3830];
	[tilespmem:s28+$0xF850] =	vst v54;
	v52 =	vadd.f32 v52, v28  }
0x192: {  	v54 =	vld [tilespmem:s12+$0x3840];
	[tilespmem:s28+$0xF860] =	vst v55;
	v53 =	vadd.f32 v53, v5  }
0x193: {  	v55 =	vadd.f32 v57, v44;
	v57 =	vld [tilespmem:s12+$0x3850];
	[tilespmem:s28+$0xF870] =	vst v52;
	s28 =	smov.u32 s15  }
0x194: {  	v52 =	vadd.f32 v58, v45;
	v58 =	vld [tilespmem:s12+$0x3860];
	[tilespmem:s26+$0xF860] =	vst v53  }
0x195: {  	[tilespmem:s12+$0xF800] =	vst v55;
	v53 =	vadd.f32 v59, v42;
	v55 =	vld [tilespmem:s12+$0x3870]  }
0x196: {  	v59 =	vld [tilespmem:s7+$0x3800];
	[tilespmem:s12+$0xF810] =	vst v52;
	v52 =	vadd.f32 v56, v40  }
0x197: {  	v56 =	vld [tilespmem:s7+$0x3810];
	[tilespmem:s12+$0xF820] =	vst v53;
	v53 =	vadd.f32 v54, v32  }
0x198: {  	v54 =	vld [tilespmem:s7+$0x3820];
	[tilespmem:s12+$0xF830] =	vst v52;
	v52 =	vadd.f32 v57, v33  }
0x199: {  	v57 =	vld [tilespmem:s7+$0x3830];
	[tilespmem:s12+$0xF840] =	vst v53;
	v53 =	vadd.f32 v58, v30  }
0x19a: {  	v58 =	vld [tilespmem:s7+$0x3840];
	[tilespmem:s12+$0xF850] =	vst v52;
	v52 =	vadd.f32 v55, v28  }
0x19b: {  	s0 =	sadd.s32 $0x1400, s0;
	v55 =	vadd.f32 v59, v29;
	v59 =	vld [tilespmem:s7+$0x3850];
	[tilespmem:s12+$0xF860] =	vst v53  }
0x19c: {  	s5 =	sor.u32 s31, s0;
	s26 =	sor.u32 s2, s0;
	v53 =	vadd.f32 v56, v31;
	v56 =	vld [tilespmem:s7+$0x3860];
	[tilespmem:s12+$0xF870] =	vst v52  }
0x19d: {  	[tilespmem:s7+$0xF800] =	vst v55;
	v52 =	vadd.f32 v54, v34;
	v54 =	vld [tilespmem:s26+$0x3870]  }
0x19e: {  	[tilespmem:s7+$0xF810] =	vst v53;
	v53 =	vadd.f32 v57, v35;
	v55 =	vld [tilespmem:s7+$0x3870]  }
0x19f: {  	[tilespmem:s7+$0xF820] =	vst v52;
	v52 =	vadd.f32 v58, v36;
	v57 =	vld [tilespmem:s25+$0x3800]  }
0x1a0: {  	[tilespmem:s7+$0xF830] =	vst v53;
	v53 =	vadd.f32 v59, v37;
	v58 =	vld [tilespmem:s25+$0x3810]  }
0x1a1: {  	[tilespmem:s7+$0xF840] =	vst v52;
	v52 =	vadd.f32 v56, v38;
	v56 =	vld [tilespmem:s25+$0x3820]  }
0x1a2: {  	[tilespmem:s7+$0xF850] =	vst v53;
	v53 =	vadd.f32 v54, v4;
	v54 =	vld [tilespmem:s25+$0x3830]  }
0x1a3: {  	[tilespmem:s7+$0xF860] =	vst v52;
	v52 =	vadd.f32 v55, v39;
	v55 =	vld [tilespmem:s25+$0x3840]  }
0x1a4: {  	[tilespmem:s26+$0xF870] =	vst v53;
	v53 =	vadd.f32 v57, v11;
	v57 =	vld [tilespmem:s25+$0x3850]  }
0x1a5: {  	[tilespmem:s7+$0xF870] =	vst v52;
	v52 =	vadd.f32 v58, v10;
	v58 =	vld [tilespmem:s25+$0x3860]  }
0x1a6: {  	v59 =	vld [tilespmem:s14+$0x3800];
	[tilespmem:s25+$0xF800] =	vst v53;
	v53 =	vadd.f32 v56, v9  }
0x1a7: {  	v56 =	vld [tilespmem:s14+$0x3810];
	[tilespmem:s25+$0xF810] =	vst v52;
	v52 =	vadd.f32 v54, v8  }
0x1a8: {  	v54 =	vld [tilespmem:s14+$0x3820];
	[tilespmem:s25+$0xF820] =	vst v53;
	v53 =	vadd.f32 v55, v7  }
0x1a9: {  	v55 =	vld [tilespmem:s14+$0x3830];
	[tilespmem:s25+$0xF830] =	vst v52;
	v52 =	vadd.f32 v57, v6  }
0x1aa: {  	v57 =	vld [tilespmem:s14+$0x3840];
	[tilespmem:s25+$0xF840] =	vst v53;
	v53 =	vadd.f32 v58, v5  }
0x1ab: {  	v58 =	vadd.f32 v59, v41;
	v59 =	vld [tilespmem:s14+$0x3850];
	[tilespmem:s25+$0xF850] =	vst v52  }
0x1ac: {  	v52 =	vadd.f32 v56, v43;
	v60 =	vld [tilespmem:s14+$0x3860];
	[tilespmem:s25+$0xF860] =	vst v53  }
0x1ad: {  	[tilespmem:s14+$0xF800] =	vst v58;
	v53 =	vadd.f32 v54, v46;
	v54 =	vld [tilespmem:s14+$0x3870]  }
0x1ae: {  	[tilespmem:s14+$0xF810] =	vst v52;
	v52 =	vadd.f32 v55, v47;
	v61 =	vld [tilespmem:s25+$0x3870]  }
.Ltmp0:
0x1af: {  	[tilespmem:s14+$0xF820] =	vst v53;
	v53 =	vadd.f32 v57, v48;
	v57 =	vld [tilespmem:s26+$0x3800];
	(pc) =	sbr.rel @p1 .LBB2_3-.Ltmp0, $4  }
0x1b0: {  	[tilespmem:s14+$0xF830] =	vst v52;
	v52 =	vadd.f32 v59, v49;
	v56 =	vld [tilespmem:s26+$0x3810]  }
0x1b1: {  	[tilespmem:s14+$0xF840] =	vst v53;
	v59 =	vadd.f32 v60, v50;
	v55 =	vld [tilespmem:s26+$0x3820]  }
0x1b2: {  	[tilespmem:s14+$0xF850] =	vst v52;
	v58 =	vadd.f32 v54, v51;
	v53 =	vld [tilespmem:s26+$0x3830]  }
0x1b3: {  	[tilespmem:s14+$0xF860] =	vst v59;
	v54 =	vld [tilespmem:s26+$0x3840];
	v52 =	vadd.f32 v61, v4  }
0x1b4: {  	[tilespmem:s14+$0xF870] =	vst v58  }
0x1b5: {  	v58 =	vld [tilespmem:s28+$0x3800]  }
0x1b6: {  	v59 =	vld [tilespmem:s28+$0x3810]  }
0x1b7: {  	v60 =	vld [tilespmem:s28+$0x3820]  }
0x1b8: {  	v61 =	vld [tilespmem:s28+$0x3830];
	_ =	sdelay $0x1  }
0x1b9: {  	v58 =	vadd.f32 v58, v44  }
0x1ba: {  	v59 =	vadd.f32 v59, v45  }
0x1bb: {  	v60 =	vadd.f32 v60, v42;
	[tilespmem:s28+$0xF800] =	vst v58;
	v58 =	vld [tilespmem:s28+$0x3840]  }
0x1bc: {  	v61 =	vadd.f32 v61, v40;
	[tilespmem:s28+$0xF810] =	vst v59;
	v59 =	vld [tilespmem:s28+$0x3850]  }
0x1bd: {  	[tilespmem:s28+$0xF820] =	vst v60;
	v60 =	vld [tilespmem:s28+$0x3860]  }
0x1be: {  	[tilespmem:s28+$0xF830] =	vst v61;
	v61 =	vld [tilespmem:s28+$0x3870];
	_ =	sdelay $0x1  }
0x1bf: {  	v58 =	vadd.f32 v58, v32  }
0x1c0: {  	v59 =	vadd.f32 v59, v33  }
0x1c1: {  	v62 =	vadd.f32 v60, v30;
	[tilespmem:s28+$0xF840] =	vst v58  }
0x1c2: {  	v63 =	vadd.f32 v61, v28;
	[tilespmem:s28+$0xF850] =	vst v59  }
0x1c3: {  	[tilespmem:s28+$0xF860] =	vst v62  }
0x1c4: {  	v60 =	vld [tilespmem:s26+$0x3850];
	[tilespmem:s28+$0xF870] =	vst v63  }
0x1c5: {  	v56 =	vadd.f32 v56, v10;
	v59 =	vld [tilespmem:s5+$0x3800]  }
0x1c6: {  	v55 =	vadd.f32 v55, v9;
	v61 =	vld [tilespmem:s5+$0x3810]  }
0x1c7: {  	[tilespmem:s26+$0xF810] =	vst v56;
	v56 =	vld [tilespmem:s5+$0x3820]  }
0x1c8: {  	v57 =	vadd.f32 v57, v11;
	[tilespmem:s26+$0xF820] =	vst v55;
	v55 =	vld [tilespmem:s5+$0x3830]  }
0x1c9: {  	[tilespmem:s25+$0xF870] =	vst v52;
	v53 =	vadd.f32 v53, v8  }
0x1ca: {  	[tilespmem:s26+$0xF800] =	vst v57;
	v62 =	vadd.f32 v60, v6  }
0x1cb: {  	[tilespmem:s26+$0xF830] =	vst v53;
	v58 =	vld [tilespmem:s5+$0x3840];
	v63 =	vadd.f32 v59, v11  }
0x1cc: {  	[tilespmem:s26+$0xF850] =	vst v62;
	v59 =	vld [tilespmem:s5+$0x3850];
	v62 =	vadd.f32 v56, v9  }
0x1cd: {  	v60 =	vadd.f32 v61, v10;
	v61 =	vld [tilespmem:s5+$0x3860];
	[tilespmem:s5+$0xF800] =	vst v63;
	v63 =	vadd.f32 v55, v8  }
0x1ce: {  	v54 =	vadd.f32 v54, v7;
	[tilespmem:s5+$0xF820] =	vst v62;
	v62 =	vld [tilespmem:s26+$0x3860]  }
0x1cf: {  	[tilespmem:s5+$0xF830] =	vst v63;
	v63 =	vld [tilespmem:s5+$0x3870]  }
0x1d0: {  	[tilespmem:s26+$0xF840] =	vst v54;
	v58 =	vadd.f32 v58, v7  }
0x1d1: {  	[tilespmem:s5+$0xF810] =	vst v60;
	v60 =	vadd.f32 v59, v6  }
0x1d2: {  	[tilespmem:s5+$0xF840] =	vst v58;
	v61 =	vadd.f32 v61, v5  }
0x1d3: {  	[tilespmem:s5+$0xF850] =	vst v60;
	v53 =	vadd.f32 v62, v5  }
0x1d4: {  	[tilespmem:s5+$0xF860] =	vst v61;
	v57 =	vadd.f32 v63, v4  }
0x1d5: {  	[tilespmem:s26+$0xF860] =	vst v53  }
0x1d6: {  	[tilespmem:s5+$0xF870] =	vst v57  }
0x1d7: {  	v52 =	vld [tilespmem:s23+$0x40];
	_ =	sdelay $0x4  }
0x1d8: {  	v58 =	vshrl.u32 v52, $0x3  }
0x1d9: {  	v53 =	vmul.u32 $0x30, v58  }
0x1da: {  	v52 =	vand.u32 $0x7, v52  }
0x1db: {  	v52 =	vor.u32 v52, v53  }
0x1dc: {  	v53 =	vperm.xlane v52, v1;
	_ =	sdelay $0x1  }
0x1dd: {  	v53 =	vadd.s32 v2, v53;
	_ =	sdelay $0x3  }
0x1de: {  	s0 =	simm.s32 $0x3800;
	v52 =	vperm.xlane v52, v3  }
0x1df: {  	[tilespmem:s0], [sflag:$0x1] =	stream.indirect_vreg.gather [hbm4b:s1+s4], $0x80, v53, vm0, $0xb8;
	[tilespmem:$0x1B900] =	vst v63  }
0x1e0: {  	s12 =	simm.s32 $0x4000;
	v52 =	vadd.s32 v2, v52  }
0x1e1: {  	[tilespmem:s12], [sflag:$0x1] =	stream.indirect_vreg.gather [hbm4b:s8+s4], $0x80, v53, vm0, $0xb8;
	[tilespmem:$0x1B900] =	vst v63  }
0x1e2: {  	s13 =	simm.s32 $0x4800  }
0x1e3: {  	[tilespmem:s13], [sflag:$0x1] =	stream.indirect_vreg.gather [hbm4b:s9+s4], $0x80, v53, vm0, $0xb8;
	[tilespmem:$0x1B900] =	vst v63  }
0x1e4: {  	s14 =	simm.s32 $0x5000  }
0x1e5: {  	[tilespmem:s14], [sflag:$0x1] =	stream.indirect_vreg.gather [hbm4b:s1+s4], $0x80, v52, vm0, $0xb8;
	[tilespmem:$0x1B900] =	vst v63  }
0x1e6: {  	s15 =	simm.s32 $0x5800  }
0x1e7: {  	[tilespmem:s15], [sflag:$0x1] =	stream.indirect_vreg.gather [hbm4b:s8+s4], $0x80, v52, vm0, $0xb8;
	[tilespmem:$0x1B900] =	vst v63  }
0x1e8: {  	s24 =	simm.s32 $0x6000  }
0x1e9: {  	[tilespmem:s24], [sflag:$0x1] =	stream.indirect_vreg.gather [hbm4b:s9+s4], $0x80, v52, vm0, $0xb8;
	[tilespmem:$0x1B900] =	vst v63  }
0x1ea: {  	v52 =	vld [tilespmem:s23+$0x50];
	_ =	sdelay $0x4  }
0x1eb: {  	v59 =	vshrl.u32 v52, $0x3  }
0x1ec: {  	v53 =	vmul.u32 $0x30, v59  }
0x1ed: {  	v52 =	vand.u32 $0x7, v52  }
0x1ee: {  	v52 =	vor.u32 v52, v53  }
0x1ef: {  	v53 =	vperm.xlane v52, v1;
	_ =	sdelay $0x1  }
0x1f0: {  	v60 =	vadd.s32 v2, v53;
	_ =	sdelay $0x3  }
0x1f1: {  	s25 =	simm.s32 $0x6800;
	v52 =	vperm.xlane v52, v3;
	v53 =	vmul.u32 $0x200, v0  }
0x1f2: {  	[tilespmem:s25], [sflag:$0x1] =	stream.indirect_vreg.gather [hbm4b:s1+s4], $0x80, v60, vm0, $0xb8;
	[tilespmem:$0x1B900] =	vst v63  }
0x1f3: {  	s26 =	simm.s32 $0x7000;
	v52 =	vadd.s32 v2, v52;
	v61 =	vor.u32 s22, v53  }
0x1f4: {  	v62 =	vshrl.u32 v61, $0x3;
	[tilespmem:s26], [sflag:$0x1] =	stream.indirect_vreg.gather [hbm4b:s8+s4], $0x80, v60, vm0, $0xb8;
	[tilespmem:$0x1B900] =	vst v63  }
0x1f5: {  	s31 =	simm.s32 $0x7800;
	v63 =	vmov s22;
	v56 =	vmul.u32 $0x30, v62  }
0x1f6: {  	[tilespmem:s31], [sflag:$0x1] =	stream.indirect_vreg.gather [hbm4b:s9+s4], $0x80, v60, vm0, $0xb8;
	v60 =	vand.u32 $0x7, v63;
	[tilespmem:$0x1B900] =	vst v63  }
0x1f7: {  	s2 =	simm.s32 $0x8000;
	v54 =	vor.u32 v60, v56  }
0x1f8: {  	[tilespmem:s2], [sflag:$0x1] =	stream.indirect_vreg.gather [hbm4b:s1+s4], $0x80, v52, vm0, $0xb8;
	v56 =	vperm.xlane v54, v1;
	[tilespmem:$0x1B900] =	vst v63  }
0x1f9: {  	s5 =	simm.s32 $0x8800  }
0x1fa: {  	[tilespmem:s5], [sflag:$0x1] =	stream.indirect_vreg.gather [hbm4b:s8+s4], $0x80, v52, vm0, $0xb8;
	v56 =	vadd.s32 v2, v56;
	[tilespmem:$0x1B900] =	vst v63  }
0x1fb: {  	s7 =	simm.s32 $0x9000  }
0x1fc: {  	[tilespmem:s7], [sflag:$0x1] =	stream.indirect_vreg.gather [hbm4b:s9+s4], $0x80, v52, vm0, $0xb8;
	v52 =	vor.u32 $0x2000, v53;
	[tilespmem:$0x1B900] =	vst v63  }
0x1fd: {  	[tilespmem:$0x1B800] =	vst v61;
	v61 =	vor.u32 s22, v52  }
0x1fe: {  	s12 =	simm.s32 $0xF800;
	v54 =	vperm.xlane v54, v3;
	[tilespmem:$0x1B810] =	vst v61  }
0x1ff: {  	[hbm4b:s3+s4] =	stream.indirect_vreg.scatter [tilespmem:s12], [sflag:$0x3], $0x80, v56, vm0, $0xb8;
	[tilespmem:$0x1B900] =	vst v63  }
0x200: {  	s13 =	simm.s32 $0x10000;
	v54 =	vadd.s32 v2, v54  }
0x201: {  	[hbm4b:s10+s4] =	stream.indirect_vreg.scatter [tilespmem:s13], [sflag:$0x3], $0x80, v56, vm0, $0xb8;
	[tilespmem:$0x1B900] =	vst v63  }
0x202: {  	s14 =	simm.s32 $0x10800  }
0x203: {  	[hbm4b:s11+s4] =	stream.indirect_vreg.scatter [tilespmem:s14], [sflag:$0x3], $0x80, v56, vm0, $0xb8;
	[tilespmem:$0x1B900] =	vst v63  }
0x204: {  	s15 =	simm.s32 $0x11000  }
0x205: {  	[hbm4b:s3+s4] =	stream.indirect_vreg.scatter [tilespmem:s15], [sflag:$0x3], $0x80, v54, vm0, $0xb8;
	[tilespmem:$0x1B900] =	vst v63  }
0x206: {  	s24 =	simm.s32 $0x11800  }
0x207: {  	[hbm4b:s10+s4] =	stream.indirect_vreg.scatter [tilespmem:s24], [sflag:$0x3], $0x80, v54, vm0, $0xb8;
	[tilespmem:$0x1B900] =	vst v63  }
0x208: {  	s25 =	simm.s32 $0x12000  }
0x209: {  	[hbm4b:s11+s4] =	stream.indirect_vreg.scatter [tilespmem:s25], [sflag:$0x3], $0x80, v54, vm0, $0xb8;
	[tilespmem:$0x1B900] =	vst v63  }
0x20a: {  	v54 =	vld [tilespmem:$0x1B810];
	_ =	sdelay $0x4  }
0x20b: {  	v62 =	vshrl.u32 v54, $0x3  }
0x20c: {  	v55 =	vmul.u32 $0x30, v62  }
0x20d: {  	v54 =	vand.u32 $0x7, v54  }
0x20e: {  	v54 =	vor.u32 v54, v55  }
0x20f: {  	v55 =	vperm.xlane v54, v1;
	_ =	sdelay $0x1  }
0x210: {  	v55 =	vadd.s32 v2, v55;
	_ =	sdelay $0x3  }
0x211: {  	s26 =	simm.s32 $0x12800;
	v54 =	vperm.xlane v54, v3  }
0x212: {  	[hbm4b:s3+s4] =	stream.indirect_vreg.scatter [tilespmem:s26], [sflag:$0x3], $0x80, v55, vm0, $0xb8;
	[tilespmem:$0x1B900] =	vst v63  }
0x213: {  	s31 =	simm.s32 $0x13000;
	v54 =	vadd.s32 v2, v54  }
0x214: {  	[hbm4b:s10+s4] =	stream.indirect_vreg.scatter [tilespmem:s31], [sflag:$0x3], $0x80, v55, vm0, $0xb8;
	[tilespmem:$0x1B900] =	vst v63  }
0x215: {  	s2 =	simm.s32 $0x13800  }
0x216: {  	[hbm4b:s11+s4] =	stream.indirect_vreg.scatter [tilespmem:s2], [sflag:$0x3], $0x80, v55, vm0, $0xb8;
	[tilespmem:$0x1B900] =	vst v63  }
0x217: {  	s5 =	simm.s32 $0x14000  }
0x218: {  	[hbm4b:s3+s4] =	stream.indirect_vreg.scatter [tilespmem:s5], [sflag:$0x3], $0x80, v54, vm0, $0xb8;
	[tilespmem:$0x1B900] =	vst v63  }
0x219: {  	s7 =	simm.s32 $0x14800  }
0x21a: {  	[hbm4b:s10+s4] =	stream.indirect_vreg.scatter [tilespmem:s7], [sflag:$0x3], $0x80, v54, vm0, $0xb8;
	[tilespmem:$0x1B900] =	vst v63  }
0x21b: {  	s12 =	simm.s32 $0x15000  }
0x21c: {  	[hbm4b:s11+s4] =	stream.indirect_vreg.scatter [tilespmem:s12], [sflag:$0x3], $0x80, v54, vm0, $0xb8;
	[tilespmem:$0x1B900] =	vst v63  }
0x21d: {  	_ =	swait.ge [sflag:s30], $0x6000  }
0x21e: {  	s13 =	simm.s32 $0x0;
	[sflag:s30] =	ssyncset.done $0x0  }
0x21f: {  	s2 =	simm.s32 $0x0;
	s5 =	simm.s32 @!p0 $0x4;
	[sflag:s30] =	ssyncadd.s32 $0xFFFFA000  }
0x220: {  	s0 =	smul.u32 $0x1800, s13;
	s25 =	sand.u32 $0x300, s2;
	_ =	swait.ge @!p0 [sflag:s5], $0x6000  }
0x221: {  	s2 =	sor.u32 $0x80, s25;
	[sflag:s5] =	ssyncset.done @!p0 $0x0  }
0x222: {  	s12 =	sor.u32 s0, s2;
	[sflag:s5] =	ssyncadd.s32 @!p0 $0xFFFFA000  }
0x223: {  	v63 =	vld [tilespmem:s12+$0x9800]  }
0x224: {  	v60 =	vld [tilespmem:s12+$0x9810]  }
0x225: {  	v56 =	vld [tilespmem:s12+$0x9820]  }
0x226: {  	v57 =	vld [tilespmem:s12+$0x9830]  }
0x227: {  	v58 =	vld [tilespmem:s12+$0x9840]  }
0x228: {  	v59 =	vld [tilespmem:s12+$0x9850];
	v54 =	vadd.f32 v63, v12  }
0x229: {  	v55 =	vadd.f32 v60, v13;
	v60 =	vld [tilespmem:s12+$0x9860]  }
0x22a: {  	v61 =	vadd.f32 v56, v14;
	v56 =	vld [tilespmem:s12+$0x9870];
	[tilespmem:s12+$0x15800] =	vst v54  }
0x22b: {  	v62 =	vadd.f32 v57, v15;
	v57 =	vld [tilespmem:s12+$0x9C00];
	[tilespmem:s12+$0x15810] =	vst v55  }
0x22c: {  	v63 =	vadd.f32 v58, v16;
	v58 =	vld [tilespmem:s12+$0x9C10];
	[tilespmem:s12+$0x15820] =	vst v61  }
0x22d: {  	[tilespmem:s12+$0x15830] =	vst v62;
	v55 =	vadd.f32 v59, v17;
	v59 =	vld [tilespmem:s12+$0x9C20]  }
0x22e: {  	[tilespmem:s12+$0x15840] =	vst v63;
	v54 =	vadd.f32 v60, v18;
	v60 =	vld [tilespmem:s12+$0x9C30]  }
0x22f: {  	[tilespmem:s12+$0x15850] =	vst v55;
	v61 =	vadd.f32 v56, v19;
	v56 =	vld [tilespmem:s12+$0x9C40]  }
0x230: {  	v62 =	vadd.f32 v57, v20;
	v57 =	vld [tilespmem:s12+$0x9C50];
	[tilespmem:s12+$0x15860] =	vst v54  }
0x231: {  	v55 =	vadd.f32 v58, v21;
	v58 =	vld [tilespmem:s12+$0x9C60];
	[tilespmem:s12+$0x15870] =	vst v61  }
0x232: {  	s14 =	sor.u32 s25, s0;
	[tilespmem:s12+$0x15C00] =	vst v62;
	v54 =	vadd.f32 v59, v22;
	v59 =	vld [tilespmem:s12+$0x9C70]  }
0x233: {  	v61 =	vld [tilespmem:s14+$0x9800];
	[tilespmem:s12+$0x15C10] =	vst v55;
	v55 =	vadd.f32 v60, v23  }
0x234: {  	[tilespmem:s12+$0x15C20] =	vst v54;
	v60 =	vld [tilespmem:s14+$0x9810];
	v63 =	vadd.f32 v56, v24  }
0x235: {  	v56 =	vld [tilespmem:s14+$0x9820];
	v62 =	vadd.f32 v57, v25;
	[tilespmem:s12+$0x15C30] =	vst v55  }
0x236: {  	v57 =	vld [tilespmem:s14+$0x9830];
	v54 =	vadd.f32 v58, v26;
	[tilespmem:s12+$0x15C40] =	vst v63  }
0x237: {  	v58 =	vld [tilespmem:s14+$0x9840];
	[tilespmem:s12+$0x15C50] =	vst v62;
	v55 =	vadd.f32 v59, v27  }
0x238: {  	s7 =	sadd.s32 $0x800, s0;
	v59 =	vadd.f32 v61, v12;
	v61 =	vld [tilespmem:s14+$0x9850];
	[tilespmem:s12+$0x15C60] =	vst v54  }
0x239: {  	s15 =	sor.u32 s2, s7;
	[tilespmem:s12+$0x15C70] =	vst v55;
	v54 =	vadd.f32 v60, v13;
	v60 =	vld [tilespmem:s14+$0x9860]  }
0x23a: {  	[tilespmem:s14+$0x15800] =	vst v59;
	v63 =	vadd.f32 v56, v14;
	v56 =	vld [tilespmem:s15+$0x9800]  }
0x23b: {  	v62 =	vadd.f32 v57, v15;
	v57 =	vld [tilespmem:s15+$0x9810];
	[tilespmem:s14+$0x15810] =	vst v54  }
0x23c: {  	[tilespmem:s14+$0x15820] =	vst v63;
	v63 =	vadd.f32 v58, v16;
	v58 =	vld [tilespmem:s15+$0x9820]  }
0x23d: {  	v59 =	vld [tilespmem:s15+$0x9830];
	[tilespmem:s14+$0x15830] =	vst v62;
	v54 =	vadd.f32 v61, v17  }
0x23e: {  	[tilespmem:s14+$0x15840] =	vst v63;
	v55 =	vadd.f32 v60, v18;
	v60 =	vld [tilespmem:s15+$0x9840]  }
0x23f: {  	[tilespmem:s14+$0x15850] =	vst v54;
	v62 =	vadd.f32 v56, v29;
	v56 =	vld [tilespmem:s15+$0x9850]  }
0x240: {  	[tilespmem:s14+$0x15860] =	vst v55;
	v55 =	vadd.f32 v57, v31;
	v57 =	vld [tilespmem:s15+$0x9860]  }
0x241: {  	[tilespmem:s15+$0x15800] =	vst v62;
	v54 =	vadd.f32 v58, v34;
	v58 =	vld [tilespmem:s15+$0x9870]  }
0x242: {  	v61 =	vld [tilespmem:s14+$0x9870];
	[tilespmem:s15+$0x15810] =	vst v55;
	v55 =	vadd.f32 v59, v35  }
0x243: {  	v59 =	vld [tilespmem:s14+$0x9C00];
	[tilespmem:s15+$0x15820] =	vst v54;
	v54 =	vadd.f32 v60, v36  }
0x244: {  	v60 =	vld [tilespmem:s14+$0x9C10];
	v63 =	vadd.f32 v56, v37;
	[tilespmem:s15+$0x15830] =	vst v55  }
0x245: {  	v56 =	vld [tilespmem:s14+$0x9C20];
	[tilespmem:s15+$0x15840] =	vst v54;
	v54 =	vadd.f32 v57, v38  }
0x246: {  	v57 =	vld [tilespmem:s14+$0x9C30];
	[tilespmem:s15+$0x15850] =	vst v63;
	v55 =	vadd.f32 v58, v39  }
0x247: {  	s24 =	sadd.s32 $0xC00, s0;
	v58 =	vadd.f32 v61, v19;
	v61 =	vld [tilespmem:s14+$0x9C40];
	[tilespmem:s15+$0x15860] =	vst v54  }
0x248: {  	s13 =	sor.u32 s2, s24;
	v62 =	vadd.f32 v59, v20;
	v59 =	vld [tilespmem:s14+$0x9C50];
	[tilespmem:s15+$0x15870] =	vst v55  }
0x249: {  	[tilespmem:s14+$0x15870] =	vst v58;
	v63 =	vadd.f32 v60, v21;
	v58 =	vld [tilespmem:s13+$0x9800]  }
0x24a: {  	v60 =	vadd.f32 v56, v22;
	v56 =	vld [tilespmem:s13+$0x9810];
	[tilespmem:s14+$0x15C00] =	vst v62  }
0x24b: {  	[tilespmem:s14+$0x15C10] =	vst v63;
	v55 =	vadd.f32 v57, v23;
	v57 =	vld [tilespmem:s13+$0x9820]  }
0x24c: {  	[tilespmem:s14+$0x15C20] =	vst v60;
	v54 =	vadd.f32 v61, v24;
	v60 =	vld [tilespmem:s13+$0x9830]  }
0x24d: {  	[tilespmem:s14+$0x15C30] =	vst v55;
	v61 =	vadd.f32 v59, v25;
	v59 =	vld [tilespmem:s13+$0x9840]  }
0x24e: {  	[tilespmem:s14+$0x15C40] =	vst v54;
	v62 =	vadd.f32 v58, v41;
	v58 =	vld [tilespmem:s13+$0x9850]  }
0x24f: {  	v55 =	vadd.f32 v56, v43;
	v56 =	vld [tilespmem:s13+$0x9860];
	[tilespmem:s14+$0x15C50] =	vst v61  }
0x250: {  	v61 =	vld [tilespmem:s14+$0x9C60];
	[tilespmem:s13+$0x15800] =	vst v62;
	v54 =	vadd.f32 v57, v46  }
0x251: {  	v57 =	vld [tilespmem:s13+$0x9870];
	[tilespmem:s13+$0x15810] =	vst v55;
	v55 =	vadd.f32 v60, v47  }
0x252: {  	v60 =	vld [tilespmem:s14+$0x9C70];
	[tilespmem:s13+$0x15820] =	vst v54;
	v63 =	vadd.f32 v59, v48  }
0x253: {  	[tilespmem:s13+$0x15830] =	vst v55;
	v59 =	vadd.f32 v58, v49  }
0x254: {  	v62 =	vadd.f32 v56, v50;
	[tilespmem:s13+$0x15840] =	vst v63  }
0x255: {  	v61 =	vadd.f32 v61, v26;
	[tilespmem:s13+$0x15850] =	vst v59  }
0x256: {  	v63 =	vadd.f32 v57, v51;
	[tilespmem:s13+$0x15860] =	vst v62  }
0x257: {  	s26 =	sadd.s32 $0x1000, s0;
	v62 =	vadd.f32 v60, v27;
	[tilespmem:s14+$0x15C60] =	vst v61  }
0x258: {  	s31 =	sor.u32 s2, s26;
	[tilespmem:s13+$0x15870] =	vst v63  }
0x259: {  	s7 =	sor.u32 s25, s7;
	[tilespmem:s14+$0x15C70] =	vst v62;
	v55 =	vld [tilespmem:s31+$0x9800]  }
0x25a: {  	v54 =	vld [tilespmem:s7+$0x9800]  }
0x25b: {  	v56 =	vld [tilespmem:s7+$0x9810]  }
0x25c: {  	v58 =	vld [tilespmem:s7+$0x9830]  }
0x25d: {  	v57 =	vld [tilespmem:s7+$0x9820]  }
0x25e: {  	v59 =	vld [tilespmem:s7+$0x9840]  }
0x25f: {  	v60 =	vld [tilespmem:s7+$0x9850];
	v55 =	vadd.f32 v55, v44  }
0x260: {  	v61 =	vld [tilespmem:s31+$0x9810];
	v54 =	vadd.f32 v54, v29  }
0x261: {  	v63 =	vadd.f32 v58, v35;
	[tilespmem:s31+$0x15800] =	vst v55;
	v55 =	vadd.f32 v56, v31;
	v56 =	vld [tilespmem:s7+$0x9860]  }
0x262: {  	[tilespmem:s7+$0x15800] =	vst v54;
	v54 =	vadd.f32 v57, v34;
	v57 =	vld [tilespmem:s7+$0x9870]  }
0x263: {  	v58 =	vld [tilespmem:s31+$0x9820];
	[tilespmem:s7+$0x15830] =	vst v63  }
0x264: {  	[tilespmem:s7+$0x15820] =	vst v54;
	v54 =	vadd.f32 v59, v36  }
0x265: {  	[tilespmem:s7+$0x15810] =	vst v55;
	v59 =	vld [tilespmem:s31+$0x9830];
	v55 =	vadd.f32 v60, v37  }
0x266: {  	v60 =	vld [tilespmem:s31+$0x9840];
	[tilespmem:s7+$0x15840] =	vst v54;
	v54 =	vadd.f32 v56, v38  }
0x267: {  	[tilespmem:s7+$0x15850] =	vst v55;
	v56 =	vld [tilespmem:s31+$0x9850];
	v55 =	vadd.f32 v57, v39  }
0x268: {  	v62 =	vadd.f32 v58, v42;
	v58 =	vld [tilespmem:s31+$0x9870];
	v57 =	vadd.f32 v61, v45;
	[tilespmem:s7+$0x15860] =	vst v54  }
0x269: {  	s15 =	sor.u32 s25, s24;
	v61 =	vld [tilespmem:s31+$0x9860];
	[tilespmem:s7+$0x15870] =	vst v55  }
0x26a: {  	[tilespmem:s31+$0x15810] =	vst v57;
	v57 =	vld [tilespmem:s15+$0x9800]  }
0x26b: {  	v63 =	vadd.f32 v59, v40;
	v60 =	vadd.f32 v60, v32;
	v59 =	vld [tilespmem:s15+$0x9810]  }
0x26c: {  	v55 =	vadd.f32 v56, v33;
	v56 =	vld [tilespmem:s15+$0x9820]  }
0x26d: {  	[tilespmem:s31+$0x15840] =	vst v60;
	v60 =	vld [tilespmem:s15+$0x9830]  }
0x26e: {  	[tilespmem:s31+$0x15820] =	vst v62;
	v54 =	vadd.f32 v61, v30;
	v61 =	vadd.f32 v58, v28;
	v58 =	vld [tilespmem:s15+$0x9840]  }
0x26f: {  	[tilespmem:s31+$0x15830] =	vst v63;
	v62 =	vadd.f32 v57, v41;
	v57 =	vld [tilespmem:s15+$0x9850]  }
0x270: {  	[tilespmem:s31+$0x15870] =	vst v61;
	v63 =	vadd.f32 v59, v43;
	v59 =	vld [tilespmem:s15+$0x9860]  }
0x271: {  	s24 =	simm.s32 $0x100;
	s7 =	simm.s32 $0x0;
	[tilespmem:s15+$0x15800] =	vst v62;
	v61 =	vadd.f32 v56, v46;
	v62 =	vld [tilespmem:s15+$0x9870]  }
0x272: {  	s29 =	sand.u32 $0x300, s24;
	s14 =	smul.u32 $0x1800, s7;
	[tilespmem:s15+$0x15810] =	vst v63;
	v63 =	vadd.f32 v60, v47  }
0x273: {  	s5 =	sor.u32 s25, s26;
	s26 =	sor.u32 $0x80, s29;
	v58 =	vadd.f32 v58, v48;
	[tilespmem:s15+$0x15820] =	vst v61  }
0x274: {  	s13 =	sor.u32 s14, s26;
	[tilespmem:s15+$0x15830] =	vst v63;
	v60 =	vadd.f32 v57, v49  }
0x275: {  	[tilespmem:s15+$0x15840] =	vst v58;
	v58 =	vld [tilespmem:s13+$0x9820];
	v61 =	vadd.f32 v59, v50  }
0x276: {  	v56 =	vld [tilespmem:s13+$0x9800];
	[tilespmem:s15+$0x15850] =	vst v60;
	v62 =	vadd.f32 v62, v51  }
0x277: {  	v57 =	vld [tilespmem:s13+$0x9810];
	[tilespmem:s15+$0x15860] =	vst v61  }
0x278: {  	v60 =	vld [tilespmem:s13+$0x9840];
	[tilespmem:s15+$0x15870] =	vst v62  }
0x279: {  	[tilespmem:s31+$0x15850] =	vst v55;
	v55 =	vld [tilespmem:s5+$0x9800]  }
0x27a: {  	v62 =	vadd.f32 v58, v14;
	v58 =	vld [tilespmem:s13+$0x9870]  }
0x27b: {  	v59 =	vld [tilespmem:s13+$0x9830]  }
0x27c: {  	v56 =	vadd.f32 v56, v12;
	v63 =	vadd.f32 v57, v13;
	v57 =	vld [tilespmem:s13+$0x9860]  }
0x27d: {  	[tilespmem:s31+$0x15860] =	vst v54;
	v61 =	vld [tilespmem:s13+$0x9850]  }
0x27e: {  	[tilespmem:s13+$0x15800] =	vst v56;
	v56 =	vadd.f32 v60, v16;
	v60 =	vld [tilespmem:s13+$0x9C10];
	v55 =	vadd.f32 v55, v44  }
0x27f: {  	[tilespmem:s13+$0x15820] =	vst v62;
	v62 =	vadd.f32 v58, v19;
	v58 =	vld [tilespmem:s13+$0x9C40]  }
0x280: {  	[tilespmem:s5+$0x15800] =	vst v55;
	v55 =	vadd.f32 v59, v15;
	v59 =	vld [tilespmem:s13+$0x9C00]  }
0x281: {  	[tilespmem:s13+$0x15810] =	vst v63;
	v63 =	vadd.f32 v57, v18;
	v57 =	vld [tilespmem:s13+$0x9C30]  }
0x282: {  	s0 =	sadd.s32 $0x1400, s0;
	[tilespmem:s13+$0x15830] =	vst v55;
	v55 =	vadd.f32 v61, v17;
	v61 =	vld [tilespmem:s13+$0x9C20]  }
0x283: {  	s2 =	sor.u32 s2, s0;
	[tilespmem:s13+$0x15840] =	vst v56  }
0x284: {  	v54 =	vld [tilespmem:s2+$0x9870];
	[tilespmem:s13+$0x15870] =	vst v62  }
0x285: {  	[tilespmem:s13+$0x15860] =	vst v63;
	v56 =	vadd.f32 v59, v20;
	v59 =	vld [tilespmem:s13+$0x9C50]  }
0x286: {  	v58 =	vadd.f32 v58, v24;
	[tilespmem:s13+$0x15850] =	vst v55;
	v55 =	vadd.f32 v60, v21;
	v60 =	vld [tilespmem:s13+$0x9C60]  }
0x287: {  	s12 =	sor.u32 s29, s14;
	v57 =	vadd.f32 v57, v23;
	[tilespmem:s13+$0x15C00] =	vst v56;
	v56 =	vadd.f32 v61, v22;
	v61 =	vld [tilespmem:s13+$0x9C70]  }
0x288: {  	[tilespmem:s13+$0x15C40] =	vst v58;
	v58 =	vld [tilespmem:s12+$0x9830]  }
0x289: {  	[tilespmem:s13+$0x15C30] =	vst v57;
	v57 =	vld [tilespmem:s12+$0x9820]  }
0x28a: {  	[tilespmem:s13+$0x15C10] =	vst v55;
	v55 =	vld [tilespmem:s12+$0x9800];
	v59 =	vadd.f32 v59, v25  }
0x28b: {  	[tilespmem:s13+$0x15C20] =	vst v56;
	v56 =	vld [tilespmem:s12+$0x9810];
	v60 =	vadd.f32 v60, v26  }
0x28c: {  	[tilespmem:s13+$0x15C50] =	vst v59;
	v59 =	vld [tilespmem:s12+$0x9840];
	v61 =	vadd.f32 v61, v27  }
0x28d: {  	s28 =	sadd.s32 $0x800, s14;
	v62 =	vadd.f32 v58, v15;
	[tilespmem:s13+$0x15C60] =	vst v60;
	v60 =	vld [tilespmem:s12+$0x9850]  }
0x28e: {  	s15 =	sor.u32 s26, s28;
	v63 =	vadd.f32 v57, v14;
	[tilespmem:s13+$0x15C70] =	vst v61;
	v61 =	vld [tilespmem:s12+$0x9860]  }
0x28f: {  	v55 =	vadd.f32 v55, v12;
	[tilespmem:s12+$0x15830] =	vst v62;
	v57 =	vld [tilespmem:s15+$0x9800]  }
0x290: {  	[tilespmem:s12+$0x15820] =	vst v63;
	v56 =	vadd.f32 v56, v13;
	v58 =	vld [tilespmem:s15+$0x9810]  }
0x291: {  	[tilespmem:s12+$0x15800] =	vst v55;
	v55 =	vadd.f32 v59, v16;
	v59 =	vld [tilespmem:s15+$0x9820]  }
0x292: {  	[tilespmem:s12+$0x15810] =	vst v56;
	v56 =	vadd.f32 v60, v17;
	v60 =	vld [tilespmem:s15+$0x9830]  }
0x293: {  	[tilespmem:s12+$0x15840] =	vst v55;
	v55 =	vadd.f32 v61, v18;
	v61 =	vld [tilespmem:s15+$0x9840]  }
0x294: {  	[tilespmem:s12+$0x15850] =	vst v56;
	v63 =	vadd.f32 v57, v29;
	v57 =	vld [tilespmem:s15+$0x9850]  }
0x295: {  	v62 =	vadd.f32 v58, v31;
	v58 =	vld [tilespmem:s15+$0x9860];
	[tilespmem:s12+$0x15860] =	vst v55  }
0x296: {  	[tilespmem:s15+$0x15800] =	vst v63;
	v56 =	vadd.f32 v59, v34;
	v59 =	vld [tilespmem:s15+$0x9870]  }
0x297: {  	v55 =	vld [tilespmem:s12+$0x9870];
	v60 =	vadd.f32 v60, v35;
	[tilespmem:s15+$0x15810] =	vst v62  }
0x298: {  	[tilespmem:s15+$0x15820] =	vst v56;
	v56 =	vld [tilespmem:s12+$0x9C00];
	v61 =	vadd.f32 v61, v36  }
0x299: {  	[tilespmem:s15+$0x15830] =	vst v60;
	v60 =	vld [tilespmem:s12+$0x9C10];
	v57 =	vadd.f32 v57, v37  }
0x29a: {  	v58 =	vadd.f32 v58, v38;
	[tilespmem:s15+$0x15840] =	vst v61;
	v61 =	vld [tilespmem:s12+$0x9C20]  }
0x29b: {  	[tilespmem:s15+$0x15850] =	vst v57;
	v57 =	vld [tilespmem:s12+$0x9C30];
	v59 =	vadd.f32 v59, v39  }
0x29c: {  	s7 =	sadd.s32 $0xC00, s14;
	v55 =	vadd.f32 v55, v19;
	[tilespmem:s15+$0x15860] =	vst v58;
	v58 =	vld [tilespmem:s12+$0x9C40]  }
0x29d: {  	s31 =	sor.u32 s26, s7;
	v56 =	vadd.f32 v56, v20;
	[tilespmem:s15+$0x15870] =	vst v59;
	v59 =	vld [tilespmem:s12+$0x9C50]  }
0x29e: {  	v54 =	vadd.f32 v54, v4;
	[tilespmem:s12+$0x15870] =	vst v55;
	v55 =	vadd.f32 v60, v21;
	v60 =	vld [tilespmem:s31+$0x9800]  }
0x29f: {  	[tilespmem:s12+$0x15C00] =	vst v56;
	v56 =	vadd.f32 v61, v22;
	v61 =	vld [tilespmem:s31+$0x9810]  }
0x2a0: {  	[tilespmem:s2+$0x15870] =	vst v54;
	v63 =	vadd.f32 v57, v23;
	v57 =	vld [tilespmem:s31+$0x9820]  }
0x2a1: {  	[tilespmem:s12+$0x15C10] =	vst v55;
	v62 =	vadd.f32 v58, v24;
	v58 =	vld [tilespmem:s31+$0x9830]  }
0x2a2: {  	[tilespmem:s12+$0x15C20] =	vst v56;
	v55 =	vadd.f32 v59, v25;
	v59 =	vld [tilespmem:s31+$0x9840]  }
0x2a3: {  	[tilespmem:s12+$0x15C30] =	vst v63;
	v56 =	vadd.f32 v60, v41;
	v60 =	vld [tilespmem:s31+$0x9850]  }
0x2a4: {  	[tilespmem:s12+$0x15C50] =	vst v55;
	v55 =	vadd.f32 v61, v43;
	v61 =	vld [tilespmem:s31+$0x9860]  }
0x2a5: {  	[tilespmem:s31+$0x15800] =	vst v56;
	v63 =	vadd.f32 v57, v46;
	v57 =	vld [tilespmem:s31+$0x9870]  }
0x2a6: {  	v58 =	vadd.f32 v58, v47;
	[tilespmem:s31+$0x15810] =	vst v55;
	v55 =	vld [tilespmem:s12+$0x9C60]  }
0x2a7: {  	v56 =	vld [tilespmem:s12+$0x9C70];
	[tilespmem:s31+$0x15820] =	vst v63;
	v59 =	vadd.f32 v59, v48  }
0x2a8: {  	[tilespmem:s31+$0x15830] =	vst v58;
	v58 =	vld [tilespmem:s5+$0x9810];
	v60 =	vadd.f32 v60, v49  }
0x2a9: {  	[tilespmem:s31+$0x15840] =	vst v59;
	v59 =	vld [tilespmem:s5+$0x9820];
	v61 =	vadd.f32 v61, v50  }
0x2aa: {  	[tilespmem:s31+$0x15850] =	vst v60;
	v60 =	vld [tilespmem:s5+$0x9830];
	v57 =	vadd.f32 v57, v51  }
0x2ab: {  	[tilespmem:s31+$0x15860] =	vst v61;
	v61 =	vld [tilespmem:s5+$0x9840];
	v55 =	vadd.f32 v55, v26  }
0x2ac: {  	v56 =	vadd.f32 v56, v27;
	[tilespmem:s31+$0x15870] =	vst v57;
	v57 =	vld [tilespmem:s5+$0x9850]  }
0x2ad: {  	v58 =	vadd.f32 v58, v45;
	s31 =	sadd.s32 $0x1000, s14;
	[tilespmem:s12+$0x15C60] =	vst v55;
	v55 =	vld [tilespmem:s5+$0x9860]  }
0x2ae: {  	[tilespmem:s12+$0x15C70] =	vst v56;
	v56 =	vld [tilespmem:s5+$0x9870];
	s15 =	sor.u32 s26, s31;
	v59 =	vadd.f32 v59, v42  }
0x2af: {  	[tilespmem:s5+$0x15810] =	vst v58;
	v58 =	vadd.f32 v60, v40;
	v60 =	vld [tilespmem:s15+$0x9800]  }
0x2b0: {  	[tilespmem:s5+$0x15820] =	vst v59;
	v59 =	vadd.f32 v61, v32;
	v61 =	vld [tilespmem:s15+$0x9810]  }
0x2b1: {  	[tilespmem:s5+$0x15830] =	vst v58;
	v57 =	vadd.f32 v57, v33;
	v58 =	vld [tilespmem:s15+$0x9820]  }
0x2b2: {  	[tilespmem:s5+$0x15840] =	vst v59;
	v55 =	vadd.f32 v55, v30;
	v59 =	vld [tilespmem:s15+$0x9830]  }
0x2b3: {  	v56 =	vadd.f32 v56, v28;
	[tilespmem:s5+$0x15850] =	vst v57;
	v57 =	vld [tilespmem:s15+$0x9840]  }
0x2b4: {  	[tilespmem:s5+$0x15860] =	vst v55;
	v55 =	vadd.f32 v60, v44;
	v60 =	vld [tilespmem:s15+$0x9850]  }
0x2b5: {  	[tilespmem:s5+$0x15870] =	vst v56;
	v56 =	vadd.f32 v61, v45;
	v61 =	vld [tilespmem:s15+$0x9860]  }
0x2b6: {  	[tilespmem:s12+$0x15C40] =	vst v62;
	v62 =	vadd.f32 v58, v42;
	v58 =	vld [tilespmem:s15+$0x9870]  }
0x2b7: {  	[tilespmem:s15+$0x15800] =	vst v55;
	v55 =	vld [tilespmem:s2+$0x9810];
	v59 =	vadd.f32 v59, v40  }
0x2b8: {  	[tilespmem:s15+$0x15810] =	vst v56;
	v56 =	vld [tilespmem:s2+$0x9800];
	v57 =	vadd.f32 v57, v32  }
0x2b9: {  	[tilespmem:s15+$0x15830] =	vst v59;
	v59 =	vld [tilespmem:s2+$0x9820];
	v60 =	vadd.f32 v60, v33  }
0x2ba: {  	[tilespmem:s15+$0x15840] =	vst v57;
	v57 =	vld [tilespmem:s2+$0x9830]  }
0x2bb: {  	s13 =	sor.u32 s29, s28;
	v61 =	vadd.f32 v61, v30;
	[tilespmem:s15+$0x15850] =	vst v60;
	v60 =	vld [tilespmem:s2+$0x9840]  }
0x2bc: {  	[tilespmem:s15+$0x15820] =	vst v62;
	v58 =	vadd.f32 v58, v28;
	v63 =	vadd.f32 v55, v10;
	v55 =	vld [tilespmem:s13+$0x9800]  }
0x2bd: {  	[tilespmem:s15+$0x15860] =	vst v61;
	v61 =	vld [tilespmem:s2+$0x9850]  }
0x2be: {  	v56 =	vadd.f32 v56, v11;
	[tilespmem:s15+$0x15870] =	vst v58;
	v58 =	vld [tilespmem:s2+$0x9860]  }
0x2bf: {  	[tilespmem:s2+$0x15810] =	vst v63;
	v62 =	vadd.f32 v59, v9  }
0x2c0: {  	[tilespmem:s2+$0x15800] =	vst v56;
	v59 =	vld [tilespmem:s13+$0x9810];
	v54 =	vadd.f32 v57, v8  }
0x2c1: {  	v57 =	vld [tilespmem:s13+$0x9820];
	[tilespmem:s2+$0x15820] =	vst v62;
	v56 =	vadd.f32 v60, v7  }
0x2c2: {  	v60 =	vld [tilespmem:s13+$0x9830];
	v62 =	vadd.f32 v55, v29;
	[tilespmem:s2+$0x15830] =	vst v54  }
0x2c3: {  	v54 =	vadd.f32 v61, v6;
	v61 =	vld [tilespmem:s13+$0x9840];
	[tilespmem:s2+$0x15840] =	vst v56;
	v63 =	vadd.f32 v58, v5  }
0x2c4: {  	v58 =	vld [tilespmem:s13+$0x9850];
	[tilespmem:s13+$0x15800] =	vst v62  }
0x2c5: {  	s15 =	sadd.s32 $0x1400, s14;
	v55 =	vld [tilespmem:s13+$0x9860];
	[tilespmem:s2+$0x15860] =	vst v63;
	v63 =	vadd.f32 v59, v31  }
0x2c6: {  	s26 =	sor.u32 s26, s15;
	[tilespmem:s2+$0x15850] =	vst v54;
	v54 =	vadd.f32 v57, v34;
	v57 =	vld [tilespmem:s13+$0x9870]  }
0x2c7: {  	s25 =	sor.u32 s25, s0;
	v59 =	vld [tilespmem:s26+$0x9870];
	v56 =	vadd.f32 v60, v35;
	[tilespmem:s13+$0x15810] =	vst v63  }
0x2c8: {  	v60 =	vld [tilespmem:s25+$0x9800];
	[tilespmem:s13+$0x15820] =	vst v54;
	v54 =	vadd.f32 v61, v36  }
0x2c9: {  	v61 =	vld [tilespmem:s25+$0x9810];
	[tilespmem:s13+$0x15830] =	vst v56;
	v62 =	vadd.f32 v58, v37  }
0x2ca: {  	v63 =	vadd.f32 v55, v38;
	v55 =	vld [tilespmem:s25+$0x9830];
	[tilespmem:s13+$0x15840] =	vst v54  }
0x2cb: {  	v58 =	vld [tilespmem:s25+$0x9820];
	[tilespmem:s13+$0x15850] =	vst v62;
	v62 =	vadd.f32 v57, v39  }
0x2cc: {  	[tilespmem:s13+$0x15860] =	vst v63;
	v54 =	vld [tilespmem:s25+$0x9850];
	v59 =	vadd.f32 v59, v4  }
0x2cd: {  	v57 =	vld [tilespmem:s25+$0x9840];
	v56 =	vadd.f32 v60, v11;
	[tilespmem:s13+$0x15870] =	vst v62  }
0x2ce: {  	s14 =	sor.u32 s29, s7;
	v60 =	vld [tilespmem:s25+$0x9860];
	[tilespmem:s26+$0x15870] =	vst v59;
	v59 =	vadd.f32 v61, v10  }
0x2cf: {  	v55 =	vadd.f32 v55, v8;
	v61 =	vld [tilespmem:s14+$0x9800];
	[tilespmem:s25+$0x15800] =	vst v56  }
0x2d0: {  	v63 =	vadd.f32 v58, v9;
	v58 =	vld [tilespmem:s14+$0x9810];
	[tilespmem:s25+$0x15810] =	vst v59  }
0x2d1: {  	[tilespmem:s25+$0x15830] =	vst v55;
	v54 =	vadd.f32 v54, v6;
	v55 =	vld [tilespmem:s14+$0x9840]  }
0x2d2: {  	v59 =	vld [tilespmem:s14+$0x9820];
	[tilespmem:s25+$0x15820] =	vst v63;
	v62 =	vadd.f32 v57, v7  }
0x2d3: {  	v57 =	vld [tilespmem:s14+$0x9830];
	v60 =	vadd.f32 v60, v5;
	[tilespmem:s25+$0x15850] =	vst v54  }
0x2d4: {  	v54 =	vld [tilespmem:s14+$0x9860];
	[tilespmem:s25+$0x15840] =	vst v62;
	v56 =	vadd.f32 v61, v41  }
0x2d5: {  	v61 =	vld [tilespmem:s14+$0x9850];
	v58 =	vadd.f32 v58, v43;
	[tilespmem:s25+$0x15860] =	vst v60  }
0x2d6: {  	v60 =	vld [tilespmem:s14+$0x9870];
	v55 =	vadd.f32 v55, v48;
	[tilespmem:s14+$0x15800] =	vst v56  }
0x2d7: {  	v62 =	vld [tilespmem:s25+$0x9870];
	v56 =	vadd.f32 v59, v46;
	[tilespmem:s14+$0x15810] =	vst v58  }
0x2d8: {  	v57 =	vadd.f32 v57, v47;
	v59 =	vld [tilespmem:s26+$0x9800];
	[tilespmem:s14+$0x15840] =	vst v55  }
0x2d9: {  	v58 =	vld [tilespmem:s26+$0x9810];
	v54 =	vadd.f32 v54, v50;
	[tilespmem:s14+$0x15820] =	vst v56  }
0x2da: {  	[tilespmem:s14+$0x15830] =	vst v57;
	v57 =	vld [tilespmem:s26+$0x9820];
	v63 =	vadd.f32 v61, v49  }
0x2db: {  	v55 =	vld [tilespmem:s26+$0x9830];
	v60 =	vadd.f32 v60, v51;
	[tilespmem:s14+$0x15860] =	vst v54  }
0x2dc: {  	s28 =	sor.u32 s29, s31;
	s5 =	sor.u32 s29, s15;
	s29 =	simm.s32 $0x2;
	v56 =	vld [tilespmem:s26+$0x9840];
	v54 =	vadd.f32 v62, v4;
	[tilespmem:s14+$0x15850] =	vst v63  }
.LBB2_5:
0x2dd: {  	s29 =	sadd.s32 $0x2, s29;
	[tilespmem:s14+$0x15870] =	vst v60;
	v59 =	vadd.f32 v59, v11;
	v60 =	vld [tilespmem:s26+$0x9850]  }
0x2de: {  	s24 =	sadd.s32 $0x100, s24;
	s0 =	sshrl.u32 s29, $0x3;
	p0 =	slt.u32 s29, $0x1E;
	v61 =	vld [tilespmem:s28+$0x9800];
	v58 =	vadd.f32 v58, v10;
	[tilespmem:s25+$0x15870] =	vst v54  }
0x2df: {  	s31 =	sand.u32 $0x300, s24;
	s25 =	smov.u32 s5;
	s0 =	smul.u32 $0x1800, s0;
	v54 =	vld [tilespmem:s28+$0x9810];
	[tilespmem:s26+$0x15800] =	vst v59;
	v57 =	vadd.f32 v57, v9  }
0x2e0: {  	s2 =	sor.u32 $0x80, s31;
	v59 =	vld [tilespmem:s28+$0x9820];
	[tilespmem:s26+$0x15810] =	vst v58;
	v55 =	vadd.f32 v55, v8  }
0x2e1: {  	s5 =	sor.u32 s31, s0;
	s12 =	sor.u32 s0, s2;
	v58 =	vld [tilespmem:s28+$0x9830];
	[tilespmem:s26+$0x15820] =	vst v57;
	v56 =	vadd.f32 v56, v7  }
0x2e2: {  	v57 =	vld [tilespmem:s12+$0x9800];
	[tilespmem:s26+$0x15830] =	vst v55;
	v55 =	vadd.f32 v60, v6  }
0x2e3: {  	v60 =	vld [tilespmem:s12+$0x9810];
	v61 =	vadd.f32 v61, v44;
	[tilespmem:s26+$0x15840] =	vst v56  }
0x2e4: {  	v56 =	vld [tilespmem:s12+$0x9820];
	v54 =	vadd.f32 v54, v45;
	[tilespmem:s26+$0x15850] =	vst v55  }
0x2e5: {  	v55 =	vld [tilespmem:s12+$0x9830];
	[tilespmem:s28+$0x15800] =	vst v61;
	v59 =	vadd.f32 v59, v42  }
0x2e6: {  	v61 =	vld [tilespmem:s12+$0x9840];
	[tilespmem:s28+$0x15810] =	vst v54;
	v54 =	vadd.f32 v58, v40  }
0x2e7: {  	v57 =	vadd.f32 v57, v12;
	v58 =	vld [tilespmem:s12+$0x9850];
	[tilespmem:s28+$0x15820] =	vst v59  }
0x2e8: {  	v59 =	vadd.f32 v60, v13;
	v60 =	vld [tilespmem:s12+$0x9860];
	[tilespmem:s28+$0x15830] =	vst v54  }
0x2e9: {  	[tilespmem:s12+$0x15800] =	vst v57;
	v54 =	vadd.f32 v56, v14;
	v56 =	vld [tilespmem:s12+$0x9870]  }
0x2ea: {  	[tilespmem:s12+$0x15810] =	vst v59;
	v55 =	vadd.f32 v55, v15;
	v57 =	vld [tilespmem:s12+$0x9C00]  }
0x2eb: {  	[tilespmem:s12+$0x15820] =	vst v54;
	v54 =	vadd.f32 v61, v16;
	v59 =	vld [tilespmem:s12+$0x9C10]  }
0x2ec: {  	[tilespmem:s12+$0x15830] =	vst v55;
	v55 =	vadd.f32 v58, v17;
	v58 =	vld [tilespmem:s12+$0x9C20]  }
0x2ed: {  	[tilespmem:s12+$0x15840] =	vst v54;
	v54 =	vadd.f32 v60, v18;
	v60 =	vld [tilespmem:s12+$0x9C30]  }
0x2ee: {  	[tilespmem:s12+$0x15850] =	vst v55;
	v55 =	vadd.f32 v56, v19;
	v56 =	vld [tilespmem:s12+$0x9C40]  }
0x2ef: {  	[tilespmem:s12+$0x15860] =	vst v54;
	v54 =	vadd.f32 v57, v20;
	v57 =	vld [tilespmem:s12+$0x9C50]  }
0x2f0: {  	[tilespmem:s12+$0x15870] =	vst v55;
	v55 =	vadd.f32 v59, v21;
	v59 =	vld [tilespmem:s12+$0x9C60]  }
0x2f1: {  	[tilespmem:s12+$0x15C00] =	vst v54;
	v54 =	vadd.f32 v58, v22;
	v58 =	vld [tilespmem:s12+$0x9C70]  }
0x2f2: {  	v61 =	vld [tilespmem:s5+$0x9800];
	[tilespmem:s12+$0x15C10] =	vst v55;
	v55 =	vadd.f32 v60, v23  }
0x2f3: {  	v60 =	vld [tilespmem:s5+$0x9810];
	[tilespmem:s12+$0x15C20] =	vst v54;
	v54 =	vadd.f32 v56, v24  }
0x2f4: {  	v56 =	vld [tilespmem:s5+$0x9820];
	[tilespmem:s12+$0x15C30] =	vst v55;
	v55 =	vadd.f32 v57, v25  }
0x2f5: {  	v57 =	vld [tilespmem:s5+$0x9830];
	[tilespmem:s12+$0x15C40] =	vst v54;
	v54 =	vadd.f32 v59, v26  }
0x2f6: {  	v59 =	vld [tilespmem:s5+$0x9840];
	[tilespmem:s12+$0x15C50] =	vst v55;
	v55 =	vadd.f32 v58, v27  }
0x2f7: {  	s13 =	sadd.s32 $0x800, s0;
	v58 =	vadd.f32 v61, v12;
	v61 =	vld [tilespmem:s5+$0x9850];
	[tilespmem:s12+$0x15C60] =	vst v54  }
0x2f8: {  	s7 =	sor.u32 s31, s13;
	v54 =	vadd.f32 v60, v13;
	v60 =	vld [tilespmem:s5+$0x9860];
	[tilespmem:s12+$0x15C70] =	vst v55;
	s12 =	sor.u32 s2, s13  }
0x2f9: {  	[tilespmem:s5+$0x15800] =	vst v58;
	v55 =	vadd.f32 v56, v14;
	v56 =	vld [tilespmem:s12+$0x9800]  }
0x2fa: {  	[tilespmem:s5+$0x15810] =	vst v54;
	v54 =	vadd.f32 v57, v15;
	v57 =	vld [tilespmem:s12+$0x9810]  }
0x2fb: {  	[tilespmem:s5+$0x15820] =	vst v55;
	v55 =	vadd.f32 v59, v16;
	v58 =	vld [tilespmem:s12+$0x9820]  }
0x2fc: {  	[tilespmem:s5+$0x15830] =	vst v54;
	v54 =	vadd.f32 v61, v17;
	v59 =	vld [tilespmem:s12+$0x9830]  }
0x2fd: {  	[tilespmem:s5+$0x15840] =	vst v55;
	v55 =	vadd.f32 v60, v18;
	v60 =	vld [tilespmem:s12+$0x9840]  }
0x2fe: {  	[tilespmem:s5+$0x15850] =	vst v54;
	v54 =	vadd.f32 v56, v29;
	v56 =	vld [tilespmem:s12+$0x9850]  }
0x2ff: {  	[tilespmem:s5+$0x15860] =	vst v55;
	v55 =	vadd.f32 v57, v31;
	v57 =	vld [tilespmem:s12+$0x9860]  }
0x300: {  	[tilespmem:s12+$0x15800] =	vst v54;
	v54 =	vadd.f32 v58, v34;
	v58 =	vld [tilespmem:s12+$0x9870]  }
0x301: {  	v61 =	vld [tilespmem:s5+$0x9870];
	[tilespmem:s12+$0x15810] =	vst v55;
	v55 =	vadd.f32 v59, v35  }
0x302: {  	v59 =	vld [tilespmem:s5+$0x9C00];
	[tilespmem:s12+$0x15820] =	vst v54;
	v54 =	vadd.f32 v60, v36  }
0x303: {  	v60 =	vld [tilespmem:s5+$0x9C10];
	[tilespmem:s12+$0x15830] =	vst v55;
	v55 =	vadd.f32 v56, v37  }
0x304: {  	v56 =	vld [tilespmem:s5+$0x9C20];
	[tilespmem:s12+$0x15840] =	vst v54;
	v54 =	vadd.f32 v57, v38  }
0x305: {  	v57 =	vld [tilespmem:s5+$0x9C30];
	[tilespmem:s12+$0x15850] =	vst v55;
	v55 =	vadd.f32 v58, v39  }
0x306: {  	s13 =	sadd.s32 $0xC00, s0;
	v58 =	vadd.f32 v61, v19;
	v61 =	vld [tilespmem:s5+$0x9C40];
	[tilespmem:s12+$0x15860] =	vst v54  }
0x307: {  	s14 =	sor.u32 s31, s13;
	v54 =	vadd.f32 v59, v20;
	v59 =	vld [tilespmem:s5+$0x9C50];
	[tilespmem:s12+$0x15870] =	vst v55;
	s12 =	sor.u32 s2, s13  }
0x308: {  	[tilespmem:s5+$0x15870] =	vst v58;
	v55 =	vadd.f32 v60, v21;
	v58 =	vld [tilespmem:s12+$0x9800]  }
0x309: {  	[tilespmem:s5+$0x15C00] =	vst v54;
	v54 =	vadd.f32 v56, v22;
	v56 =	vld [tilespmem:s12+$0x9810]  }
0x30a: {  	[tilespmem:s5+$0x15C10] =	vst v55;
	v55 =	vadd.f32 v57, v23;
	v57 =	vld [tilespmem:s12+$0x9820]  }
0x30b: {  	[tilespmem:s5+$0x15C20] =	vst v54;
	v54 =	vadd.f32 v61, v24;
	v60 =	vld [tilespmem:s12+$0x9830]  }
0x30c: {  	[tilespmem:s5+$0x15C30] =	vst v55;
	v55 =	vadd.f32 v59, v25;
	v59 =	vld [tilespmem:s12+$0x9840]  }
0x30d: {  	[tilespmem:s5+$0x15C40] =	vst v54;
	v54 =	vadd.f32 v58, v41;
	v58 =	vld [tilespmem:s12+$0x9850]  }
0x30e: {  	[tilespmem:s5+$0x15C50] =	vst v55;
	v55 =	vadd.f32 v56, v43;
	v56 =	vld [tilespmem:s12+$0x9860]  }
0x30f: {  	[tilespmem:s12+$0x15800] =	vst v54;
	v54 =	vadd.f32 v57, v46;
	v57 =	vld [tilespmem:s12+$0x9870]  }
0x310: {  	v61 =	vld [tilespmem:s5+$0x9C60];
	[tilespmem:s12+$0x15810] =	vst v55;
	v55 =	vadd.f32 v60, v47  }
0x311: {  	v60 =	vld [tilespmem:s5+$0x9C70];
	[tilespmem:s12+$0x15820] =	vst v54;
	v54 =	vadd.f32 v59, v48  }
0x312: {  	[tilespmem:s12+$0x15830] =	vst v55;
	v55 =	vadd.f32 v58, v49;
	v58 =	vld [tilespmem:s28+$0x9840]  }
0x313: {  	[tilespmem:s12+$0x15840] =	vst v54;
	v54 =	vadd.f32 v56, v50;
	v56 =	vld [tilespmem:s28+$0x9850]  }
0x314: {  	[tilespmem:s12+$0x15850] =	vst v55;
	v55 =	vadd.f32 v57, v51;
	v57 =	vld [tilespmem:s28+$0x9860]  }
0x315: {  	s13 =	sadd.s32 $0x1000, s0;
	v59 =	vadd.f32 v61, v26;
	[tilespmem:s12+$0x15860] =	vst v54;
	v54 =	vld [tilespmem:s28+$0x9870]  }
0x316: {  	s15 =	sor.u32 s31, s13;
	v60 =	vadd.f32 v60, v27;
	[tilespmem:s12+$0x15870] =	vst v55;
	s12 =	sor.u32 s2, s13;
	v55 =	vld [tilespmem:s26+$0x9860]  }
0x317: {  	[tilespmem:s5+$0x15C60] =	vst v59;
	v59 =	vld [tilespmem:s12+$0x9800];
	v58 =	vadd.f32 v58, v32  }
0x318: {  	[tilespmem:s5+$0x15C70] =	vst v60;
	v60 =	vld [tilespmem:s12+$0x9810];
	v56 =	vadd.f32 v56, v33  }
0x319: {  	v61 =	vld [tilespmem:s12+$0x9820];
	[tilespmem:s28+$0x15840] =	vst v58;
	v57 =	vadd.f32 v57, v30  }
0x31a: {  	v58 =	vld [tilespmem:s12+$0x9830];
	[tilespmem:s28+$0x15850] =	vst v56;
	v54 =	vadd.f32 v54, v28  }
0x31b: {  	v56 =	vld [tilespmem:s12+$0x9840];
	[tilespmem:s28+$0x15860] =	vst v57;
	v55 =	vadd.f32 v55, v5  }
0x31c: {  	v57 =	vadd.f32 v59, v44;
	v59 =	vld [tilespmem:s12+$0x9850];
	[tilespmem:s28+$0x15870] =	vst v54;
	s28 =	smov.u32 s15  }
0x31d: {  	v54 =	vadd.f32 v60, v45;
	v60 =	vld [tilespmem:s12+$0x9860];
	[tilespmem:s26+$0x15860] =	vst v55  }
0x31e: {  	[tilespmem:s12+$0x15800] =	vst v57;
	v55 =	vadd.f32 v61, v42;
	v57 =	vld [tilespmem:s12+$0x9870]  }
0x31f: {  	v61 =	vld [tilespmem:s7+$0x9800];
	[tilespmem:s12+$0x15810] =	vst v54;
	v54 =	vadd.f32 v58, v40  }
0x320: {  	v58 =	vld [tilespmem:s7+$0x9810];
	[tilespmem:s12+$0x15820] =	vst v55;
	v55 =	vadd.f32 v56, v32  }
0x321: {  	v56 =	vld [tilespmem:s7+$0x9820];
	[tilespmem:s12+$0x15830] =	vst v54;
	v54 =	vadd.f32 v59, v33  }
0x322: {  	v59 =	vld [tilespmem:s7+$0x9830];
	[tilespmem:s12+$0x15840] =	vst v55;
	v55 =	vadd.f32 v60, v30  }
0x323: {  	v60 =	vld [tilespmem:s7+$0x9840];
	[tilespmem:s12+$0x15850] =	vst v54;
	v54 =	vadd.f32 v57, v28  }
0x324: {  	s0 =	sadd.s32 $0x1400, s0;
	v57 =	vadd.f32 v61, v29;
	v61 =	vld [tilespmem:s7+$0x9850];
	[tilespmem:s12+$0x15860] =	vst v55  }
0x325: {  	s5 =	sor.u32 s31, s0;
	s26 =	sor.u32 s2, s0;
	v55 =	vadd.f32 v58, v31;
	v58 =	vld [tilespmem:s7+$0x9860];
	[tilespmem:s12+$0x15870] =	vst v54  }
0x326: {  	[tilespmem:s7+$0x15800] =	vst v57;
	v54 =	vadd.f32 v56, v34;
	v56 =	vld [tilespmem:s26+$0x9870]  }
0x327: {  	[tilespmem:s7+$0x15810] =	vst v55;
	v55 =	vadd.f32 v59, v35;
	v57 =	vld [tilespmem:s7+$0x9870]  }
0x328: {  	[tilespmem:s7+$0x15820] =	vst v54;
	v54 =	vadd.f32 v60, v36;
	v59 =	vld [tilespmem:s25+$0x9800]  }
0x329: {  	[tilespmem:s7+$0x15830] =	vst v55;
	v55 =	vadd.f32 v61, v37;
	v60 =	vld [tilespmem:s25+$0x9810]  }
0x32a: {  	[tilespmem:s7+$0x15840] =	vst v54;
	v54 =	vadd.f32 v58, v38;
	v58 =	vld [tilespmem:s25+$0x9820]  }
0x32b: {  	[tilespmem:s7+$0x15850] =	vst v55;
	v55 =	vadd.f32 v56, v4;
	v56 =	vld [tilespmem:s25+$0x9830]  }
0x32c: {  	[tilespmem:s7+$0x15860] =	vst v54;
	v54 =	vadd.f32 v57, v39;
	v57 =	vld [tilespmem:s25+$0x9840]  }
0x32d: {  	[tilespmem:s26+$0x15870] =	vst v55;
	v55 =	vadd.f32 v59, v11;
	v59 =	vld [tilespmem:s25+$0x9850]  }
0x32e: {  	[tilespmem:s7+$0x15870] =	vst v54;
	v54 =	vadd.f32 v60, v10;
	v60 =	vld [tilespmem:s25+$0x9860]  }
0x32f: {  	v61 =	vld [tilespmem:s14+$0x9800];
	[tilespmem:s25+$0x15800] =	vst v55;
	v55 =	vadd.f32 v58, v9  }
0x330: {  	v58 =	vld [tilespmem:s14+$0x9810];
	[tilespmem:s25+$0x15810] =	vst v54;
	v54 =	vadd.f32 v56, v8  }
0x331: {  	v56 =	vld [tilespmem:s14+$0x9820];
	[tilespmem:s25+$0x15820] =	vst v55;
	v55 =	vadd.f32 v57, v7  }
0x332: {  	v57 =	vld [tilespmem:s14+$0x9830];
	[tilespmem:s25+$0x15830] =	vst v54;
	v54 =	vadd.f32 v59, v6  }
0x333: {  	v59 =	vld [tilespmem:s14+$0x9840];
	[tilespmem:s25+$0x15840] =	vst v55;
	v55 =	vadd.f32 v60, v5  }
0x334: {  	v60 =	vadd.f32 v61, v41;
	v61 =	vld [tilespmem:s14+$0x9850];
	[tilespmem:s25+$0x15850] =	vst v54  }
0x335: {  	v54 =	vadd.f32 v58, v43;
	v62 =	vld [tilespmem:s14+$0x9860];
	[tilespmem:s25+$0x15860] =	vst v55  }
0x336: {  	[tilespmem:s14+$0x15800] =	vst v60;
	v55 =	vadd.f32 v56, v46;
	v56 =	vld [tilespmem:s14+$0x9870]  }
0x337: {  	[tilespmem:s14+$0x15810] =	vst v54;
	v54 =	vadd.f32 v57, v47;
	v63 =	vld [tilespmem:s25+$0x9870]  }
.Ltmp1:
0x338: {  	[tilespmem:s14+$0x15820] =	vst v55;
	v55 =	vadd.f32 v59, v48;
	v59 =	vld [tilespmem:s26+$0x9800];
	(pc) =	sbr.rel @p0 .LBB2_5-.Ltmp1, $4  }
0x339: {  	[tilespmem:s14+$0x15830] =	vst v54;
	v54 =	vadd.f32 v61, v49;
	v58 =	vld [tilespmem:s26+$0x9810]  }
0x33a: {  	[tilespmem:s14+$0x15840] =	vst v55;
	v61 =	vadd.f32 v62, v50;
	v57 =	vld [tilespmem:s26+$0x9820]  }
0x33b: {  	[tilespmem:s14+$0x15850] =	vst v54;
	v60 =	vadd.f32 v56, v51;
	v55 =	vld [tilespmem:s26+$0x9830]  }
0x33c: {  	[tilespmem:s14+$0x15860] =	vst v61;
	v56 =	vld [tilespmem:s26+$0x9840];
	v54 =	vadd.f32 v63, v4  }
0x33d: {  	[tilespmem:s14+$0x15870] =	vst v60  }
0x33e: {  	v60 =	vld [tilespmem:s28+$0x9800]  }
0x33f: {  	v61 =	vld [tilespmem:s28+$0x9810]  }
0x340: {  	v62 =	vld [tilespmem:s28+$0x9820]  }
0x341: {  	v63 =	vld [tilespmem:s28+$0x9830];
	_ =	sdelay $0x1  }
0x342: {  	v60 =	vadd.f32 v60, v44  }
0x343: {  	v61 =	vadd.f32 v61, v45  }
0x344: {  	[tilespmem:s28+$0x15800] =	vst v60;
	v60 =	vadd.f32 v62, v42  }
0x345: {  	[tilespmem:s28+$0x15810] =	vst v61;
	v61 =	vadd.f32 v63, v40  }
0x346: {  	[tilespmem:s28+$0x15820] =	vst v60;
	v60 =	vld [tilespmem:s28+$0x9840]  }
0x347: {  	[tilespmem:s28+$0x15830] =	vst v61;
	v61 =	vld [tilespmem:s28+$0x9850]  }
0x348: {  	v62 =	vld [tilespmem:s28+$0x9860]  }
0x349: {  	v63 =	vld [tilespmem:s28+$0x9870];
	_ =	sdelay $0x1  }
0x34a: {  	v60 =	vadd.f32 v60, v32  }
0x34b: {  	v61 =	vadd.f32 v61, v33  }
0x34c: {  	[tilespmem:s28+$0x15840] =	vst v60;
	v60 =	vadd.f32 v62, v30  }
0x34d: {  	[tilespmem:s28+$0x15850] =	vst v61;
	v61 =	vadd.f32 v63, v28  }
0x34e: {  	[tilespmem:s28+$0x15860] =	vst v60  }
0x34f: {  	v59 =	vadd.f32 v59, v11;
	v60 =	vld [tilespmem:s26+$0x9850];
	[tilespmem:s28+$0x15870] =	vst v61  }
0x350: {  	v58 =	vadd.f32 v58, v10;
	v61 =	vld [tilespmem:s5+$0x9800]  }
0x351: {  	[tilespmem:s26+$0x15800] =	vst v59;
	v57 =	vadd.f32 v57, v9;
	v59 =	vld [tilespmem:s5+$0x9810]  }
0x352: {  	[tilespmem:s26+$0x15810] =	vst v58;
	v55 =	vadd.f32 v55, v8;
	v58 =	vld [tilespmem:s5+$0x9820]  }
0x353: {  	[tilespmem:s26+$0x15820] =	vst v57;
	v57 =	vld [tilespmem:s5+$0x9830]  }
0x354: {  	[tilespmem:s26+$0x15830] =	vst v55;
	v55 =	vadd.f32 v60, v6;
	v60 =	vld [tilespmem:s5+$0x9840]  }
0x355: {  	v56 =	vadd.f32 v56, v7  }
0x356: {  	v62 =	vadd.f32 v59, v10  }
0x357: {  	[tilespmem:s26+$0x15840] =	vst v56;
	v63 =	vadd.f32 v58, v9  }
0x358: {  	v56 =	vadd.f32 v61, v11;
	v61 =	vld [tilespmem:s5+$0x9850];
	[tilespmem:s5+$0x15810] =	vst v62;
	v62 =	vadd.f32 v57, v8  }
0x359: {  	v59 =	vld [tilespmem:s5+$0x9860];
	[tilespmem:s5+$0x15820] =	vst v63;
	v63 =	vadd.f32 v60, v7  }
0x35a: {  	[tilespmem:s5+$0x15830] =	vst v62;
	v62 =	vld [tilespmem:s26+$0x9860]  }
0x35b: {  	[tilespmem:s5+$0x15840] =	vst v63;
	v63 =	vld [tilespmem:s5+$0x9870]  }
0x35c: {  	[tilespmem:s25+$0x15870] =	vst v54  }
0x35d: {  	[tilespmem:s26+$0x15850] =	vst v55;
	v60 =	vadd.f32 v61, v6  }
0x35e: {  	[tilespmem:s5+$0x15800] =	vst v56;
	v61 =	vadd.f32 v59, v5  }
0x35f: {  	[tilespmem:s5+$0x15850] =	vst v60;
	v55 =	vadd.f32 v62, v5  }
0x360: {  	[tilespmem:s5+$0x15860] =	vst v61;
	v58 =	vadd.f32 v63, v4  }
0x361: {  	[tilespmem:s26+$0x15860] =	vst v55  }
0x362: {  	[tilespmem:s5+$0x15870] =	vst v58  }
0x363: {  	v54 =	vld [tilespmem:s23+$0x60];
	_ =	sdelay $0x4  }
0x364: {  	v59 =	vshrl.u32 v54, $0x3  }
0x365: {  	v55 =	vmul.u32 $0x30, v59  }
0x366: {  	v54 =	vand.u32 $0x7, v54  }
0x367: {  	v54 =	vor.u32 v54, v55  }
0x368: {  	v55 =	vperm.xlane v54, v1;
	_ =	sdelay $0x1  }
0x369: {  	v55 =	vadd.s32 v2, v55;
	_ =	sdelay $0x3  }
0x36a: {  	s2 =	simm.s32 $0x0;
	s0 =	simm.s32 $0x9800;
	v54 =	vperm.xlane v54, v3  }
0x36b: {  	[tilespmem:s0], [sflag:$0x2] =	stream.indirect_vreg.gather [hbm4b:s1+s2], $0x80, v55, vm0, $0xb8;
	[tilespmem:$0x1B900] =	vst v63  }
0x36c: {  	s25 =	simm.s32 $0xA000;
	v54 =	vadd.s32 v2, v54  }
0x36d: {  	[tilespmem:s25], [sflag:$0x2] =	stream.indirect_vreg.gather [hbm4b:s8+s2], $0x80, v55, vm0, $0xb8;
	[tilespmem:$0x1B900] =	vst v63  }
0x36e: {  	s26 =	simm.s32 $0xA800  }
0x36f: {  	[tilespmem:s26], [sflag:$0x2] =	stream.indirect_vreg.gather [hbm4b:s9+s2], $0x80, v55, vm0, $0xb8;
	[tilespmem:$0x1B900] =	vst v63  }
0x370: {  	s29 =	simm.s32 $0xB000  }
0x371: {  	[tilespmem:s29], [sflag:$0x2] =	stream.indirect_vreg.gather [hbm4b:s1+s2], $0x80, v54, vm0, $0xb8;
	[tilespmem:$0x1B900] =	vst v63  }
0x372: {  	s31 =	simm.s32 $0xB800  }
0x373: {  	[tilespmem:s31], [sflag:$0x2] =	stream.indirect_vreg.gather [hbm4b:s8+s2], $0x80, v54, vm0, $0xb8;
	[tilespmem:$0x1B900] =	vst v63  }
0x374: {  	s5 =	simm.s32 $0xC000  }
0x375: {  	[tilespmem:s5], [sflag:$0x2] =	stream.indirect_vreg.gather [hbm4b:s9+s2], $0x80, v54, vm0, $0xb8;
	[tilespmem:$0x1B900] =	vst v63  }
0x376: {  	v54 =	vld [tilespmem:s23+$0x70];
	_ =	sdelay $0x4  }
0x377: {  	v60 =	vshrl.u32 v54, $0x3  }
0x378: {  	v55 =	vmul.u32 $0x30, v60  }
0x379: {  	v54 =	vand.u32 $0x7, v54  }
0x37a: {  	v54 =	vor.u32 v54, v55  }
0x37b: {  	v55 =	vperm.xlane v54, v1;
	_ =	sdelay $0x1  }
0x37c: {  	v55 =	vadd.s32 v2, v55;
	_ =	sdelay $0x3  }
0x37d: {  	s7 =	simm.s32 $0xC800;
	s12 =	sor.u32 $0x4000, s22;
	v54 =	vperm.xlane v54, v3  }
0x37e: {  	[tilespmem:s7], [sflag:$0x2] =	stream.indirect_vreg.gather [hbm4b:s1+s2], $0x80, v55, vm0, $0xb8;
	[tilespmem:$0x1B900] =	vst v63  }
0x37f: {  	s13 =	simm.s32 $0xD000;
	v61 =	vadd.s32 s12, v53;
	v54 =	vadd.s32 v2, v54  }
0x380: {  	v62 =	vshrl.u32 v61, $0x3;
	[tilespmem:s13], [sflag:$0x2] =	stream.indirect_vreg.gather [hbm4b:s8+s2], $0x80, v55, vm0, $0xb8;
	[tilespmem:$0x1B900] =	vst v63  }
0x381: {  	s14 =	simm.s32 $0xD800;
	v57 =	vmul.u32 $0x30, v62;
	v63 =	vmov s12  }
0x382: {  	v59 =	vand.u32 $0x7, v63;
	[tilespmem:s14], [sflag:$0x2] =	stream.indirect_vreg.gather [hbm4b:s9+s2], $0x80, v55, vm0, $0xb8;
	[tilespmem:$0x1B900] =	vst v63  }
0x383: {  	s15 =	simm.s32 $0xE000;
	v55 =	vor.u32 v59, v57  }
0x384: {  	v57 =	vperm.xlane v55, v1;
	[tilespmem:s15], [sflag:$0x2] =	stream.indirect_vreg.gather [hbm4b:s1+s2], $0x80, v54, vm0, $0xb8;
	[tilespmem:$0x1B900] =	vst v63  }
0x385: {  	s23 =	simm.s32 $0xE800  }
0x386: {  	v57 =	vadd.s32 v2, v57;
	[tilespmem:s23], [sflag:$0x2] =	stream.indirect_vreg.gather [hbm4b:s8+s2], $0x80, v54, vm0, $0xb8;
	[tilespmem:$0x1B900] =	vst v63  }
0x387: {  	s24 =	simm.s32 $0xF000  }
0x388: {  	[tilespmem:s24], [sflag:$0x2] =	stream.indirect_vreg.gather [hbm4b:s9+s2], $0x80, v54, vm0, $0xb8;
	[tilespmem:$0x1B900] =	vst v63  }
0x389: {  	v60 =	vadd.s32 s12, v52;
	[tilespmem:$0x1B880] =	vst v61  }
0x38a: {  	s25 =	simm.s32 $0x15800;
	[tilespmem:$0x1B890] =	vst v60;
	v61 =	vperm.xlane v55, v3  }
0x38b: {  	[hbm4b:s3+s2] =	stream.indirect_vreg.scatter [tilespmem:s25], [sflag:$0x4], $0x80, v57, vm0, $0xb8;
	[tilespmem:$0x1B900] =	vst v63  }
0x38c: {  	s26 =	simm.s32 $0x16000;
	v54 =	vadd.s32 v2, v61  }
0x38d: {  	[hbm4b:s10+s2] =	stream.indirect_vreg.scatter [tilespmem:s26], [sflag:$0x4], $0x80, v57, vm0, $0xb8;
	[tilespmem:$0x1B900] =	vst v63  }
0x38e: {  	s29 =	simm.s32 $0x16800  }
0x38f: {  	[hbm4b:s11+s2] =	stream.indirect_vreg.scatter [tilespmem:s29], [sflag:$0x4], $0x80, v57, vm0, $0xb8;
	[tilespmem:$0x1B900] =	vst v63  }
0x390: {  	s31 =	simm.s32 $0x17000  }
0x391: {  	[hbm4b:s3+s2] =	stream.indirect_vreg.scatter [tilespmem:s31], [sflag:$0x4], $0x80, v54, vm0, $0xb8;
	[tilespmem:$0x1B900] =	vst v63  }
0x392: {  	s5 =	simm.s32 $0x17800  }
0x393: {  	[hbm4b:s10+s2] =	stream.indirect_vreg.scatter [tilespmem:s5], [sflag:$0x4], $0x80, v54, vm0, $0xb8;
	[tilespmem:$0x1B900] =	vst v63  }
0x394: {  	s7 =	simm.s32 $0x18000  }
0x395: {  	[hbm4b:s11+s2] =	stream.indirect_vreg.scatter [tilespmem:s7], [sflag:$0x4], $0x80, v54, vm0, $0xb8;
	[tilespmem:$0x1B900] =	vst v63  }
0x396: {  	v54 =	vld [tilespmem:$0x1B890];
	_ =	sdelay $0x4  }
0x397: {  	v62 =	vshrl.u32 v54, $0x3  }
0x398: {  	v55 =	vmul.u32 $0x30, v62  }
0x399: {  	v54 =	vand.u32 $0x7, v54  }
0x39a: {  	v54 =	vor.u32 v54, v55  }
0x39b: {  	v55 =	vperm.xlane v54, v1;
	_ =	sdelay $0x1  }
0x39c: {  	v55 =	vadd.s32 v2, v55;
	_ =	sdelay $0x3  }
0x39d: {  	s12 =	simm.s32 $0x18800;
	v54 =	vperm.xlane v54, v3  }
0x39e: {  	[hbm4b:s3+s2] =	stream.indirect_vreg.scatter [tilespmem:s12], [sflag:$0x4], $0x80, v55, vm0, $0xb8;
	[tilespmem:$0x1B900] =	vst v63  }
0x39f: {  	s13 =	simm.s32 $0x19000;
	v54 =	vadd.s32 v2, v54  }
0x3a0: {  	[hbm4b:s10+s2] =	stream.indirect_vreg.scatter [tilespmem:s13], [sflag:$0x4], $0x80, v55, vm0, $0xb8;
	[tilespmem:$0x1B900] =	vst v63  }
0x3a1: {  	s14 =	simm.s32 $0x19800  }
0x3a2: {  	[hbm4b:s11+s2] =	stream.indirect_vreg.scatter [tilespmem:s14], [sflag:$0x4], $0x80, v55, vm0, $0xb8;
	[tilespmem:$0x1B900] =	vst v63  }
0x3a3: {  	_ = 	snop  }
0x3a4: {  	[hbm4b:s3+s2] =	stream.indirect_vreg.scatter [tilespmem:s6], [sflag:$0x4], $0x80, v54, vm0, $0xb8;
	[tilespmem:$0x1B900] =	vst v63  }
0x3a5: {  	_ = 	snop  }
0x3a6: {  	[hbm4b:s10+s2] =	stream.indirect_vreg.scatter [tilespmem:s17], [sflag:$0x4], $0x80, v54, vm0, $0xb8;
	[tilespmem:$0x1B900] =	vst v63  }
0x3a7: {  	_ = 	snop  }
0x3a8: {  	[hbm4b:s11+s2] =	stream.indirect_vreg.scatter [tilespmem:s18], [sflag:$0x4], $0x80, v54, vm0, $0xb8;
	[tilespmem:$0x1B900] =	vst v63  }
0x3a9: {  	_ =	swait.ge [sflag:s16], $0x6000  }
0x3aa: {  	[sflag:s16] =	ssyncset.done $0x0  }
0x3ab: {  	s15 =	simm.s32 $0x0;
	[sflag:s16] =	ssyncadd.s32 $0xFFFFA000  }
0x3ac: {  	s0 =	smul.u32 $0x1800, s15;
	s24 =	sand.u32 $0x300, s2;
	_ =	swait.ge [sflag:s19], $0x6000  }
0x3ad: {  	s2 =	sor.u32 $0x80, s24;
	[sflag:s19] =	ssyncset.done $0x0  }
0x3ae: {  	s12 =	sor.u32 s0, s2;
	[sflag:s19] =	ssyncadd.s32 $0xFFFFA000  }
0x3af: {  	v63 =	vld [tilespmem:s12+$0x3800]  }
0x3b0: {  	v60 =	vld [tilespmem:s12+$0x3810]  }
0x3b1: {  	v56 =	vld [tilespmem:s12+$0x3820]  }
0x3b2: {  	v57 =	vld [tilespmem:s12+$0x3830]  }
0x3b3: {  	v58 =	vld [tilespmem:s12+$0x3840]  }
0x3b4: {  	v59 =	vld [tilespmem:s12+$0x3850];
	v54 =	vadd.f32 v63, v12  }
0x3b5: {  	v55 =	vadd.f32 v60, v13;
	v60 =	vld [tilespmem:s12+$0x3860]  }
0x3b6: {  	v61 =	vadd.f32 v56, v14;
	v56 =	vld [tilespmem:s12+$0x3870];
	[tilespmem:s12+$0xF800] =	vst v54  }
0x3b7: {  	v62 =	vadd.f32 v57, v15;
	v57 =	vld [tilespmem:s12+$0x3C00];
	[tilespmem:s12+$0xF810] =	vst v55  }
0x3b8: {  	v63 =	vadd.f32 v58, v16;
	v58 =	vld [tilespmem:s12+$0x3C10];
	[tilespmem:s12+$0xF820] =	vst v61  }
0x3b9: {  	[tilespmem:s12+$0xF830] =	vst v62;
	v55 =	vadd.f32 v59, v17;
	v59 =	vld [tilespmem:s12+$0x3C20]  }
0x3ba: {  	[tilespmem:s12+$0xF840] =	vst v63;
	v54 =	vadd.f32 v60, v18;
	v60 =	vld [tilespmem:s12+$0x3C30]  }
0x3bb: {  	[tilespmem:s12+$0xF850] =	vst v55;
	v61 =	vadd.f32 v56, v19;
	v56 =	vld [tilespmem:s12+$0x3C40]  }
0x3bc: {  	v62 =	vadd.f32 v57, v20;
	v57 =	vld [tilespmem:s12+$0x3C50];
	[tilespmem:s12+$0xF860] =	vst v54  }
0x3bd: {  	v55 =	vadd.f32 v58, v21;
	v58 =	vld [tilespmem:s12+$0x3C60];
	[tilespmem:s12+$0xF870] =	vst v61  }
0x3be: {  	s23 =	sor.u32 s24, s0;
	[tilespmem:s12+$0xFC00] =	vst v62;
	v54 =	vadd.f32 v59, v22;
	v59 =	vld [tilespmem:s12+$0x3C70]  }
0x3bf: {  	v61 =	vld [tilespmem:s23+$0x3800];
	[tilespmem:s12+$0xFC10] =	vst v55;
	v55 =	vadd.f32 v60, v23  }
0x3c0: {  	[tilespmem:s12+$0xFC20] =	vst v54;
	v60 =	vld [tilespmem:s23+$0x3810];
	v63 =	vadd.f32 v56, v24  }
0x3c1: {  	v56 =	vld [tilespmem:s23+$0x3820];
	v62 =	vadd.f32 v57, v25;
	[tilespmem:s12+$0xFC30] =	vst v55  }
0x3c2: {  	v57 =	vld [tilespmem:s23+$0x3830];
	v54 =	vadd.f32 v58, v26;
	[tilespmem:s12+$0xFC40] =	vst v63  }
0x3c3: {  	v58 =	vld [tilespmem:s23+$0x3840];
	[tilespmem:s12+$0xFC50] =	vst v62;
	v55 =	vadd.f32 v59, v27  }
0x3c4: {  	s7 =	sadd.s32 $0x800, s0;
	v59 =	vadd.f32 v61, v12;
	v61 =	vld [tilespmem:s23+$0x3850];
	[tilespmem:s12+$0xFC60] =	vst v54  }
0x3c5: {  	s25 =	sor.u32 s2, s7;
	[tilespmem:s12+$0xFC70] =	vst v55;
	v54 =	vadd.f32 v60, v13;
	v60 =	vld [tilespmem:s23+$0x3860]  }
0x3c6: {  	[tilespmem:s23+$0xF800] =	vst v59;
	v63 =	vadd.f32 v56, v14;
	v56 =	vld [tilespmem:s25+$0x3800]  }
0x3c7: {  	v62 =	vadd.f32 v57, v15;
	v57 =	vld [tilespmem:s25+$0x3810];
	[tilespmem:s23+$0xF810] =	vst v54  }
0x3c8: {  	[tilespmem:s23+$0xF820] =	vst v63;
	v63 =	vadd.f32 v58, v16;
	v58 =	vld [tilespmem:s25+$0x3820]  }
0x3c9: {  	v59 =	vld [tilespmem:s25+$0x3830];
	[tilespmem:s23+$0xF830] =	vst v62;
	v54 =	vadd.f32 v61, v17  }
0x3ca: {  	[tilespmem:s23+$0xF840] =	vst v63;
	v55 =	vadd.f32 v60, v18;
	v60 =	vld [tilespmem:s25+$0x3840]  }
0x3cb: {  	[tilespmem:s23+$0xF850] =	vst v54;
	v62 =	vadd.f32 v56, v29;
	v56 =	vld [tilespmem:s25+$0x3850]  }
0x3cc: {  	[tilespmem:s23+$0xF860] =	vst v55;
	v55 =	vadd.f32 v57, v31;
	v57 =	vld [tilespmem:s25+$0x3860]  }
0x3cd: {  	[tilespmem:s25+$0xF800] =	vst v62;
	v54 =	vadd.f32 v58, v34;
	v58 =	vld [tilespmem:s25+$0x3870]  }
0x3ce: {  	v61 =	vld [tilespmem:s23+$0x3870];
	[tilespmem:s25+$0xF810] =	vst v55;
	v55 =	vadd.f32 v59, v35  }
0x3cf: {  	v59 =	vld [tilespmem:s23+$0x3C00];
	[tilespmem:s25+$0xF820] =	vst v54;
	v54 =	vadd.f32 v60, v36  }
0x3d0: {  	v60 =	vld [tilespmem:s23+$0x3C10];
	v63 =	vadd.f32 v56, v37;
	[tilespmem:s25+$0xF830] =	vst v55  }
0x3d1: {  	v56 =	vld [tilespmem:s23+$0x3C20];
	[tilespmem:s25+$0xF840] =	vst v54;
	v54 =	vadd.f32 v57, v38  }
0x3d2: {  	v57 =	vld [tilespmem:s23+$0x3C30];
	[tilespmem:s25+$0xF850] =	vst v63;
	v55 =	vadd.f32 v58, v39  }
0x3d3: {  	s26 =	sadd.s32 $0xC00, s0;
	v58 =	vadd.f32 v61, v19;
	v61 =	vld [tilespmem:s23+$0x3C40];
	[tilespmem:s25+$0xF860] =	vst v54  }
0x3d4: {  	s13 =	sor.u32 s2, s26;
	v62 =	vadd.f32 v59, v20;
	v59 =	vld [tilespmem:s23+$0x3C50];
	[tilespmem:s25+$0xF870] =	vst v55  }
0x3d5: {  	[tilespmem:s23+$0xF870] =	vst v58;
	v63 =	vadd.f32 v60, v21;
	v58 =	vld [tilespmem:s13+$0x3800]  }
0x3d6: {  	v60 =	vadd.f32 v56, v22;
	v56 =	vld [tilespmem:s13+$0x3810];
	[tilespmem:s23+$0xFC00] =	vst v62  }
0x3d7: {  	[tilespmem:s23+$0xFC10] =	vst v63;
	v55 =	vadd.f32 v57, v23;
	v57 =	vld [tilespmem:s13+$0x3820]  }
0x3d8: {  	[tilespmem:s23+$0xFC20] =	vst v60;
	v54 =	vadd.f32 v61, v24;
	v60 =	vld [tilespmem:s13+$0x3830]  }
0x3d9: {  	[tilespmem:s23+$0xFC30] =	vst v55;
	v61 =	vadd.f32 v59, v25;
	v59 =	vld [tilespmem:s13+$0x3840]  }
0x3da: {  	[tilespmem:s23+$0xFC40] =	vst v54;
	v62 =	vadd.f32 v58, v41;
	v58 =	vld [tilespmem:s13+$0x3850]  }
0x3db: {  	v55 =	vadd.f32 v56, v43;
	v56 =	vld [tilespmem:s13+$0x3860];
	[tilespmem:s23+$0xFC50] =	vst v61  }
0x3dc: {  	v61 =	vld [tilespmem:s23+$0x3C60];
	[tilespmem:s13+$0xF800] =	vst v62;
	v54 =	vadd.f32 v57, v46  }
0x3dd: {  	v57 =	vld [tilespmem:s13+$0x3870];
	[tilespmem:s13+$0xF810] =	vst v55;
	v55 =	vadd.f32 v60, v47  }
0x3de: {  	v60 =	vld [tilespmem:s23+$0x3C70];
	[tilespmem:s13+$0xF820] =	vst v54;
	v63 =	vadd.f32 v59, v48  }
0x3df: {  	[tilespmem:s13+$0xF830] =	vst v55;
	v59 =	vadd.f32 v58, v49  }
0x3e0: {  	v62 =	vadd.f32 v56, v50;
	[tilespmem:s13+$0xF840] =	vst v63  }
0x3e1: {  	v61 =	vadd.f32 v61, v26;
	[tilespmem:s13+$0xF850] =	vst v59  }
0x3e2: {  	v63 =	vadd.f32 v57, v51;
	[tilespmem:s13+$0xF860] =	vst v62  }
0x3e3: {  	s29 =	sadd.s32 $0x1000, s0;
	v62 =	vadd.f32 v60, v27;
	[tilespmem:s23+$0xFC60] =	vst v61  }
0x3e4: {  	s31 =	sor.u32 s2, s29;
	[tilespmem:s13+$0xF870] =	vst v63  }
0x3e5: {  	s7 =	sor.u32 s24, s7;
	[tilespmem:s23+$0xFC70] =	vst v62;
	v55 =	vld [tilespmem:s31+$0x3800]  }
0x3e6: {  	v54 =	vld [tilespmem:s7+$0x3800]  }
0x3e7: {  	v56 =	vld [tilespmem:s7+$0x3810]  }
0x3e8: {  	v58 =	vld [tilespmem:s7+$0x3830]  }
0x3e9: {  	v57 =	vld [tilespmem:s7+$0x3820]  }
0x3ea: {  	v59 =	vld [tilespmem:s7+$0x3840]  }
0x3eb: {  	v60 =	vld [tilespmem:s7+$0x3850];
	v55 =	vadd.f32 v55, v44  }
0x3ec: {  	v61 =	vld [tilespmem:s31+$0x3810];
	v54 =	vadd.f32 v54, v29  }
0x3ed: {  	v63 =	vadd.f32 v58, v35;
	[tilespmem:s31+$0xF800] =	vst v55;
	v55 =	vadd.f32 v56, v31;
	v56 =	vld [tilespmem:s7+$0x3860]  }
0x3ee: {  	[tilespmem:s7+$0xF800] =	vst v54;
	v54 =	vadd.f32 v57, v34;
	v57 =	vld [tilespmem:s7+$0x3870]  }
0x3ef: {  	v58 =	vld [tilespmem:s31+$0x3820];
	[tilespmem:s7+$0xF830] =	vst v63  }
0x3f0: {  	[tilespmem:s7+$0xF820] =	vst v54;
	v54 =	vadd.f32 v59, v36  }
0x3f1: {  	[tilespmem:s7+$0xF810] =	vst v55;
	v59 =	vld [tilespmem:s31+$0x3830];
	v55 =	vadd.f32 v60, v37  }
0x3f2: {  	v60 =	vld [tilespmem:s31+$0x3840];
	[tilespmem:s7+$0xF840] =	vst v54;
	v54 =	vadd.f32 v56, v38  }
0x3f3: {  	[tilespmem:s7+$0xF850] =	vst v55;
	v56 =	vld [tilespmem:s31+$0x3850];
	v55 =	vadd.f32 v57, v39  }
0x3f4: {  	v62 =	vadd.f32 v58, v42;
	v58 =	vld [tilespmem:s31+$0x3870];
	v57 =	vadd.f32 v61, v45;
	[tilespmem:s7+$0xF860] =	vst v54  }
0x3f5: {  	s15 =	sor.u32 s24, s26;
	v61 =	vld [tilespmem:s31+$0x3860];
	[tilespmem:s7+$0xF870] =	vst v55  }
0x3f6: {  	[tilespmem:s31+$0xF810] =	vst v57;
	v57 =	vld [tilespmem:s15+$0x3800]  }
0x3f7: {  	v63 =	vadd.f32 v59, v40;
	v60 =	vadd.f32 v60, v32;
	v59 =	vld [tilespmem:s15+$0x3810]  }
0x3f8: {  	v55 =	vadd.f32 v56, v33;
	v56 =	vld [tilespmem:s15+$0x3820]  }
0x3f9: {  	[tilespmem:s31+$0xF840] =	vst v60;
	v60 =	vld [tilespmem:s15+$0x3830]  }
0x3fa: {  	[tilespmem:s31+$0xF820] =	vst v62;
	v54 =	vadd.f32 v61, v30;
	v61 =	vadd.f32 v58, v28;
	v58 =	vld [tilespmem:s15+$0x3840]  }
0x3fb: {  	[tilespmem:s31+$0xF830] =	vst v63;
	v62 =	vadd.f32 v57, v41;
	v57 =	vld [tilespmem:s15+$0x3850]  }
0x3fc: {  	[tilespmem:s31+$0xF870] =	vst v61;
	v63 =	vadd.f32 v59, v43;
	v59 =	vld [tilespmem:s15+$0x3860]  }
0x3fd: {  	s23 =	simm.s32 $0x100;
	s7 =	simm.s32 $0x0;
	[tilespmem:s15+$0xF800] =	vst v62;
	v61 =	vadd.f32 v56, v46;
	v62 =	vld [tilespmem:s15+$0x3870]  }
0x3fe: {  	s28 =	sand.u32 $0x300, s23;
	s14 =	smul.u32 $0x1800, s7;
	[tilespmem:s15+$0xF810] =	vst v63;
	v63 =	vadd.f32 v60, v47  }
0x3ff: {  	s25 =	sor.u32 $0x80, s28;
	v58 =	vadd.f32 v58, v48;
	[tilespmem:s15+$0xF820] =	vst v61  }
0x400: {  	s13 =	sor.u32 s14, s25;
	[tilespmem:s15+$0xF830] =	vst v63;
	v60 =	vadd.f32 v57, v49  }
0x401: {  	[tilespmem:s15+$0xF840] =	vst v58;
	v58 =	vld [tilespmem:s13+$0x3820];
	v61 =	vadd.f32 v59, v50  }
0x402: {  	v56 =	vld [tilespmem:s13+$0x3800];
	[tilespmem:s15+$0xF850] =	vst v60;
	v62 =	vadd.f32 v62, v51  }
0x403: {  	v57 =	vld [tilespmem:s13+$0x3810];
	[tilespmem:s15+$0xF860] =	vst v61  }
0x404: {  	s5 =	sor.u32 s24, s29;
	v60 =	vld [tilespmem:s13+$0x3840];
	[tilespmem:s15+$0xF870] =	vst v62  }
0x405: {  	[tilespmem:s31+$0xF850] =	vst v55;
	v55 =	vld [tilespmem:s5+$0x3800]  }
0x406: {  	v62 =	vadd.f32 v58, v14;
	v58 =	vld [tilespmem:s13+$0x3870]  }
0x407: {  	v59 =	vld [tilespmem:s13+$0x3830]  }
0x408: {  	v56 =	vadd.f32 v56, v12;
	v63 =	vadd.f32 v57, v13;
	v57 =	vld [tilespmem:s13+$0x3860]  }
0x409: {  	[tilespmem:s31+$0xF860] =	vst v54;
	v61 =	vld [tilespmem:s13+$0x3850]  }
0x40a: {  	[tilespmem:s13+$0xF800] =	vst v56;
	v56 =	vadd.f32 v60, v16;
	v60 =	vld [tilespmem:s13+$0x3C10];
	v55 =	vadd.f32 v55, v44  }
0x40b: {  	[tilespmem:s13+$0xF820] =	vst v62;
	v62 =	vadd.f32 v58, v19;
	v58 =	vld [tilespmem:s13+$0x3C40]  }
0x40c: {  	[tilespmem:s5+$0xF800] =	vst v55;
	v55 =	vadd.f32 v59, v15;
	v59 =	vld [tilespmem:s13+$0x3C00]  }
0x40d: {  	[tilespmem:s13+$0xF810] =	vst v63;
	v63 =	vadd.f32 v57, v18;
	v57 =	vld [tilespmem:s13+$0x3C30]  }
0x40e: {  	s0 =	sadd.s32 $0x1400, s0;
	[tilespmem:s13+$0xF830] =	vst v55;
	v55 =	vadd.f32 v61, v17;
	v61 =	vld [tilespmem:s13+$0x3C20]  }
0x40f: {  	s2 =	sor.u32 s2, s0;
	[tilespmem:s13+$0xF840] =	vst v56  }
0x410: {  	v54 =	vld [tilespmem:s2+$0x3870];
	[tilespmem:s13+$0xF870] =	vst v62  }
0x411: {  	[tilespmem:s13+$0xF860] =	vst v63;
	v56 =	vadd.f32 v59, v20;
	v59 =	vld [tilespmem:s13+$0x3C50]  }
0x412: {  	v58 =	vadd.f32 v58, v24;
	[tilespmem:s13+$0xF850] =	vst v55;
	v55 =	vadd.f32 v60, v21;
	v60 =	vld [tilespmem:s13+$0x3C60]  }
0x413: {  	s15 =	sor.u32 s28, s14;
	v57 =	vadd.f32 v57, v23;
	[tilespmem:s13+$0xFC00] =	vst v56;
	v56 =	vadd.f32 v61, v22;
	v61 =	vld [tilespmem:s13+$0x3C70]  }
0x414: {  	[tilespmem:s13+$0xFC40] =	vst v58;
	v58 =	vld [tilespmem:s15+$0x3830]  }
0x415: {  	[tilespmem:s13+$0xFC30] =	vst v57;
	v57 =	vld [tilespmem:s15+$0x3820]  }
0x416: {  	[tilespmem:s13+$0xFC10] =	vst v55;
	v55 =	vld [tilespmem:s15+$0x3800];
	v59 =	vadd.f32 v59, v25  }
0x417: {  	[tilespmem:s13+$0xFC20] =	vst v56;
	v56 =	vld [tilespmem:s15+$0x3810];
	v60 =	vadd.f32 v60, v26  }
0x418: {  	[tilespmem:s13+$0xFC50] =	vst v59;
	v59 =	vld [tilespmem:s15+$0x3840];
	v61 =	vadd.f32 v61, v27  }
0x419: {  	s26 =	sadd.s32 $0x800, s14;
	v62 =	vadd.f32 v58, v15;
	[tilespmem:s13+$0xFC60] =	vst v60;
	v60 =	vld [tilespmem:s15+$0x3850]  }
0x41a: {  	s29 =	sor.u32 s25, s26;
	v63 =	vadd.f32 v57, v14;
	[tilespmem:s13+$0xFC70] =	vst v61;
	v61 =	vld [tilespmem:s15+$0x3860]  }
0x41b: {  	v55 =	vadd.f32 v55, v12;
	[tilespmem:s15+$0xF830] =	vst v62;
	v57 =	vld [tilespmem:s29+$0x3800]  }
0x41c: {  	[tilespmem:s15+$0xF820] =	vst v63;
	v56 =	vadd.f32 v56, v13;
	v58 =	vld [tilespmem:s29+$0x3810]  }
0x41d: {  	[tilespmem:s15+$0xF800] =	vst v55;
	v55 =	vadd.f32 v59, v16;
	v59 =	vld [tilespmem:s29+$0x3820]  }
0x41e: {  	[tilespmem:s15+$0xF810] =	vst v56;
	v56 =	vadd.f32 v60, v17;
	v60 =	vld [tilespmem:s29+$0x3830]  }
0x41f: {  	[tilespmem:s15+$0xF840] =	vst v55;
	v55 =	vadd.f32 v61, v18;
	v61 =	vld [tilespmem:s29+$0x3840]  }
0x420: {  	[tilespmem:s15+$0xF850] =	vst v56;
	v63 =	vadd.f32 v57, v29;
	v57 =	vld [tilespmem:s29+$0x3850]  }
0x421: {  	v62 =	vadd.f32 v58, v31;
	v58 =	vld [tilespmem:s29+$0x3860];
	[tilespmem:s15+$0xF860] =	vst v55  }
0x422: {  	[tilespmem:s29+$0xF800] =	vst v63;
	v56 =	vadd.f32 v59, v34;
	v59 =	vld [tilespmem:s29+$0x3870]  }
0x423: {  	v55 =	vld [tilespmem:s15+$0x3870];
	v60 =	vadd.f32 v60, v35;
	[tilespmem:s29+$0xF810] =	vst v62  }
0x424: {  	[tilespmem:s29+$0xF820] =	vst v56;
	v56 =	vld [tilespmem:s15+$0x3C00];
	v61 =	vadd.f32 v61, v36  }
0x425: {  	[tilespmem:s29+$0xF830] =	vst v60;
	v60 =	vld [tilespmem:s15+$0x3C10];
	v57 =	vadd.f32 v57, v37  }
0x426: {  	v58 =	vadd.f32 v58, v38;
	[tilespmem:s29+$0xF840] =	vst v61;
	v61 =	vld [tilespmem:s15+$0x3C20]  }
0x427: {  	[tilespmem:s29+$0xF850] =	vst v57;
	v57 =	vld [tilespmem:s15+$0x3C30];
	v59 =	vadd.f32 v59, v39  }
0x428: {  	s7 =	sadd.s32 $0xC00, s14;
	v55 =	vadd.f32 v55, v19;
	[tilespmem:s29+$0xF860] =	vst v58;
	v58 =	vld [tilespmem:s15+$0x3C40]  }
0x429: {  	s31 =	sor.u32 s25, s7;
	v56 =	vadd.f32 v56, v20;
	[tilespmem:s29+$0xF870] =	vst v59;
	v59 =	vld [tilespmem:s15+$0x3C50]  }
0x42a: {  	[tilespmem:s15+$0xF870] =	vst v55;
	v55 =	vadd.f32 v60, v21;
	v60 =	vld [tilespmem:s31+$0x3800]  }
0x42b: {  	[tilespmem:s15+$0xFC00] =	vst v56;
	v56 =	vadd.f32 v61, v22;
	v61 =	vld [tilespmem:s31+$0x3810]  }
0x42c: {  	[tilespmem:s15+$0xFC10] =	vst v55;
	v63 =	vadd.f32 v57, v23;
	v57 =	vld [tilespmem:s31+$0x3820]  }
0x42d: {  	v62 =	vadd.f32 v58, v24;
	v58 =	vld [tilespmem:s31+$0x3830];
	[tilespmem:s15+$0xFC20] =	vst v56  }
0x42e: {  	[tilespmem:s15+$0xFC30] =	vst v63;
	v55 =	vadd.f32 v59, v25;
	v59 =	vld [tilespmem:s31+$0x3840]  }
0x42f: {  	[tilespmem:s15+$0xFC40] =	vst v62;
	v56 =	vadd.f32 v60, v41;
	v60 =	vld [tilespmem:s31+$0x3850]  }
0x430: {  	[tilespmem:s15+$0xFC50] =	vst v55;
	v55 =	vadd.f32 v61, v43;
	v61 =	vld [tilespmem:s31+$0x3860]  }
0x431: {  	[tilespmem:s31+$0xF800] =	vst v56;
	v63 =	vadd.f32 v57, v46;
	v57 =	vld [tilespmem:s31+$0x3870]  }
0x432: {  	v58 =	vadd.f32 v58, v47;
	[tilespmem:s31+$0xF810] =	vst v55;
	v55 =	vld [tilespmem:s15+$0x3C60]  }
0x433: {  	v56 =	vld [tilespmem:s15+$0x3C70];
	[tilespmem:s31+$0xF820] =	vst v63;
	v59 =	vadd.f32 v59, v48  }
0x434: {  	[tilespmem:s31+$0xF830] =	vst v58;
	v58 =	vld [tilespmem:s5+$0x3810];
	v60 =	vadd.f32 v60, v49  }
0x435: {  	[tilespmem:s31+$0xF840] =	vst v59;
	v59 =	vld [tilespmem:s5+$0x3820];
	v61 =	vadd.f32 v61, v50  }
0x436: {  	[tilespmem:s31+$0xF850] =	vst v60;
	v60 =	vld [tilespmem:s5+$0x3830];
	v57 =	vadd.f32 v57, v51  }
0x437: {  	[tilespmem:s31+$0xF860] =	vst v61;
	v61 =	vld [tilespmem:s5+$0x3840];
	v55 =	vadd.f32 v55, v26  }
0x438: {  	v56 =	vadd.f32 v56, v27;
	[tilespmem:s31+$0xF870] =	vst v57;
	v57 =	vld [tilespmem:s5+$0x3850]  }
0x439: {  	s29 =	sadd.s32 $0x1000, s14;
	v58 =	vadd.f32 v58, v45;
	[tilespmem:s15+$0xFC60] =	vst v55;
	v55 =	vld [tilespmem:s5+$0x3860]  }
0x43a: {  	[tilespmem:s15+$0xFC70] =	vst v56;
	v56 =	vld [tilespmem:s5+$0x3870];
	s15 =	sor.u32 s25, s29;
	v59 =	vadd.f32 v59, v42  }
0x43b: {  	[tilespmem:s5+$0xF810] =	vst v58;
	v58 =	vadd.f32 v60, v40;
	v60 =	vld [tilespmem:s15+$0x3800]  }
0x43c: {  	[tilespmem:s5+$0xF820] =	vst v59;
	v59 =	vadd.f32 v61, v32;
	v61 =	vld [tilespmem:s15+$0x3810]  }
0x43d: {  	[tilespmem:s5+$0xF830] =	vst v58;
	v57 =	vadd.f32 v57, v33;
	v58 =	vld [tilespmem:s15+$0x3820]  }
0x43e: {  	[tilespmem:s5+$0xF840] =	vst v59;
	v55 =	vadd.f32 v55, v30;
	v59 =	vld [tilespmem:s15+$0x3830]  }
0x43f: {  	v56 =	vadd.f32 v56, v28;
	[tilespmem:s5+$0xF850] =	vst v57;
	v57 =	vld [tilespmem:s15+$0x3840]  }
0x440: {  	v54 =	vadd.f32 v54, v4;
	[tilespmem:s5+$0xF860] =	vst v55;
	v55 =	vadd.f32 v60, v44;
	v60 =	vld [tilespmem:s15+$0x3850]  }
0x441: {  	[tilespmem:s5+$0xF870] =	vst v56;
	v56 =	vadd.f32 v61, v45;
	v61 =	vld [tilespmem:s15+$0x3860]  }
0x442: {  	[tilespmem:s2+$0xF870] =	vst v54;
	v62 =	vadd.f32 v58, v42;
	v58 =	vld [tilespmem:s15+$0x3870]  }
0x443: {  	[tilespmem:s15+$0xF800] =	vst v55;
	v55 =	vld [tilespmem:s2+$0x3810];
	v59 =	vadd.f32 v59, v40  }
0x444: {  	[tilespmem:s15+$0xF810] =	vst v56;
	v56 =	vld [tilespmem:s2+$0x3800];
	v57 =	vadd.f32 v57, v32  }
0x445: {  	[tilespmem:s15+$0xF830] =	vst v59;
	v59 =	vld [tilespmem:s2+$0x3820];
	v60 =	vadd.f32 v60, v33  }
0x446: {  	[tilespmem:s15+$0xF840] =	vst v57;
	v57 =	vld [tilespmem:s2+$0x3830]  }
0x447: {  	s26 =	sor.u32 s28, s26;
	v61 =	vadd.f32 v61, v30;
	[tilespmem:s15+$0xF850] =	vst v60;
	v60 =	vld [tilespmem:s2+$0x3840]  }
0x448: {  	[tilespmem:s15+$0xF820] =	vst v62;
	v58 =	vadd.f32 v58, v28;
	v63 =	vadd.f32 v55, v10;
	v55 =	vld [tilespmem:s26+$0x3800]  }
0x449: {  	[tilespmem:s15+$0xF860] =	vst v61;
	v61 =	vld [tilespmem:s2+$0x3850]  }
0x44a: {  	v56 =	vadd.f32 v56, v11;
	[tilespmem:s15+$0xF870] =	vst v58;
	v58 =	vld [tilespmem:s2+$0x3860]  }
0x44b: {  	[tilespmem:s2+$0xF810] =	vst v63;
	v62 =	vadd.f32 v59, v9  }
0x44c: {  	[tilespmem:s2+$0xF800] =	vst v56;
	v59 =	vld [tilespmem:s26+$0x3810];
	v54 =	vadd.f32 v57, v8  }
0x44d: {  	v57 =	vld [tilespmem:s26+$0x3820];
	[tilespmem:s2+$0xF820] =	vst v62;
	v56 =	vadd.f32 v60, v7  }
0x44e: {  	v60 =	vld [tilespmem:s26+$0x3830];
	v62 =	vadd.f32 v55, v29;
	[tilespmem:s2+$0xF830] =	vst v54  }
0x44f: {  	v54 =	vadd.f32 v61, v6;
	v61 =	vld [tilespmem:s26+$0x3840];
	[tilespmem:s2+$0xF840] =	vst v56;
	v63 =	vadd.f32 v58, v5  }
0x450: {  	v58 =	vld [tilespmem:s26+$0x3850];
	[tilespmem:s26+$0xF800] =	vst v62  }
0x451: {  	s31 =	sadd.s32 $0x1400, s14;
	v55 =	vld [tilespmem:s26+$0x3860];
	[tilespmem:s2+$0xF860] =	vst v63;
	v63 =	vadd.f32 v59, v31  }
0x452: {  	s25 =	sor.u32 s25, s31;
	[tilespmem:s2+$0xF850] =	vst v54;
	v54 =	vadd.f32 v57, v34;
	v57 =	vld [tilespmem:s26+$0x3870]  }
0x453: {  	s24 =	sor.u32 s24, s0;
	v59 =	vld [tilespmem:s25+$0x3870];
	v56 =	vadd.f32 v60, v35;
	[tilespmem:s26+$0xF810] =	vst v63  }
0x454: {  	v60 =	vld [tilespmem:s24+$0x3800];
	[tilespmem:s26+$0xF820] =	vst v54;
	v54 =	vadd.f32 v61, v36  }
0x455: {  	v61 =	vld [tilespmem:s24+$0x3810];
	[tilespmem:s26+$0xF830] =	vst v56;
	v62 =	vadd.f32 v58, v37  }
0x456: {  	v63 =	vadd.f32 v55, v38;
	v55 =	vld [tilespmem:s24+$0x3830];
	[tilespmem:s26+$0xF840] =	vst v54  }
0x457: {  	v58 =	vld [tilespmem:s24+$0x3820];
	[tilespmem:s26+$0xF850] =	vst v62;
	v62 =	vadd.f32 v57, v39  }
0x458: {  	[tilespmem:s26+$0xF860] =	vst v63;
	v54 =	vld [tilespmem:s24+$0x3850];
	v59 =	vadd.f32 v59, v4  }
0x459: {  	v57 =	vld [tilespmem:s24+$0x3840];
	v56 =	vadd.f32 v60, v11;
	[tilespmem:s26+$0xF870] =	vst v62  }
0x45a: {  	s14 =	sor.u32 s28, s7;
	v60 =	vld [tilespmem:s24+$0x3860];
	[tilespmem:s25+$0xF870] =	vst v59;
	v59 =	vadd.f32 v61, v10  }
0x45b: {  	v55 =	vadd.f32 v55, v8;
	v61 =	vld [tilespmem:s14+$0x3800];
	[tilespmem:s24+$0xF800] =	vst v56  }
0x45c: {  	v63 =	vadd.f32 v58, v9;
	v58 =	vld [tilespmem:s14+$0x3810];
	[tilespmem:s24+$0xF810] =	vst v59  }
0x45d: {  	[tilespmem:s24+$0xF830] =	vst v55;
	v54 =	vadd.f32 v54, v6;
	v55 =	vld [tilespmem:s14+$0x3840]  }
0x45e: {  	v59 =	vld [tilespmem:s14+$0x3820];
	[tilespmem:s24+$0xF820] =	vst v63;
	v62 =	vadd.f32 v57, v7  }
0x45f: {  	v57 =	vld [tilespmem:s14+$0x3830];
	v60 =	vadd.f32 v60, v5;
	[tilespmem:s24+$0xF850] =	vst v54  }
0x460: {  	v54 =	vld [tilespmem:s14+$0x3860];
	[tilespmem:s24+$0xF840] =	vst v62;
	v56 =	vadd.f32 v61, v41  }
0x461: {  	v61 =	vld [tilespmem:s14+$0x3850];
	v58 =	vadd.f32 v58, v43;
	[tilespmem:s24+$0xF860] =	vst v60  }
0x462: {  	v60 =	vld [tilespmem:s14+$0x3870];
	v55 =	vadd.f32 v55, v48;
	[tilespmem:s14+$0xF800] =	vst v56  }
0x463: {  	v62 =	vld [tilespmem:s24+$0x3870];
	v56 =	vadd.f32 v59, v46;
	[tilespmem:s14+$0xF810] =	vst v58  }
0x464: {  	v57 =	vadd.f32 v57, v47;
	v59 =	vld [tilespmem:s25+$0x3800];
	[tilespmem:s14+$0xF840] =	vst v55  }
0x465: {  	v58 =	vld [tilespmem:s25+$0x3810];
	v54 =	vadd.f32 v54, v50;
	[tilespmem:s14+$0xF820] =	vst v56  }
0x466: {  	[tilespmem:s14+$0xF830] =	vst v57;
	v57 =	vld [tilespmem:s25+$0x3820];
	v63 =	vadd.f32 v61, v49  }
0x467: {  	v55 =	vld [tilespmem:s25+$0x3830];
	v60 =	vadd.f32 v60, v51;
	[tilespmem:s14+$0xF860] =	vst v54  }
0x468: {  	s5 =	sor.u32 s28, s31;
	s26 =	sor.u32 s28, s29;
	s28 =	simm.s32 $0x2;
	v56 =	vld [tilespmem:s25+$0x3840];
	v54 =	vadd.f32 v62, v4;
	[tilespmem:s14+$0xF850] =	vst v63  }
.LBB2_7:
0x469: {  	s28 =	sadd.s32 $0x2, s28;
	[tilespmem:s14+$0xF870] =	vst v60;
	v59 =	vadd.f32 v59, v11;
	v60 =	vld [tilespmem:s25+$0x3850]  }
0x46a: {  	s23 =	sadd.s32 $0x100, s23;
	s0 =	sshrl.u32 s28, $0x3;
	p0 =	slt.u32 s28, $0x1E;
	v61 =	vld [tilespmem:s26+$0x3800];
	v58 =	vadd.f32 v58, v10;
	[tilespmem:s24+$0xF870] =	vst v54  }
0x46b: {  	s29 =	sand.u32 $0x300, s23;
	s24 =	smov.u32 s5;
	s0 =	smul.u32 $0x1800, s0;
	v54 =	vld [tilespmem:s26+$0x3810];
	[tilespmem:s25+$0xF800] =	vst v59;
	v57 =	vadd.f32 v57, v9  }
0x46c: {  	s2 =	sor.u32 $0x80, s29;
	v59 =	vld [tilespmem:s26+$0x3820];
	[tilespmem:s25+$0xF810] =	vst v58;
	v55 =	vadd.f32 v55, v8  }
0x46d: {  	s5 =	sor.u32 s29, s0;
	s12 =	sor.u32 s0, s2;
	v58 =	vld [tilespmem:s26+$0x3830];
	[tilespmem:s25+$0xF820] =	vst v57;
	v56 =	vadd.f32 v56, v7  }
0x46e: {  	v57 =	vld [tilespmem:s12+$0x3800];
	[tilespmem:s25+$0xF830] =	vst v55;
	v55 =	vadd.f32 v60, v6  }
0x46f: {  	v60 =	vld [tilespmem:s12+$0x3810];
	v61 =	vadd.f32 v61, v44;
	[tilespmem:s25+$0xF840] =	vst v56  }
0x470: {  	v56 =	vld [tilespmem:s12+$0x3820];
	v54 =	vadd.f32 v54, v45;
	[tilespmem:s25+$0xF850] =	vst v55  }
0x471: {  	v55 =	vld [tilespmem:s12+$0x3830];
	[tilespmem:s26+$0xF800] =	vst v61;
	v59 =	vadd.f32 v59, v42  }
0x472: {  	v61 =	vld [tilespmem:s12+$0x3840];
	[tilespmem:s26+$0xF810] =	vst v54;
	v54 =	vadd.f32 v58, v40  }
0x473: {  	v57 =	vadd.f32 v57, v12;
	v58 =	vld [tilespmem:s12+$0x3850];
	[tilespmem:s26+$0xF820] =	vst v59  }
0x474: {  	v59 =	vadd.f32 v60, v13;
	v60 =	vld [tilespmem:s12+$0x3860];
	[tilespmem:s26+$0xF830] =	vst v54  }
0x475: {  	[tilespmem:s12+$0xF800] =	vst v57;
	v54 =	vadd.f32 v56, v14;
	v56 =	vld [tilespmem:s12+$0x3870]  }
0x476: {  	[tilespmem:s12+$0xF810] =	vst v59;
	v55 =	vadd.f32 v55, v15;
	v57 =	vld [tilespmem:s12+$0x3C00]  }
0x477: {  	[tilespmem:s12+$0xF820] =	vst v54;
	v54 =	vadd.f32 v61, v16;
	v59 =	vld [tilespmem:s12+$0x3C10]  }
0x478: {  	[tilespmem:s12+$0xF830] =	vst v55;
	v55 =	vadd.f32 v58, v17;
	v58 =	vld [tilespmem:s12+$0x3C20]  }
0x479: {  	[tilespmem:s12+$0xF840] =	vst v54;
	v54 =	vadd.f32 v60, v18;
	v60 =	vld [tilespmem:s12+$0x3C30]  }
0x47a: {  	[tilespmem:s12+$0xF850] =	vst v55;
	v55 =	vadd.f32 v56, v19;
	v56 =	vld [tilespmem:s12+$0x3C40]  }
0x47b: {  	[tilespmem:s12+$0xF860] =	vst v54;
	v54 =	vadd.f32 v57, v20;
	v57 =	vld [tilespmem:s12+$0x3C50]  }
0x47c: {  	[tilespmem:s12+$0xF870] =	vst v55;
	v55 =	vadd.f32 v59, v21;
	v59 =	vld [tilespmem:s12+$0x3C60]  }
0x47d: {  	[tilespmem:s12+$0xFC00] =	vst v54;
	v54 =	vadd.f32 v58, v22;
	v58 =	vld [tilespmem:s12+$0x3C70]  }
0x47e: {  	v61 =	vld [tilespmem:s5+$0x3800];
	[tilespmem:s12+$0xFC10] =	vst v55;
	v55 =	vadd.f32 v60, v23  }
0x47f: {  	v60 =	vld [tilespmem:s5+$0x3810];
	[tilespmem:s12+$0xFC20] =	vst v54;
	v54 =	vadd.f32 v56, v24  }
0x480: {  	v56 =	vld [tilespmem:s5+$0x3820];
	[tilespmem:s12+$0xFC30] =	vst v55;
	v55 =	vadd.f32 v57, v25  }
0x481: {  	v57 =	vld [tilespmem:s5+$0x3830];
	[tilespmem:s12+$0xFC40] =	vst v54;
	v54 =	vadd.f32 v59, v26  }
0x482: {  	v59 =	vld [tilespmem:s5+$0x3840];
	[tilespmem:s12+$0xFC50] =	vst v55;
	v55 =	vadd.f32 v58, v27  }
0x483: {  	s13 =	sadd.s32 $0x800, s0;
	v58 =	vadd.f32 v61, v12;
	v61 =	vld [tilespmem:s5+$0x3850];
	[tilespmem:s12+$0xFC60] =	vst v54  }
0x484: {  	s7 =	sor.u32 s29, s13;
	v54 =	vadd.f32 v60, v13;
	v60 =	vld [tilespmem:s5+$0x3860];
	[tilespmem:s12+$0xFC70] =	vst v55;
	s12 =	sor.u32 s2, s13  }
0x485: {  	[tilespmem:s5+$0xF800] =	vst v58;
	v55 =	vadd.f32 v56, v14;
	v56 =	vld [tilespmem:s12+$0x3800]  }
0x486: {  	[tilespmem:s5+$0xF810] =	vst v54;
	v54 =	vadd.f32 v57, v15;
	v57 =	vld [tilespmem:s12+$0x3810]  }
0x487: {  	[tilespmem:s5+$0xF820] =	vst v55;
	v55 =	vadd.f32 v59, v16;
	v58 =	vld [tilespmem:s12+$0x3820]  }
0x488: {  	[tilespmem:s5+$0xF830] =	vst v54;
	v54 =	vadd.f32 v61, v17;
	v59 =	vld [tilespmem:s12+$0x3830]  }
0x489: {  	[tilespmem:s5+$0xF840] =	vst v55;
	v55 =	vadd.f32 v60, v18;
	v60 =	vld [tilespmem:s12+$0x3840]  }
0x48a: {  	[tilespmem:s5+$0xF850] =	vst v54;
	v54 =	vadd.f32 v56, v29;
	v56 =	vld [tilespmem:s12+$0x3850]  }
0x48b: {  	[tilespmem:s5+$0xF860] =	vst v55;
	v55 =	vadd.f32 v57, v31;
	v57 =	vld [tilespmem:s12+$0x3860]  }
0x48c: {  	[tilespmem:s12+$0xF800] =	vst v54;
	v54 =	vadd.f32 v58, v34;
	v58 =	vld [tilespmem:s12+$0x3870]  }
0x48d: {  	v61 =	vld [tilespmem:s5+$0x3870];
	[tilespmem:s12+$0xF810] =	vst v55;
	v55 =	vadd.f32 v59, v35  }
0x48e: {  	v59 =	vld [tilespmem:s5+$0x3C00];
	[tilespmem:s12+$0xF820] =	vst v54;
	v54 =	vadd.f32 v60, v36  }
0x48f: {  	v60 =	vld [tilespmem:s5+$0x3C10];
	[tilespmem:s12+$0xF830] =	vst v55;
	v55 =	vadd.f32 v56, v37  }
0x490: {  	v56 =	vld [tilespmem:s5+$0x3C20];
	[tilespmem:s12+$0xF840] =	vst v54;
	v54 =	vadd.f32 v57, v38  }
0x491: {  	v57 =	vld [tilespmem:s5+$0x3C30];
	[tilespmem:s12+$0xF850] =	vst v55;
	v55 =	vadd.f32 v58, v39  }
0x492: {  	s13 =	sadd.s32 $0xC00, s0;
	v58 =	vadd.f32 v61, v19;
	v61 =	vld [tilespmem:s5+$0x3C40];
	[tilespmem:s12+$0xF860] =	vst v54  }
0x493: {  	s14 =	sor.u32 s29, s13;
	v54 =	vadd.f32 v59, v20;
	v59 =	vld [tilespmem:s5+$0x3C50];
	[tilespmem:s12+$0xF870] =	vst v55;
	s12 =	sor.u32 s2, s13  }
0x494: {  	[tilespmem:s5+$0xF870] =	vst v58;
	v55 =	vadd.f32 v60, v21;
	v58 =	vld [tilespmem:s12+$0x3800]  }
0x495: {  	[tilespmem:s5+$0xFC00] =	vst v54;
	v54 =	vadd.f32 v56, v22;
	v56 =	vld [tilespmem:s12+$0x3810]  }
0x496: {  	[tilespmem:s5+$0xFC10] =	vst v55;
	v55 =	vadd.f32 v57, v23;
	v57 =	vld [tilespmem:s12+$0x3820]  }
0x497: {  	[tilespmem:s5+$0xFC20] =	vst v54;
	v54 =	vadd.f32 v61, v24;
	v60 =	vld [tilespmem:s12+$0x3830]  }
0x498: {  	[tilespmem:s5+$0xFC30] =	vst v55;
	v55 =	vadd.f32 v59, v25;
	v59 =	vld [tilespmem:s12+$0x3840]  }
0x499: {  	[tilespmem:s5+$0xFC40] =	vst v54;
	v54 =	vadd.f32 v58, v41;
	v58 =	vld [tilespmem:s12+$0x3850]  }
0x49a: {  	[tilespmem:s5+$0xFC50] =	vst v55;
	v55 =	vadd.f32 v56, v43;
	v56 =	vld [tilespmem:s12+$0x3860]  }
0x49b: {  	[tilespmem:s12+$0xF800] =	vst v54;
	v54 =	vadd.f32 v57, v46;
	v57 =	vld [tilespmem:s12+$0x3870]  }
0x49c: {  	v61 =	vld [tilespmem:s5+$0x3C60];
	[tilespmem:s12+$0xF810] =	vst v55;
	v55 =	vadd.f32 v60, v47  }
0x49d: {  	v60 =	vld [tilespmem:s5+$0x3C70];
	[tilespmem:s12+$0xF820] =	vst v54;
	v54 =	vadd.f32 v59, v48  }
0x49e: {  	[tilespmem:s12+$0xF830] =	vst v55;
	v55 =	vadd.f32 v58, v49;
	v58 =	vld [tilespmem:s26+$0x3840]  }
0x49f: {  	[tilespmem:s12+$0xF840] =	vst v54;
	v54 =	vadd.f32 v56, v50;
	v56 =	vld [tilespmem:s26+$0x3850]  }
0x4a0: {  	[tilespmem:s12+$0xF850] =	vst v55;
	v55 =	vadd.f32 v57, v51;
	v57 =	vld [tilespmem:s26+$0x3860]  }
0x4a1: {  	s13 =	sadd.s32 $0x1000, s0;
	v59 =	vadd.f32 v61, v26;
	[tilespmem:s12+$0xF860] =	vst v54;
	v54 =	vld [tilespmem:s26+$0x3870]  }
0x4a2: {  	s15 =	sor.u32 s29, s13;
	v60 =	vadd.f32 v60, v27;
	[tilespmem:s12+$0xF870] =	vst v55;
	s12 =	sor.u32 s2, s13;
	v55 =	vld [tilespmem:s25+$0x3860]  }
0x4a3: {  	[tilespmem:s5+$0xFC60] =	vst v59;
	v59 =	vld [tilespmem:s12+$0x3800];
	v58 =	vadd.f32 v58, v32  }
0x4a4: {  	[tilespmem:s5+$0xFC70] =	vst v60;
	v60 =	vld [tilespmem:s12+$0x3810];
	v56 =	vadd.f32 v56, v33  }
0x4a5: {  	v61 =	vld [tilespmem:s12+$0x3820];
	[tilespmem:s26+$0xF840] =	vst v58;
	v57 =	vadd.f32 v57, v30  }
0x4a6: {  	v58 =	vld [tilespmem:s12+$0x3830];
	[tilespmem:s26+$0xF850] =	vst v56;
	v54 =	vadd.f32 v54, v28  }
0x4a7: {  	v56 =	vld [tilespmem:s12+$0x3840];
	[tilespmem:s26+$0xF860] =	vst v57;
	v55 =	vadd.f32 v55, v5  }
0x4a8: {  	v57 =	vadd.f32 v59, v44;
	v59 =	vld [tilespmem:s12+$0x3850];
	[tilespmem:s26+$0xF870] =	vst v54;
	s26 =	smov.u32 s15  }
0x4a9: {  	v54 =	vadd.f32 v60, v45;
	v60 =	vld [tilespmem:s12+$0x3860];
	[tilespmem:s25+$0xF860] =	vst v55  }
0x4aa: {  	[tilespmem:s12+$0xF800] =	vst v57;
	v55 =	vadd.f32 v61, v42;
	v57 =	vld [tilespmem:s12+$0x3870]  }
0x4ab: {  	v61 =	vld [tilespmem:s7+$0x3800];
	[tilespmem:s12+$0xF810] =	vst v54;
	v54 =	vadd.f32 v58, v40  }
0x4ac: {  	v58 =	vld [tilespmem:s7+$0x3810];
	[tilespmem:s12+$0xF820] =	vst v55;
	v55 =	vadd.f32 v56, v32  }
0x4ad: {  	v56 =	vld [tilespmem:s7+$0x3820];
	[tilespmem:s12+$0xF830] =	vst v54;
	v54 =	vadd.f32 v59, v33  }
0x4ae: {  	v59 =	vld [tilespmem:s7+$0x3830];
	[tilespmem:s12+$0xF840] =	vst v55;
	v55 =	vadd.f32 v60, v30  }
0x4af: {  	v60 =	vld [tilespmem:s7+$0x3840];
	[tilespmem:s12+$0xF850] =	vst v54;
	v54 =	vadd.f32 v57, v28  }
0x4b0: {  	s0 =	sadd.s32 $0x1400, s0;
	v57 =	vadd.f32 v61, v29;
	v61 =	vld [tilespmem:s7+$0x3850];
	[tilespmem:s12+$0xF860] =	vst v55  }
0x4b1: {  	s5 =	sor.u32 s29, s0;
	s25 =	sor.u32 s2, s0;
	v55 =	vadd.f32 v58, v31;
	v58 =	vld [tilespmem:s7+$0x3860];
	[tilespmem:s12+$0xF870] =	vst v54  }
0x4b2: {  	[tilespmem:s7+$0xF800] =	vst v57;
	v54 =	vadd.f32 v56, v34;
	v56 =	vld [tilespmem:s25+$0x3870]  }
0x4b3: {  	[tilespmem:s7+$0xF810] =	vst v55;
	v55 =	vadd.f32 v59, v35;
	v57 =	vld [tilespmem:s7+$0x3870]  }
0x4b4: {  	[tilespmem:s7+$0xF820] =	vst v54;
	v54 =	vadd.f32 v60, v36;
	v59 =	vld [tilespmem:s24+$0x3800]  }
0x4b5: {  	[tilespmem:s7+$0xF830] =	vst v55;
	v55 =	vadd.f32 v61, v37;
	v60 =	vld [tilespmem:s24+$0x3810]  }
0x4b6: {  	[tilespmem:s7+$0xF840] =	vst v54;
	v54 =	vadd.f32 v58, v38;
	v58 =	vld [tilespmem:s24+$0x3820]  }
0x4b7: {  	[tilespmem:s7+$0xF850] =	vst v55;
	v55 =	vadd.f32 v56, v4;
	v56 =	vld [tilespmem:s24+$0x3830]  }
0x4b8: {  	[tilespmem:s7+$0xF860] =	vst v54;
	v54 =	vadd.f32 v57, v39;
	v57 =	vld [tilespmem:s24+$0x3840]  }
0x4b9: {  	[tilespmem:s25+$0xF870] =	vst v55;
	v55 =	vadd.f32 v59, v11;
	v59 =	vld [tilespmem:s24+$0x3850]  }
0x4ba: {  	[tilespmem:s7+$0xF870] =	vst v54;
	v54 =	vadd.f32 v60, v10;
	v60 =	vld [tilespmem:s24+$0x3860]  }
0x4bb: {  	v61 =	vld [tilespmem:s14+$0x3800];
	[tilespmem:s24+$0xF800] =	vst v55;
	v55 =	vadd.f32 v58, v9  }
0x4bc: {  	v58 =	vld [tilespmem:s14+$0x3810];
	[tilespmem:s24+$0xF810] =	vst v54;
	v54 =	vadd.f32 v56, v8  }
0x4bd: {  	v56 =	vld [tilespmem:s14+$0x3820];
	[tilespmem:s24+$0xF820] =	vst v55;
	v55 =	vadd.f32 v57, v7  }
0x4be: {  	v57 =	vld [tilespmem:s14+$0x3830];
	[tilespmem:s24+$0xF830] =	vst v54;
	v54 =	vadd.f32 v59, v6  }
0x4bf: {  	v59 =	vld [tilespmem:s14+$0x3840];
	[tilespmem:s24+$0xF840] =	vst v55;
	v55 =	vadd.f32 v60, v5  }
0x4c0: {  	v60 =	vadd.f32 v61, v41;
	v61 =	vld [tilespmem:s14+$0x3850];
	[tilespmem:s24+$0xF850] =	vst v54  }
0x4c1: {  	v54 =	vadd.f32 v58, v43;
	v62 =	vld [tilespmem:s14+$0x3860];
	[tilespmem:s24+$0xF860] =	vst v55  }
0x4c2: {  	[tilespmem:s14+$0xF800] =	vst v60;
	v55 =	vadd.f32 v56, v46;
	v56 =	vld [tilespmem:s14+$0x3870]  }
0x4c3: {  	[tilespmem:s14+$0xF810] =	vst v54;
	v54 =	vadd.f32 v57, v47;
	v63 =	vld [tilespmem:s24+$0x3870]  }
.Ltmp2:
0x4c4: {  	[tilespmem:s14+$0xF820] =	vst v55;
	v55 =	vadd.f32 v59, v48;
	v59 =	vld [tilespmem:s25+$0x3800];
	(pc) =	sbr.rel @p0 .LBB2_7-.Ltmp2, $4  }
0x4c5: {  	[tilespmem:s14+$0xF830] =	vst v54;
	v54 =	vadd.f32 v61, v49;
	v58 =	vld [tilespmem:s25+$0x3810]  }
0x4c6: {  	[tilespmem:s14+$0xF840] =	vst v55;
	v61 =	vadd.f32 v62, v50;
	v57 =	vld [tilespmem:s25+$0x3820]  }
0x4c7: {  	[tilespmem:s14+$0xF850] =	vst v54;
	v60 =	vadd.f32 v56, v51;
	v55 =	vld [tilespmem:s25+$0x3830]  }
0x4c8: {  	[tilespmem:s14+$0xF860] =	vst v61;
	v56 =	vld [tilespmem:s25+$0x3840];
	v54 =	vadd.f32 v63, v4  }
0x4c9: {  	[tilespmem:s14+$0xF870] =	vst v60  }
0x4ca: {  	v60 =	vld [tilespmem:s26+$0x3800]  }
0x4cb: {  	v61 =	vld [tilespmem:s26+$0x3810]  }
0x4cc: {  	v62 =	vld [tilespmem:s26+$0x3820]  }
0x4cd: {  	v63 =	vld [tilespmem:s26+$0x3830];
	_ =	sdelay $0x1  }
0x4ce: {  	v60 =	vadd.f32 v60, v44  }
0x4cf: {  	v61 =	vadd.f32 v61, v45  }
0x4d0: {  	[tilespmem:s26+$0xF800] =	vst v60;
	v60 =	vadd.f32 v62, v42  }
0x4d1: {  	[tilespmem:s26+$0xF810] =	vst v61;
	v61 =	vadd.f32 v63, v40  }
0x4d2: {  	[tilespmem:s26+$0xF820] =	vst v60;
	v60 =	vld [tilespmem:s26+$0x3840]  }
0x4d3: {  	[tilespmem:s26+$0xF830] =	vst v61;
	v61 =	vld [tilespmem:s26+$0x3850]  }
0x4d4: {  	v62 =	vld [tilespmem:s26+$0x3860]  }
0x4d5: {  	v63 =	vld [tilespmem:s26+$0x3870];
	_ =	sdelay $0x1  }
0x4d6: {  	v60 =	vadd.f32 v60, v32  }
0x4d7: {  	v61 =	vadd.f32 v61, v33  }
0x4d8: {  	[tilespmem:s26+$0xF840] =	vst v60;
	v60 =	vadd.f32 v62, v30  }
0x4d9: {  	[tilespmem:s26+$0xF850] =	vst v61;
	v61 =	vadd.f32 v63, v28  }
0x4da: {  	[tilespmem:s26+$0xF860] =	vst v60  }
0x4db: {  	v59 =	vadd.f32 v59, v11;
	v60 =	vld [tilespmem:s25+$0x3850];
	[tilespmem:s26+$0xF870] =	vst v61  }
0x4dc: {  	v58 =	vadd.f32 v58, v10;
	v61 =	vld [tilespmem:s5+$0x3800]  }
0x4dd: {  	[tilespmem:s25+$0xF800] =	vst v59;
	v57 =	vadd.f32 v57, v9;
	v59 =	vld [tilespmem:s5+$0x3810]  }
0x4de: {  	[tilespmem:s25+$0xF810] =	vst v58;
	v55 =	vadd.f32 v55, v8;
	v58 =	vld [tilespmem:s5+$0x3820]  }
0x4df: {  	[tilespmem:s25+$0xF820] =	vst v57;
	v57 =	vld [tilespmem:s5+$0x3830]  }
0x4e0: {  	[tilespmem:s25+$0xF830] =	vst v55;
	v55 =	vadd.f32 v60, v6;
	v60 =	vld [tilespmem:s5+$0x3840]  }
0x4e1: {  	v56 =	vadd.f32 v56, v7  }
0x4e2: {  	v62 =	vadd.f32 v59, v10  }
0x4e3: {  	[tilespmem:s25+$0xF840] =	vst v56;
	v63 =	vadd.f32 v58, v9  }
0x4e4: {  	v56 =	vadd.f32 v61, v11;
	v61 =	vld [tilespmem:s5+$0x3850];
	[tilespmem:s5+$0xF810] =	vst v62;
	v62 =	vadd.f32 v57, v8  }
0x4e5: {  	v59 =	vld [tilespmem:s5+$0x3860];
	[tilespmem:s5+$0xF820] =	vst v63;
	v63 =	vadd.f32 v60, v7  }
0x4e6: {  	[tilespmem:s5+$0xF830] =	vst v62;
	v62 =	vld [tilespmem:s25+$0x3860]  }
0x4e7: {  	[tilespmem:s5+$0xF840] =	vst v63;
	v63 =	vld [tilespmem:s5+$0x3870]  }
0x4e8: {  	[tilespmem:s24+$0xF870] =	vst v54  }
0x4e9: {  	[tilespmem:s25+$0xF850] =	vst v55;
	v60 =	vadd.f32 v61, v6  }
0x4ea: {  	[tilespmem:s5+$0xF800] =	vst v56;
	v61 =	vadd.f32 v59, v5  }
0x4eb: {  	[tilespmem:s5+$0xF850] =	vst v60;
	v55 =	vadd.f32 v62, v5  }
0x4ec: {  	p0 =	seq.s32 s21, $0xF;
	[tilespmem:s5+$0xF860] =	vst v61;
	v60 =	vadd.f32 v63, v4  }
0x4ed: {  	s0 =	sshll.u32 @!p0 s21, $0x7;
	[tilespmem:s25+$0xF860] =	vst v55  }
0x4ee: {  	s23 =	sand.u32 @!p0 $0x3FFFFF80, s0;
	[tilespmem:s5+$0xF870] =	vst v60  }
0x4ef: {  	v54 =	vld @!p0 [tilespmem:s23+$0x80];
	_ =	sdelay $0x4  }
0x4f0: {  	v55 =	vshrl.u32 @!p0 v54, $0x3  }
0x4f1: {  	v55 =	vmul.u32 @!p0 $0x30, v55  }
0x4f2: {  	v56 =	vlaneseq.u32 @!p0;
	v54 =	vand.u32 @!p0 $0x7, v54  }
0x4f3: {  	v57 =	vshrl.u32 @!p0 v56, $0x3;
	v54 =	vor.u32 @!p0 v54, v55;
	v55 =	vand.u32 @!p0 $0x7, v56  }
0x4f4: {  	v57 =	vmul.u32 @!p0 $0x8, v57;
	v58 =	vperm.xlane @!p0 v54, v55;
	_ =	sdelay $0x1  }
0x4f5: {  	v58 =	vadd.s32 @!p0 v57, v58;
	_ =	sdelay $0x2  }
0x4f6: {  	v56 =	vor.u32 @!p0 $0x8, v56  }
0x4f7: {  	vm1 =	vmmov @!p0 $0xffff;
	s2 =	simm.s32 @!p0 $0x3800;
	s0 =	simm.s32 @!p0 $0x0;
	v54 =	vperm.xlane @!p0 v54, v56  }
0x4f8: {  	[tilespmem:s2], [sflag:$0x1] =	stream.indirect_vreg.gather @!p0 [hbm4b:s1+s0], $0x80, v58, vm1, $0xb8;
	[tilespmem:$0x1B900] =	vst v63  }
0x4f9: {  	v54 =	vadd.s32 @!p0 v57, v54;
	s2 =	simm.s32 @!p0 $0x4000  }
0x4fa: {  	[tilespmem:s2], [sflag:$0x1] =	stream.indirect_vreg.gather @!p0 [hbm4b:s8+s0], $0x80, v58, vm1, $0xb8;
	[tilespmem:$0x1B900] =	vst v63  }
0x4fb: {  	s2 =	simm.s32 @!p0 $0x4800  }
0x4fc: {  	[tilespmem:s2], [sflag:$0x1] =	stream.indirect_vreg.gather @!p0 [hbm4b:s9+s0], $0x80, v58, vm1, $0xb8;
	[tilespmem:$0x1B900] =	vst v63  }
0x4fd: {  	s2 =	simm.s32 @!p0 $0x5000  }
0x4fe: {  	[tilespmem:s2], [sflag:$0x1] =	stream.indirect_vreg.gather @!p0 [hbm4b:s1+s0], $0x80, v54, vm1, $0xb8;
	[tilespmem:$0x1B900] =	vst v63  }
0x4ff: {  	s2 =	simm.s32 @!p0 $0x5800  }
0x500: {  	[tilespmem:s2], [sflag:$0x1] =	stream.indirect_vreg.gather @!p0 [hbm4b:s8+s0], $0x80, v54, vm1, $0xb8;
	[tilespmem:$0x1B900] =	vst v63  }
0x501: {  	s2 =	simm.s32 @!p0 $0x6000  }
0x502: {  	[tilespmem:s2], [sflag:$0x1] =	stream.indirect_vreg.gather @!p0 [hbm4b:s9+s0], $0x80, v54, vm1, $0xb8;
	[tilespmem:$0x1B900] =	vst v63  }
0x503: {  	v54 =	vld @!p0 [tilespmem:s23+$0x90];
	_ =	sdelay $0x4  }
0x504: {  	v58 =	vshrl.u32 @!p0 v54, $0x3  }
0x505: {  	v58 =	vmul.u32 @!p0 $0x30, v58  }
0x506: {  	v54 =	vand.u32 @!p0 $0x7, v54  }
0x507: {  	v54 =	vor.u32 @!p0 v54, v58  }
0x508: {  	v55 =	vperm.xlane @!p0 v54, v55;
	_ =	sdelay $0x1  }
0x509: {  	v55 =	vadd.s32 @!p0 v57, v55;
	_ =	sdelay $0x3  }
0x50a: {  	s31 =	sor.u32 $0x8000, s22;
	s2 =	simm.s32 @!p0 $0x6800;
	v54 =	vperm.xlane @!p0 v54, v56  }
0x50b: {  	[tilespmem:s2], [sflag:$0x1] =	stream.indirect_vreg.gather @!p0 [hbm4b:s1+s0], $0x80, v55, vm1, $0xb8;
	[tilespmem:$0x1B900] =	vst v63  }
0x50c: {  	v61 =	vadd.s32 s31, v53;
	s5 =	simm.s32 @!p0 $0x7000;
	v54 =	vadd.s32 @!p0 v57, v54  }
0x50d: {  	v62 =	vshrl.u32 v61, $0x3;
	[tilespmem:s5], [sflag:$0x1] =	stream.indirect_vreg.gather @!p0 [hbm4b:s8+s0], $0x80, v55, vm1, $0xb8;
	[tilespmem:$0x1B900] =	vst v63  }
0x50e: {  	v63 =	vmov s31;
	v57 =	vmul.u32 $0x30, v62;
	s5 =	simm.s32 @!p0 $0x7800  }
0x50f: {  	v59 =	vand.u32 $0x7, v63;
	[tilespmem:s5], [sflag:$0x1] =	stream.indirect_vreg.gather @!p0 [hbm4b:s9+s0], $0x80, v55, vm1, $0xb8;
	[tilespmem:$0x1B900] =	vst v63  }
0x510: {  	s5 =	simm.s32 @!p0 $0x8000;
	v55 =	vor.u32 v59, v57  }
0x511: {  	v57 =	vperm.xlane v55, v1;
	[tilespmem:s5], [sflag:$0x1] =	stream.indirect_vreg.gather @!p0 [hbm4b:s1+s0], $0x80, v54, vm1, $0xb8;
	[tilespmem:$0x1B900] =	vst v63  }
0x512: {  	s5 =	simm.s32 @!p0 $0x8800  }
0x513: {  	v57 =	vadd.s32 v2, v57;
	[tilespmem:s5], [sflag:$0x1] =	stream.indirect_vreg.gather @!p0 [hbm4b:s8+s0], $0x80, v54, vm1, $0xb8;
	[tilespmem:$0x1B900] =	vst v63  }
0x514: {  	s5 =	simm.s32 @!p0 $0x9000  }
0x515: {  	[tilespmem:s5], [sflag:$0x1] =	stream.indirect_vreg.gather @!p0 [hbm4b:s9+s0], $0x80, v54, vm1, $0xb8;
	[tilespmem:$0x1B900] =	vst v63  }
0x516: {  	v60 =	vadd.s32 s31, v52;
	[tilespmem:$0x1B800] =	vst v61  }
0x517: {  	s7 =	simm.s32 $0xF800;
	s2 =	simm.s32 $0x0;
	[tilespmem:$0x1B810] =	vst v60;
	v61 =	vperm.xlane v55, v3  }
0x518: {  	[hbm4b:s3+s2] =	stream.indirect_vreg.scatter [tilespmem:s7], [sflag:$0x3], $0x80, v57, vm0, $0xb8;
	[tilespmem:$0x1B900] =	vst v63  }
0x519: {  	s12 =	simm.s32 $0x10000;
	v54 =	vadd.s32 v2, v61  }
0x51a: {  	[hbm4b:s10+s2] =	stream.indirect_vreg.scatter [tilespmem:s12], [sflag:$0x3], $0x80, v57, vm0, $0xb8;
	[tilespmem:$0x1B900] =	vst v63  }
0x51b: {  	s13 =	simm.s32 $0x10800  }
0x51c: {  	[hbm4b:s11+s2] =	stream.indirect_vreg.scatter [tilespmem:s13], [sflag:$0x3], $0x80, v57, vm0, $0xb8;
	[tilespmem:$0x1B900] =	vst v63  }
0x51d: {  	s14 =	simm.s32 $0x11000  }
0x51e: {  	[hbm4b:s3+s2] =	stream.indirect_vreg.scatter [tilespmem:s14], [sflag:$0x3], $0x80, v54, vm0, $0xb8;
	[tilespmem:$0x1B900] =	vst v63  }
0x51f: {  	s15 =	simm.s32 $0x11800  }
0x520: {  	[hbm4b:s10+s2] =	stream.indirect_vreg.scatter [tilespmem:s15], [sflag:$0x3], $0x80, v54, vm0, $0xb8;
	[tilespmem:$0x1B900] =	vst v63  }
0x521: {  	s24 =	simm.s32 $0x12000  }
0x522: {  	[hbm4b:s11+s2] =	stream.indirect_vreg.scatter [tilespmem:s24], [sflag:$0x3], $0x80, v54, vm0, $0xb8;
	[tilespmem:$0x1B900] =	vst v63  }
0x523: {  	v54 =	vld [tilespmem:$0x1B810];
	_ =	sdelay $0x4  }
0x524: {  	v62 =	vshrl.u32 v54, $0x3  }
0x525: {  	v55 =	vmul.u32 $0x30, v62  }
0x526: {  	v54 =	vand.u32 $0x7, v54  }
0x527: {  	v54 =	vor.u32 v54, v55  }
0x528: {  	v55 =	vperm.xlane v54, v1;
	_ =	sdelay $0x1  }
0x529: {  	v55 =	vadd.s32 v2, v55;
	_ =	sdelay $0x3  }
0x52a: {  	s25 =	simm.s32 $0x12800;
	v54 =	vperm.xlane v54, v3  }
0x52b: {  	[hbm4b:s3+s2] =	stream.indirect_vreg.scatter [tilespmem:s25], [sflag:$0x3], $0x80, v55, vm0, $0xb8;
	[tilespmem:$0x1B900] =	vst v63  }
0x52c: {  	s26 =	simm.s32 $0x13000;
	v54 =	vadd.s32 v2, v54  }
0x52d: {  	[hbm4b:s10+s2] =	stream.indirect_vreg.scatter [tilespmem:s26], [sflag:$0x3], $0x80, v55, vm0, $0xb8;
	[tilespmem:$0x1B900] =	vst v63  }
0x52e: {  	s31 =	simm.s32 $0x13800  }
0x52f: {  	[hbm4b:s11+s2] =	stream.indirect_vreg.scatter [tilespmem:s31], [sflag:$0x3], $0x80, v55, vm0, $0xb8;
	[tilespmem:$0x1B900] =	vst v63  }
0x530: {  	s5 =	simm.s32 $0x14000  }
0x531: {  	[hbm4b:s3+s2] =	stream.indirect_vreg.scatter [tilespmem:s5], [sflag:$0x3], $0x80, v54, vm0, $0xb8;
	[tilespmem:$0x1B900] =	vst v63  }
0x532: {  	s7 =	simm.s32 $0x14800  }
0x533: {  	[hbm4b:s10+s2] =	stream.indirect_vreg.scatter [tilespmem:s7], [sflag:$0x3], $0x80, v54, vm0, $0xb8;
	[tilespmem:$0x1B900] =	vst v63  }
0x534: {  	s12 =	simm.s32 $0x15000  }
0x535: {  	[hbm4b:s11+s2] =	stream.indirect_vreg.scatter [tilespmem:s12], [sflag:$0x3], $0x80, v54, vm0, $0xb8;
	[tilespmem:$0x1B900] =	vst v63  }
0x536: {  	_ =	swait.ge [sflag:s30], $0x6000  }
0x537: {  	[sflag:s30] =	ssyncset.done $0x0  }
0x538: {  	s13 =	simm.s32 $0x0;
	[sflag:s30] =	ssyncadd.s32 $0xFFFFA000  }
0x539: {  	s0 =	smul.u32 $0x1800, s13;
	s25 =	sand.u32 $0x300, s2;
	_ =	swait.ge [sflag:s20], $0x6000  }
0x53a: {  	s2 =	sor.u32 $0x80, s25;
	[sflag:s20] =	ssyncset.done $0x0  }
0x53b: {  	s12 =	sor.u32 s0, s2;
	[sflag:s20] =	ssyncadd.s32 $0xFFFFA000  }
0x53c: {  	v63 =	vld [tilespmem:s12+$0x9800]  }
0x53d: {  	v60 =	vld [tilespmem:s12+$0x9810]  }
0x53e: {  	v56 =	vld [tilespmem:s12+$0x9820]  }
0x53f: {  	v57 =	vld [tilespmem:s12+$0x9830]  }
0x540: {  	v58 =	vld [tilespmem:s12+$0x9840]  }
0x541: {  	v59 =	vld [tilespmem:s12+$0x9850];
	v54 =	vadd.f32 v63, v12  }
0x542: {  	v55 =	vadd.f32 v60, v13;
	v60 =	vld [tilespmem:s12+$0x9860]  }
0x543: {  	v61 =	vadd.f32 v56, v14;
	v56 =	vld [tilespmem:s12+$0x9870];
	[tilespmem:s12+$0x15800] =	vst v54  }
0x544: {  	v62 =	vadd.f32 v57, v15;
	v57 =	vld [tilespmem:s12+$0x9C00];
	[tilespmem:s12+$0x15810] =	vst v55  }
0x545: {  	v63 =	vadd.f32 v58, v16;
	v58 =	vld [tilespmem:s12+$0x9C10];
	[tilespmem:s12+$0x15820] =	vst v61  }
0x546: {  	[tilespmem:s12+$0x15830] =	vst v62;
	v55 =	vadd.f32 v59, v17;
	v59 =	vld [tilespmem:s12+$0x9C20]  }
0x547: {  	[tilespmem:s12+$0x15840] =	vst v63;
	v54 =	vadd.f32 v60, v18;
	v60 =	vld [tilespmem:s12+$0x9C30]  }
0x548: {  	[tilespmem:s12+$0x15850] =	vst v55;
	v61 =	vadd.f32 v56, v19;
	v56 =	vld [tilespmem:s12+$0x9C40]  }
0x549: {  	v62 =	vadd.f32 v57, v20;
	v57 =	vld [tilespmem:s12+$0x9C50];
	[tilespmem:s12+$0x15860] =	vst v54  }
0x54a: {  	v55 =	vadd.f32 v58, v21;
	v58 =	vld [tilespmem:s12+$0x9C60];
	[tilespmem:s12+$0x15870] =	vst v61  }
0x54b: {  	s14 =	sor.u32 s25, s0;
	[tilespmem:s12+$0x15C00] =	vst v62;
	v54 =	vadd.f32 v59, v22;
	v59 =	vld [tilespmem:s12+$0x9C70]  }
0x54c: {  	v61 =	vld [tilespmem:s14+$0x9800];
	[tilespmem:s12+$0x15C10] =	vst v55;
	v55 =	vadd.f32 v60, v23  }
0x54d: {  	[tilespmem:s12+$0x15C20] =	vst v54;
	v60 =	vld [tilespmem:s14+$0x9810];
	v63 =	vadd.f32 v56, v24  }
0x54e: {  	v56 =	vld [tilespmem:s14+$0x9820];
	v62 =	vadd.f32 v57, v25;
	[tilespmem:s12+$0x15C30] =	vst v55  }
0x54f: {  	v57 =	vld [tilespmem:s14+$0x9830];
	v54 =	vadd.f32 v58, v26;
	[tilespmem:s12+$0x15C40] =	vst v63  }
0x550: {  	v58 =	vld [tilespmem:s14+$0x9840];
	[tilespmem:s12+$0x15C50] =	vst v62;
	v55 =	vadd.f32 v59, v27  }
0x551: {  	s7 =	sadd.s32 $0x800, s0;
	v59 =	vadd.f32 v61, v12;
	v61 =	vld [tilespmem:s14+$0x9850];
	[tilespmem:s12+$0x15C60] =	vst v54  }
0x552: {  	s15 =	sor.u32 s2, s7;
	[tilespmem:s12+$0x15C70] =	vst v55;
	v54 =	vadd.f32 v60, v13;
	v60 =	vld [tilespmem:s14+$0x9860]  }
0x553: {  	[tilespmem:s14+$0x15800] =	vst v59;
	v63 =	vadd.f32 v56, v14;
	v56 =	vld [tilespmem:s15+$0x9800]  }
0x554: {  	v62 =	vadd.f32 v57, v15;
	v57 =	vld [tilespmem:s15+$0x9810];
	[tilespmem:s14+$0x15810] =	vst v54  }
0x555: {  	[tilespmem:s14+$0x15820] =	vst v63;
	v63 =	vadd.f32 v58, v16;
	v58 =	vld [tilespmem:s15+$0x9820]  }
0x556: {  	v59 =	vld [tilespmem:s15+$0x9830];
	[tilespmem:s14+$0x15830] =	vst v62;
	v54 =	vadd.f32 v61, v17  }
0x557: {  	[tilespmem:s14+$0x15840] =	vst v63;
	v55 =	vadd.f32 v60, v18;
	v60 =	vld [tilespmem:s15+$0x9840]  }
0x558: {  	[tilespmem:s14+$0x15850] =	vst v54;
	v62 =	vadd.f32 v56, v29;
	v56 =	vld [tilespmem:s15+$0x9850]  }
0x559: {  	[tilespmem:s14+$0x15860] =	vst v55;
	v55 =	vadd.f32 v57, v31;
	v57 =	vld [tilespmem:s15+$0x9860]  }
0x55a: {  	[tilespmem:s15+$0x15800] =	vst v62;
	v54 =	vadd.f32 v58, v34;
	v58 =	vld [tilespmem:s15+$0x9870]  }
0x55b: {  	v61 =	vld [tilespmem:s14+$0x9870];
	[tilespmem:s15+$0x15810] =	vst v55;
	v55 =	vadd.f32 v59, v35  }
0x55c: {  	v59 =	vld [tilespmem:s14+$0x9C00];
	[tilespmem:s15+$0x15820] =	vst v54;
	v54 =	vadd.f32 v60, v36  }
0x55d: {  	v60 =	vld [tilespmem:s14+$0x9C10];
	v63 =	vadd.f32 v56, v37;
	[tilespmem:s15+$0x15830] =	vst v55  }
0x55e: {  	v56 =	vld [tilespmem:s14+$0x9C20];
	[tilespmem:s15+$0x15840] =	vst v54;
	v54 =	vadd.f32 v57, v38  }
0x55f: {  	v57 =	vld [tilespmem:s14+$0x9C30];
	[tilespmem:s15+$0x15850] =	vst v63;
	v55 =	vadd.f32 v58, v39  }
0x560: {  	s24 =	sadd.s32 $0xC00, s0;
	v58 =	vadd.f32 v61, v19;
	v61 =	vld [tilespmem:s14+$0x9C40];
	[tilespmem:s15+$0x15860] =	vst v54  }
0x561: {  	s13 =	sor.u32 s2, s24;
	v62 =	vadd.f32 v59, v20;
	v59 =	vld [tilespmem:s14+$0x9C50];
	[tilespmem:s15+$0x15870] =	vst v55  }
0x562: {  	[tilespmem:s14+$0x15870] =	vst v58;
	v63 =	vadd.f32 v60, v21;
	v58 =	vld [tilespmem:s13+$0x9800]  }
0x563: {  	v60 =	vadd.f32 v56, v22;
	v56 =	vld [tilespmem:s13+$0x9810];
	[tilespmem:s14+$0x15C00] =	vst v62  }
0x564: {  	[tilespmem:s14+$0x15C10] =	vst v63;
	v55 =	vadd.f32 v57, v23;
	v57 =	vld [tilespmem:s13+$0x9820]  }
0x565: {  	[tilespmem:s14+$0x15C20] =	vst v60;
	v54 =	vadd.f32 v61, v24;
	v60 =	vld [tilespmem:s13+$0x9830]  }
0x566: {  	[tilespmem:s14+$0x15C30] =	vst v55;
	v61 =	vadd.f32 v59, v25;
	v59 =	vld [tilespmem:s13+$0x9840]  }
0x567: {  	[tilespmem:s14+$0x15C40] =	vst v54;
	v62 =	vadd.f32 v58, v41;
	v58 =	vld [tilespmem:s13+$0x9850]  }
0x568: {  	v55 =	vadd.f32 v56, v43;
	v56 =	vld [tilespmem:s13+$0x9860];
	[tilespmem:s14+$0x15C50] =	vst v61  }
0x569: {  	v61 =	vld [tilespmem:s14+$0x9C60];
	[tilespmem:s13+$0x15800] =	vst v62;
	v54 =	vadd.f32 v57, v46  }
0x56a: {  	v57 =	vld [tilespmem:s13+$0x9870];
	[tilespmem:s13+$0x15810] =	vst v55;
	v55 =	vadd.f32 v60, v47  }
0x56b: {  	v60 =	vld [tilespmem:s14+$0x9C70];
	[tilespmem:s13+$0x15820] =	vst v54;
	v63 =	vadd.f32 v59, v48  }
0x56c: {  	[tilespmem:s13+$0x15830] =	vst v55;
	v59 =	vadd.f32 v58, v49  }
0x56d: {  	v62 =	vadd.f32 v56, v50;
	[tilespmem:s13+$0x15840] =	vst v63  }
0x56e: {  	v61 =	vadd.f32 v61, v26;
	[tilespmem:s13+$0x15850] =	vst v59  }
0x56f: {  	v63 =	vadd.f32 v57, v51;
	[tilespmem:s13+$0x15860] =	vst v62  }
0x570: {  	s26 =	sadd.s32 $0x1000, s0;
	v62 =	vadd.f32 v60, v27;
	[tilespmem:s14+$0x15C60] =	vst v61  }
0x571: {  	s31 =	sor.u32 s2, s26;
	[tilespmem:s13+$0x15870] =	vst v63  }
0x572: {  	s7 =	sor.u32 s25, s7;
	[tilespmem:s14+$0x15C70] =	vst v62;
	v55 =	vld [tilespmem:s31+$0x9800]  }
0x573: {  	v54 =	vld [tilespmem:s7+$0x9800]  }
0x574: {  	v56 =	vld [tilespmem:s7+$0x9810]  }
0x575: {  	v58 =	vld [tilespmem:s7+$0x9830]  }
0x576: {  	v57 =	vld [tilespmem:s7+$0x9820]  }
0x577: {  	v59 =	vld [tilespmem:s7+$0x9840]  }
0x578: {  	v60 =	vld [tilespmem:s7+$0x9850];
	v55 =	vadd.f32 v55, v44  }
0x579: {  	v61 =	vld [tilespmem:s31+$0x9810];
	v54 =	vadd.f32 v54, v29  }
0x57a: {  	v63 =	vadd.f32 v58, v35;
	[tilespmem:s31+$0x15800] =	vst v55;
	v55 =	vadd.f32 v56, v31;
	v56 =	vld [tilespmem:s7+$0x9860]  }
0x57b: {  	[tilespmem:s7+$0x15800] =	vst v54;
	v54 =	vadd.f32 v57, v34;
	v57 =	vld [tilespmem:s7+$0x9870]  }
0x57c: {  	v58 =	vld [tilespmem:s31+$0x9820];
	[tilespmem:s7+$0x15830] =	vst v63  }
0x57d: {  	[tilespmem:s7+$0x15820] =	vst v54;
	v54 =	vadd.f32 v59, v36  }
0x57e: {  	[tilespmem:s7+$0x15810] =	vst v55;
	v59 =	vld [tilespmem:s31+$0x9830];
	v55 =	vadd.f32 v60, v37  }
0x57f: {  	v60 =	vld [tilespmem:s31+$0x9840];
	[tilespmem:s7+$0x15840] =	vst v54;
	v54 =	vadd.f32 v56, v38  }
0x580: {  	[tilespmem:s7+$0x15850] =	vst v55;
	v56 =	vld [tilespmem:s31+$0x9850];
	v55 =	vadd.f32 v57, v39  }
0x581: {  	v62 =	vadd.f32 v58, v42;
	v58 =	vld [tilespmem:s31+$0x9870];
	v57 =	vadd.f32 v61, v45;
	[tilespmem:s7+$0x15860] =	vst v54  }
0x582: {  	s15 =	sor.u32 s25, s24;
	v61 =	vld [tilespmem:s31+$0x9860];
	[tilespmem:s7+$0x15870] =	vst v55  }
0x583: {  	[tilespmem:s31+$0x15810] =	vst v57;
	v57 =	vld [tilespmem:s15+$0x9800]  }
0x584: {  	v63 =	vadd.f32 v59, v40;
	v60 =	vadd.f32 v60, v32;
	v59 =	vld [tilespmem:s15+$0x9810]  }
0x585: {  	v55 =	vadd.f32 v56, v33;
	v56 =	vld [tilespmem:s15+$0x9820]  }
0x586: {  	[tilespmem:s31+$0x15840] =	vst v60;
	v60 =	vld [tilespmem:s15+$0x9830]  }
0x587: {  	[tilespmem:s31+$0x15820] =	vst v62;
	v54 =	vadd.f32 v61, v30;
	v61 =	vadd.f32 v58, v28;
	v58 =	vld [tilespmem:s15+$0x9840]  }
0x588: {  	[tilespmem:s31+$0x15830] =	vst v63;
	v62 =	vadd.f32 v57, v41;
	v57 =	vld [tilespmem:s15+$0x9850]  }
0x589: {  	[tilespmem:s31+$0x15870] =	vst v61;
	v63 =	vadd.f32 v59, v43;
	v59 =	vld [tilespmem:s15+$0x9860]  }
0x58a: {  	s24 =	simm.s32 $0x100;
	s7 =	simm.s32 $0x0;
	[tilespmem:s15+$0x15800] =	vst v62;
	v61 =	vadd.f32 v56, v46;
	v62 =	vld [tilespmem:s15+$0x9870]  }
0x58b: {  	s29 =	sand.u32 $0x300, s24;
	s14 =	smul.u32 $0x1800, s7;
	[tilespmem:s15+$0x15810] =	vst v63;
	v63 =	vadd.f32 v60, v47  }
0x58c: {  	s5 =	sor.u32 s25, s26;
	s26 =	sor.u32 $0x80, s29;
	v58 =	vadd.f32 v58, v48;
	[tilespmem:s15+$0x15820] =	vst v61  }
0x58d: {  	s13 =	sor.u32 s14, s26;
	[tilespmem:s15+$0x15830] =	vst v63;
	v60 =	vadd.f32 v57, v49  }
0x58e: {  	[tilespmem:s15+$0x15840] =	vst v58;
	v58 =	vld [tilespmem:s13+$0x9820];
	v61 =	vadd.f32 v59, v50  }
0x58f: {  	v56 =	vld [tilespmem:s13+$0x9800];
	[tilespmem:s15+$0x15850] =	vst v60;
	v62 =	vadd.f32 v62, v51  }
0x590: {  	v57 =	vld [tilespmem:s13+$0x9810];
	[tilespmem:s15+$0x15860] =	vst v61  }
0x591: {  	v60 =	vld [tilespmem:s13+$0x9840];
	[tilespmem:s15+$0x15870] =	vst v62  }
0x592: {  	[tilespmem:s31+$0x15850] =	vst v55;
	v55 =	vld [tilespmem:s5+$0x9800]  }
0x593: {  	v62 =	vadd.f32 v58, v14;
	v58 =	vld [tilespmem:s13+$0x9870]  }
0x594: {  	v59 =	vld [tilespmem:s13+$0x9830]  }
0x595: {  	v56 =	vadd.f32 v56, v12;
	v63 =	vadd.f32 v57, v13;
	v57 =	vld [tilespmem:s13+$0x9860]  }
0x596: {  	[tilespmem:s31+$0x15860] =	vst v54;
	v61 =	vld [tilespmem:s13+$0x9850]  }
0x597: {  	[tilespmem:s13+$0x15800] =	vst v56;
	v56 =	vadd.f32 v60, v16;
	v60 =	vld [tilespmem:s13+$0x9C10];
	v55 =	vadd.f32 v55, v44  }
0x598: {  	[tilespmem:s13+$0x15820] =	vst v62;
	v62 =	vadd.f32 v58, v19;
	v58 =	vld [tilespmem:s13+$0x9C40]  }
0x599: {  	[tilespmem:s5+$0x15800] =	vst v55;
	v55 =	vadd.f32 v59, v15;
	v59 =	vld [tilespmem:s13+$0x9C00]  }
0x59a: {  	[tilespmem:s13+$0x15810] =	vst v63;
	v63 =	vadd.f32 v57, v18;
	v57 =	vld [tilespmem:s13+$0x9C30]  }
0x59b: {  	s0 =	sadd.s32 $0x1400, s0;
	[tilespmem:s13+$0x15830] =	vst v55;
	v55 =	vadd.f32 v61, v17;
	v61 =	vld [tilespmem:s13+$0x9C20]  }
0x59c: {  	s2 =	sor.u32 s2, s0;
	[tilespmem:s13+$0x15840] =	vst v56  }
0x59d: {  	v54 =	vld [tilespmem:s2+$0x9870];
	[tilespmem:s13+$0x15870] =	vst v62  }
0x59e: {  	[tilespmem:s13+$0x15860] =	vst v63;
	v56 =	vadd.f32 v59, v20;
	v59 =	vld [tilespmem:s13+$0x9C50]  }
0x59f: {  	v58 =	vadd.f32 v58, v24;
	[tilespmem:s13+$0x15850] =	vst v55;
	v55 =	vadd.f32 v60, v21;
	v60 =	vld [tilespmem:s13+$0x9C60]  }
0x5a0: {  	s12 =	sor.u32 s29, s14;
	v57 =	vadd.f32 v57, v23;
	[tilespmem:s13+$0x15C00] =	vst v56;
	v56 =	vadd.f32 v61, v22;
	v61 =	vld [tilespmem:s13+$0x9C70]  }
0x5a1: {  	[tilespmem:s13+$0x15C40] =	vst v58;
	v58 =	vld [tilespmem:s12+$0x9830]  }
0x5a2: {  	[tilespmem:s13+$0x15C30] =	vst v57;
	v57 =	vld [tilespmem:s12+$0x9820]  }
0x5a3: {  	[tilespmem:s13+$0x15C10] =	vst v55;
	v55 =	vld [tilespmem:s12+$0x9800];
	v59 =	vadd.f32 v59, v25  }
0x5a4: {  	[tilespmem:s13+$0x15C20] =	vst v56;
	v56 =	vld [tilespmem:s12+$0x9810];
	v60 =	vadd.f32 v60, v26  }
0x5a5: {  	[tilespmem:s13+$0x15C50] =	vst v59;
	v59 =	vld [tilespmem:s12+$0x9840];
	v61 =	vadd.f32 v61, v27  }
0x5a6: {  	s28 =	sadd.s32 $0x800, s14;
	v62 =	vadd.f32 v58, v15;
	[tilespmem:s13+$0x15C60] =	vst v60;
	v60 =	vld [tilespmem:s12+$0x9850]  }
0x5a7: {  	s15 =	sor.u32 s26, s28;
	v63 =	vadd.f32 v57, v14;
	[tilespmem:s13+$0x15C70] =	vst v61;
	v61 =	vld [tilespmem:s12+$0x9860]  }
0x5a8: {  	v55 =	vadd.f32 v55, v12;
	[tilespmem:s12+$0x15830] =	vst v62;
	v57 =	vld [tilespmem:s15+$0x9800]  }
0x5a9: {  	[tilespmem:s12+$0x15820] =	vst v63;
	v56 =	vadd.f32 v56, v13;
	v58 =	vld [tilespmem:s15+$0x9810]  }
0x5aa: {  	[tilespmem:s12+$0x15800] =	vst v55;
	v55 =	vadd.f32 v59, v16;
	v59 =	vld [tilespmem:s15+$0x9820]  }
0x5ab: {  	[tilespmem:s12+$0x15810] =	vst v56;
	v56 =	vadd.f32 v60, v17;
	v60 =	vld [tilespmem:s15+$0x9830]  }
0x5ac: {  	[tilespmem:s12+$0x15840] =	vst v55;
	v55 =	vadd.f32 v61, v18;
	v61 =	vld [tilespmem:s15+$0x9840]  }
0x5ad: {  	[tilespmem:s12+$0x15850] =	vst v56;
	v63 =	vadd.f32 v57, v29;
	v57 =	vld [tilespmem:s15+$0x9850]  }
0x5ae: {  	v62 =	vadd.f32 v58, v31;
	v58 =	vld [tilespmem:s15+$0x9860];
	[tilespmem:s12+$0x15860] =	vst v55  }
0x5af: {  	[tilespmem:s15+$0x15800] =	vst v63;
	v56 =	vadd.f32 v59, v34;
	v59 =	vld [tilespmem:s15+$0x9870]  }
0x5b0: {  	v55 =	vld [tilespmem:s12+$0x9870];
	v60 =	vadd.f32 v60, v35;
	[tilespmem:s15+$0x15810] =	vst v62  }
0x5b1: {  	[tilespmem:s15+$0x15820] =	vst v56;
	v56 =	vld [tilespmem:s12+$0x9C00];
	v61 =	vadd.f32 v61, v36  }
0x5b2: {  	[tilespmem:s15+$0x15830] =	vst v60;
	v60 =	vld [tilespmem:s12+$0x9C10];
	v57 =	vadd.f32 v57, v37  }
0x5b3: {  	v58 =	vadd.f32 v58, v38;
	[tilespmem:s15+$0x15840] =	vst v61;
	v61 =	vld [tilespmem:s12+$0x9C20]  }
0x5b4: {  	[tilespmem:s15+$0x15850] =	vst v57;
	v57 =	vld [tilespmem:s12+$0x9C30];
	v59 =	vadd.f32 v59, v39  }
0x5b5: {  	s7 =	sadd.s32 $0xC00, s14;
	v55 =	vadd.f32 v55, v19;
	[tilespmem:s15+$0x15860] =	vst v58;
	v58 =	vld [tilespmem:s12+$0x9C40]  }
0x5b6: {  	s31 =	sor.u32 s26, s7;
	v56 =	vadd.f32 v56, v20;
	[tilespmem:s15+$0x15870] =	vst v59;
	v59 =	vld [tilespmem:s12+$0x9C50]  }
0x5b7: {  	v54 =	vadd.f32 v54, v4;
	[tilespmem:s12+$0x15870] =	vst v55;
	v55 =	vadd.f32 v60, v21;
	v60 =	vld [tilespmem:s31+$0x9800]  }
0x5b8: {  	[tilespmem:s12+$0x15C00] =	vst v56;
	v56 =	vadd.f32 v61, v22;
	v61 =	vld [tilespmem:s31+$0x9810]  }
0x5b9: {  	[tilespmem:s2+$0x15870] =	vst v54;
	v63 =	vadd.f32 v57, v23;
	v57 =	vld [tilespmem:s31+$0x9820]  }
0x5ba: {  	[tilespmem:s12+$0x15C10] =	vst v55;
	v62 =	vadd.f32 v58, v24;
	v58 =	vld [tilespmem:s31+$0x9830]  }
0x5bb: {  	[tilespmem:s12+$0x15C20] =	vst v56;
	v55 =	vadd.f32 v59, v25;
	v59 =	vld [tilespmem:s31+$0x9840]  }
0x5bc: {  	[tilespmem:s12+$0x15C30] =	vst v63;
	v56 =	vadd.f32 v60, v41;
	v60 =	vld [tilespmem:s31+$0x9850]  }
0x5bd: {  	[tilespmem:s12+$0x15C50] =	vst v55;
	v55 =	vadd.f32 v61, v43;
	v61 =	vld [tilespmem:s31+$0x9860]  }
0x5be: {  	[tilespmem:s31+$0x15800] =	vst v56;
	v63 =	vadd.f32 v57, v46;
	v57 =	vld [tilespmem:s31+$0x9870]  }
0x5bf: {  	v58 =	vadd.f32 v58, v47;
	[tilespmem:s31+$0x15810] =	vst v55;
	v55 =	vld [tilespmem:s12+$0x9C60]  }
0x5c0: {  	v56 =	vld [tilespmem:s12+$0x9C70];
	[tilespmem:s31+$0x15820] =	vst v63;
	v59 =	vadd.f32 v59, v48  }
0x5c1: {  	[tilespmem:s31+$0x15830] =	vst v58;
	v58 =	vld [tilespmem:s5+$0x9810];
	v60 =	vadd.f32 v60, v49  }
0x5c2: {  	[tilespmem:s31+$0x15840] =	vst v59;
	v59 =	vld [tilespmem:s5+$0x9820];
	v61 =	vadd.f32 v61, v50  }
0x5c3: {  	[tilespmem:s31+$0x15850] =	vst v60;
	v60 =	vld [tilespmem:s5+$0x9830];
	v57 =	vadd.f32 v57, v51  }
0x5c4: {  	[tilespmem:s31+$0x15860] =	vst v61;
	v61 =	vld [tilespmem:s5+$0x9840];
	v55 =	vadd.f32 v55, v26  }
0x5c5: {  	v56 =	vadd.f32 v56, v27;
	[tilespmem:s31+$0x15870] =	vst v57;
	v57 =	vld [tilespmem:s5+$0x9850]  }
0x5c6: {  	v58 =	vadd.f32 v58, v45;
	s31 =	sadd.s32 $0x1000, s14;
	[tilespmem:s12+$0x15C60] =	vst v55;
	v55 =	vld [tilespmem:s5+$0x9860]  }
0x5c7: {  	[tilespmem:s12+$0x15C70] =	vst v56;
	v56 =	vld [tilespmem:s5+$0x9870];
	s15 =	sor.u32 s26, s31;
	v59 =	vadd.f32 v59, v42  }
0x5c8: {  	[tilespmem:s5+$0x15810] =	vst v58;
	v58 =	vadd.f32 v60, v40;
	v60 =	vld [tilespmem:s15+$0x9800]  }
0x5c9: {  	[tilespmem:s5+$0x15820] =	vst v59;
	v59 =	vadd.f32 v61, v32;
	v61 =	vld [tilespmem:s15+$0x9810]  }
0x5ca: {  	[tilespmem:s5+$0x15830] =	vst v58;
	v57 =	vadd.f32 v57, v33;
	v58 =	vld [tilespmem:s15+$0x9820]  }
0x5cb: {  	[tilespmem:s5+$0x15840] =	vst v59;
	v55 =	vadd.f32 v55, v30;
	v59 =	vld [tilespmem:s15+$0x9830]  }
0x5cc: {  	v56 =	vadd.f32 v56, v28;
	[tilespmem:s5+$0x15850] =	vst v57;
	v57 =	vld [tilespmem:s15+$0x9840]  }
0x5cd: {  	[tilespmem:s5+$0x15860] =	vst v55;
	v55 =	vadd.f32 v60, v44;
	v60 =	vld [tilespmem:s15+$0x9850]  }
0x5ce: {  	[tilespmem:s5+$0x15870] =	vst v56;
	v56 =	vadd.f32 v61, v45;
	v61 =	vld [tilespmem:s15+$0x9860]  }
0x5cf: {  	[tilespmem:s12+$0x15C40] =	vst v62;
	v62 =	vadd.f32 v58, v42;
	v58 =	vld [tilespmem:s15+$0x9870]  }
0x5d0: {  	[tilespmem:s15+$0x15800] =	vst v55;
	v55 =	vld [tilespmem:s2+$0x9810];
	v59 =	vadd.f32 v59, v40  }
0x5d1: {  	[tilespmem:s15+$0x15810] =	vst v56;
	v56 =	vld [tilespmem:s2+$0x9800];
	v57 =	vadd.f32 v57, v32  }
0x5d2: {  	[tilespmem:s15+$0x15830] =	vst v59;
	v59 =	vld [tilespmem:s2+$0x9820];
	v60 =	vadd.f32 v60, v33  }
0x5d3: {  	[tilespmem:s15+$0x15840] =	vst v57;
	v57 =	vld [tilespmem:s2+$0x9830]  }
0x5d4: {  	s13 =	sor.u32 s29, s28;
	v61 =	vadd.f32 v61, v30;
	[tilespmem:s15+$0x15850] =	vst v60;
	v60 =	vld [tilespmem:s2+$0x9840]  }
0x5d5: {  	[tilespmem:s15+$0x15820] =	vst v62;
	v58 =	vadd.f32 v58, v28;
	v63 =	vadd.f32 v55, v10;
	v55 =	vld [tilespmem:s13+$0x9800]  }
0x5d6: {  	[tilespmem:s15+$0x15860] =	vst v61;
	v61 =	vld [tilespmem:s2+$0x9850]  }
0x5d7: {  	v56 =	vadd.f32 v56, v11;
	[tilespmem:s15+$0x15870] =	vst v58;
	v58 =	vld [tilespmem:s2+$0x9860]  }
0x5d8: {  	[tilespmem:s2+$0x15810] =	vst v63;
	v62 =	vadd.f32 v59, v9  }
0x5d9: {  	[tilespmem:s2+$0x15800] =	vst v56;
	v59 =	vld [tilespmem:s13+$0x9810];
	v54 =	vadd.f32 v57, v8  }
0x5da: {  	v57 =	vld [tilespmem:s13+$0x9820];
	[tilespmem:s2+$0x15820] =	vst v62;
	v56 =	vadd.f32 v60, v7  }
0x5db: {  	v60 =	vld [tilespmem:s13+$0x9830];
	v62 =	vadd.f32 v55, v29;
	[tilespmem:s2+$0x15830] =	vst v54  }
0x5dc: {  	v54 =	vadd.f32 v61, v6;
	v61 =	vld [tilespmem:s13+$0x9840];
	[tilespmem:s2+$0x15840] =	vst v56;
	v63 =	vadd.f32 v58, v5  }
0x5dd: {  	v58 =	vld [tilespmem:s13+$0x9850];
	[tilespmem:s13+$0x15800] =	vst v62  }
0x5de: {  	s15 =	sadd.s32 $0x1400, s14;
	v55 =	vld [tilespmem:s13+$0x9860];
	[tilespmem:s2+$0x15860] =	vst v63;
	v63 =	vadd.f32 v59, v31  }
0x5df: {  	s26 =	sor.u32 s26, s15;
	[tilespmem:s2+$0x15850] =	vst v54;
	v54 =	vadd.f32 v57, v34;
	v57 =	vld [tilespmem:s13+$0x9870]  }
0x5e0: {  	s25 =	sor.u32 s25, s0;
	v59 =	vld [tilespmem:s26+$0x9870];
	v56 =	vadd.f32 v60, v35;
	[tilespmem:s13+$0x15810] =	vst v63  }
0x5e1: {  	v60 =	vld [tilespmem:s25+$0x9800];
	[tilespmem:s13+$0x15820] =	vst v54;
	v54 =	vadd.f32 v61, v36  }
0x5e2: {  	v61 =	vld [tilespmem:s25+$0x9810];
	[tilespmem:s13+$0x15830] =	vst v56;
	v62 =	vadd.f32 v58, v37  }
0x5e3: {  	v63 =	vadd.f32 v55, v38;
	v55 =	vld [tilespmem:s25+$0x9830];
	[tilespmem:s13+$0x15840] =	vst v54  }
0x5e4: {  	v58 =	vld [tilespmem:s25+$0x9820];
	[tilespmem:s13+$0x15850] =	vst v62;
	v62 =	vadd.f32 v57, v39  }
0x5e5: {  	[tilespmem:s13+$0x15860] =	vst v63;
	v54 =	vld [tilespmem:s25+$0x9850];
	v59 =	vadd.f32 v59, v4  }
0x5e6: {  	v57 =	vld [tilespmem:s25+$0x9840];
	v56 =	vadd.f32 v60, v11;
	[tilespmem:s13+$0x15870] =	vst v62  }
0x5e7: {  	s14 =	sor.u32 s29, s7;
	v60 =	vld [tilespmem:s25+$0x9860];
	[tilespmem:s26+$0x15870] =	vst v59;
	v59 =	vadd.f32 v61, v10  }
0x5e8: {  	v55 =	vadd.f32 v55, v8;
	v61 =	vld [tilespmem:s14+$0x9800];
	[tilespmem:s25+$0x15800] =	vst v56  }
0x5e9: {  	v63 =	vadd.f32 v58, v9;
	v58 =	vld [tilespmem:s14+$0x9810];
	[tilespmem:s25+$0x15810] =	vst v59  }
0x5ea: {  	[tilespmem:s25+$0x15830] =	vst v55;
	v54 =	vadd.f32 v54, v6;
	v55 =	vld [tilespmem:s14+$0x9840]  }
0x5eb: {  	v59 =	vld [tilespmem:s14+$0x9820];
	[tilespmem:s25+$0x15820] =	vst v63;
	v62 =	vadd.f32 v57, v7  }
0x5ec: {  	v57 =	vld [tilespmem:s14+$0x9830];
	v60 =	vadd.f32 v60, v5;
	[tilespmem:s25+$0x15850] =	vst v54  }
0x5ed: {  	v54 =	vld [tilespmem:s14+$0x9860];
	[tilespmem:s25+$0x15840] =	vst v62;
	v56 =	vadd.f32 v61, v41  }
0x5ee: {  	v61 =	vld [tilespmem:s14+$0x9850];
	v58 =	vadd.f32 v58, v43;
	[tilespmem:s25+$0x15860] =	vst v60  }
0x5ef: {  	v60 =	vld [tilespmem:s14+$0x9870];
	v55 =	vadd.f32 v55, v48;
	[tilespmem:s14+$0x15800] =	vst v56  }
0x5f0: {  	v62 =	vld [tilespmem:s25+$0x9870];
	v56 =	vadd.f32 v59, v46;
	[tilespmem:s14+$0x15810] =	vst v58  }
0x5f1: {  	v57 =	vadd.f32 v57, v47;
	v59 =	vld [tilespmem:s26+$0x9800];
	[tilespmem:s14+$0x15840] =	vst v55  }
0x5f2: {  	v58 =	vld [tilespmem:s26+$0x9810];
	v54 =	vadd.f32 v54, v50;
	[tilespmem:s14+$0x15820] =	vst v56  }
0x5f3: {  	[tilespmem:s14+$0x15830] =	vst v57;
	v57 =	vld [tilespmem:s26+$0x9820];
	v63 =	vadd.f32 v61, v49  }
0x5f4: {  	v55 =	vld [tilespmem:s26+$0x9830];
	v60 =	vadd.f32 v60, v51;
	[tilespmem:s14+$0x15860] =	vst v54  }
0x5f5: {  	s28 =	sor.u32 s29, s31;
	s5 =	sor.u32 s29, s15;
	s29 =	simm.s32 $0x2;
	v56 =	vld [tilespmem:s26+$0x9840];
	v54 =	vadd.f32 v62, v4;
	[tilespmem:s14+$0x15850] =	vst v63  }
.LBB2_9:
0x5f6: {  	s29 =	sadd.s32 $0x2, s29;
	[tilespmem:s14+$0x15870] =	vst v60;
	v59 =	vadd.f32 v59, v11;
	v60 =	vld [tilespmem:s26+$0x9850]  }
0x5f7: {  	s24 =	sadd.s32 $0x100, s24;
	s0 =	sshrl.u32 s29, $0x3;
	p1 =	slt.u32 s29, $0x1E;
	v61 =	vld [tilespmem:s28+$0x9800];
	v58 =	vadd.f32 v58, v10;
	[tilespmem:s25+$0x15870] =	vst v54  }
0x5f8: {  	s31 =	sand.u32 $0x300, s24;
	s25 =	smov.u32 s5;
	s0 =	smul.u32 $0x1800, s0;
	v54 =	vld [tilespmem:s28+$0x9810];
	[tilespmem:s26+$0x15800] =	vst v59;
	v57 =	vadd.f32 v57, v9  }
0x5f9: {  	s2 =	sor.u32 $0x80, s31;
	v59 =	vld [tilespmem:s28+$0x9820];
	[tilespmem:s26+$0x15810] =	vst v58;
	v55 =	vadd.f32 v55, v8  }
0x5fa: {  	s5 =	sor.u32 s31, s0;
	s12 =	sor.u32 s0, s2;
	v58 =	vld [tilespmem:s28+$0x9830];
	[tilespmem:s26+$0x15820] =	vst v57;
	v56 =	vadd.f32 v56, v7  }
0x5fb: {  	v57 =	vld [tilespmem:s12+$0x9800];
	[tilespmem:s26+$0x15830] =	vst v55;
	v55 =	vadd.f32 v60, v6  }
0x5fc: {  	v60 =	vld [tilespmem:s12+$0x9810];
	v61 =	vadd.f32 v61, v44;
	[tilespmem:s26+$0x15840] =	vst v56  }
0x5fd: {  	v56 =	vld [tilespmem:s12+$0x9820];
	v54 =	vadd.f32 v54, v45;
	[tilespmem:s26+$0x15850] =	vst v55  }
0x5fe: {  	v55 =	vld [tilespmem:s12+$0x9830];
	[tilespmem:s28+$0x15800] =	vst v61;
	v59 =	vadd.f32 v59, v42  }
0x5ff: {  	v61 =	vld [tilespmem:s12+$0x9840];
	[tilespmem:s28+$0x15810] =	vst v54;
	v54 =	vadd.f32 v58, v40  }
0x600: {  	v57 =	vadd.f32 v57, v12;
	v58 =	vld [tilespmem:s12+$0x9850];
	[tilespmem:s28+$0x15820] =	vst v59  }
0x601: {  	v59 =	vadd.f32 v60, v13;
	v60 =	vld [tilespmem:s12+$0x9860];
	[tilespmem:s28+$0x15830] =	vst v54  }
0x602: {  	[tilespmem:s12+$0x15800] =	vst v57;
	v54 =	vadd.f32 v56, v14;
	v56 =	vld [tilespmem:s12+$0x9870]  }
0x603: {  	[tilespmem:s12+$0x15810] =	vst v59;
	v55 =	vadd.f32 v55, v15;
	v57 =	vld [tilespmem:s12+$0x9C00]  }
0x604: {  	[tilespmem:s12+$0x15820] =	vst v54;
	v54 =	vadd.f32 v61, v16;
	v59 =	vld [tilespmem:s12+$0x9C10]  }
0x605: {  	[tilespmem:s12+$0x15830] =	vst v55;
	v55 =	vadd.f32 v58, v17;
	v58 =	vld [tilespmem:s12+$0x9C20]  }
0x606: {  	[tilespmem:s12+$0x15840] =	vst v54;
	v54 =	vadd.f32 v60, v18;
	v60 =	vld [tilespmem:s12+$0x9C30]  }
0x607: {  	[tilespmem:s12+$0x15850] =	vst v55;
	v55 =	vadd.f32 v56, v19;
	v56 =	vld [tilespmem:s12+$0x9C40]  }
0x608: {  	[tilespmem:s12+$0x15860] =	vst v54;
	v54 =	vadd.f32 v57, v20;
	v57 =	vld [tilespmem:s12+$0x9C50]  }
0x609: {  	[tilespmem:s12+$0x15870] =	vst v55;
	v55 =	vadd.f32 v59, v21;
	v59 =	vld [tilespmem:s12+$0x9C60]  }
0x60a: {  	[tilespmem:s12+$0x15C00] =	vst v54;
	v54 =	vadd.f32 v58, v22;
	v58 =	vld [tilespmem:s12+$0x9C70]  }
0x60b: {  	v61 =	vld [tilespmem:s5+$0x9800];
	[tilespmem:s12+$0x15C10] =	vst v55;
	v55 =	vadd.f32 v60, v23  }
0x60c: {  	v60 =	vld [tilespmem:s5+$0x9810];
	[tilespmem:s12+$0x15C20] =	vst v54;
	v54 =	vadd.f32 v56, v24  }
0x60d: {  	v56 =	vld [tilespmem:s5+$0x9820];
	[tilespmem:s12+$0x15C30] =	vst v55;
	v55 =	vadd.f32 v57, v25  }
0x60e: {  	v57 =	vld [tilespmem:s5+$0x9830];
	[tilespmem:s12+$0x15C40] =	vst v54;
	v54 =	vadd.f32 v59, v26  }
0x60f: {  	v59 =	vld [tilespmem:s5+$0x9840];
	[tilespmem:s12+$0x15C50] =	vst v55;
	v55 =	vadd.f32 v58, v27  }
0x610: {  	s13 =	sadd.s32 $0x800, s0;
	v58 =	vadd.f32 v61, v12;
	v61 =	vld [tilespmem:s5+$0x9850];
	[tilespmem:s12+$0x15C60] =	vst v54  }
0x611: {  	s7 =	sor.u32 s31, s13;
	v54 =	vadd.f32 v60, v13;
	v60 =	vld [tilespmem:s5+$0x9860];
	[tilespmem:s12+$0x15C70] =	vst v55;
	s12 =	sor.u32 s2, s13  }
0x612: {  	[tilespmem:s5+$0x15800] =	vst v58;
	v55 =	vadd.f32 v56, v14;
	v56 =	vld [tilespmem:s12+$0x9800]  }
0x613: {  	[tilespmem:s5+$0x15810] =	vst v54;
	v54 =	vadd.f32 v57, v15;
	v57 =	vld [tilespmem:s12+$0x9810]  }
0x614: {  	[tilespmem:s5+$0x15820] =	vst v55;
	v55 =	vadd.f32 v59, v16;
	v58 =	vld [tilespmem:s12+$0x9820]  }
0x615: {  	[tilespmem:s5+$0x15830] =	vst v54;
	v54 =	vadd.f32 v61, v17;
	v59 =	vld [tilespmem:s12+$0x9830]  }
0x616: {  	[tilespmem:s5+$0x15840] =	vst v55;
	v55 =	vadd.f32 v60, v18;
	v60 =	vld [tilespmem:s12+$0x9840]  }
0x617: {  	[tilespmem:s5+$0x15850] =	vst v54;
	v54 =	vadd.f32 v56, v29;
	v56 =	vld [tilespmem:s12+$0x9850]  }
0x618: {  	[tilespmem:s5+$0x15860] =	vst v55;
	v55 =	vadd.f32 v57, v31;
	v57 =	vld [tilespmem:s12+$0x9860]  }
0x619: {  	[tilespmem:s12+$0x15800] =	vst v54;
	v54 =	vadd.f32 v58, v34;
	v58 =	vld [tilespmem:s12+$0x9870]  }
0x61a: {  	v61 =	vld [tilespmem:s5+$0x9870];
	[tilespmem:s12+$0x15810] =	vst v55;
	v55 =	vadd.f32 v59, v35  }
0x61b: {  	v59 =	vld [tilespmem:s5+$0x9C00];
	[tilespmem:s12+$0x15820] =	vst v54;
	v54 =	vadd.f32 v60, v36  }
0x61c: {  	v60 =	vld [tilespmem:s5+$0x9C10];
	[tilespmem:s12+$0x15830] =	vst v55;
	v55 =	vadd.f32 v56, v37  }
0x61d: {  	v56 =	vld [tilespmem:s5+$0x9C20];
	[tilespmem:s12+$0x15840] =	vst v54;
	v54 =	vadd.f32 v57, v38  }
0x61e: {  	v57 =	vld [tilespmem:s5+$0x9C30];
	[tilespmem:s12+$0x15850] =	vst v55;
	v55 =	vadd.f32 v58, v39  }
0x61f: {  	s13 =	sadd.s32 $0xC00, s0;
	v58 =	vadd.f32 v61, v19;
	v61 =	vld [tilespmem:s5+$0x9C40];
	[tilespmem:s12+$0x15860] =	vst v54  }
0x620: {  	s14 =	sor.u32 s31, s13;
	v54 =	vadd.f32 v59, v20;
	v59 =	vld [tilespmem:s5+$0x9C50];
	[tilespmem:s12+$0x15870] =	vst v55;
	s12 =	sor.u32 s2, s13  }
0x621: {  	[tilespmem:s5+$0x15870] =	vst v58;
	v55 =	vadd.f32 v60, v21;
	v58 =	vld [tilespmem:s12+$0x9800]  }
0x622: {  	[tilespmem:s5+$0x15C00] =	vst v54;
	v54 =	vadd.f32 v56, v22;
	v56 =	vld [tilespmem:s12+$0x9810]  }
0x623: {  	[tilespmem:s5+$0x15C10] =	vst v55;
	v55 =	vadd.f32 v57, v23;
	v57 =	vld [tilespmem:s12+$0x9820]  }
0x624: {  	[tilespmem:s5+$0x15C20] =	vst v54;
	v54 =	vadd.f32 v61, v24;
	v60 =	vld [tilespmem:s12+$0x9830]  }
0x625: {  	[tilespmem:s5+$0x15C30] =	vst v55;
	v55 =	vadd.f32 v59, v25;
	v59 =	vld [tilespmem:s12+$0x9840]  }
0x626: {  	[tilespmem:s5+$0x15C40] =	vst v54;
	v54 =	vadd.f32 v58, v41;
	v58 =	vld [tilespmem:s12+$0x9850]  }
0x627: {  	[tilespmem:s5+$0x15C50] =	vst v55;
	v55 =	vadd.f32 v56, v43;
	v56 =	vld [tilespmem:s12+$0x9860]  }
0x628: {  	[tilespmem:s12+$0x15800] =	vst v54;
	v54 =	vadd.f32 v57, v46;
	v57 =	vld [tilespmem:s12+$0x9870]  }
0x629: {  	v61 =	vld [tilespmem:s5+$0x9C60];
	[tilespmem:s12+$0x15810] =	vst v55;
	v55 =	vadd.f32 v60, v47  }
0x62a: {  	v60 =	vld [tilespmem:s5+$0x9C70];
	[tilespmem:s12+$0x15820] =	vst v54;
	v54 =	vadd.f32 v59, v48  }
0x62b: {  	[tilespmem:s12+$0x15830] =	vst v55;
	v55 =	vadd.f32 v58, v49;
	v58 =	vld [tilespmem:s28+$0x9840]  }
0x62c: {  	[tilespmem:s12+$0x15840] =	vst v54;
	v54 =	vadd.f32 v56, v50;
	v56 =	vld [tilespmem:s28+$0x9850]  }
0x62d: {  	[tilespmem:s12+$0x15850] =	vst v55;
	v55 =	vadd.f32 v57, v51;
	v57 =	vld [tilespmem:s28+$0x9860]  }
0x62e: {  	s13 =	sadd.s32 $0x1000, s0;
	v59 =	vadd.f32 v61, v26;
	[tilespmem:s12+$0x15860] =	vst v54;
	v54 =	vld [tilespmem:s28+$0x9870]  }
0x62f: {  	s15 =	sor.u32 s31, s13;
	v60 =	vadd.f32 v60, v27;
	[tilespmem:s12+$0x15870] =	vst v55;
	s12 =	sor.u32 s2, s13;
	v55 =	vld [tilespmem:s26+$0x9860]  }
0x630: {  	[tilespmem:s5+$0x15C60] =	vst v59;
	v59 =	vld [tilespmem:s12+$0x9800];
	v58 =	vadd.f32 v58, v32  }
0x631: {  	[tilespmem:s5+$0x15C70] =	vst v60;
	v60 =	vld [tilespmem:s12+$0x9810];
	v56 =	vadd.f32 v56, v33  }
0x632: {  	v61 =	vld [tilespmem:s12+$0x9820];
	[tilespmem:s28+$0x15840] =	vst v58;
	v57 =	vadd.f32 v57, v30  }
0x633: {  	v58 =	vld [tilespmem:s12+$0x9830];
	[tilespmem:s28+$0x15850] =	vst v56;
	v54 =	vadd.f32 v54, v28  }
0x634: {  	v56 =	vld [tilespmem:s12+$0x9840];
	[tilespmem:s28+$0x15860] =	vst v57;
	v55 =	vadd.f32 v55, v5  }
0x635: {  	v57 =	vadd.f32 v59, v44;
	v59 =	vld [tilespmem:s12+$0x9850];
	[tilespmem:s28+$0x15870] =	vst v54;
	s28 =	smov.u32 s15  }
0x636: {  	v54 =	vadd.f32 v60, v45;
	v60 =	vld [tilespmem:s12+$0x9860];
	[tilespmem:s26+$0x15860] =	vst v55  }
0x637: {  	[tilespmem:s12+$0x15800] =	vst v57;
	v55 =	vadd.f32 v61, v42;
	v57 =	vld [tilespmem:s12+$0x9870]  }
0x638: {  	v61 =	vld [tilespmem:s7+$0x9800];
	[tilespmem:s12+$0x15810] =	vst v54;
	v54 =	vadd.f32 v58, v40  }
0x639: {  	v58 =	vld [tilespmem:s7+$0x9810];
	[tilespmem:s12+$0x15820] =	vst v55;
	v55 =	vadd.f32 v56, v32  }
0x63a: {  	v56 =	vld [tilespmem:s7+$0x9820];
	[tilespmem:s12+$0x15830] =	vst v54;
	v54 =	vadd.f32 v59, v33  }
0x63b: {  	v59 =	vld [tilespmem:s7+$0x9830];
	[tilespmem:s12+$0x15840] =	vst v55;
	v55 =	vadd.f32 v60, v30  }
0x63c: {  	v60 =	vld [tilespmem:s7+$0x9840];
	[tilespmem:s12+$0x15850] =	vst v54;
	v54 =	vadd.f32 v57, v28  }
0x63d: {  	s0 =	sadd.s32 $0x1400, s0;
	v57 =	vadd.f32 v61, v29;
	v61 =	vld [tilespmem:s7+$0x9850];
	[tilespmem:s12+$0x15860] =	vst v55  }
0x63e: {  	s5 =	sor.u32 s31, s0;
	s26 =	sor.u32 s2, s0;
	v55 =	vadd.f32 v58, v31;
	v58 =	vld [tilespmem:s7+$0x9860];
	[tilespmem:s12+$0x15870] =	vst v54  }
0x63f: {  	[tilespmem:s7+$0x15800] =	vst v57;
	v54 =	vadd.f32 v56, v34;
	v56 =	vld [tilespmem:s26+$0x9870]  }
0x640: {  	[tilespmem:s7+$0x15810] =	vst v55;
	v55 =	vadd.f32 v59, v35;
	v57 =	vld [tilespmem:s7+$0x9870]  }
0x641: {  	[tilespmem:s7+$0x15820] =	vst v54;
	v54 =	vadd.f32 v60, v36;
	v59 =	vld [tilespmem:s25+$0x9800]  }
0x642: {  	[tilespmem:s7+$0x15830] =	vst v55;
	v55 =	vadd.f32 v61, v37;
	v60 =	vld [tilespmem:s25+$0x9810]  }
0x643: {  	[tilespmem:s7+$0x15840] =	vst v54;
	v54 =	vadd.f32 v58, v38;
	v58 =	vld [tilespmem:s25+$0x9820]  }
0x644: {  	[tilespmem:s7+$0x15850] =	vst v55;
	v55 =	vadd.f32 v56, v4;
	v56 =	vld [tilespmem:s25+$0x9830]  }
0x645: {  	[tilespmem:s7+$0x15860] =	vst v54;
	v54 =	vadd.f32 v57, v39;
	v57 =	vld [tilespmem:s25+$0x9840]  }
0x646: {  	[tilespmem:s26+$0x15870] =	vst v55;
	v55 =	vadd.f32 v59, v11;
	v59 =	vld [tilespmem:s25+$0x9850]  }
0x647: {  	[tilespmem:s7+$0x15870] =	vst v54;
	v54 =	vadd.f32 v60, v10;
	v60 =	vld [tilespmem:s25+$0x9860]  }
0x648: {  	v61 =	vld [tilespmem:s14+$0x9800];
	[tilespmem:s25+$0x15800] =	vst v55;
	v55 =	vadd.f32 v58, v9  }
0x649: {  	v58 =	vld [tilespmem:s14+$0x9810];
	[tilespmem:s25+$0x15810] =	vst v54;
	v54 =	vadd.f32 v56, v8  }
0x64a: {  	v56 =	vld [tilespmem:s14+$0x9820];
	[tilespmem:s25+$0x15820] =	vst v55;
	v55 =	vadd.f32 v57, v7  }
0x64b: {  	v57 =	vld [tilespmem:s14+$0x9830];
	[tilespmem:s25+$0x15830] =	vst v54;
	v54 =	vadd.f32 v59, v6  }
0x64c: {  	v59 =	vld [tilespmem:s14+$0x9840];
	[tilespmem:s25+$0x15840] =	vst v55;
	v55 =	vadd.f32 v60, v5  }
0x64d: {  	v60 =	vadd.f32 v61, v41;
	v61 =	vld [tilespmem:s14+$0x9850];
	[tilespmem:s25+$0x15850] =	vst v54  }
0x64e: {  	v54 =	vadd.f32 v58, v43;
	v62 =	vld [tilespmem:s14+$0x9860];
	[tilespmem:s25+$0x15860] =	vst v55  }
0x64f: {  	[tilespmem:s14+$0x15800] =	vst v60;
	v55 =	vadd.f32 v56, v46;
	v56 =	vld [tilespmem:s14+$0x9870]  }
0x650: {  	[tilespmem:s14+$0x15810] =	vst v54;
	v54 =	vadd.f32 v57, v47;
	v63 =	vld [tilespmem:s25+$0x9870]  }
.Ltmp3:
0x651: {  	[tilespmem:s14+$0x15820] =	vst v55;
	v55 =	vadd.f32 v59, v48;
	v59 =	vld [tilespmem:s26+$0x9800];
	(pc) =	sbr.rel @p1 .LBB2_9-.Ltmp3, $4  }
0x652: {  	[tilespmem:s14+$0x15830] =	vst v54;
	v54 =	vadd.f32 v61, v49;
	v58 =	vld [tilespmem:s26+$0x9810]  }
0x653: {  	[tilespmem:s14+$0x15840] =	vst v55;
	v61 =	vadd.f32 v62, v50;
	v57 =	vld [tilespmem:s26+$0x9820]  }
0x654: {  	[tilespmem:s14+$0x15850] =	vst v54;
	v60 =	vadd.f32 v56, v51;
	v55 =	vld [tilespmem:s26+$0x9830]  }
0x655: {  	[tilespmem:s14+$0x15860] =	vst v61;
	v56 =	vld [tilespmem:s26+$0x9840];
	v54 =	vadd.f32 v63, v4  }
0x656: {  	[tilespmem:s14+$0x15870] =	vst v60  }
0x657: {  	v12 =	vld [tilespmem:s28+$0x9800]  }
0x658: {  	v13 =	vld [tilespmem:s28+$0x9810]  }
0x659: {  	v14 =	vld [tilespmem:s28+$0x9820]  }
0x65a: {  	v15 =	vld [tilespmem:s28+$0x9830]  }
0x65b: {  	v35 =	vld [tilespmem:s28+$0x9860]  }
0x65c: {  	v36 =	vld [tilespmem:s28+$0x9870];
	v12 =	vadd.f32 v12, v44  }
0x65d: {  	v31 =	vld [tilespmem:s28+$0x9840];
	v13 =	vadd.f32 v13, v45  }
0x65e: {  	v34 =	vld [tilespmem:s28+$0x9850];
	v27 =	vadd.f32 v14, v42;
	[tilespmem:s28+$0x15800] =	vst v12  }
0x65f: {  	v29 =	vadd.f32 v15, v40;
	[tilespmem:s28+$0x15810] =	vst v13  }
0x660: {  	v37 =	vadd.f32 v35, v30;
	[tilespmem:s28+$0x15820] =	vst v27  }
0x661: {  	v38 =	vadd.f32 v36, v28;
	[tilespmem:s28+$0x15830] =	vst v29  }
0x662: {  	v12 =	vadd.f32 v31, v32;
	[tilespmem:s28+$0x15860] =	vst v37  }
0x663: {  	v13 =	vadd.f32 v34, v33;
	[tilespmem:s28+$0x15870] =	vst v38  }
0x664: {  	[tilespmem:s28+$0x15840] =	vst v12  }
0x665: {  	v39 =	vadd.f32 v59, v11;
	v40 =	vld [tilespmem:s26+$0x9850];
	[tilespmem:s28+$0x15850] =	vst v13  }
0x666: {  	v41 =	vadd.f32 v58, v10;
	[tilespmem:s25+$0x15870] =	vst v54;
	v42 =	vld [tilespmem:s5+$0x9800]  }
0x667: {  	[tilespmem:s26+$0x15800] =	vst v39;
	v43 =	vadd.f32 v57, v9;
	v16 =	vld [tilespmem:s5+$0x9810]  }
0x668: {  	[tilespmem:s26+$0x15810] =	vst v41;
	v44 =	vadd.f32 v55, v8;
	v17 =	vld [tilespmem:s5+$0x9820]  }
0x669: {  	[tilespmem:s26+$0x15820] =	vst v43;
	v45 =	vadd.f32 v56, v7;
	v18 =	vld [tilespmem:s5+$0x9830]  }
0x66a: {  	[tilespmem:s26+$0x15830] =	vst v44;
	v13 =	vadd.f32 v40, v6;
	v46 =	vld [tilespmem:s5+$0x9840]  }
0x66b: {  	[tilespmem:s26+$0x15840] =	vst v45;
	v48 =	vld [tilespmem:s5+$0x9850];
	v47 =	vadd.f32 v42, v11  }
0x66c: {  	v50 =	vld [tilespmem:s5+$0x9860];
	[tilespmem:s26+$0x15850] =	vst v13;
	v49 =	vadd.f32 v16, v10  }
0x66d: {  	v59 =	vld [tilespmem:s26+$0x9860];
	v51 =	vadd.f32 v17, v9;
	[tilespmem:s5+$0x15800] =	vst v47  }
0x66e: {  	v60 =	vld [tilespmem:s5+$0x9870];
	v55 =	vadd.f32 v18, v8;
	[tilespmem:s5+$0x15810] =	vst v49  }
0x66f: {  	v56 =	vadd.f32 v46, v7;
	[tilespmem:s5+$0x15820] =	vst v51  }
0x670: {  	v57 =	vadd.f32 v48, v6;
	[tilespmem:s5+$0x15830] =	vst v55  }
0x671: {  	v58 =	vadd.f32 v50, v5;
	[tilespmem:s5+$0x15840] =	vst v56  }
0x672: {  	v5 =	vadd.f32 v59, v5;
	[tilespmem:s5+$0x15850] =	vst v57  }
0x673: {  	v4 =	vadd.f32 v60, v4;
	[tilespmem:s5+$0x15860] =	vst v58  }
0x674: {  	[tilespmem:s26+$0x15860] =	vst v5  }
0x675: {  	[tilespmem:s5+$0x15870] =	vst v4  }
0x676: {  	v4 =	vld @!p0 [tilespmem:s23+$0xA0];
	_ =	sdelay $0x4  }
0x677: {  	v5 =	vshrl.u32 @!p0 v4, $0x3  }
0x678: {  	v5 =	vmul.u32 @!p0 $0x30, v5  }
0x679: {  	v6 =	vlaneseq.u32 @!p0;
	v4 =	vand.u32 @!p0 $0x7, v4  }
0x67a: {  	v7 =	vshrl.u32 @!p0 v6, $0x3;
	v4 =	vor.u32 @!p0 v4, v5;
	v5 =	vand.u32 @!p0 $0x7, v6  }
0x67b: {  	v7 =	vmul.u32 @!p0 $0x8, v7;
	v8 =	vperm.xlane @!p0 v4, v5;
	_ =	sdelay $0x1  }
0x67c: {  	v8 =	vadd.s32 @!p0 v7, v8;
	_ =	sdelay $0x2  }
0x67d: {  	v6 =	vor.u32 @!p0 $0x8, v6  }
0x67e: {  	s0 =	simm.s32 @!p0 $0x0;
	s2 =	simm.s32 @!p0 $0x9800;
	v4 =	vperm.xlane @!p0 v4, v6  }
0x67f: {  	[tilespmem:s2], [sflag:$0x2] =	stream.indirect_vreg.gather @!p0 [hbm4b:s1+s0], $0x80, v8, vm1, $0xb8;
	[tilespmem:$0x1B900] =	vst v63  }
0x680: {  	v4 =	vadd.s32 @!p0 v7, v4;
	s2 =	simm.s32 @!p0 $0xA000  }
0x681: {  	[tilespmem:s2], [sflag:$0x2] =	stream.indirect_vreg.gather @!p0 [hbm4b:s8+s0], $0x80, v8, vm1, $0xb8;
	[tilespmem:$0x1B900] =	vst v63  }
0x682: {  	s2 =	simm.s32 @!p0 $0xA800  }
0x683: {  	[tilespmem:s2], [sflag:$0x2] =	stream.indirect_vreg.gather @!p0 [hbm4b:s9+s0], $0x80, v8, vm1, $0xb8;
	[tilespmem:$0x1B900] =	vst v63  }
0x684: {  	s2 =	simm.s32 @!p0 $0xB000  }
0x685: {  	[tilespmem:s2], [sflag:$0x2] =	stream.indirect_vreg.gather @!p0 [hbm4b:s1+s0], $0x80, v4, vm1, $0xb8;
	[tilespmem:$0x1B900] =	vst v63  }
0x686: {  	s2 =	simm.s32 @!p0 $0xB800  }
0x687: {  	[tilespmem:s2], [sflag:$0x2] =	stream.indirect_vreg.gather @!p0 [hbm4b:s8+s0], $0x80, v4, vm1, $0xb8;
	[tilespmem:$0x1B900] =	vst v63  }
0x688: {  	s2 =	simm.s32 @!p0 $0xC000  }
0x689: {  	[tilespmem:s2], [sflag:$0x2] =	stream.indirect_vreg.gather @!p0 [hbm4b:s9+s0], $0x80, v4, vm1, $0xb8;
	[tilespmem:$0x1B900] =	vst v63  }
0x68a: {  	v4 =	vld @!p0 [tilespmem:s23+$0xB0];
	_ =	sdelay $0x4  }
0x68b: {  	v8 =	vshrl.u32 @!p0 v4, $0x3  }
0x68c: {  	v8 =	vmul.u32 @!p0 $0x30, v8  }
0x68d: {  	v4 =	vand.u32 @!p0 $0x7, v4  }
0x68e: {  	v4 =	vor.u32 @!p0 v4, v8  }
0x68f: {  	v5 =	vperm.xlane @!p0 v4, v5;
	_ =	sdelay $0x1  }
0x690: {  	v5 =	vadd.s32 @!p0 v7, v5;
	_ =	sdelay $0x3  }
0x691: {  	s14 =	sor.u32 $0xC000, s22;
	s2 =	simm.s32 @!p0 $0xC800;
	v4 =	vperm.xlane @!p0 v4, v6  }
0x692: {  	[tilespmem:s2], [sflag:$0x2] =	stream.indirect_vreg.gather @!p0 [hbm4b:s1+s0], $0x80, v5, vm1, $0xb8;
	[tilespmem:$0x1B900] =	vst v63  }
0x693: {  	v61 =	vadd.s32 s14, v53;
	s5 =	simm.s32 @!p0 $0xD000;
	v4 =	vadd.s32 @!p0 v7, v4  }
0x694: {  	v62 =	vshrl.u32 v61, $0x3;
	[tilespmem:s5], [sflag:$0x2] =	stream.indirect_vreg.gather @!p0 [hbm4b:s8+s0], $0x80, v5, vm1, $0xb8;
	[tilespmem:$0x1B900] =	vst v63  }
0x695: {  	v63 =	vmov s14;
	v7 =	vmul.u32 $0x30, v62;
	s5 =	simm.s32 @!p0 $0xD800  }
0x696: {  	[tilespmem:s5], [sflag:$0x2] =	stream.indirect_vreg.gather @!p0 [hbm4b:s9+s0], $0x80, v5, vm1, $0xb8;
	v5 =	vand.u32 $0x7, v63;
	[tilespmem:$0x1B900] =	vst v63  }
0x697: {  	s5 =	simm.s32 @!p0 $0xE000;
	v5 =	vor.u32 v5, v7  }
0x698: {  	[tilespmem:s5], [sflag:$0x2] =	stream.indirect_vreg.gather @!p0 [hbm4b:s1+s0], $0x80, v4, vm1, $0xb8;
	v7 =	vperm.xlane v5, v1;
	[tilespmem:$0x1B900] =	vst v63  }
0x699: {  	s5 =	simm.s32 @!p0 $0xE800  }
0x69a: {  	[tilespmem:s5], [sflag:$0x2] =	stream.indirect_vreg.gather @!p0 [hbm4b:s8+s0], $0x80, v4, vm1, $0xb8;
	v7 =	vadd.s32 v2, v7;
	[tilespmem:$0x1B900] =	vst v63  }
0x69b: {  	s5 =	simm.s32 @!p0 $0xF000  }
0x69c: {  	[tilespmem:s5], [sflag:$0x2] =	stream.indirect_vreg.gather @!p0 [hbm4b:s9+s0], $0x80, v4, vm1, $0xb8;
	[tilespmem:$0x1B900] =	vst v63  }
0x69d: {  	v4 =	vadd.s32 s14, v52;
	[tilespmem:$0x1B880] =	vst v61  }
0x69e: {  	s15 =	simm.s32 $0x15800;
	[tilespmem:$0x1B890] =	vst v4;
	v4 =	vperm.xlane v5, v3  }
0x69f: {  	[hbm4b:s3+s4] =	stream.indirect_vreg.scatter [tilespmem:s15], [sflag:$0x4], $0x80, v7, vm0, $0xb8;
	[tilespmem:$0x1B900] =	vst v63  }
0x6a0: {  	s22 =	simm.s32 $0x16000;
	v4 =	vadd.s32 v2, v4  }
0x6a1: {  	[hbm4b:s10+s4] =	stream.indirect_vreg.scatter [tilespmem:s22], [sflag:$0x4], $0x80, v7, vm0, $0xb8;
	[tilespmem:$0x1B900] =	vst v63  }
0x6a2: {  	s23 =	simm.s32 $0x16800  }
0x6a3: {  	[hbm4b:s11+s4] =	stream.indirect_vreg.scatter [tilespmem:s23], [sflag:$0x4], $0x80, v7, vm0, $0xb8;
	[tilespmem:$0x1B900] =	vst v63  }
0x6a4: {  	s24 =	simm.s32 $0x17000  }
0x6a5: {  	[hbm4b:s3+s4] =	stream.indirect_vreg.scatter [tilespmem:s24], [sflag:$0x4], $0x80, v4, vm0, $0xb8;
	[tilespmem:$0x1B900] =	vst v63  }
0x6a6: {  	s25 =	simm.s32 $0x17800  }
0x6a7: {  	[hbm4b:s10+s4] =	stream.indirect_vreg.scatter [tilespmem:s25], [sflag:$0x4], $0x80, v4, vm0, $0xb8;
	[tilespmem:$0x1B900] =	vst v63  }
0x6a8: {  	s26 =	simm.s32 $0x18000  }
0x6a9: {  	[hbm4b:s11+s4] =	stream.indirect_vreg.scatter [tilespmem:s26], [sflag:$0x4], $0x80, v4, vm0, $0xb8;
	[tilespmem:$0x1B900] =	vst v63  }
0x6aa: {  	v4 =	vld [tilespmem:$0x1B890];
	_ =	sdelay $0x4  }
0x6ab: {  	v5 =	vshrl.u32 v4, $0x3  }
0x6ac: {  	v5 =	vmul.u32 $0x30, v5  }
0x6ad: {  	v4 =	vand.u32 $0x7, v4  }
0x6ae: {  	v4 =	vor.u32 v4, v5  }
0x6af: {  	v5 =	vperm.xlane v4, v1;
	_ =	sdelay $0x1  }
0x6b0: {  	v5 =	vadd.s32 v2, v5;
	_ =	sdelay $0x3  }
0x6b1: {  	s28 =	simm.s32 $0x18800;
	v4 =	vperm.xlane v4, v3  }
0x6b2: {  	[hbm4b:s3+s4] =	stream.indirect_vreg.scatter [tilespmem:s28], [sflag:$0x4], $0x80, v5, vm0, $0xb8;
	[tilespmem:$0x1B900] =	vst v63  }
0x6b3: {  	s29 =	simm.s32 $0x19000;
	v4 =	vadd.s32 v2, v4  }
0x6b4: {  	[hbm4b:s10+s4] =	stream.indirect_vreg.scatter [tilespmem:s29], [sflag:$0x4], $0x80, v5, vm0, $0xb8;
	[tilespmem:$0x1B900] =	vst v63  }
0x6b5: {  	s31 =	simm.s32 $0x19800;
	s21 =	sadd.s32 $0x1, s21  }
0x6b6: {  	[hbm4b:s11+s4] =	stream.indirect_vreg.scatter [tilespmem:s31], [sflag:$0x4], $0x80, v5, vm0, $0xb8;
	[tilespmem:$0x1B900] =	vst v63  }
0x6b7: {  	p0 =	sne.s32 s21, $0x10  }
0x6b8: {  	[hbm4b:s3+s4] =	stream.indirect_vreg.scatter [tilespmem:s6], [sflag:$0x4], $0x80, v4, vm0, $0xb8;
	[tilespmem:$0x1B900] =	vst v63  }
.Ltmp4:
0x6b9: {  	_ = 	snop;
	(pc) =	sbr.rel @p0 .LBB2_2-.Ltmp4, $4  }
0x6ba: {  	_ = 	snop  }
0x6bb: {  	[hbm4b:s10+s4] =	stream.indirect_vreg.scatter [tilespmem:s17], [sflag:$0x4], $0x80, v4, vm0, $0xb8;
	[tilespmem:$0x1B900] =	vst v63  }
0x6bc: {  	_ = 	snop  }
0x6bd: {  	[hbm4b:s11+s4] =	stream.indirect_vreg.scatter [tilespmem:s18], [sflag:$0x4], $0x80, v4, vm0, $0xb8;
	[tilespmem:$0x1B900] =	vst v63  }
0x6be: {  	_ =	swait.ge [sflag:s19], $0x6000  }
0x6bf: {  	[sflag:s19] =	ssyncset.done $0x0  }
0x6c0: {  	[sflag:s19] =	ssyncadd.s32 $0xFFFFA000  }
0x6c1: {  	_ =	swait.ge [sflag:s20], $0x6000  }
0x6c2: {  	s2 =	rddreg [dreg:$0x9]  }
0x6c3: {  	s0 =	rddreg [dreg:$0x8];
	s2 =	sadd.s32 $0x1, s2  }
0x6c4: {  	p0 =	sne.s32 s2, s0  }
.Ltmp5:
0x6c5: {  	_ = 	snop;
	(pc) =	sbr.rel @p0 .LBB2_1-.Ltmp5, $3  }
0x6c6: {  	_ =	sdelay $0x1  }
0x6c7: {  	[sflag:s20] =	ssyncset.done $0x0  }
0x6c8: {  	[sflag:s20] =	ssyncadd.s32 $0xFFFFA000  }
0x6c9: {  	_ =	sfence.sel $0x180000  }
0x6ca: {  	[bflag:$0x0] =	sbarrier.arrive $0xFFFF  }
0x6cb: {  	_ =	strace $0x90000047  }
0x6cc: {  	s0 =	stileid.u32;
	[bflag:$0x2] =	sbarrier.arrive $0xFFFF  }
0x6cd: {  	p0 =	sne.s32 s0, $0x0;
	s0 =	rddreg [dreg:$0x4]  }
0x6ce: {  	s0 =	sadd.s32 @!p0 $0x100000, s0  }
0x6cf: {  	[sflag:s0] =	ssyncadd.tile.s32 @!p0 $0x1;
	_ =	shalt  }
.Lfunc_end2:
_tile_overlayer_lowered:
.L_overlay_start_2:
0x6d0: {  	(tag) =	ssettag $0x2  }
0x6d1: {  	s0 =	rddreg [dreg:$0x0];
	s2 =	stileid.u32  }
0x6d2: {  	s1 =	rddreg [dreg:$0x1];
	p0 =	sne.s32 s2, $0x0  }
0x6d3: {  	s3 =	rddreg [dreg:$0x2];
	[bflag:$0x3] =	sbarrier.arrive $0xFFFF;
	s2 =	simm.s32 @!p0 $0x1C05  }
0x6d4: {  	[timem:s3], [sflag:s2] =	dma.local @!p0 [hbm:s0], s1  }
0x6d5: {  	s0 =	simm.s32 @!p0 $0x5  }
0x6d6: {  	_ =	swait.ge @!p0 [sflag:s0], s1  }
0x6d7: {  	s1 =	ssub.s32 @!p0 $0x0, s1;
	[sflag:s0] =	ssyncset.done @!p0 $0x0  }
0x6d8: {  	[sflag:s0] =	ssyncadd.s32 @!p0 s1  }
0x6d9: {  	[bflag:$0x3] =	sbarrier.arrive $0xFFFF  }
0x6da: {  	_ =	shalt  }

</sc_bundles>
